<compile_context>
chip_gen: v7x
topology: tpu7x:2x2x1
jax: 0.10.2.dev20260603
libtpu: 0.0.44.dev20260713+nightly
codegen_flags: <defaults>
</compile_context>

<pallas_src>
import functools

import jax
import jax.numpy as jnp
import numpy as np
from jax import lax
from jax.experimental import pallas as pl
from jax.experimental.pallas import tpu as pltpu
from jax.experimental.pallas import tpu_sc as plsc

_DISTS = (0.25, 0.5, 1.0, 2.0)
_NSAMPLES = (32, 64, 64, 128)

_ROWS = 2048



def _mm_stats_kernel(x_ref, st_ref, w_ref, y_ref, s_ref, *, nsteps, norm):
    i = pl.program_id(0)
    x = x_ref[...]
    if norm:
        mean = st_ref[0:1, :]
        rstd = st_ref[1:2, :]
        x = jnp.maximum((x - mean) * rstd, 0.0)
    y = jnp.dot(x, w_ref[...], preferred_element_type=jnp.float32)
    y_ref[...] = y
    blk = jnp.concatenate(
        [jnp.sum(y, axis=0, keepdims=True),
         jnp.sum(y * y, axis=0, keepdims=True)], axis=0)

    @pl.when(i == 0)
    def _():
        s_ref[...] = blk

    @pl.when(i > 0)
    def _():
        s_ref[...] = s_ref[...] + blk


def _mm_stats(x, stats, wt):
    P, cin = x.shape
    cout = wt.shape[1]
    nsteps = P // _ROWS
    norm = stats is not None
    if stats is None:
        stats = jnp.zeros((2, cin), jnp.float32)
    kern = functools.partial(_mm_stats_kernel, nsteps=nsteps, norm=norm)
    y, s = pl.pallas_call(
        kern,
        grid=(nsteps,),
        in_specs=[
            pl.BlockSpec((_ROWS, cin), lambda i: (i, 0)),
            pl.BlockSpec((2, cin), lambda i: (0, 0)),
            pl.BlockSpec((cin, cout), lambda i: (0, 0)),
        ],
        out_specs=[
            pl.BlockSpec((_ROWS, cout), lambda i: (i, 0)),
            pl.BlockSpec((2, cout), lambda i: (0, 0)),
        ],
        out_shape=[
            jax.ShapeDtypeStruct((P, cout), jnp.float32),
            jax.ShapeDtypeStruct((2, cout), jnp.float32),
        ],
    )(x, stats, wt)
    return y, s


def _final_kernel(y_ref, st_ref, v_ref, oh_ref, o_ref, *, k):
    mean = st_ref[0:1, :]
    rstd = st_ref[1:2, :]
    x = jnp.maximum((y_ref[...] - mean) * rstd, 0.0)
    r, c = x.shape
    x = jnp.max(x.reshape(r // k, k, c), axis=1)
    o_ref[...] = jnp.concatenate([x * v_ref[...], oh_ref[...]], axis=1)


def _mlp_final(y, stats, valid, oh, k):
    P, c = y.shape
    nsteps = P // _ROWS
    rk = _ROWS // k
    kern = functools.partial(_final_kernel, k=k)
    return pl.pallas_call(
        kern,
        grid=(nsteps,),
        in_specs=[
            pl.BlockSpec((_ROWS, c), lambda i: (i, 0)),
            pl.BlockSpec((2, c), lambda i: (0, 0)),
            pl.BlockSpec((rk, 1), lambda i: (i, 0)),
            pl.BlockSpec((rk, 3), lambda i: (i, 0)),
        ],
        out_specs=pl.BlockSpec((rk, c + 3), lambda i: (i, 0)),
        out_shape=jax.ShapeDtypeStruct((P // k, c + 3), jnp.float32),
    )(y, stats, valid, oh)


def _to_meanrstd(s, n):
    mean = s[0] / n
    var = jnp.maximum(s[1] / n - mean * mean, 0.0)
    return jnp.stack([mean, jax.lax.rsqrt(var + 1e-5)])


def _mm2_kernel(x_ref, st_ref, w1_ref, w2_ref, y_ref, s_ref):
    i = pl.program_id(0)
    y1 = jnp.dot(x_ref[...], w1_ref[...], preferred_element_type=jnp.float32)
    x1 = jnp.maximum((y1 - st_ref[0:1, :]) * st_ref[1:2, :], 0.0)
    y = jnp.dot(x1, w2_ref[...], preferred_element_type=jnp.float32)
    y_ref[...] = y
    blk = jnp.concatenate(
        [jnp.sum(y, axis=0, keepdims=True),
         jnp.sum(y * y, axis=0, keepdims=True)], axis=0)

    @pl.when(i == 0)
    def _():
        s_ref[...] = blk

    @pl.when(i > 0)
    def _():
        s_ref[...] = s_ref[...] + blk


def _mm2(g, st1, w1t, w2t):
    P, cin = g.shape
    c1 = w1t.shape[1]
    c2 = w2t.shape[1]
    nsteps = P // _ROWS
    y, s = pl.pallas_call(
        _mm2_kernel,
        grid=(nsteps,),
        in_specs=[
            pl.BlockSpec((_ROWS, cin), lambda i: (i, 0)),
            pl.BlockSpec((2, c1), lambda i: (0, 0)),
            pl.BlockSpec((cin, c1), lambda i: (0, 0)),
            pl.BlockSpec((c1, c2), lambda i: (0, 0)),
        ],
        out_specs=[
            pl.BlockSpec((_ROWS, c2), lambda i: (i, 0)),
            pl.BlockSpec((2, c2), lambda i: (0, 0)),
        ],
        out_shape=[
            jax.ShapeDtypeStruct((P, c2), jnp.float32),
            jax.ShapeDtypeStruct((2, c2), jnp.float32),
        ],
    )(g, st1, w1t, w2t)
    return y, s


def _mlp_chain(g, valid, oh, st1, w1t, w2t, w3t, k):
    P = g.shape[0]
    y2, s2 = _mm2(g, st1, w1t, w2t)
    y3, s3 = _mm_stats(y2, _to_meanrstd(s2, P), w3t)
    return _mlp_final(y3, _to_meanrstd(s3, P), valid, oh, k)



def _sc_ball_gather(px, py, pz, qx, qy, qz, B, N, M, k, dist):
    P = B * M * k
    mhalf = M // 2
    ngroups = mhalf // 16
    mesh = plsc.VectorSubcoreMesh(core_axis_name="c", subcore_axis_name="s")

    @functools.partial(
        pl.kernel,
        mesh=mesh,
        compiler_params=pltpu.CompilerParams(
            use_tc_tiling_on_sc=False, needs_layout_passes=False),
        out_type=[
            jax.ShapeDtypeStruct((P * 3,), jnp.float32),
            jax.ShapeDtypeStruct((B * M,), jnp.float32),
        ],
        scratch_types=[
            pltpu.VMEM((N,), jnp.float32),
            pltpu.VMEM((N,), jnp.float32),
            pltpu.VMEM((N,), jnp.float32),
            pltpu.VMEM((mhalf,), jnp.float32),
            pltpu.VMEM((mhalf,), jnp.float32),
            pltpu.VMEM((mhalf,), jnp.float32),
            pltpu.VMEM((16 * k,), jnp.int32),
            pltpu.VMEM((16 * k * 3,), jnp.float32),
            pltpu.VMEM((16,), jnp.float32),
        ],
    )
    def sck(px_h, py_h, pz_h, qx_h, qy_h, qz_h, g_h, valid_h,
            xb, yb, zb, qxb, qyb, qzb, idxb, gout, validb):
        w = lax.axis_index("s") * 2 + lax.axis_index("c")
        b = w // 2
        m0base = b * M + (w % 2) * mhalf
        pltpu.sync_copy(px_h.at[pl.ds(b * N, N)], xb)
        pltpu.sync_copy(py_h.at[pl.ds(b * N, N)], yb)
        pltpu.sync_copy(pz_h.at[pl.ds(b * N, N)], zb)
        pltpu.sync_copy(qx_h.at[pl.ds(m0base, mhalf)], qxb)
        pltpu.sync_copy(qy_h.at[pl.ds(m0base, mhalf)], qyb)
        pltpu.sync_copy(qz_h.at[pl.ds(m0base, mhalf)], qzb)
        lanes = lax.iota(jnp.int32, 16)
        lk = lanes * k

        def group_body(gi, momc):
            zq = qzb[pl.ds(gi * 16, 16)]
            qxv = qxb[pl.ds(gi * 16, 16)]
            qyv = qyb[pl.ds(gi * 16, 16)]

            def scan_body(n, cnt):
                nv = jnp.full((16,), n, jnp.int32)
                zn = plsc.load_gather(zb, [nv])
                hit = jnp.abs(zn - zq) < dist
                wm = jnp.logical_and(hit, cnt < k)
                plsc.store_scatter(idxb, [lk + cnt], nv, mask=wm)
                return cnt + jnp.where(wm, 1, 0)

            cnt = lax.fori_loop(0, N, scan_body,
                                jnp.zeros((16,), jnp.int32), unroll=4)
            validb[...] = jnp.where(cnt > 0, 1.0, 0.0).astype(jnp.float32)
            pltpu.sync_copy(validb, valid_h.at[pl.ds(m0base + gi * 16, 16)])
            first = plsc.load_gather(idxb, [lk])
            first = jnp.where(cnt > 0, first, 0)

            def slot_body(si, _):
                sv = jnp.full((16,), si, jnp.int32)
                slot = plsc.load_gather(idxb, [lk + sv])
                sel = jnp.where(sv < cnt, slot, first)
                gxv = plsc.load_gather(xb, [sel]) - qxv
                gyv = plsc.load_gather(yb, [sel]) - qyv
                gzv = plsc.load_gather(zb, [sel]) - zq
                base3 = (lk + sv) * 3
                plsc.store_scatter(gout, [base3], gxv)
                plsc.store_scatter(gout, [base3 + 1], gyv)
                plsc.store_scatter(gout, [base3 + 2], gzv)
                return 0

            lax.fori_loop(0, k, slot_body, 0)
            pltpu.sync_copy(
                gout, g_h.at[pl.ds((m0base + gi * 16) * k * 3, 16 * k * 3)])
            return 0

        lax.fori_loop(0, ngroups, group_body, 0)

    return sck(px, py, pz, qx, qy, qz)


def _pointnet_feat(pc, new_pc, one_hot, w1, w2, w3, dist, k):
    B, _, M = new_pc.shape
    N = pc.shape[2]
    P = B * M * k
    px, py, pz = (pc[:, c, :].reshape(-1) for c in range(3))
    qx, qy, qz = (new_pc[:, c, :].reshape(-1) for c in range(3))
    g, valid = _sc_ball_gather(px, py, pz, qx, qy, qz, B, N, M, k, dist)
    g = g.reshape(P, 3)
    valid = valid.reshape(B * M, 1)
    oh = jnp.broadcast_to(one_hot[:, None, :], (B, M, 3)).reshape(B * M, 3)
    w1t = w1.T
    _, s1 = _mm_stats(g, None, w1t)
    st1 = _to_meanrstd(s1, P)
    return _mlp_chain(g, valid, oh, st1, w1t, w2.T, w3.T, k)



def _layer_kernel(*refs, n_in, terms, norm, has_bias, L, counts):
    nt = len(terms)
    xr = refs[:n_in]
    sr = refs[n_in:2 * n_in]
    wr = refs[2 * n_in:2 * n_in + nt]
    pos = 2 * n_in + nt
    br = refs[pos] if has_bias else None
    y_ref, s_ref = refs[pos + int(has_bias)], refs[pos + int(has_bias) + 1]
    a = []
    for j in range(n_in):
        x = xr[j][...]
        if norm[j]:
            s = sr[j][...]
            mean = s[0:1, :] * (1.0 / counts[j])
            var = jnp.maximum(s[1:2, :] * (1.0 / counts[j]) - mean * mean, 0.0)
            x = jnp.maximum((x - mean) * lax.rsqrt(var + 1e-5), 0.0)
        a.append(x)
    y = None
    for (ii, roll, mk), w_ref in zip(terms, wr):
        x = a[ii]
        if roll:
            x = pltpu.roll(x, roll % x.shape[0], 0)
        if mk is not None:
            rowid = lax.broadcasted_iota(jnp.int32, x.shape, 0)
            edge = 0 if mk == 'first' else L - 1
            x = jnp.where(rowid % L == edge, 0.0, x)
        t = jnp.dot(x, w_ref[...], preferred_element_type=jnp.float32)
        y = t if y is None else y + t
    if has_bias:
        y = y + br[...]
    y_ref[...] = y
    s_ref[...] = jnp.concatenate(
        [jnp.sum(y, axis=0, keepdims=True),
         jnp.sum(y * y, axis=0, keepdims=True)], axis=0)


def _layer(inputs, stats, terms, wts, L, cout, bias=None):
    n_in = len(inputs)
    rows = inputs[0].shape[0]
    norm = tuple(s is not None for s in stats)
    counts = tuple(float(s[1]) if s is not None else 1.0 for s in stats)
    stats = [s[0] if s is not None else jnp.zeros((2, x.shape[1]), jnp.float32)
             for s, x in zip(stats, inputs)]
    has_bias = bias is not None
    in_specs = (
        [pl.BlockSpec(x.shape, lambda i: (0, 0)) for x in inputs]
        + [pl.BlockSpec(s.shape, lambda i: (0, 0)) for s in stats]
        + [pl.BlockSpec(w.shape, lambda i: (0, 0)) for w in wts]
        + ([pl.BlockSpec((1, cout), lambda i: (0, 0))] if has_bias else [])
    )
    kern = functools.partial(_layer_kernel, n_in=n_in, terms=tuple(terms),
                             norm=norm, has_bias=has_bias, L=L, counts=counts)
    args = list(inputs) + stats + list(wts) + ([bias] if has_bias else [])
    y, s = pl.pallas_call(
        kern,
        grid=(1,),
        in_specs=in_specs,
        out_specs=[
            pl.BlockSpec((rows, cout), lambda i: (0, 0)),
            pl.BlockSpec((2, cout), lambda i: (0, 0)),
        ],
        out_shape=[
            jax.ShapeDtypeStruct((rows, cout), jnp.float32),
            jax.ShapeDtypeStruct((2, cout), jnp.float32),
        ],
    )(*args)
    return y, s


_K3 = ((0, 1, 'first'), (0, 0, None), (0, -1, 'last'))


def _split2(y, B, L):
    C = y.shape[1]
    y3 = y.reshape(B, L // 2, 2, C)
    xe = y3[:, :, 0, :].reshape(B * L // 2, C)
    xo = y3[:, :, 1, :]
    xos = jnp.concatenate([jnp.zeros((B, 1, C), y.dtype), xo[:, :-1]], 1)
    return xe, xos.reshape(B * L // 2, C), xo.reshape(B * L // 2, C)


def _w3(p, name):
    return [p[name][:, :, t].T for t in range(3)]


def _trunk_heads(f1, f2, f3, f4, p):
    B = 16
    y1, s1 = _layer([f1], [None], _K3, _w3(p, 'b1c1'), 1024, 128)
    st1 = (s1, B * 1024)
    xe, xos, xo = _split2(y1, B, 1024)
    w0, w1t, w2t = _w3(p, 'b2c1')
    y2, s2 = _layer([xos, xe, xo], [st1, st1, st1],
                    [(0, 0, 'first'), (1, 0, None), (2, 0, None)],
                    [w0, w1t, w2t], 512, 128)
    st2 = (s2, B * 512)
    y3, s3 = _layer([y2], [st2], _K3, _w3(p, 'b2c2'), 512, 128)
    st3 = (s3, B * 512)
    y4, s4 = _layer([y3, f2], [st3, None], [(0, 0, None), (1, 0, None)],
                    [p['b2m'][:, :128, 0].T, p['b2m'][:, 128:, 0].T], 512, 128)
    st4 = (s4, B * 512)

    xe, xos, xo = _split2(y4, B, 512)
    w0, w1t, w2t = _w3(p, 'b3c1')
    y5, s5 = _layer([xos, xe, xo], [st4, st4, st4],
                    [(0, 0, 'first'), (1, 0, None), (2, 0, None)],
                    [w0, w1t, w2t], 256, 256)
    st5 = (s5, B * 256)
    y6, s6 = _layer([y5], [st5], _K3, _w3(p, 'b3c2'), 256, 256)
    st6 = (s6, B * 256)
    y7, s7 = _layer([y6, f3], [st6, None], [(0, 0, None), (1, 0, None)],
                    [p['b3m'][:, :256, 0].T, p['b3m'][:, 256:, 0].T], 256, 256)
    st7 = (s7, B * 256)

    xe, xos, xo = _split2(y7, B, 256)
    w0, w1t, w2t = _w3(p, 'b4c1')
    y8, s8 = _layer([xos, xe, xo], [st7, st7, st7],
                    [(0, 0, 'first'), (1, 0, None), (2, 0, None)],
                    [w0, w1t, w2t], 128, 512)
    st8 = (s8, B * 128)
    y9, s9 = _layer([y8], [st8], _K3, _w3(p, 'b4c2'), 128, 512)
    st9 = (s9, B * 128)
    y10, s10 = _layer([y9, f4], [st9, None], [(0, 0, None), (1, 0, None)],
                      [p['b4m'][:, :512, 0].T, p['b4m'][:, 512:, 0].T],
                      128, 512)
    st10 = (s10, B * 128)

    yd2, sd2 = _layer([y4], [st4], [(0, 0, None)], [p['d2'][:, :, 0]],
                      512, 256)
    std2 = (sd2, B * 512)
    d3cat = jnp.concatenate([p['d3'][:, :, 0], p['d3'][:, :, 1]], axis=1)
    yd3, sd3 = _layer([y7], [st7], [(0, 0, None)], [d3cat], 256, 512)
    std3 = (sd3[:, :256] + sd3[:, 256:], B * 512)
    yd3 = yd3.reshape(B * 512, 256)
    d4cat = jnp.concatenate([p['d4'][:, :, j] for j in range(4)], axis=1)
    yd4, sd4 = _layer([y10], [st10], [(0, 0, None)], [d4cat], 128, 1024)
    std4 = (sd4[:, :256] + sd4[:, 256:512]
            + sd4[:, 512:768] + sd4[:, 768:], B * 512)
    yd4 = yd4.reshape(B * 512, 256)

    wh = jnp.concatenate([p['cls_w'][:, :, 0], p['reg_w'][:, :, 0]], 0).T
    bh = jnp.concatenate([p['cls_b'], p['reg_b']])[None, :]
    out, _ = _layer([yd2, yd3, yd4], [std2, std3, std4],
                    [(0, 0, None), (1, 0, None), (2, 0, None)],
                    [wh[:256], wh[256:512], wh[512:]], 512, 41, bias=bh)
    return out.reshape(B, 512, 41).transpose(0, 2, 1)



def kernel(point_cloud, pc1, pc2, pc3, pc4, one_hot_vec, params):
    p = params
    pcs = (pc1, pc2, pc3, pc4)
    B = point_cloud.shape[0]
    feats = []
    for i, (dist, k) in enumerate(zip(_DISTS, _NSAMPLES), start=1):
        f = _pointnet_feat(point_cloud, pcs[i - 1], one_hot_vec,
                           p['pn%d_w1' % i], p['pn%d_w2' % i],
                           p['pn%d_w3' % i], dist, k)
        feats.append(f)
    return _trunk_heads(*feats, p)

# --- scband reference (transcript-rebuilt; emitter-appended) ---
"""Pipeline reference for scband-base-point-net-det-22677427323462 (READ-ONLY COPY).

The authoritative reference and input builder live on the scoring server;
editing this copy changes nothing except your own understanding.
"""

import jax, jax.numpy as jnp
import numpy as np

DISTS = (0.25, 0.5, 1.0, 2.0)
NSAMPLES = (32, 64, 64, 128)


def _he(key, shape, fan_in):
    return jax.random.normal(key, shape, dtype=jnp.float32) * np.sqrt(2.0 / fan_in)


def setup_inputs(seed: int = 0):
    key = jax.random.key(seed)
    keys = list(jax.random.split(key, 64))
    ki = iter(keys)

    def nk():
        return next(ki)

    B, N = 16, 1024
    npts = (1024, 512, 256, 128)

    def cloud(m):
        xy = jax.random.uniform(nk(), (B, 2, m), minval=-2.0, maxval=2.0)
        z = jax.random.uniform(nk(), (B, 1, m), minval=0.0, maxval=8.0)
        return jnp.concatenate([xy, z], axis=1).astype(jnp.float32)

    point_cloud = cloud(N)
    pc1, pc2, pc3, pc4 = cloud(npts[0]), cloud(npts[1]), cloud(npts[2]), cloud(npts[3])
    one_hot_vec = jax.nn.one_hot(jax.random.randint(nk(), (B,), 0, 3), 3, dtype=jnp.float32)

    params = {}

    def w2d(name, o, i):
        params[name] = _he(nk(), (o, i), i)

    for idx, (c1, c2, c3) in enumerate([(64, 64, 128), (64, 64, 128), (128, 128, 256), (256, 256, 512)], start=1):
        w2d('pn%d_w1' % idx, c1, 3)
        w2d('pn%d_w2' % idx, c2, c1)
        w2d('pn%d_w3' % idx, c3, c2)

    def w1d(name, o, i, k):
        params[name] = _he(nk(), (o, i, k), i * k)

    w1d('b1c1', 128, 131, 3)
    w1d('b2c1', 128, 128, 3); w1d('b2c2', 128, 128, 3); w1d('b2m', 128, 259, 1)
    w1d('b3c1', 256, 128, 3); w1d('b3c2', 256, 256, 3); w1d('b3m', 256, 515, 1)
    w1d('b4c1', 512, 256, 3); w1d('b4c2', 512, 512, 3); w1d('b4m', 512, 1027, 1)
    params['d2'] = _he(nk(), (128, 256, 1), 128)
    params['d3'] = _he(nk(), (256, 256, 2), 512)
    params['d4'] = _he(nk(), (512, 256, 4), 2048)
    w1d('cls_w', 2, 768, 1)
    params['cls_b'] = jnp.zeros((2,), jnp.float32)
    w1d('reg_w', 39, 768, 1)
    params['reg_b'] = jnp.zeros((39,), jnp.float32)

    return {'point_cloud': point_cloud, 'pc1': pc1, 'pc2': pc2, 'pc3': pc3, 'pc4': pc4,
            'one_hot_vec': one_hot_vec, 'params': params}


def _bn_relu(x, axes):
    m = x.mean(axes, keepdims=True)
    v = x.var(axes, keepdims=True)
    return jax.nn.relu((x - m) * jax.lax.rsqrt(v + 1e-5))


def _conv1d(x, W, stride=1, pad=0):
    return jax.lax.conv_general_dilated(x, W, (stride,), [(pad, pad)],
                                        dimension_numbers=('NCH', 'OIH', 'NCH'))


def _deconv_same_stride(x, W):
    # ConvTranspose1d with kernel_size == stride, padding 0; W: (in, out, k)
    B, C, L = x.shape
    k = W.shape[2]
    y = jnp.einsum('bci,coj->boij', x, W)
    return y.reshape(B, W.shape[1], L * k)


def _query_depth_point(pc, new_pc, dist, k):
    z = pc[:, 2, :]
    zq = new_pc[:, 2, :]
    mask = jnp.abs(z[:, None, :] - zq[:, :, None]) < dist  # [B, M, N]
    N = z.shape[1]
    ar = jnp.arange(N)
    keyv = jnp.where(mask, ar, N + ar)
    idx_sorted = jnp.argsort(keyv, axis=-1)[..., :k]
    num = mask.sum(-1)
    first = idx_sorted[..., :1]
    slot_ok = jnp.arange(k)[None, None, :] < num[..., None]
    indices = jnp.where(slot_ok, idx_sorted, first)
    return indices, num


def _pointnet_module(pc, new_pc, w1, w2, w3, dist, k):
    B = pc.shape[0]
    M = new_pc.shape[2]
    indices, num = _query_depth_point(pc, new_pc, dist, k)
    idx = indices.reshape(B, 1, M * k)
    grouped_pc = jnp.take_along_axis(pc, jnp.broadcast_to(idx, (B, 3, M * k)), axis=2)
    grouped_pc = grouped_pc.reshape(B, 3, M, k) - new_pc[..., None]
    x = grouped_pc
    x = _bn_relu(jnp.einsum('bcmk,oc->bomk', x, w1), (0, 2, 3))
    x = _bn_relu(jnp.einsum('bcmk,oc->bomk', x, w2), (0, 2, 3))
    x = _bn_relu(jnp.einsum('bcmk,oc->bomk', x, w3), (0, 2, 3))
    valid = (num > 0).astype(x.dtype)[:, None, :, None]
    return x * valid


def _feat_net(pc, pcs, one_hot, p):
    feats = []
    for i, (dist, k) in enumerate(zip(DISTS, NSAMPLES), start=1):
        f = _pointnet_module(pc, pcs[i - 1], p['pn%d_w1' % i], p['pn%d_w2' % i], p['pn%d_w3' % i], dist, k)
        f = f.max(-1)
        oh = jnp.broadcast_to(one_hot[:, :, None], (one_hot.shape[0], one_hot.shape[1], f.shape[-1]))
        feats.append(jnp.concatenate([f, oh], axis=1))
    return feats


def _cbr(x, W, stride, pad):
    return _bn_relu(_conv1d(x, W, stride, pad), (0, 2))


def _conv_net(x1, x2, x3, x4, p):
    x = _cbr(x1, p['b1c1'], 1, 1)
    x = _cbr(x, p['b2c1'], 2, 1)
    x = _cbr(x, p['b2c2'], 1, 1)
    x = jnp.concatenate([x, x2], 1)
    x = _cbr(x, p['b2m'], 1, 0)
    xx1 = x
    x = _cbr(x, p['b3c1'], 2, 1)
    x = _cbr(x, p['b3c2'], 1, 1)
    x = jnp.concatenate([x, x3], 1)
    x = _cbr(x, p['b3m'], 1, 0)
    xx2 = x
    x = _cbr(x, p['b4c1'], 2, 1)
    x = _cbr(x, p['b4c2'], 1, 1)
    x = jnp.concatenate([x, x4], 1)
    x = _cbr(x, p['b4m'], 1, 0)
    xx3 = x
    xx1 = _bn_relu(_deconv_same_stride(xx1, p['d2']), (0, 2))
    xx2 = _bn_relu(_deconv_same_stride(xx2, p['d3']), (0, 2))
    xx3 = _bn_relu(_deconv_same_stride(xx3, p['d4']), (0, 2))
    L = xx1.shape[-1]
    return jnp.concatenate([xx1, xx2[:, :, :L], xx3[:, :, :L]], 1)


def reference(point_cloud, pc1, pc2, pc3, pc4, one_hot_vec, params):
    f1, f2, f3, f4 = _feat_net(point_cloud, (pc1, pc2, pc3, pc4), one_hot_vec, params)
    x = _conv_net(f1, f2, f3, f4, params)
    cls = _conv1d(x, params['cls_w']) + params['cls_b'][None, :, None]
    reg = _conv1d(x, params['reg_w']) + params['reg_b'][None, :, None]
    return jnp.concatenate([cls, reg], axis=1)

if __name__ == "__main__":
    import jax
    _d = setup_inputs()
    print(jax.jit(kernel)(*tuple(_d.values())))

</pallas_src>

<mosaic_0001>
#map = affine_map<(d0, d1) -> (0)>
module attributes {stable_mosaic.version = 14 : i64} {
  func.func @sck(%arg0: i32, %arg1: i32, %arg2: memref<16384xf32, #tpu.memory_space<hbm>>, %arg3: memref<16384xf32, #tpu.memory_space<hbm>>, %arg4: memref<16384xf32, #tpu.memory_space<hbm>>, %arg5: memref<16384xf32, #tpu.memory_space<hbm>>, %arg6: memref<16384xf32, #tpu.memory_space<hbm>>, %arg7: memref<16384xf32, #tpu.memory_space<hbm>>, %arg8: memref<1572864xf32, #tpu.memory_space<hbm>>, %arg9: memref<16384xf32, #tpu.memory_space<hbm>>, %arg10: memref<1024xf32, #tpu.memory_space<vmem>>, %arg11: memref<1024xf32, #tpu.memory_space<vmem>>, %arg12: memref<1024xf32, #tpu.memory_space<vmem>>, %arg13: memref<512xf32, #tpu.memory_space<vmem>>, %arg14: memref<512xf32, #tpu.memory_space<vmem>>, %arg15: memref<512xf32, #tpu.memory_space<vmem>>, %arg16: memref<512xi32, #tpu.memory_space<vmem>>, %arg17: memref<1536xf32, #tpu.memory_space<vmem>>, %arg18: memref<16xf32, #tpu.memory_space<vmem>>) attributes {dimension_semantics = [#tpu.dimension_semantics<core_parallel>, #tpu.dimension_semantics<subcore_parallel>], iteration_bounds = array<i64: 2, 16>, scalar_prefetch = 0 : i64, scratch_operands = 9 : i64, tpu.core_type = #tpu.core_type<sc_vector_subcore>, window_params = [{transform_indices = #map}, {transform_indices = #map}, {transform_indices = #map}, {transform_indices = #map}, {transform_indices = #map}, {transform_indices = #map}, {transform_indices = #map}, {transform_indices = #map}]} {
    %mul3A = arith.constant 2 : i32
    %mul3A_0 = arith.muli %arg1, %mul3A : i32
    %add3A = arith.addi %mul3A_0, %arg0 : i32
    %jit3A = arith.constant 2 : i32
    %div3A = arith.divsi %add3A, %jit3A : i32
    %sign3A = arith.constant 0 : i32
    %sign3A_1 = arith.cmpi sgt, %add3A, %sign3A : i32
    %sign3A_2 = arith.extui %sign3A_1 : i1 to i32
    %sign3A_3 = arith.constant 0 : i32
    %sign3A_4 = arith.cmpi slt, %add3A, %sign3A_3 : i32
    %sign3A_5 = arith.extui %sign3A_4 : i1 to i32
    %sign3A_6 = arith.subi %sign3A_2, %sign3A_5 : i32
    %sign3A_7 = arith.constant 0 : i32
    %sign3A_8 = arith.cmpi sgt, %jit3A, %sign3A_7 : i32
    %sign3A_9 = arith.extui %sign3A_8 : i1 to i32
    %sign3A_10 = arith.constant 0 : i32
    %sign3A_11 = arith.cmpi slt, %jit3A, %sign3A_10 : i32
    %sign3A_12 = arith.extui %sign3A_11 : i1 to i32
    %sign3A_13 = arith.subi %sign3A_9, %sign3A_12 : i32
    %ne3A = arith.cmpi ne, %sign3A_6, %sign3A_13 : i32
    %rem3A = arith.remsi %add3A, %jit3A : i32
    %ne3A_14 = arith.constant 0 : i32
    %ne3A_15 = arith.cmpi ne, %rem3A, %ne3A_14 : i32
    %and3A = arith.andi %ne3A, %ne3A_15 : i1
    %sub3A = arith.constant 1 : i32
    %sub3A_16 = arith.subi %div3A, %sub3A : i32
    %select_n3A = arith.select %and3A, %sub3A_16, %div3A : i32
    %mul3A_17 = arith.constant 1024 : i32
    %mul3A_18 = arith.muli %select_n3A, %mul3A_17 : i32
    %jit3A_19 = arith.constant 2 : i32
    %eq3A = arith.constant 0 : i32
    %eq3A_20 = arith.cmpi eq, %jit3A_19, %eq3A : i32
    %jit3A_21 = arith.constant 1 : i32
    %select_n3A_22 = arith.select %eq3A_20, %jit3A_21, %jit3A_19 : i32
    %rem3A_23 = arith.remsi %add3A, %select_n3A_22 : i32
    %ne3A_24 = arith.constant 0 : i32
    %ne3A_25 = arith.cmpi ne, %rem3A_23, %ne3A_24 : i32
    %lt3A = arith.constant 0 : i32
    %lt3A_26 = arith.cmpi slt, %rem3A_23, %lt3A : i32
    %lt3A_27 = arith.constant 0 : i32
    %lt3A_28 = arith.cmpi slt, %select_n3A_22, %lt3A_27 : i32
    %ne3A_29 = arith.xori %lt3A_26, %lt3A_28 : i1
    %and3A_30 = arith.andi %ne3A_29, %ne3A_25 : i1
    %add3A_31 = arith.addi %rem3A_23, %select_n3A_22 : i32
    %select_n3A_32 = arith.select %and3A_30, %add3A_31, %rem3A_23 : i32
    %mul3A_33 = arith.constant 512 : i32
    %mul3A_34 = arith.muli %select_n3A_32, %mul3A_33 : i32
    %add3A_35 = arith.addi %mul3A_18, %mul3A_34 : i32
    %mul3A_36 = arith.constant 1024 : i32
    %mul3A_37 = arith.muli %select_n3A, %mul3A_36 : i32
    "tpu.region"() ({
      %run_scoped3A = tpu.sem_alloc : memref<!tpu.dma_semaphore, #tpu.memory_space<semaphore_mem>>
      %dma_start3A = tpu.memref_slice %arg2[%mul3A_37] : memref<16384xf32, #tpu.memory_space<hbm>> -> memref<1024xf32, #tpu.memory_space<hbm>>
      %dma_start3A_51 = tpu.memref_slice %arg2[%mul3A_37] : memref<16384xf32, #tpu.memory_space<hbm>> -> memref<1024xf32, #tpu.memory_space<hbm>>
      tpu.enqueue_dma source(%dma_start3A_51 : memref<1024xf32, #tpu.memory_space<hbm>>) target(%arg10 : memref<1024xf32, #tpu.memory_space<vmem>>) target_semaphore(%run_scoped3A : memref<!tpu.dma_semaphore, #tpu.memory_space<semaphore_mem>>)
      %dma_wait3A = tpu.memref_slice %arg2[%mul3A_37] : memref<16384xf32, #tpu.memory_space<hbm>> -> memref<1024xf32, #tpu.memory_space<hbm>>
      %dma_wait3A_52 = tpu.memref_slice %arg2[%mul3A_37] : memref<16384xf32, #tpu.memory_space<hbm>> -> memref<1024xf32, #tpu.memory_space<hbm>>
      tpu.wait_dma2 semaphore(%run_scoped3A : memref<!tpu.dma_semaphore, #tpu.memory_space<semaphore_mem>>) src(%dma_wait3A_52 : memref<1024xf32, #tpu.memory_space<hbm>>) dst(%arg10 : memref<1024xf32, #tpu.memory_space<vmem>>)
      tpu.yield
    }) : () -> ()
    %mul3A_38 = arith.constant 1024 : i32
    %mul3A_39 = arith.muli %select_n3A, %mul3A_38 : i32
    "tpu.region"() ({
      %run_scoped3A = tpu.sem_alloc : memref<!tpu.dma_semaphore, #tpu.memory_space<semaphore_mem>>
      %dma_start3A = tpu.memref_slice %arg3[%mul3A_39] : memref<16384xf32, #tpu.memory_space<hbm>> -> memref<1024xf32, #tpu.memory_space<hbm>>
      %dma_start3A_51 = tpu.memref_slice %arg3[%mul3A_39] : memref<16384xf32, #tpu.memory_space<hbm>> -> memref<1024xf32, #tpu.memory_space<hbm>>
      tpu.enqueue_dma source(%dma_start3A_51 : memref<1024xf32, #tpu.memory_space<hbm>>) target(%arg11 : memref<1024xf32, #tpu.memory_space<vmem>>) target_semaphore(%run_scoped3A : memref<!tpu.dma_semaphore, #tpu.memory_space<semaphore_mem>>)
      %dma_wait3A = tpu.memref_slice %arg3[%mul3A_39] : memref<16384xf32, #tpu.memory_space<hbm>> -> memref<1024xf32, #tpu.memory_space<hbm>>
      %dma_wait3A_52 = tpu.memref_slice %arg3[%mul3A_39] : memref<16384xf32, #tpu.memory_space<hbm>> -> memref<1024xf32, #tpu.memory_space<hbm>>
      tpu.wait_dma2 semaphore(%run_scoped3A : memref<!tpu.dma_semaphore, #tpu.memory_space<semaphore_mem>>) src(%dma_wait3A_52 : memref<1024xf32, #tpu.memory_space<hbm>>) dst(%arg11 : memref<1024xf32, #tpu.memory_space<vmem>>)
      tpu.yield
    }) : () -> ()
    %mul3A_40 = arith.constant 1024 : i32
    %mul3A_41 = arith.muli %select_n3A, %mul3A_40 : i32
    "tpu.region"() ({
      %run_scoped3A = tpu.sem_alloc : memref<!tpu.dma_semaphore, #tpu.memory_space<semaphore_mem>>
      %dma_start3A = tpu.memref_slice %arg4[%mul3A_41] : memref<16384xf32, #tpu.memory_space<hbm>> -> memref<1024xf32, #tpu.memory_space<hbm>>
      %dma_start3A_51 = tpu.memref_slice %arg4[%mul3A_41] : memref<16384xf32, #tpu.memory_space<hbm>> -> memref<1024xf32, #tpu.memory_space<hbm>>
      tpu.enqueue_dma source(%dma_start3A_51 : memref<1024xf32, #tpu.memory_space<hbm>>) target(%arg12 : memref<1024xf32, #tpu.memory_space<vmem>>) target_semaphore(%run_scoped3A : memref<!tpu.dma_semaphore, #tpu.memory_space<semaphore_mem>>)
      %dma_wait3A = tpu.memref_slice %arg4[%mul3A_41] : memref<16384xf32, #tpu.memory_space<hbm>> -> memref<1024xf32, #tpu.memory_space<hbm>>
      %dma_wait3A_52 = tpu.memref_slice %arg4[%mul3A_41] : memref<16384xf32, #tpu.memory_space<hbm>> -> memref<1024xf32, #tpu.memory_space<hbm>>
      tpu.wait_dma2 semaphore(%run_scoped3A : memref<!tpu.dma_semaphore, #tpu.memory_space<semaphore_mem>>) src(%dma_wait3A_52 : memref<1024xf32, #tpu.memory_space<hbm>>) dst(%arg12 : memref<1024xf32, #tpu.memory_space<vmem>>)
      tpu.yield
    }) : () -> ()
    "tpu.region"() ({
      %run_scoped3A = tpu.sem_alloc : memref<!tpu.dma_semaphore, #tpu.memory_space<semaphore_mem>>
      %dma_start3A = tpu.memref_slice %arg5[%add3A_35] : memref<16384xf32, #tpu.memory_space<hbm>> -> memref<512xf32, #tpu.memory_space<hbm>>
      %dma_start3A_51 = tpu.memref_slice %arg5[%add3A_35] : memref<16384xf32, #tpu.memory_space<hbm>> -> memref<512xf32, #tpu.memory_space<hbm>>
      tpu.enqueue_dma source(%dma_start3A_51 : memref<512xf32, #tpu.memory_space<hbm>>) target(%arg13 : memref<512xf32, #tpu.memory_space<vmem>>) target_semaphore(%run_scoped3A : memref<!tpu.dma_semaphore, #tpu.memory_space<semaphore_mem>>)
      %dma_wait3A = tpu.memref_slice %arg5[%add3A_35] : memref<16384xf32, #tpu.memory_space<hbm>> -> memref<512xf32, #tpu.memory_space<hbm>>
      %dma_wait3A_52 = tpu.memref_slice %arg5[%add3A_35] : memref<16384xf32, #tpu.memory_space<hbm>> -> memref<512xf32, #tpu.memory_space<hbm>>
      tpu.wait_dma2 semaphore(%run_scoped3A : memref<!tpu.dma_semaphore, #tpu.memory_space<semaphore_mem>>) src(%dma_wait3A_52 : memref<512xf32, #tpu.memory_space<hbm>>) dst(%arg13 : memref<512xf32, #tpu.memory_space<vmem>>)
      tpu.yield
    }) : () -> ()
    "tpu.region"() ({
      %run_scoped3A = tpu.sem_alloc : memref<!tpu.dma_semaphore, #tpu.memory_space<semaphore_mem>>
      %dma_start3A = tpu.memref_slice %arg6[%add3A_35] : memref<16384xf32, #tpu.memory_space<hbm>> -> memref<512xf32, #tpu.memory_space<hbm>>
      %dma_start3A_51 = tpu.memref_slice %arg6[%add3A_35] : memref<16384xf32, #tpu.memory_space<hbm>> -> memref<512xf32, #tpu.memory_space<hbm>>
      tpu.enqueue_dma source(%dma_start3A_51 : memref<512xf32, #tpu.memory_space<hbm>>) target(%arg14 : memref<512xf32, #tpu.memory_space<vmem>>) target_semaphore(%run_scoped3A : memref<!tpu.dma_semaphore, #tpu.memory_space<semaphore_mem>>)
      %dma_wait3A = tpu.memref_slice %arg6[%add3A_35] : memref<16384xf32, #tpu.memory_space<hbm>> -> memref<512xf32, #tpu.memory_space<hbm>>
      %dma_wait3A_52 = tpu.memref_slice %arg6[%add3A_35] : memref<16384xf32, #tpu.memory_space<hbm>> -> memref<512xf32, #tpu.memory_space<hbm>>
      tpu.wait_dma2 semaphore(%run_scoped3A : memref<!tpu.dma_semaphore, #tpu.memory_space<semaphore_mem>>) src(%dma_wait3A_52 : memref<512xf32, #tpu.memory_space<hbm>>) dst(%arg14 : memref<512xf32, #tpu.memory_space<vmem>>)
      tpu.yield
    }) : () -> ()
    "tpu.region"() ({
      %run_scoped3A = tpu.sem_alloc : memref<!tpu.dma_semaphore, #tpu.memory_space<semaphore_mem>>
      %dma_start3A = tpu.memref_slice %arg7[%add3A_35] : memref<16384xf32, #tpu.memory_space<hbm>> -> memref<512xf32, #tpu.memory_space<hbm>>
      %dma_start3A_51 = tpu.memref_slice %arg7[%add3A_35] : memref<16384xf32, #tpu.memory_space<hbm>> -> memref<512xf32, #tpu.memory_space<hbm>>
      tpu.enqueue_dma source(%dma_start3A_51 : memref<512xf32, #tpu.memory_space<hbm>>) target(%arg15 : memref<512xf32, #tpu.memory_space<vmem>>) target_semaphore(%run_scoped3A : memref<!tpu.dma_semaphore, #tpu.memory_space<semaphore_mem>>)
      %dma_wait3A = tpu.memref_slice %arg7[%add3A_35] : memref<16384xf32, #tpu.memory_space<hbm>> -> memref<512xf32, #tpu.memory_space<hbm>>
      %dma_wait3A_52 = tpu.memref_slice %arg7[%add3A_35] : memref<16384xf32, #tpu.memory_space<hbm>> -> memref<512xf32, #tpu.memory_space<hbm>>
      tpu.wait_dma2 semaphore(%run_scoped3A : memref<!tpu.dma_semaphore, #tpu.memory_space<semaphore_mem>>) src(%dma_wait3A_52 : memref<512xf32, #tpu.memory_space<hbm>>) dst(%arg15 : memref<512xf32, #tpu.memory_space<vmem>>)
      tpu.yield
    }) : () -> ()
    %iota3A = tpu.iota {dimensions = array<i32: 0>} : vector<16xi32>
    %mul3A_42 = arith.constant 32 : i32
    %mul3A_43 = vector.broadcast %mul3A_42 : i32 to vector<16xi32>
    %mul3A_44 = arith.muli %iota3A, %mul3A_43 : vector<16xi32>
    %scan3A = arith.constant 0 : i32
    %scan3A_45 = arith.constant 0 : i32
    %scan3A_46 = arith.constant 32 : i32
    %scan3A_47 = arith.addi %scan3A_45, %scan3A_46 : i32
    %scan3A_48 = arith.constant 1 : i32
    %scan3A_49 = scf.for %scan3A_51 = %scan3A_45 to %scan3A_47 step %scan3A_48 iter_args(%scan3A_52 = %scan3A) -> (i32)  : i32 {
      %mul3A_53 = arith.constant 16 : i32
      %mul3A_54 = arith.muli %scan3A_51, %mul3A_53 : i32
      %get3A = arith.index_cast %mul3A_54 : i32 to index
      %get3A_55 = tpu.vector_load %arg15[%get3A] {strides = array<i32>} : memref<512xf32, #tpu.memory_space<vmem>>, vector<16xf32>,
      %mul3A_56 = arith.constant 16 : i32
      %mul3A_57 = arith.muli %scan3A_51, %mul3A_56 : i32
      %get3A_58 = arith.index_cast %mul3A_57 : i32 to index
      %get3A_59 = tpu.vector_load %arg13[%get3A_58] {strides = array<i32>} : memref<512xf32, #tpu.memory_space<vmem>>, vector<16xf32>,
      %mul3A_60 = arith.constant 16 : i32
      %mul3A_61 = arith.muli %scan3A_51, %mul3A_60 : i32
      %get3A_62 = arith.index_cast %mul3A_61 : i32 to index
      %get3A_63 = tpu.vector_load %arg14[%get3A_62] {strides = array<i32>} : memref<512xf32, #tpu.memory_space<vmem>>, vector<16xf32>,
      %broadcast_in_dim3A = arith.constant 0 : i32
      %broadcast_in_dim3A_64 = vector.broadcast %broadcast_in_dim3A : i32 to vector<16xi32>
      %scan3A_65 = arith.constant 0 : i32
      %scan3A_66 = arith.constant 1024 : i32
      %scan3A_67 = arith.addi %scan3A_65, %scan3A_66 : i32
      %scan3A_68 = arith.constant 4 : i32
      %scan3A_69 = scf.for %scan3A_103 = %scan3A_65 to %scan3A_67 step %scan3A_68 iter_args(%scan3A_104 = %broadcast_in_dim3A_64) -> (vector<16xi32>)  : i32 {
        %broadcast_in_dim3A_105 = vector.broadcast %scan3A_103 : i32 to vector<16xi32>
        %gather3A_106 = tpu.vector_load_idx %arg12[%broadcast_in_dim3A_105] : memref<1024xf32, #tpu.memory_space<vmem>>[vector<16xi32>], vector<16xf32>,
        %sub3A_107 = arith.subf %gather3A_106, %get3A_55 : vector<16xf32>
        %abs3A = math.absf %sub3A_107 : vector<16xf32>
        %lt3A_108 = arith.constant 2.500000e-01 : f32
        %lt3A_109 = vector.broadcast %lt3A_108 : f32 to vector<16xf32>
        %lt3A_110 = arith.cmpf olt, %abs3A, %lt3A_109 : vector<16xf32>
        %lt3A_111 = arith.constant 32 : i32
        %lt3A_112 = vector.broadcast %lt3A_111 : i32 to vector<16xi32>
        %lt3A_113 = arith.cmpi slt, %scan3A_104, %lt3A_112 : vector<16xi32>
        %and3A_114 = arith.andi %lt3A_110, %lt3A_113 : vector<16xi1>
        %add3A_115 = arith.addi %mul3A_44, %scan3A_104 : vector<16xi32>
        tpu.vector_store_idx %arg16[%add3A_115], %broadcast_in_dim3A_105 masked %and3A_114 : memref<512xi32, #tpu.memory_space<vmem>>[vector<16xi32>], vector<16xi32>, vector<16xi1>
        %jit3A_116 = arith.constant 1 : i32
        %jit3A_117 = arith.constant 0 : i32
        %broadcast_in_dim3A_118 = vector.broadcast %jit3A_116 : i32 to vector<16xi32>
        %broadcast_in_dim3A_119 = vector.broadcast %jit3A_117 : i32 to vector<16xi32>
        %select_n3A_120 = arith.select %and3A_114, %broadcast_in_dim3A_118, %broadcast_in_dim3A_119 : vector<16xi1>, vector<16xi32>
        %add3A_121 = arith.addi %scan3A_104, %select_n3A_120 : vector<16xi32>
        %scan3A_122 = arith.constant 1 : i32
        %scan3A_123 = arith.addi %scan3A_103, %scan3A_122 : i32
        %broadcast_in_dim3A_124 = vector.broadcast %scan3A_123 : i32 to vector<16xi32>
        %gather3A_125 = tpu.vector_load_idx %arg12[%broadcast_in_dim3A_124] : memref<1024xf32, #tpu.memory_space<vmem>>[vector<16xi32>], vector<16xf32>,
        %sub3A_126 = arith.subf %gather3A_125, %get3A_55 : vector<16xf32>
        %abs3A_127 = math.absf %sub3A_126 : vector<16xf32>
        %lt3A_128 = arith.constant 2.500000e-01 : f32
        %lt3A_129 = vector.broadcast %lt3A_128 : f32 to vector<16xf32>
        %lt3A_130 = arith.cmpf olt, %abs3A_127, %lt3A_129 : vector<16xf32>
        %lt3A_131 = arith.constant 32 : i32
        %lt3A_132 = vector.broadcast %lt3A_131 : i32 to vector<16xi32>
        %lt3A_133 = arith.cmpi slt, %add3A_121, %lt3A_132 : vector<16xi32>
        %and3A_134 = arith.andi %lt3A_130, %lt3A_133 : vector<16xi1>
        %add3A_135 = arith.addi %mul3A_44, %add3A_121 : vector<16xi32>
        tpu.vector_store_idx %arg16[%add3A_135], %broadcast_in_dim3A_124 masked %and3A_134 : memref<512xi32, #tpu.memory_space<vmem>>[vector<16xi32>], vector<16xi32>, vector<16xi1>
        %jit3A_136 = arith.constant 1 : i32
        %jit3A_137 = arith.constant 0 : i32
        %broadcast_in_dim3A_138 = vector.broadcast %jit3A_136 : i32 to vector<16xi32>
        %broadcast_in_dim3A_139 = vector.broadcast %jit3A_137 : i32 to vector<16xi32>
        %select_n3A_140 = arith.select %and3A_134, %broadcast_in_dim3A_138, %broadcast_in_dim3A_139 : vector<16xi1>, vector<16xi32>
        %add3A_141 = arith.addi %add3A_121, %select_n3A_140 : vector<16xi32>
        %scan3A_142 = arith.constant 2 : i32
        %scan3A_143 = arith.addi %scan3A_103, %scan3A_142 : i32
        %broadcast_in_dim3A_144 = vector.broadcast %scan3A_143 : i32 to vector<16xi32>
        %gather3A_145 = tpu.vector_load_idx %arg12[%broadcast_in_dim3A_144] : memref<1024xf32, #tpu.memory_space<vmem>>[vector<16xi32>], vector<16xf32>,
        %sub3A_146 = arith.subf %gather3A_145, %get3A_55 : vector<16xf32>
        %abs3A_147 = math.absf %sub3A_146 : vector<16xf32>
        %lt3A_148 = arith.constant 2.500000e-01 : f32
        %lt3A_149 = vector.broadcast %lt3A_148 : f32 to vector<16xf32>
        %lt3A_150 = arith.cmpf olt, %abs3A_147, %lt3A_149 : vector<16xf32>
        %lt3A_151 = arith.constant 32 : i32
        %lt3A_152 = vector.broadcast %lt3A_151 : i32 to vector<16xi32>
        %lt3A_153 = arith.cmpi slt, %add3A_141, %lt3A_152 : vector<16xi32>
        %and3A_154 = arith.andi %lt3A_150, %lt3A_153 : vector<16xi1>
        %add3A_155 = arith.addi %mul3A_44, %add3A_141 : vector<16xi32>
        tpu.vector_store_idx %arg16[%add3A_155], %broadcast_in_dim3A_144 masked %and3A_154 : memref<512xi32, #tpu.memory_space<vmem>>[vector<16xi32>], vector<16xi32>, vector<16xi1>
        %jit3A_156 = arith.constant 1 : i32
        %jit3A_157 = arith.constant 0 : i32
        %broadcast_in_dim3A_158 = vector.broadcast %jit3A_156 : i32 to vector<16xi32>
        %broadcast_in_dim3A_159 = vector.broadcast %jit3A_157 : i32 to vector<16xi32>
        %select_n3A_160 = arith.select %and3A_154, %broadcast_in_dim3A_158, %broadcast_in_dim3A_159 : vector<16xi1>, vector<16xi32>
        %add3A_161 = arith.addi %add3A_141, %select_n3A_160 : vector<16xi32>
        %scan3A_162 = arith.constant 3 : i32
        %scan3A_163 = arith.addi %scan3A_103, %scan3A_162 : i32
        %broadcast_in_dim3A_164 = vector.broadcast %scan3A_163 : i32 to vector<16xi32>
        %gather3A_165 = tpu.vector_load_idx %arg12[%broadcast_in_dim3A_164] : memref<1024xf32, #tpu.memory_space<vmem>>[vector<16xi32>], vector<16xf32>,
        %sub3A_166 = arith.subf %gather3A_165, %get3A_55 : vector<16xf32>
        %abs3A_167 = math.absf %sub3A_166 : vector<16xf32>
        %lt3A_168 = arith.constant 2.500000e-01 : f32
        %lt3A_169 = vector.broadcast %lt3A_168 : f32 to vector<16xf32>
        %lt3A_170 = arith.cmpf olt, %abs3A_167, %lt3A_169 : vector<16xf32>
        %lt3A_171 = arith.constant 32 : i32
        %lt3A_172 = vector.broadcast %lt3A_171 : i32 to vector<16xi32>
        %lt3A_173 = arith.cmpi slt, %add3A_161, %lt3A_172 : vector<16xi32>
        %and3A_174 = arith.andi %lt3A_170, %lt3A_173 : vector<16xi1>
        %add3A_175 = arith.addi %mul3A_44, %add3A_161 : vector<16xi32>
        tpu.vector_store_idx %arg16[%add3A_175], %broadcast_in_dim3A_164 masked %and3A_174 : memref<512xi32, #tpu.memory_space<vmem>>[vector<16xi32>], vector<16xi32>, vector<16xi1>
        %jit3A_176 = arith.constant 1 : i32
        %jit3A_177 = arith.constant 0 : i32
        %broadcast_in_dim3A_178 = vector.broadcast %jit3A_176 : i32 to vector<16xi32>
        %broadcast_in_dim3A_179 = vector.broadcast %jit3A_177 : i32 to vector<16xi32>
        %select_n3A_180 = arith.select %and3A_174, %broadcast_in_dim3A_178, %broadcast_in_dim3A_179 : vector<16xi1>, vector<16xi32>
        %add3A_181 = arith.addi %add3A_161, %select_n3A_180 : vector<16xi32>
        scf.yield %add3A_181 : vector<16xi32>
      }
      %scan3A_70 = arith.constant 1024 : i32
      %gt3A = arith.constant 0 : i32
      %gt3A_71 = vector.broadcast %gt3A : i32 to vector<16xi32>
      %gt3A_72 = arith.cmpi sgt, %scan3A_69, %gt3A_71 : vector<16xi32>
      %jit3A_73 = arith.constant 1.000000e+00 : f32
      %jit3A_74 = arith.constant 0.000000e+00 : f32
      %broadcast_in_dim3A_75 = vector.broadcast %jit3A_73 : f32 to vector<16xf32>
      %broadcast_in_dim3A_76 = vector.broadcast %jit3A_74 : f32 to vector<16xf32>
      %select_n3A_77 = arith.select %gt3A_72, %broadcast_in_dim3A_75, %broadcast_in_dim3A_76 : vector<16xi1>, vector<16xf32>
      %swap3A = arith.constant 0 : index
      %swap3A_78 = tpu.vector_load %arg18[%swap3A] {strides = array<i32>} : memref<16xf32, #tpu.memory_space<vmem>>, vector<16xf32>,
      tpu.vector_store %arg18[%swap3A], %select_n3A_77 {strides = array<i32>} : memref<16xf32, #tpu.memory_space<vmem>>, vector<16xf32>,
      %mul3A_79 = arith.constant 16 : i32
      %mul3A_80 = arith.muli %scan3A_51, %mul3A_79 : i32
      %add3A_81 = arith.addi %add3A_35, %mul3A_80 : i32
      "tpu.region"() ({
        %run_scoped3A = tpu.sem_alloc : memref<!tpu.dma_semaphore, #tpu.memory_space<semaphore_mem>>
        %dma_start3A = tpu.memref_slice %arg9[%add3A_81] : memref<16384xf32, #tpu.memory_space<hbm>> -> memref<16xf32, #tpu.memory_space<hbm>>
        %dma_start3A_103 = tpu.memref_slice %arg9[%add3A_81] : memref<16384xf32, #tpu.memory_space<hbm>> -> memref<16xf32, #tpu.memory_space<hbm>>
        tpu.enqueue_dma source(%arg18 : memref<16xf32, #tpu.memory_space<vmem>>) target(%dma_start3A_103 : memref<16xf32, #tpu.memory_space<hbm>>) target_semaphore(%run_scoped3A : memref<!tpu.dma_semaphore, #tpu.memory_space<semaphore_mem>>)
        %dma_wait3A = tpu.memref_slice %arg9[%add3A_81] : memref<16384xf32, #tpu.memory_space<hbm>> -> memref<16xf32, #tpu.memory_space<hbm>>
        %dma_wait3A_104 = tpu.memref_slice %arg9[%add3A_81] : memref<16384xf32, #tpu.memory_space<hbm>> -> memref<16xf32, #tpu.memory_space<hbm>>
        tpu.wait_dma2 semaphore(%run_scoped3A : memref<!tpu.dma_semaphore, #tpu.memory_space<semaphore_mem>>) src(%arg18 : memref<16xf32, #tpu.memory_space<vmem>>) dst(%dma_wait3A_104 : memref<16xf32, #tpu.memory_space<hbm>>)
        tpu.yield
      }) : () -> ()
      %gather3A = tpu.vector_load_idx %arg16[%mul3A_44] : memref<512xi32, #tpu.memory_space<vmem>>[vector<16xi32>], vector<16xi32>,
      %gt3A_82 = arith.constant 0 : i32
      %gt3A_83 = vector.broadcast %gt3A_82 : i32 to vector<16xi32>
      %gt3A_84 = arith.cmpi sgt, %scan3A_69, %gt3A_83 : vector<16xi32>
      %jit3A_85 = arith.constant 0 : i32
      %broadcast_in_dim3A_86 = vector.broadcast %jit3A_85 : i32 to vector<16xi32>
      %select_n3A_87 = arith.select %gt3A_84, %gather3A, %broadcast_in_dim3A_86 : vector<16xi1>, vector<16xi32>
      %scan3A_88 = arith.constant 0 : i32
      %scan3A_89 = arith.constant 0 : i32
      %scan3A_90 = arith.constant 32 : i32
      %scan3A_91 = arith.addi %scan3A_89, %scan3A_90 : i32
      %scan3A_92 = arith.constant 1 : i32
      %scan3A_93 = scf.for %scan3A_103 = %scan3A_89 to %scan3A_91 step %scan3A_92 iter_args(%scan3A_104 = %scan3A_88) -> (i32)  : i32 {
        %broadcast_in_dim3A_105 = vector.broadcast %scan3A_103 : i32 to vector<16xi32>
        %add3A_106 = arith.addi %mul3A_44, %broadcast_in_dim3A_105 : vector<16xi32>
        %gather3A_107 = tpu.vector_load_idx %arg16[%add3A_106] : memref<512xi32, #tpu.memory_space<vmem>>[vector<16xi32>], vector<16xi32>,
        %lt3A_108 = arith.cmpi slt, %broadcast_in_dim3A_105, %scan3A_69 : vector<16xi32>
        %select_n3A_109 = arith.select %lt3A_108, %gather3A_107, %select_n3A_87 : vector<16xi1>, vector<16xi32>
        %gather3A_110 = tpu.vector_load_idx %arg10[%select_n3A_109] : memref<1024xf32, #tpu.memory_space<vmem>>[vector<16xi32>], vector<16xf32>,
        %sub3A_111 = arith.subf %gather3A_110, %get3A_59 : vector<16xf32>
        %gather3A_112 = tpu.vector_load_idx %arg11[%select_n3A_109] : memref<1024xf32, #tpu.memory_space<vmem>>[vector<16xi32>], vector<16xf32>,
        %sub3A_113 = arith.subf %gather3A_112, %get3A_63 : vector<16xf32>
        %gather3A_114 = tpu.vector_load_idx %arg12[%select_n3A_109] : memref<1024xf32, #tpu.memory_space<vmem>>[vector<16xi32>], vector<16xf32>,
        %sub3A_115 = arith.subf %gather3A_114, %get3A_55 : vector<16xf32>
        %add3A_116 = arith.addi %mul3A_44, %broadcast_in_dim3A_105 : vector<16xi32>
        %mul3A_117 = arith.constant 3 : i32
        %mul3A_118 = vector.broadcast %mul3A_117 : i32 to vector<16xi32>
        %mul3A_119 = arith.muli %add3A_116, %mul3A_118 : vector<16xi32>
        tpu.vector_store_idx %arg17[%mul3A_119], %sub3A_111 : memref<1536xf32, #tpu.memory_space<vmem>>[vector<16xi32>], vector<16xf32>,
        %add3A_120 = arith.constant 1 : i32
        %add3A_121 = vector.broadcast %add3A_120 : i32 to vector<16xi32>
        %add3A_122 = arith.addi %mul3A_119, %add3A_121 : vector<16xi32>
        tpu.vector_store_idx %arg17[%add3A_122], %sub3A_113 : memref<1536xf32, #tpu.memory_space<vmem>>[vector<16xi32>], vector<16xf32>,
        %add3A_123 = arith.constant 2 : i32
        %add3A_124 = vector.broadcast %add3A_123 : i32 to vector<16xi32>
        %add3A_125 = arith.addi %mul3A_119, %add3A_124 : vector<16xi32>
        tpu.vector_store_idx %arg17[%add3A_125], %sub3A_115 : memref<1536xf32, #tpu.memory_space<vmem>>[vector<16xi32>], vector<16xf32>,
        %scan3A_126 = arith.constant 0 : i32
        scf.yield %scan3A_126 : i32
      }
      %scan3A_94 = arith.constant 32 : i32
      %mul3A_95 = arith.constant 16 : i32
      %mul3A_96 = arith.muli %scan3A_51, %mul3A_95 : i32
      %add3A_97 = arith.addi %add3A_35, %mul3A_96 : i32
      %mul3A_98 = arith.constant 32 : i32
      %mul3A_99 = arith.muli %add3A_97, %mul3A_98 : i32
      %mul3A_100 = arith.constant 3 : i32
      %mul3A_101 = arith.muli %mul3A_99, %mul3A_100 : i32
      "tpu.region"() ({
        %run_scoped3A = tpu.sem_alloc : memref<!tpu.dma_semaphore, #tpu.memory_space<semaphore_mem>>
        %dma_start3A = tpu.memref_slice %arg8[%mul3A_101] : memref<1572864xf32, #tpu.memory_space<hbm>> -> memref<1536xf32, #tpu.memory_space<hbm>>
        %dma_start3A_103 = tpu.memref_slice %arg8[%mul3A_101] : memref<1572864xf32, #tpu.memory_space<hbm>> -> memref<1536xf32, #tpu.memory_space<hbm>>
        tpu.enqueue_dma source(%arg17 : memref<1536xf32, #tpu.memory_space<vmem>>) target(%dma_start3A_103 : memref<1536xf32, #tpu.memory_space<hbm>>) target_semaphore(%run_scoped3A : memref<!tpu.dma_semaphore, #tpu.memory_space<semaphore_mem>>)
        %dma_wait3A = tpu.memref_slice %arg8[%mul3A_101] : memref<1572864xf32, #tpu.memory_space<hbm>> -> memref<1536xf32, #tpu.memory_space<hbm>>
        %dma_wait3A_104 = tpu.memref_slice %arg8[%mul3A_101] : memref<1572864xf32, #tpu.memory_space<hbm>> -> memref<1536xf32, #tpu.memory_space<hbm>>
        tpu.wait_dma2 semaphore(%run_scoped3A : memref<!tpu.dma_semaphore, #tpu.memory_space<semaphore_mem>>) src(%arg17 : memref<1536xf32, #tpu.memory_space<vmem>>) dst(%dma_wait3A_104 : memref<1536xf32, #tpu.memory_space<hbm>>)
        tpu.yield
      }) : () -> ()
      %scan3A_102 = arith.constant 0 : i32
      scf.yield %scan3A_102 : i32
    }
    %scan3A_50 = arith.constant 32 : i32
    return
  }
}

#map = affine_map<(d0, d1) -> (0)>
module attributes {stable_mosaic.version = 14 : i64} {
  func.func @sck(%arg0: i32, %arg1: i32, %arg2: memref<16384xf32, #tpu.memory_space<hbm>>, %arg3: memref<16384xf32, #tpu.memory_space<hbm>>, %arg4: memref<16384xf32, #tpu.memory_space<hbm>>, %arg5: memref<2048xf32, #tpu.memory_space<hbm>>, %arg6: memref<2048xf32, #tpu.memory_space<hbm>>, %arg7: memref<2048xf32, #tpu.memory_space<hbm>>, %arg8: memref<786432xf32, #tpu.memory_space<hbm>>, %arg9: memref<2048xf32, #tpu.memory_space<hbm>>, %arg10: memref<1024xf32, #tpu.memory_space<vmem>>, %arg11: memref<1024xf32, #tpu.memory_space<vmem>>, %arg12: memref<1024xf32, #tpu.memory_space<vmem>>, %arg13: memref<64xf32, #tpu.memory_space<vmem>>, %arg14: memref<64xf32, #tpu.memory_space<vmem>>, %arg15: memref<64xf32, #tpu.memory_space<vmem>>, %arg16: memref<2048xi32, #tpu.memory_space<vmem>>, %arg17: memref<6144xf32, #tpu.memory_space<vmem>>, %arg18: memref<16xf32, #tpu.memory_space<vmem>>) attributes {dimension_semantics = [#tpu.dimension_semantics<core_parallel>, #tpu.dimension_semantics<subcore_parallel>], iteration_bounds = array<i64: 2, 16>, scalar_prefetch = 0 : i64, scratch_operands = 9 : i64, tpu.core_type = #tpu.core_type<sc_vector_subcore>, window_params = [{transform_indices = #map}, {transform_indices = #map}, {transform_indices = #map}, {transform_indices = #map}, {transform_indices = #map}, {transform_indices = #map}, {transform_indices = #map}, {transform_indices = #map}]} {
    %mul3A = arith.constant 2 : i32
    %mul3A_0 = arith.muli %arg1, %mul3A : i32
    %add3A = arith.addi %mul3A_0, %arg0 : i32
    %jit3A = arith.constant 2 : i32
    %div3A = arith.divsi %add3A, %jit3A : i32
    %sign3A = arith.constant 0 : i32
    %sign3A_1 = arith.cmpi sgt, %add3A, %sign3A : i32
    %sign3A_2 = arith.extui %sign3A_1 : i1 to i32
    %sign3A_3 = arith.constant 0 : i32
    %sign3A_4 = arith.cmpi slt, %add3A, %sign3A_3 : i32
    %sign3A_5 = arith.extui %sign3A_4 : i1 to i32
    %sign3A_6 = arith.subi %sign3A_2, %sign3A_5 : i32
    %sign3A_7 = arith.constant 0 : i32
    %sign3A_8 = arith.cmpi sgt, %jit3A, %sign3A_7 : i32
    %sign3A_9 = arith.extui %sign3A_8 : i1 to i32
    %sign3A_10 = arith.constant 0 : i32
    %sign3A_11 = arith.cmpi slt, %jit3A, %sign3A_10 : i32
    %sign3A_12 = arith.extui %sign3A_11 : i1 to i32
    %sign3A_13 = arith.subi %sign3A_9, %sign3A_12 : i32
    %ne3A = arith.cmpi ne, %sign3A_6, %sign3A_13 : i32
    %rem3A = arith.remsi %add3A, %jit3A : i32
    %ne3A_14 = arith.constant 0 : i32
    %ne3A_15 = arith.cmpi ne, %rem3A, %ne3A_14 : i32
    %and3A = arith.andi %ne3A, %ne3A_15 : i1
    %sub3A = arith.constant 1 : i32
    %sub3A_16 = arith.subi %div3A, %sub3A : i32
    %select_n3A = arith.select %and3A, %sub3A_16, %div3A : i32
    %mul3A_17 = arith.constant 128 : i32
    %mul3A_18 = arith.muli %select_n3A, %mul3A_17 : i32
    %jit3A_19 = arith.constant 2 : i32
    %eq3A = arith.constant 0 : i32
    %eq3A_20 = arith.cmpi eq, %jit3A_19, %eq3A : i32
    %jit3A_21 = arith.constant 1 : i32
    %select_n3A_22 = arith.select %eq3A_20, %jit3A_21, %jit3A_19 : i32
    %rem3A_23 = arith.remsi %add3A, %select_n3A_22 : i32
    %ne3A_24 = arith.constant 0 : i32
    %ne3A_25 = arith.cmpi ne, %rem3A_23, %ne3A_24 : i32
    %lt3A = arith.constant 0 : i32
    %lt3A_26 = arith.cmpi slt, %rem3A_23, %lt3A : i32
    %lt3A_27 = arith.constant 0 : i32
    %lt3A_28 = arith.cmpi slt, %select_n3A_22, %lt3A_27 : i32
    %ne3A_29 = arith.xori %lt3A_26, %lt3A_28 : i1
    %and3A_30 = arith.andi %ne3A_29, %ne3A_25 : i1
    %add3A_31 = arith.addi %rem3A_23, %select_n3A_22 : i32
    %select_n3A_32 = arith.select %and3A_30, %add3A_31, %rem3A_23 : i32
    %mul3A_33 = arith.constant 64 : i32
    %mul3A_34 = arith.muli %select_n3A_32, %mul3A_33 : i32
    %add3A_35 = arith.addi %mul3A_18, %mul3A_34 : i32
    %mul3A_36 = arith.constant 1024 : i32
    %mul3A_37 = arith.muli %select_n3A, %mul3A_36 : i32
    "tpu.region"() ({
      %run_scoped3A = tpu.sem_alloc : memref<!tpu.dma_semaphore, #tpu.memory_space<semaphore_mem>>
      %dma_start3A = tpu.memref_slice %arg2[%mul3A_37] : memref<16384xf32, #tpu.memory_space<hbm>> -> memref<1024xf32, #tpu.memory_space<hbm>>
      %dma_start3A_51 = tpu.memref_slice %arg2[%mul3A_37] : memref<16384xf32, #tpu.memory_space<hbm>> -> memref<1024xf32, #tpu.memory_space<hbm>>
      tpu.enqueue_dma source(%dma_start3A_51 : memref<1024xf32, #tpu.memory_space<hbm>>) target(%arg10 : memref<1024xf32, #tpu.memory_space<vmem>>) target_semaphore(%run_scoped3A : memref<!tpu.dma_semaphore, #tpu.memory_space<semaphore_mem>>)
      %dma_wait3A = tpu.memref_slice %arg2[%mul3A_37] : memref<16384xf32, #tpu.memory_space<hbm>> -> memref<1024xf32, #tpu.memory_space<hbm>>
      %dma_wait3A_52 = tpu.memref_slice %arg2[%mul3A_37] : memref<16384xf32, #tpu.memory_space<hbm>> -> memref<1024xf32, #tpu.memory_space<hbm>>
      tpu.wait_dma2 semaphore(%run_scoped3A : memref<!tpu.dma_semaphore, #tpu.memory_space<semaphore_mem>>) src(%dma_wait3A_52 : memref<1024xf32, #tpu.memory_space<hbm>>) dst(%arg10 : memref<1024xf32, #tpu.memory_space<vmem>>)
      tpu.yield
    }) : () -> ()
    %mul3A_38 = arith.constant 1024 : i32
    %mul3A_39 = arith.muli %select_n3A, %mul3A_38 : i32
    "tpu.region"() ({
      %run_scoped3A = tpu.sem_alloc : memref<!tpu.dma_semaphore, #tpu.memory_space<semaphore_mem>>
      %dma_start3A = tpu.memref_slice %arg3[%mul3A_39] : memref<16384xf32, #tpu.memory_space<hbm>> -> memref<1024xf32, #tpu.memory_space<hbm>>
      %dma_start3A_51 = tpu.memref_slice %arg3[%mul3A_39] : memref<16384xf32, #tpu.memory_space<hbm>> -> memref<1024xf32, #tpu.memory_space<hbm>>
      tpu.enqueue_dma source(%dma_start3A_51 : memref<1024xf32, #tpu.memory_space<hbm>>) target(%arg11 : memref<1024xf32, #tpu.memory_space<vmem>>) target_semaphore(%run_scoped3A : memref<!tpu.dma_semaphore, #tpu.memory_space<semaphore_mem>>)
      %dma_wait3A = tpu.memref_slice %arg3[%mul3A_39] : memref<16384xf32, #tpu.memory_space<hbm>> -> memref<1024xf32, #tpu.memory_space<hbm>>
      %dma_wait3A_52 = tpu.memref_slice %arg3[%mul3A_39] : memref<16384xf32, #tpu.memory_space<hbm>> -> memref<1024xf32, #tpu.memory_space<hbm>>
      tpu.wait_dma2 semaphore(%run_scoped3A : memref<!tpu.dma_semaphore, #tpu.memory_space<semaphore_mem>>) src(%dma_wait3A_52 : memref<1024xf32, #tpu.memory_space<hbm>>) dst(%arg11 : memref<1024xf32, #tpu.memory_space<vmem>>)
      tpu.yield
    }) : () -> ()
    %mul3A_40 = arith.constant 1024 : i32
    %mul3A_41 = arith.muli %select_n3A, %mul3A_40 : i32
    "tpu.region"() ({
      %run_scoped3A = tpu.sem_alloc : memref<!tpu.dma_semaphore, #tpu.memory_space<semaphore_mem>>
      %dma_start3A = tpu.memref_slice %arg4[%mul3A_41] : memref<16384xf32, #tpu.memory_space<hbm>> -> memref<1024xf32, #tpu.memory_space<hbm>>
      %dma_start3A_51 = tpu.memref_slice %arg4[%mul3A_41] : memref<16384xf32, #tpu.memory_space<hbm>> -> memref<1024xf32, #tpu.memory_space<hbm>>
      tpu.enqueue_dma source(%dma_start3A_51 : memref<1024xf32, #tpu.memory_space<hbm>>) target(%arg12 : memref<1024xf32, #tpu.memory_space<vmem>>) target_semaphore(%run_scoped3A : memref<!tpu.dma_semaphore, #tpu.memory_space<semaphore_mem>>)
      %dma_wait3A = tpu.memref_slice %arg4[%mul3A_41] : memref<16384xf32, #tpu.memory_space<hbm>> -> memref<1024xf32, #tpu.memory_space<hbm>>
      %dma_wait3A_52 = tpu.memref_slice %arg4[%mul3A_41] : memref<16384xf32, #tpu.memory_space<hbm>> -> memref<1024xf32, #tpu.memory_space<hbm>>
      tpu.wait_dma2 semaphore(%run_scoped3A : memref<!tpu.dma_semaphore, #tpu.memory_space<semaphore_mem>>) src(%dma_wait3A_52 : memref<1024xf32, #tpu.memory_space<hbm>>) dst(%arg12 : memref<1024xf32, #tpu.memory_space<vmem>>)
      tpu.yield
    }) : () -> ()
    "tpu.region"() ({
      %run_scoped3A = tpu.sem_alloc : memref<!tpu.dma_semaphore, #tpu.memory_space<semaphore_mem>>
      %dma_start3A = tpu.memref_slice %arg5[%add3A_35] : memref<2048xf32, #tpu.memory_space<hbm>> -> memref<64xf32, #tpu.memory_space<hbm>>
      %dma_start3A_51 = tpu.memref_slice %arg5[%add3A_35] : memref<2048xf32, #tpu.memory_space<hbm>> -> memref<64xf32, #tpu.memory_space<hbm>>
      tpu.enqueue_dma source(%dma_start3A_51 : memref<64xf32, #tpu.memory_space<hbm>>) target(%arg13 : memref<64xf32, #tpu.memory_space<vmem>>) target_semaphore(%run_scoped3A : memref<!tpu.dma_semaphore, #tpu.memory_space<semaphore_mem>>)
      %dma_wait3A = tpu.memref_slice %arg5[%add3A_35] : memref<2048xf32, #tpu.memory_space<hbm>> -> memref<64xf32, #tpu.memory_space<hbm>>
      %dma_wait3A_52 = tpu.memref_slice %arg5[%add3A_35] : memref<2048xf32, #tpu.memory_space<hbm>> -> memref<64xf32, #tpu.memory_space<hbm>>
      tpu.wait_dma2 semaphore(%run_scoped3A : memref<!tpu.dma_semaphore, #tpu.memory_space<semaphore_mem>>) src(%dma_wait3A_52 : memref<64xf32, #tpu.memory_space<hbm>>) dst(%arg13 : memref<64xf32, #tpu.memory_space<vmem>>)
      tpu.yield
    }) : () -> ()
    "tpu.region"() ({
      %run_scoped3A = tpu.sem_alloc : memref<!tpu.dma_semaphore, #tpu.memory_space<semaphore_mem>>
      %dma_start3A = tpu.memref_slice %arg6[%add3A_35] : memref<2048xf32, #tpu.memory_space<hbm>> -> memref<64xf32, #tpu.memory_space<hbm>>
      %dma_start3A_51 = tpu.memref_slice %arg6[%add3A_35] : memref<2048xf32, #tpu.memory_space<hbm>> -> memref<64xf32, #tpu.memory_space<hbm>>
      tpu.enqueue_dma source(%dma_start3A_51 : memref<64xf32, #tpu.memory_space<hbm>>) target(%arg14 : memref<64xf32, #tpu.memory_space<vmem>>) target_semaphore(%run_scoped3A : memref<!tpu.dma_semaphore, #tpu.memory_space<semaphore_mem>>)
      %dma_wait3A = tpu.memref_slice %arg6[%add3A_35] : memref<2048xf32, #tpu.memory_space<hbm>> -> memref<64xf32, #tpu.memory_space<hbm>>
      %dma_wait3A_52 = tpu.memref_slice %arg6[%add3A_35] : memref<2048xf32, #tpu.memory_space<hbm>> -> memref<64xf32, #tpu.memory_space<hbm>>
      tpu.wait_dma2 semaphore(%run_scoped3A : memref<!tpu.dma_semaphore, #tpu.memory_space<semaphore_mem>>) src(%dma_wait3A_52 : memref<64xf32, #tpu.memory_space<hbm>>) dst(%arg14 : memref<64xf32, #tpu.memory_space<vmem>>)
      tpu.yield
    }) : () -> ()
    "tpu.region"() ({
      %run_scoped3A = tpu.sem_alloc : memref<!tpu.dma_semaphore, #tpu.memory_space<semaphore_mem>>
      %dma_start3A = tpu.memref_slice %arg7[%add3A_35] : memref<2048xf32, #tpu.memory_space<hbm>> -> memref<64xf32, #tpu.memory_space<hbm>>
      %dma_start3A_51 = tpu.memref_slice %arg7[%add3A_35] : memref<2048xf32, #tpu.memory_space<hbm>> -> memref<64xf32, #tpu.memory_space<hbm>>
      tpu.enqueue_dma source(%dma_start3A_51 : memref<64xf32, #tpu.memory_space<hbm>>) target(%arg15 : memref<64xf32, #tpu.memory_space<vmem>>) target_semaphore(%run_scoped3A : memref<!tpu.dma_semaphore, #tpu.memory_space<semaphore_mem>>)
      %dma_wait3A = tpu.memref_slice %arg7[%add3A_35] : memref<2048xf32, #tpu.memory_space<hbm>> -> memref<64xf32, #tpu.memory_space<hbm>>
      %dma_wait3A_52 = tpu.memref_slice %arg7[%add3A_35] : memref<2048xf32, #tpu.memory_space<hbm>> -> memref<64xf32, #tpu.memory_space<hbm>>
      tpu.wait_dma2 semaphore(%run_scoped3A : memref<!tpu.dma_semaphore, #tpu.memory_space<semaphore_mem>>) src(%dma_wait3A_52 : memref<64xf32, #tpu.memory_space<hbm>>) dst(%arg15 : memref<64xf32, #tpu.memory_space<vmem>>)
      tpu.yield
    }) : () -> ()
    %iota3A = tpu.iota {dimensions = array<i32: 0>} : vector<16xi32>
    %mul3A_42 = arith.constant 128 : i32
    %mul3A_43 = vector.broadcast %mul3A_42 : i32 to vector<16xi32>
    %mul3A_44 = arith.muli %iota3A, %mul3A_43 : vector<16xi32>
    %scan3A = arith.constant 0 : i32
    %scan3A_45 = arith.constant 0 : i32
    %scan3A_46 = arith.constant 4 : i32
    %scan3A_47 = arith.addi %scan3A_45, %scan3A_46 : i32
    %scan3A_48 = arith.constant 1 : i32
    %scan3A_49 = scf.for %scan3A_51 = %scan3A_45 to %scan3A_47 step %scan3A_48 iter_args(%scan3A_52 = %scan3A) -> (i32)  : i32 {
      %mul3A_53 = arith.constant 16 : i32
      %mul3A_54 = arith.muli %scan3A_51, %mul3A_53 : i32
      %get3A = arith.index_cast %mul3A_54 : i32 to index
      %get3A_55 = tpu.vector_load %arg15[%get3A] {strides = array<i32>} : memref<64xf32, #tpu.memory_space<vmem>>, vector<16xf32>,
      %mul3A_56 = arith.constant 16 : i32
      %mul3A_57 = arith.muli %scan3A_51, %mul3A_56 : i32
      %get3A_58 = arith.index_cast %mul3A_57 : i32 to index
      %get3A_59 = tpu.vector_load %arg13[%get3A_58] {strides = array<i32>} : memref<64xf32, #tpu.memory_space<vmem>>, vector<16xf32>,
      %mul3A_60 = arith.constant 16 : i32
      %mul3A_61 = arith.muli %scan3A_51, %mul3A_60 : i32
      %get3A_62 = arith.index_cast %mul3A_61 : i32 to index
      %get3A_63 = tpu.vector_load %arg14[%get3A_62] {strides = array<i32>} : memref<64xf32, #tpu.memory_space<vmem>>, vector<16xf32>,
      %broadcast_in_dim3A = arith.constant 0 : i32
      %broadcast_in_dim3A_64 = vector.broadcast %broadcast_in_dim3A : i32 to vector<16xi32>
      %scan3A_65 = arith.constant 0 : i32
      %scan3A_66 = arith.constant 1024 : i32
      %scan3A_67 = arith.addi %scan3A_65, %scan3A_66 : i32
      %scan3A_68 = arith.constant 4 : i32
      %scan3A_69 = scf.for %scan3A_103 = %scan3A_65 to %scan3A_67 step %scan3A_68 iter_args(%scan3A_104 = %broadcast_in_dim3A_64) -> (vector<16xi32>)  : i32 {
        %broadcast_in_dim3A_105 = vector.broadcast %scan3A_103 : i32 to vector<16xi32>
        %gather3A_106 = tpu.vector_load_idx %arg12[%broadcast_in_dim3A_105] : memref<1024xf32, #tpu.memory_space<vmem>>[vector<16xi32>], vector<16xf32>,
        %sub3A_107 = arith.subf %gather3A_106, %get3A_55 : vector<16xf32>
        %abs3A = math.absf %sub3A_107 : vector<16xf32>
        %lt3A_108 = arith.constant 2.000000e+00 : f32
        %lt3A_109 = vector.broadcast %lt3A_108 : f32 to vector<16xf32>
        %lt3A_110 = arith.cmpf olt, %abs3A, %lt3A_109 : vector<16xf32>
        %lt3A_111 = arith.constant 128 : i32
        %lt3A_112 = vector.broadcast %lt3A_111 : i32 to vector<16xi32>
        %lt3A_113 = arith.cmpi slt, %scan3A_104, %lt3A_112 : vector<16xi32>
        %and3A_114 = arith.andi %lt3A_110, %lt3A_113 : vector<16xi1>
        %add3A_115 = arith.addi %mul3A_44, %scan3A_104 : vector<16xi32>
        tpu.vector_store_idx %arg16[%add3A_115], %broadcast_in_dim3A_105 masked %and3A_114 : memref<2048xi32, #tpu.memory_space<vmem>>[vector<16xi32>], vector<16xi32>, vector<16xi1>
        %jit3A_116 = arith.constant 1 : i32
        %jit3A_117 = arith.constant 0 : i32
        %broadcast_in_dim3A_118 = vector.broadcast %jit3A_116 : i32 to vector<16xi32>
        %broadcast_in_dim3A_119 = vector.broadcast %jit3A_117 : i32 to vector<16xi32>
        %select_n3A_120 = arith.select %and3A_114, %broadcast_in_dim3A_118, %broadcast_in_dim3A_119 : vector<16xi1>, vector<16xi32>
        %add3A_121 = arith.addi %scan3A_104, %select_n3A_120 : vector<16xi32>
        %scan3A_122 = arith.constant 1 : i32
        %scan3A_123 = arith.addi %scan3A_103, %scan3A_122 : i32
        %broadcast_in_dim3A_124 = vector.broadcast %scan3A_123 : i32 to vector<16xi32>
        %gather3A_125 = tpu.vector_load_idx %arg12[%broadcast_in_dim3A_124] : memref<1024xf32, #tpu.memory_space<vmem>>[vector<16xi32>], vector<16xf32>,
        %sub3A_126 = arith.subf %gather3A_125, %get3A_55 : vector<16xf32>
        %abs3A_127 = math.absf %sub3A_126 : vector<16xf32>
        %lt3A_128 = arith.constant 2.000000e+00 : f32
        %lt3A_129 = vector.broadcast %lt3A_128 : f32 to vector<16xf32>
        %lt3A_130 = arith.cmpf olt, %abs3A_127, %lt3A_129 : vector<16xf32>
        %lt3A_131 = arith.constant 128 : i32
        %lt3A_132 = vector.broadcast %lt3A_131 : i32 to vector<16xi32>
        %lt3A_133 = arith.cmpi slt, %add3A_121, %lt3A_132 : vector<16xi32>
        %and3A_134 = arith.andi %lt3A_130, %lt3A_133 : vector<16xi1>
        %add3A_135 = arith.addi %mul3A_44, %add3A_121 : vector<16xi32>
        tpu.vector_store_idx %arg16[%add3A_135], %broadcast_in_dim3A_124 masked %and3A_134 : memref<2048xi32, #tpu.memory_space<vmem>>[vector<16xi32>], vector<16xi32>, vector<16xi1>
        %jit3A_136 = arith.constant 1 : i32
        %jit3A_137 = arith.constant 0 : i32
        %broadcast_in_dim3A_138 = vector.broadcast %jit3A_136 : i32 to vector<16xi32>
        %broadcast_in_dim3A_139 = vector.broadcast %jit3A_137 : i32 to vector<16xi32>
        %select_n3A_140 = arith.select %and3A_134, %broadcast_in_dim3A_138, %broadcast_in_dim3A_139 : vector<16xi1>, vector<16xi32>
        %add3A_141 = arith.addi %add3A_121, %select_n3A_140 : vector<16xi32>
        %scan3A_142 = arith.constant 2 : i32
        %scan3A_143 = arith.addi %scan3A_103, %scan3A_142 : i32
        %broadcast_in_dim3A_144 = vector.broadcast %scan3A_143 : i32 to vector<16xi32>
        %gather3A_145 = tpu.vector_load_idx %arg12[%broadcast_in_dim3A_144] : memref<1024xf32, #tpu.memory_space<vmem>>[vector<16xi32>], vector<16xf32>,
        %sub3A_146 = arith.subf %gather3A_145, %get3A_55 : vector<16xf32>
        %abs3A_147 = math.absf %sub3A_146 : vector<16xf32>
        %lt3A_148 = arith.constant 2.000000e+00 : f32
        %lt3A_149 = vector.broadcast %lt3A_148 : f32 to vector<16xf32>
        %lt3A_150 = arith.cmpf olt, %abs3A_147, %lt3A_149 : vector<16xf32>
        %lt3A_151 = arith.constant 128 : i32
        %lt3A_152 = vector.broadcast %lt3A_151 : i32 to vector<16xi32>
        %lt3A_153 = arith.cmpi slt, %add3A_141, %lt3A_152 : vector<16xi32>
        %and3A_154 = arith.andi %lt3A_150, %lt3A_153 : vector<16xi1>
        %add3A_155 = arith.addi %mul3A_44, %add3A_141 : vector<16xi32>
        tpu.vector_store_idx %arg16[%add3A_155], %broadcast_in_dim3A_144 masked %and3A_154 : memref<2048xi32, #tpu.memory_space<vmem>>[vector<16xi32>], vector<16xi32>, vector<16xi1>
        %jit3A_156 = arith.constant 1 : i32
        %jit3A_157 = arith.constant 0 : i32
        %broadcast_in_dim3A_158 = vector.broadcast %jit3A_156 : i32 to vector<16xi32>
        %broadcast_in_dim3A_159 = vector.broadcast %jit3A_157 : i32 to vector<16xi32>
        %select_n3A_160 = arith.select %and3A_154, %broadcast_in_dim3A_158, %broadcast_in_dim3A_159 : vector<16xi1>, vector<16xi32>
        %add3A_161 = arith.addi %add3A_141, %select_n3A_160 : vector<16xi32>
        %scan3A_162 = arith.constant 3 : i32
        %scan3A_163 = arith.addi %scan3A_103, %scan3A_162 : i32
        %broadcast_in_dim3A_164 = vector.broadcast %scan3A_163 : i32 to vector<16xi32>
        %gather3A_165 = tpu.vector_load_idx %arg12[%broadcast_in_dim3A_164] : memref<1024xf32, #tpu.memory_space<vmem>>[vector<16xi32>], vector<16xf32>,
        %sub3A_166 = arith.subf %gather3A_165, %get3A_55 : vector<16xf32>
        %abs3A_167 = math.absf %sub3A_166 : vector<16xf32>
        %lt3A_168 = arith.constant 2.000000e+00 : f32
        %lt3A_169 = vector.broadcast %lt3A_168 : f32 to vector<16xf32>
        %lt3A_170 = arith.cmpf olt, %abs3A_167, %lt3A_169 : vector<16xf32>
        %lt3A_171 = arith.constant 128 : i32
        %lt3A_172 = vector.broadcast %lt3A_171 : i32 to vector<16xi32>
        %lt3A_173 = arith.cmpi slt, %add3A_161, %lt3A_172 : vector<16xi32>
        %and3A_174 = arith.andi %lt3A_170, %lt3A_173 : vector<16xi1>
        %add3A_175 = arith.addi %mul3A_44, %add3A_161 : vector<16xi32>
        tpu.vector_store_idx %arg16[%add3A_175], %broadcast_in_dim3A_164 masked %and3A_174 : memref<2048xi32, #tpu.memory_space<vmem>>[vector<16xi32>], vector<16xi32>, vector<16xi1>
        %jit3A_176 = arith.constant 1 : i32
        %jit3A_177 = arith.constant 0 : i32
        %broadcast_in_dim3A_178 = vector.broadcast %jit3A_176 : i32 to vector<16xi32>
        %broadcast_in_dim3A_179 = vector.broadcast %jit3A_177 : i32 to vector<16xi32>
        %select_n3A_180 = arith.select %and3A_174, %broadcast_in_dim3A_178, %broadcast_in_dim3A_179 : vector<16xi1>, vector<16xi32>
        %add3A_181 = arith.addi %add3A_161, %select_n3A_180 : vector<16xi32>
        scf.yield %add3A_181 : vector<16xi32>
      }
      %scan3A_70 = arith.constant 1024 : i32
      %gt3A = arith.constant 0 : i32
      %gt3A_71 = vector.broadcast %gt3A : i32 to vector<16xi32>
      %gt3A_72 = arith.cmpi sgt, %scan3A_69, %gt3A_71 : vector<16xi32>
      %jit3A_73 = arith.constant 1.000000e+00 : f32
      %jit3A_74 = arith.constant 0.000000e+00 : f32
      %broadcast_in_dim3A_75 = vector.broadcast %jit3A_73 : f32 to vector<16xf32>
      %broadcast_in_dim3A_76 = vector.broadcast %jit3A_74 : f32 to vector<16xf32>
      %select_n3A_77 = arith.select %gt3A_72, %broadcast_in_dim3A_75, %broadcast_in_dim3A_76 : vector<16xi1>, vector<16xf32>
      %swap3A = arith.constant 0 : index
      %swap3A_78 = tpu.vector_load %arg18[%swap3A] {strides = array<i32>} : memref<16xf32, #tpu.memory_space<vmem>>, vector<16xf32>,
      tpu.vector_store %arg18[%swap3A], %select_n3A_77 {strides = array<i32>} : memref<16xf32, #tpu.memory_space<vmem>>, vector<16xf32>,
      %mul3A_79 = arith.constant 16 : i32
      %mul3A_80 = arith.muli %scan3A_51, %mul3A_79 : i32
      %add3A_81 = arith.addi %add3A_35, %mul3A_80 : i32
      "tpu.region"() ({
        %run_scoped3A = tpu.sem_alloc : memref<!tpu.dma_semaphore, #tpu.memory_space<semaphore_mem>>
        %dma_start3A = tpu.memref_slice %arg9[%add3A_81] : memref<2048xf32, #tpu.memory_space<hbm>> -> memref<16xf32, #tpu.memory_space<hbm>>
        %dma_start3A_103 = tpu.memref_slice %arg9[%add3A_81] : memref<2048xf32, #tpu.memory_space<hbm>> -> memref<16xf32, #tpu.memory_space<hbm>>
        tpu.enqueue_dma source(%arg18 : memref<16xf32, #tpu.memory_space<vmem>>) target(%dma_start3A_103 : memref<16xf32, #tpu.memory_space<hbm>>) target_semaphore(%run_scoped3A : memref<!tpu.dma_semaphore, #tpu.memory_space<semaphore_mem>>)
        %dma_wait3A = tpu.memref_slice %arg9[%add3A_81] : memref<2048xf32, #tpu.memory_space<hbm>> -> memref<16xf32, #tpu.memory_space<hbm>>
        %dma_wait3A_104 = tpu.memref_slice %arg9[%add3A_81] : memref<2048xf32, #tpu.memory_space<hbm>> -> memref<16xf32, #tpu.memory_space<hbm>>
        tpu.wait_dma2 semaphore(%run_scoped3A : memref<!tpu.dma_semaphore, #tpu.memory_space<semaphore_mem>>) src(%arg18 : memref<16xf32, #tpu.memory_space<vmem>>) dst(%dma_wait3A_104 : memref<16xf32, #tpu.memory_space<hbm>>)
        tpu.yield
      }) : () -> ()
      %gather3A = tpu.vector_load_idx %arg16[%mul3A_44] : memref<2048xi32, #tpu.memory_space<vmem>>[vector<16xi32>], vector<16xi32>,
      %gt3A_82 = arith.constant 0 : i32
      %gt3A_83 = vector.broadcast %gt3A_82 : i32 to vector<16xi32>
      %gt3A_84 = arith.cmpi sgt, %scan3A_69, %gt3A_83 : vector<16xi32>
      %jit3A_85 = arith.constant 0 : i32
      %broadcast_in_dim3A_86 = vector.broadcast %jit3A_85 : i32 to vector<16xi32>
      %select_n3A_87 = arith.select %gt3A_84, %gather3A, %broadcast_in_dim3A_86 : vector<16xi1>, vector<16xi32>
      %scan3A_88 = arith.constant 0 : i32
      %scan3A_89 = arith.constant 0 : i32
      %scan3A_90 = arith.constant 128 : i32
      %scan3A_91 = arith.addi %scan3A_89, %scan3A_90 : i32
      %scan3A_92 = arith.constant 1 : i32
      %scan3A_93 = scf.for %scan3A_103 = %scan3A_89 to %scan3A_91 step %scan3A_92 iter_args(%scan3A_104 = %scan3A_88) -> (i32)  : i32 {
        %broadcast_in_dim3A_105 = vector.broadcast %scan3A_103 : i32 to vector<16xi32>
        %add3A_106 = arith.addi %mul3A_44, %broadcast_in_dim3A_105 : vector<16xi32>
        %gather3A_107 = tpu.vector_load_idx %arg16[%add3A_106] : memref<2048xi32, #tpu.memory_space<vmem>>[vector<16xi32>], vector<16xi32>,
        %lt3A_108 = arith.cmpi slt, %broadcast_in_dim3A_105, %scan3A_69 : vector<16xi32>
        %select_n3A_109 = arith.select %lt3A_108, %gather3A_107, %select_n3A_87 : vector<16xi1>, vector<16xi32>
        %gather3A_110 = tpu.vector_load_idx %arg10[%select_n3A_109] : memref<1024xf32, #tpu.memory_space<vmem>>[vector<16xi32>], vector<16xf32>,
        %sub3A_111 = arith.subf %gather3A_110, %get3A_59 : vector<16xf32>
        %gather3A_112 = tpu.vector_load_idx %arg11[%select_n3A_109] : memref<1024xf32, #tpu.memory_space<vmem>>[vector<16xi32>], vector<16xf32>,
        %sub3A_113 = arith.subf %gather3A_112, %get3A_63 : vector<16xf32>
        %gather3A_114 = tpu.vector_load_idx %arg12[%select_n3A_109] : memref<1024xf32, #tpu.memory_space<vmem>>[vector<16xi32>], vector<16xf32>,
        %sub3A_115 = arith.subf %gather3A_114, %get3A_55 : vector<16xf32>
        %add3A_116 = arith.addi %mul3A_44, %broadcast_in_dim3A_105 : vector<16xi32>
        %mul3A_117 = arith.constant 3 : i32
        %mul3A_118 = vector.broadcast %mul3A_117 : i32 to vector<16xi32>
        %mul3A_119 = arith.muli %add3A_116, %mul3A_118 : vector<16xi32>
        tpu.vector_store_idx %arg17[%mul3A_119], %sub3A_111 : memref<6144xf32, #tpu.memory_space<vmem>>[vector<16xi32>], vector<16xf32>,
        %add3A_120 = arith.constant 1 : i32
        %add3A_121 = vector.broadcast %add3A_120 : i32 to vector<16xi32>
        %add3A_122 = arith.addi %mul3A_119, %add3A_121 : vector<16xi32>
        tpu.vector_store_idx %arg17[%add3A_122], %sub3A_113 : memref<6144xf32, #tpu.memory_space<vmem>>[vector<16xi32>], vector<16xf32>,
        %add3A_123 = arith.constant 2 : i32
        %add3A_124 = vector.broadcast %add3A_123 : i32 to vector<16xi32>
        %add3A_125 = arith.addi %mul3A_119, %add3A_124 : vector<16xi32>
        tpu.vector_store_idx %arg17[%add3A_125], %sub3A_115 : memref<6144xf32, #tpu.memory_space<vmem>>[vector<16xi32>], vector<16xf32>,
        %scan3A_126 = arith.constant 0 : i32
        scf.yield %scan3A_126 : i32
      }
      %scan3A_94 = arith.constant 128 : i32
      %mul3A_95 = arith.constant 16 : i32
      %mul3A_96 = arith.muli %scan3A_51, %mul3A_95 : i32
      %add3A_97 = arith.addi %add3A_35, %mul3A_96 : i32
      %mul3A_98 = arith.constant 128 : i32
      %mul3A_99 = arith.muli %add3A_97, %mul3A_98 : i32
      %mul3A_100 = arith.constant 3 : i32
      %mul3A_101 = arith.muli %mul3A_99, %mul3A_100 : i32
      "tpu.region"() ({
        %run_scoped3A = tpu.sem_alloc : memref<!tpu.dma_semaphore, #tpu.memory_space<semaphore_mem>>
        %dma_start3A = tpu.memref_slice %arg8[%mul3A_101] : memref<786432xf32, #tpu.memory_space<hbm>> -> memref<6144xf32, #tpu.memory_space<hbm>>
        %dma_start3A_103 = tpu.memref_slice %arg8[%mul3A_101] : memref<786432xf32, #tpu.memory_space<hbm>> -> memref<6144xf32, #tpu.memory_space<hbm>>
        tpu.enqueue_dma source(%arg17 : memref<6144xf32, #tpu.memory_space<vmem>>) target(%dma_start3A_103 : memref<6144xf32, #tpu.memory_space<hbm>>) target_semaphore(%run_scoped3A : memref<!tpu.dma_semaphore, #tpu.memory_space<semaphore_mem>>)
        %dma_wait3A = tpu.memref_slice %arg8[%mul3A_101] : memref<786432xf32, #tpu.memory_space<hbm>> -> memref<6144xf32, #tpu.memory_space<hbm>>
        %dma_wait3A_104 = tpu.memref_slice %arg8[%mul3A_101] : memref<786432xf32, #tpu.memory_space<hbm>> -> memref<6144xf32, #tpu.memory_space<hbm>>
        tpu.wait_dma2 semaphore(%run_scoped3A : memref<!tpu.dma_semaphore, #tpu.memory_space<semaphore_mem>>) src(%arg17 : memref<6144xf32, #tpu.memory_space<vmem>>) dst(%dma_wait3A_104 : memref<6144xf32, #tpu.memory_space<hbm>>)
        tpu.yield
      }) : () -> ()
      %scan3A_102 = arith.constant 0 : i32
      scf.yield %scan3A_102 : i32
    }
    %scan3A_50 = arith.constant 4 : i32
    return
  }
}

#map = affine_map<(d0, d1) -> (0)>
module attributes {stable_mosaic.version = 14 : i64} {
  func.func @sck(%arg0: i32, %arg1: i32, %arg2: memref<16384xf32, #tpu.memory_space<hbm>>, %arg3: memref<16384xf32, #tpu.memory_space<hbm>>, %arg4: memref<16384xf32, #tpu.memory_space<hbm>>, %arg5: memref<4096xf32, #tpu.memory_space<hbm>>, %arg6: memref<4096xf32, #tpu.memory_space<hbm>>, %arg7: memref<4096xf32, #tpu.memory_space<hbm>>, %arg8: memref<786432xf32, #tpu.memory_space<hbm>>, %arg9: memref<4096xf32, #tpu.memory_space<hbm>>, %arg10: memref<1024xf32, #tpu.memory_space<vmem>>, %arg11: memref<1024xf32, #tpu.memory_space<vmem>>, %arg12: memref<1024xf32, #tpu.memory_space<vmem>>, %arg13: memref<128xf32, #tpu.memory_space<vmem>>, %arg14: memref<128xf32, #tpu.memory_space<vmem>>, %arg15: memref<128xf32, #tpu.memory_space<vmem>>, %arg16: memref<1024xi32, #tpu.memory_space<vmem>>, %arg17: memref<3072xf32, #tpu.memory_space<vmem>>, %arg18: memref<16xf32, #tpu.memory_space<vmem>>) attributes {dimension_semantics = [#tpu.dimension_semantics<core_parallel>, #tpu.dimension_semantics<subcore_parallel>], iteration_bounds = array<i64: 2, 16>, scalar_prefetch = 0 : i64, scratch_operands = 9 : i64, tpu.core_type = #tpu.core_type<sc_vector_subcore>, window_params = [{transform_indices = #map}, {transform_indices = #map}, {transform_indices = #map}, {transform_indices = #map}, {transform_indices = #map}, {transform_indices = #map}, {transform_indices = #map}, {transform_indices = #map}]} {
    %mul3A = arith.constant 2 : i32
    %mul3A_0 = arith.muli %arg1, %mul3A : i32
    %add3A = arith.addi %mul3A_0, %arg0 : i32
    %jit3A = arith.constant 2 : i32
    %div3A = arith.divsi %add3A, %jit3A : i32
    %sign3A = arith.constant 0 : i32
    %sign3A_1 = arith.cmpi sgt, %add3A, %sign3A : i32
    %sign3A_2 = arith.extui %sign3A_1 : i1 to i32
    %sign3A_3 = arith.constant 0 : i32
    %sign3A_4 = arith.cmpi slt, %add3A, %sign3A_3 : i32
    %sign3A_5 = arith.extui %sign3A_4 : i1 to i32
    %sign3A_6 = arith.subi %sign3A_2, %sign3A_5 : i32
    %sign3A_7 = arith.constant 0 : i32
    %sign3A_8 = arith.cmpi sgt, %jit3A, %sign3A_7 : i32
    %sign3A_9 = arith.extui %sign3A_8 : i1 to i32
    %sign3A_10 = arith.constant 0 : i32
    %sign3A_11 = arith.cmpi slt, %jit3A, %sign3A_10 : i32
    %sign3A_12 = arith.extui %sign3A_11 : i1 to i32
    %sign3A_13 = arith.subi %sign3A_9, %sign3A_12 : i32
    %ne3A = arith.cmpi ne, %sign3A_6, %sign3A_13 : i32
    %rem3A = arith.remsi %add3A, %jit3A : i32
    %ne3A_14 = arith.constant 0 : i32
    %ne3A_15 = arith.cmpi ne, %rem3A, %ne3A_14 : i32
    %and3A = arith.andi %ne3A, %ne3A_15 : i1
    %sub3A = arith.constant 1 : i32
    %sub3A_16 = arith.subi %div3A, %sub3A : i32
    %select_n3A = arith.select %and3A, %sub3A_16, %div3A : i32
    %mul3A_17 = arith.constant 256 : i32
    %mul3A_18 = arith.muli %select_n3A, %mul3A_17 : i32
    %jit3A_19 = arith.constant 2 : i32
    %eq3A = arith.constant 0 : i32
    %eq3A_20 = arith.cmpi eq, %jit3A_19, %eq3A : i32
    %jit3A_21 = arith.constant 1 : i32
    %select_n3A_22 = arith.select %eq3A_20, %jit3A_21, %jit3A_19 : i32
    %rem3A_23 = arith.remsi %add3A, %select_n3A_22 : i32
    %ne3A_24 = arith.constant 0 : i32
    %ne3A_25 = arith.cmpi ne, %rem3A_23, %ne3A_24 : i32
    %lt3A = arith.constant 0 : i32
    %lt3A_26 = arith.cmpi slt, %rem3A_23, %lt3A : i32
    %lt3A_27 = arith.constant 0 : i32
    %lt3A_28 = arith.cmpi slt, %select_n3A_22, %lt3A_27 : i32
    %ne3A_29 = arith.xori %lt3A_26, %lt3A_28 : i1
    %and3A_30 = arith.andi %ne3A_29, %ne3A_25 : i1
    %add3A_31 = arith.addi %rem3A_23, %select_n3A_22 : i32
    %select_n3A_32 = arith.select %and3A_30, %add3A_31, %rem3A_23 : i32
    %mul3A_33 = arith.constant 128 : i32
    %mul3A_34 = arith.muli %select_n3A_32, %mul3A_33 : i32
    %add3A_35 = arith.addi %mul3A_18, %mul3A_34 : i32
    %mul3A_36 = arith.constant 1024 : i32
    %mul3A_37 = arith.muli %select_n3A, %mul3A_36 : i32
    "tpu.region"() ({
      %run_scoped3A = tpu.sem_alloc : memref<!tpu.dma_semaphore, #tpu.memory_space<semaphore_mem>>
      %dma_start3A = tpu.memref_slice %arg2[%mul3A_37] : memref<16384xf32, #tpu.memory_space<hbm>> -> memref<1024xf32, #tpu.memory_space<hbm>>
      %dma_start3A_51 = tpu.memref_slice %arg2[%mul3A_37] : memref<16384xf32, #tpu.memory_space<hbm>> -> memref<1024xf32, #tpu.memory_space<hbm>>
      tpu.enqueue_dma source(%dma_start3A_51 : memref<1024xf32, #tpu.memory_space<hbm>>) target(%arg10 : memref<1024xf32, #tpu.memory_space<vmem>>) target_semaphore(%run_scoped3A : memref<!tpu.dma_semaphore, #tpu.memory_space<semaphore_mem>>)
      %dma_wait3A = tpu.memref_slice %arg2[%mul3A_37] : memref<16384xf32, #tpu.memory_space<hbm>> -> memref<1024xf32, #tpu.memory_space<hbm>>
      %dma_wait3A_52 = tpu.memref_slice %arg2[%mul3A_37] : memref<16384xf32, #tpu.memory_space<hbm>> -> memref<1024xf32, #tpu.memory_space<hbm>>
      tpu.wait_dma2 semaphore(%run_scoped3A : memref<!tpu.dma_semaphore, #tpu.memory_space<semaphore_mem>>) src(%dma_wait3A_52 : memref<1024xf32, #tpu.memory_space<hbm>>) dst(%arg10 : memref<1024xf32, #tpu.memory_space<vmem>>)
      tpu.yield
    }) : () -> ()
    %mul3A_38 = arith.constant 1024 : i32
    %mul3A_39 = arith.muli %select_n3A, %mul3A_38 : i32
    "tpu.region"() ({
      %run_scoped3A = tpu.sem_alloc : memref<!tpu.dma_semaphore, #tpu.memory_space<semaphore_mem>>
      %dma_start3A = tpu.memref_slice %arg3[%mul3A_39] : memref<16384xf32, #tpu.memory_space<hbm>> -> memref<1024xf32, #tpu.memory_space<hbm>>
      %dma_start3A_51 = tpu.memref_slice %arg3[%mul3A_39] : memref<16384xf32, #tpu.memory_space<hbm>> -> memref<1024xf32, #tpu.memory_space<hbm>>
      tpu.enqueue_dma source(%dma_start3A_51 : memref<1024xf32, #tpu.memory_space<hbm>>) target(%arg11 : memref<1024xf32, #tpu.memory_space<vmem>>) target_semaphore(%run_scoped3A : memref<!tpu.dma_semaphore, #tpu.memory_space<semaphore_mem>>)
      %dma_wait3A = tpu.memref_slice %arg3[%mul3A_39] : memref<16384xf32, #tpu.memory_space<hbm>> -> memref<1024xf32, #tpu.memory_space<hbm>>
      %dma_wait3A_52 = tpu.memref_slice %arg3[%mul3A_39] : memref<16384xf32, #tpu.memory_space<hbm>> -> memref<1024xf32, #tpu.memory_space<hbm>>
      tpu.wait_dma2 semaphore(%run_scoped3A : memref<!tpu.dma_semaphore, #tpu.memory_space<semaphore_mem>>) src(%dma_wait3A_52 : memref<1024xf32, #tpu.memory_space<hbm>>) dst(%arg11 : memref<1024xf32, #tpu.memory_space<vmem>>)
      tpu.yield
    }) : () -> ()
    %mul3A_40 = arith.constant 1024 : i32
    %mul3A_41 = arith.muli %select_n3A, %mul3A_40 : i32
    "tpu.region"() ({
      %run_scoped3A = tpu.sem_alloc : memref<!tpu.dma_semaphore, #tpu.memory_space<semaphore_mem>>
      %dma_start3A = tpu.memref_slice %arg4[%mul3A_41] : memref<16384xf32, #tpu.memory_space<hbm>> -> memref<1024xf32, #tpu.memory_space<hbm>>
      %dma_start3A_51 = tpu.memref_slice %arg4[%mul3A_41] : memref<16384xf32, #tpu.memory_space<hbm>> -> memref<1024xf32, #tpu.memory_space<hbm>>
      tpu.enqueue_dma source(%dma_start3A_51 : memref<1024xf32, #tpu.memory_space<hbm>>) target(%arg12 : memref<1024xf32, #tpu.memory_space<vmem>>) target_semaphore(%run_scoped3A : memref<!tpu.dma_semaphore, #tpu.memory_space<semaphore_mem>>)
      %dma_wait3A = tpu.memref_slice %arg4[%mul3A_41] : memref<16384xf32, #tpu.memory_space<hbm>> -> memref<1024xf32, #tpu.memory_space<hbm>>
      %dma_wait3A_52 = tpu.memref_slice %arg4[%mul3A_41] : memref<16384xf32, #tpu.memory_space<hbm>> -> memref<1024xf32, #tpu.memory_space<hbm>>
      tpu.wait_dma2 semaphore(%run_scoped3A : memref<!tpu.dma_semaphore, #tpu.memory_space<semaphore_mem>>) src(%dma_wait3A_52 : memref<1024xf32, #tpu.memory_space<hbm>>) dst(%arg12 : memref<1024xf32, #tpu.memory_space<vmem>>)
      tpu.yield
    }) : () -> ()
    "tpu.region"() ({
      %run_scoped3A = tpu.sem_alloc : memref<!tpu.dma_semaphore, #tpu.memory_space<semaphore_mem>>
      %dma_start3A = tpu.memref_slice %arg5[%add3A_35] : memref<4096xf32, #tpu.memory_space<hbm>> -> memref<128xf32, #tpu.memory_space<hbm>>
      %dma_start3A_51 = tpu.memref_slice %arg5[%add3A_35] : memref<4096xf32, #tpu.memory_space<hbm>> -> memref<128xf32, #tpu.memory_space<hbm>>
      tpu.enqueue_dma source(%dma_start3A_51 : memref<128xf32, #tpu.memory_space<hbm>>) target(%arg13 : memref<128xf32, #tpu.memory_space<vmem>>) target_semaphore(%run_scoped3A : memref<!tpu.dma_semaphore, #tpu.memory_space<semaphore_mem>>)
      %dma_wait3A = tpu.memref_slice %arg5[%add3A_35] : memref<4096xf32, #tpu.memory_space<hbm>> -> memref<128xf32, #tpu.memory_space<hbm>>
      %dma_wait3A_52 = tpu.memref_slice %arg5[%add3A_35] : memref<4096xf32, #tpu.memory_space<hbm>> -> memref<128xf32, #tpu.memory_space<hbm>>
      tpu.wait_dma2 semaphore(%run_scoped3A : memref<!tpu.dma_semaphore, #tpu.memory_space<semaphore_mem>>) src(%dma_wait3A_52 : memref<128xf32, #tpu.memory_space<hbm>>) dst(%arg13 : memref<128xf32, #tpu.memory_space<vmem>>)
      tpu.yield
    }) : () -> ()
    "tpu.region"() ({
      %run_scoped3A = tpu.sem_alloc : memref<!tpu.dma_semaphore, #tpu.memory_space<semaphore_mem>>
      %dma_start3A = tpu.memref_slice %arg6[%add3A_35] : memref<4096xf32, #tpu.memory_space<hbm>> -> memref<128xf32, #tpu.memory_space<hbm>>
      %dma_start3A_51 = tpu.memref_slice %arg6[%add3A_35] : memref<4096xf32, #tpu.memory_space<hbm>> -> memref<128xf32, #tpu.memory_space<hbm>>
      tpu.enqueue_dma source(%dma_start3A_51 : memref<128xf32, #tpu.memory_space<hbm>>) target(%arg14 : memref<128xf32, #tpu.memory_space<vmem>>) target_semaphore(%run_scoped3A : memref<!tpu.dma_semaphore, #tpu.memory_space<semaphore_mem>>)
      %dma_wait3A = tpu.memref_slice %arg6[%add3A_35] : memref<4096xf32, #tpu.memory_space<hbm>> -> memref<128xf32, #tpu.memory_space<hbm>>
      %dma_wait3A_52 = tpu.memref_slice %arg6[%add3A_35] : memref<4096xf32, #tpu.memory_space<hbm>> -> memref<128xf32, #tpu.memory_space<hbm>>
      tpu.wait_dma2 semaphore(%run_scoped3A : memref<!tpu.dma_semaphore, #tpu.memory_space<semaphore_mem>>) src(%dma_wait3A_52 : memref<128xf32, #tpu.memory_space<hbm>>) dst(%arg14 : memref<128xf32, #tpu.memory_space<vmem>>)
      tpu.yield
    }) : () -> ()
    "tpu.region"() ({
      %run_scoped3A = tpu.sem_alloc : memref<!tpu.dma_semaphore, #tpu.memory_space<semaphore_mem>>
      %dma_start3A = tpu.memref_slice %arg7[%add3A_35] : memref<4096xf32, #tpu.memory_space<hbm>> -> memref<128xf32, #tpu.memory_space<hbm>>
      %dma_start3A_51 = tpu.memref_slice %arg7[%add3A_35] : memref<4096xf32, #tpu.memory_space<hbm>> -> memref<128xf32, #tpu.memory_space<hbm>>
      tpu.enqueue_dma source(%dma_start3A_51 : memref<128xf32, #tpu.memory_space<hbm>>) target(%arg15 : memref<128xf32, #tpu.memory_space<vmem>>) target_semaphore(%run_scoped3A : memref<!tpu.dma_semaphore, #tpu.memory_space<semaphore_mem>>)
      %dma_wait3A = tpu.memref_slice %arg7[%add3A_35] : memref<4096xf32, #tpu.memory_space<hbm>> -> memref<128xf32, #tpu.memory_space<hbm>>
      %dma_wait3A_52 = tpu.memref_slice %arg7[%add3A_35] : memref<4096xf32, #tpu.memory_space<hbm>> -> memref<128xf32, #tpu.memory_space<hbm>>
      tpu.wait_dma2 semaphore(%run_scoped3A : memref<!tpu.dma_semaphore, #tpu.memory_space<semaphore_mem>>) src(%dma_wait3A_52 : memref<128xf32, #tpu.memory_space<hbm>>) dst(%arg15 : memref<128xf32, #tpu.memory_space<vmem>>)
      tpu.yield
    }) : () -> ()
    %iota3A = tpu.iota {dimensions = array<i32: 0>} : vector<16xi32>
    %mul3A_42 = arith.constant 64 : i32
    %mul3A_43 = vector.broadcast %mul3A_42 : i32 to vector<16xi32>
    %mul3A_44 = arith.muli %iota3A, %mul3A_43 : vector<16xi32>
    %scan3A = arith.constant 0 : i32
    %scan3A_45 = arith.constant 0 : i32
    %scan3A_46 = arith.constant 8 : i32
    %scan3A_47 = arith.addi %scan3A_45, %scan3A_46 : i32
    %scan3A_48 = arith.constant 1 : i32
    %scan3A_49 = scf.for %scan3A_51 = %scan3A_45 to %scan3A_47 step %scan3A_48 iter_args(%scan3A_52 = %scan3A) -> (i32)  : i32 {
      %mul3A_53 = arith.constant 16 : i32
      %mul3A_54 = arith.muli %scan3A_51, %mul3A_53 : i32
      %get3A = arith.index_cast %mul3A_54 : i32 to index
      %get3A_55 = tpu.vector_load %arg15[%get3A] {strides = array<i32>} : memref<128xf32, #tpu.memory_space<vmem>>, vector<16xf32>,
      %mul3A_56 = arith.constant 16 : i32
      %mul3A_57 = arith.muli %scan3A_51, %mul3A_56 : i32
      %get3A_58 = arith.index_cast %mul3A_57 : i32 to index
      %get3A_59 = tpu.vector_load %arg13[%get3A_58] {strides = array<i32>} : memref<128xf32, #tpu.memory_space<vmem>>, vector<16xf32>,
      %mul3A_60 = arith.constant 16 : i32
      %mul3A_61 = arith.muli %scan3A_51, %mul3A_60 : i32
      %get3A_62 = arith.index_cast %mul3A_61 : i32 to index
      %get3A_63 = tpu.vector_load %arg14[%get3A_62] {strides = array<i32>} : memref<128xf32, #tpu.memory_space<vmem>>, vector<16xf32>,
      %broadcast_in_dim3A = arith.constant 0 : i32
      %broadcast_in_dim3A_64 = vector.broadcast %broadcast_in_dim3A : i32 to vector<16xi32>
      %scan3A_65 = arith.constant 0 : i32
      %scan3A_66 = arith.constant 1024 : i32
      %scan3A_67 = arith.addi %scan3A_65, %scan3A_66 : i32
      %scan3A_68 = arith.constant 4 : i32
      %scan3A_69 = scf.for %scan3A_103 = %scan3A_65 to %scan3A_67 step %scan3A_68 iter_args(%scan3A_104 = %broadcast_in_dim3A_64) -> (vector<16xi32>)  : i32 {
        %broadcast_in_dim3A_105 = vector.broadcast %scan3A_103 : i32 to vector<16xi32>
        %gather3A_106 = tpu.vector_load_idx %arg12[%broadcast_in_dim3A_105] : memref<1024xf32, #tpu.memory_space<vmem>>[vector<16xi32>], vector<16xf32>,
        %sub3A_107 = arith.subf %gather3A_106, %get3A_55 : vector<16xf32>
        %abs3A = math.absf %sub3A_107 : vector<16xf32>
        %lt3A_108 = arith.constant 1.000000e+00 : f32
        %lt3A_109 = vector.broadcast %lt3A_108 : f32 to vector<16xf32>
        %lt3A_110 = arith.cmpf olt, %abs3A, %lt3A_109 : vector<16xf32>
        %lt3A_111 = arith.constant 64 : i32
        %lt3A_112 = vector.broadcast %lt3A_111 : i32 to vector<16xi32>
        %lt3A_113 = arith.cmpi slt, %scan3A_104, %lt3A_112 : vector<16xi32>
        %and3A_114 = arith.andi %lt3A_110, %lt3A_113 : vector<16xi1>
        %add3A_115 = arith.addi %mul3A_44, %scan3A_104 : vector<16xi32>
        tpu.vector_store_idx %arg16[%add3A_115], %broadcast_in_dim3A_105 masked %and3A_114 : memref<1024xi32, #tpu.memory_space<vmem>>[vector<16xi32>], vector<16xi32>, vector<16xi1>
        %jit3A_116 = arith.constant 1 : i32
        %jit3A_117 = arith.constant 0 : i32
        %broadcast_in_dim3A_118 = vector.broadcast %jit3A_116 : i32 to vector<16xi32>
        %broadcast_in_dim3A_119 = vector.broadcast %jit3A_117 : i32 to vector<16xi32>
        %select_n3A_120 = arith.select %and3A_114, %broadcast_in_dim3A_118, %broadcast_in_dim3A_119 : vector<16xi1>, vector<16xi32>
        %add3A_121 = arith.addi %scan3A_104, %select_n3A_120 : vector<16xi32>
        %scan3A_122 = arith.constant 1 : i32
        %scan3A_123 = arith.addi %scan3A_103, %scan3A_122 : i32
        %broadcast_in_dim3A_124 = vector.broadcast %scan3A_123 : i32 to vector<16xi32>
        %gather3A_125 = tpu.vector_load_idx %arg12[%broadcast_in_dim3A_124] : memref<1024xf32, #tpu.memory_space<vmem>>[vector<16xi32>], vector<16xf32>,
        %sub3A_126 = arith.subf %gather3A_125, %get3A_55 : vector<16xf32>
        %abs3A_127 = math.absf %sub3A_126 : vector<16xf32>
        %lt3A_128 = arith.constant 1.000000e+00 : f32
        %lt3A_129 = vector.broadcast %lt3A_128 : f32 to vector<16xf32>
        %lt3A_130 = arith.cmpf olt, %abs3A_127, %lt3A_129 : vector<16xf32>
        %lt3A_131 = arith.constant 64 : i32
        %lt3A_132 = vector.broadcast %lt3A_131 : i32 to vector<16xi32>
        %lt3A_133 = arith.cmpi slt, %add3A_121, %lt3A_132 : vector<16xi32>
        %and3A_134 = arith.andi %lt3A_130, %lt3A_133 : vector<16xi1>
        %add3A_135 = arith.addi %mul3A_44, %add3A_121 : vector<16xi32>
        tpu.vector_store_idx %arg16[%add3A_135], %broadcast_in_dim3A_124 masked %and3A_134 : memref<1024xi32, #tpu.memory_space<vmem>>[vector<16xi32>], vector<16xi32>, vector<16xi1>
        %jit3A_136 = arith.constant 1 : i32
        %jit3A_137 = arith.constant 0 : i32
        %broadcast_in_dim3A_138 = vector.broadcast %jit3A_136 : i32 to vector<16xi32>
        %broadcast_in_dim3A_139 = vector.broadcast %jit3A_137 : i32 to vector<16xi32>
        %select_n3A_140 = arith.select %and3A_134, %broadcast_in_dim3A_138, %broadcast_in_dim3A_139 : vector<16xi1>, vector<16xi32>
        %add3A_141 = arith.addi %add3A_121, %select_n3A_140 : vector<16xi32>
        %scan3A_142 = arith.constant 2 : i32
        %scan3A_143 = arith.addi %scan3A_103, %scan3A_142 : i32
        %broadcast_in_dim3A_144 = vector.broadcast %scan3A_143 : i32 to vector<16xi32>
        %gather3A_145 = tpu.vector_load_idx %arg12[%broadcast_in_dim3A_144] : memref<1024xf32, #tpu.memory_space<vmem>>[vector<16xi32>], vector<16xf32>,
        %sub3A_146 = arith.subf %gather3A_145, %get3A_55 : vector<16xf32>
        %abs3A_147 = math.absf %sub3A_146 : vector<16xf32>
        %lt3A_148 = arith.constant 1.000000e+00 : f32
        %lt3A_149 = vector.broadcast %lt3A_148 : f32 to vector<16xf32>
        %lt3A_150 = arith.cmpf olt, %abs3A_147, %lt3A_149 : vector<16xf32>
        %lt3A_151 = arith.constant 64 : i32
        %lt3A_152 = vector.broadcast %lt3A_151 : i32 to vector<16xi32>
        %lt3A_153 = arith.cmpi slt, %add3A_141, %lt3A_152 : vector<16xi32>
        %and3A_154 = arith.andi %lt3A_150, %lt3A_153 : vector<16xi1>
        %add3A_155 = arith.addi %mul3A_44, %add3A_141 : vector<16xi32>
        tpu.vector_store_idx %arg16[%add3A_155], %broadcast_in_dim3A_144 masked %and3A_154 : memref<1024xi32, #tpu.memory_space<vmem>>[vector<16xi32>], vector<16xi32>, vector<16xi1>
        %jit3A_156 = arith.constant 1 : i32
        %jit3A_157 = arith.constant 0 : i32
        %broadcast_in_dim3A_158 = vector.broadcast %jit3A_156 : i32 to vector<16xi32>
        %broadcast_in_dim3A_159 = vector.broadcast %jit3A_157 : i32 to vector<16xi32>
        %select_n3A_160 = arith.select %and3A_154, %broadcast_in_dim3A_158, %broadcast_in_dim3A_159 : vector<16xi1>, vector<16xi32>
        %add3A_161 = arith.addi %add3A_141, %select_n3A_160 : vector<16xi32>
        %scan3A_162 = arith.constant 3 : i32
        %scan3A_163 = arith.addi %scan3A_103, %scan3A_162 : i32
        %broadcast_in_dim3A_164 = vector.broadcast %scan3A_163 : i32 to vector<16xi32>
        %gather3A_165 = tpu.vector_load_idx %arg12[%broadcast_in_dim3A_164] : memref<1024xf32, #tpu.memory_space<vmem>>[vector<16xi32>], vector<16xf32>,
        %sub3A_166 = arith.subf %gather3A_165, %get3A_55 : vector<16xf32>
        %abs3A_167 = math.absf %sub3A_166 : vector<16xf32>
        %lt3A_168 = arith.constant 1.000000e+00 : f32
        %lt3A_169 = vector.broadcast %lt3A_168 : f32 to vector<16xf32>
        %lt3A_170 = arith.cmpf olt, %abs3A_167, %lt3A_169 : vector<16xf32>
        %lt3A_171 = arith.constant 64 : i32
        %lt3A_172 = vector.broadcast %lt3A_171 : i32 to vector<16xi32>
        %lt3A_173 = arith.cmpi slt, %add3A_161, %lt3A_172 : vector<16xi32>
        %and3A_174 = arith.andi %lt3A_170, %lt3A_173 : vector<16xi1>
        %add3A_175 = arith.addi %mul3A_44, %add3A_161 : vector<16xi32>
        tpu.vector_store_idx %arg16[%add3A_175], %broadcast_in_dim3A_164 masked %and3A_174 : memref<1024xi32, #tpu.memory_space<vmem>>[vector<16xi32>], vector<16xi32>, vector<16xi1>
        %jit3A_176 = arith.constant 1 : i32
        %jit3A_177 = arith.constant 0 : i32
        %broadcast_in_dim3A_178 = vector.broadcast %jit3A_176 : i32 to vector<16xi32>
        %broadcast_in_dim3A_179 = vector.broadcast %jit3A_177 : i32 to vector<16xi32>
        %select_n3A_180 = arith.select %and3A_174, %broadcast_in_dim3A_178, %broadcast_in_dim3A_179 : vector<16xi1>, vector<16xi32>
        %add3A_181 = arith.addi %add3A_161, %select_n3A_180 : vector<16xi32>
        scf.yield %add3A_181 : vector<16xi32>
      }
      %scan3A_70 = arith.constant 1024 : i32
      %gt3A = arith.constant 0 : i32
      %gt3A_71 = vector.broadcast %gt3A : i32 to vector<16xi32>
      %gt3A_72 = arith.cmpi sgt, %scan3A_69, %gt3A_71 : vector<16xi32>
      %jit3A_73 = arith.constant 1.000000e+00 : f32
      %jit3A_74 = arith.constant 0.000000e+00 : f32
      %broadcast_in_dim3A_75 = vector.broadcast %jit3A_73 : f32 to vector<16xf32>
      %broadcast_in_dim3A_76 = vector.broadcast %jit3A_74 : f32 to vector<16xf32>
      %select_n3A_77 = arith.select %gt3A_72, %broadcast_in_dim3A_75, %broadcast_in_dim3A_76 : vector<16xi1>, vector<16xf32>
      %swap3A = arith.constant 0 : index
      %swap3A_78 = tpu.vector_load %arg18[%swap3A] {strides = array<i32>} : memref<16xf32, #tpu.memory_space<vmem>>, vector<16xf32>,
      tpu.vector_store %arg18[%swap3A], %select_n3A_77 {strides = array<i32>} : memref<16xf32, #tpu.memory_space<vmem>>, vector<16xf32>,
      %mul3A_79 = arith.constant 16 : i32
      %mul3A_80 = arith.muli %scan3A_51, %mul3A_79 : i32
      %add3A_81 = arith.addi %add3A_35, %mul3A_80 : i32
      "tpu.region"() ({
        %run_scoped3A = tpu.sem_alloc : memref<!tpu.dma_semaphore, #tpu.memory_space<semaphore_mem>>
        %dma_start3A = tpu.memref_slice %arg9[%add3A_81] : memref<4096xf32, #tpu.memory_space<hbm>> -> memref<16xf32, #tpu.memory_space<hbm>>
        %dma_start3A_103 = tpu.memref_slice %arg9[%add3A_81] : memref<4096xf32, #tpu.memory_space<hbm>> -> memref<16xf32, #tpu.memory_space<hbm>>
        tpu.enqueue_dma source(%arg18 : memref<16xf32, #tpu.memory_space<vmem>>) target(%dma_start3A_103 : memref<16xf32, #tpu.memory_space<hbm>>) target_semaphore(%run_scoped3A : memref<!tpu.dma_semaphore, #tpu.memory_space<semaphore_mem>>)
        %dma_wait3A = tpu.memref_slice %arg9[%add3A_81] : memref<4096xf32, #tpu.memory_space<hbm>> -> memref<16xf32, #tpu.memory_space<hbm>>
        %dma_wait3A_104 = tpu.memref_slice %arg9[%add3A_81] : memref<4096xf32, #tpu.memory_space<hbm>> -> memref<16xf32, #tpu.memory_space<hbm>>
        tpu.wait_dma2 semaphore(%run_scoped3A : memref<!tpu.dma_semaphore, #tpu.memory_space<semaphore_mem>>) src(%arg18 : memref<16xf32, #tpu.memory_space<vmem>>) dst(%dma_wait3A_104 : memref<16xf32, #tpu.memory_space<hbm>>)
        tpu.yield
      }) : () -> ()
      %gather3A = tpu.vector_load_idx %arg16[%mul3A_44] : memref<1024xi32, #tpu.memory_space<vmem>>[vector<16xi32>], vector<16xi32>,
      %gt3A_82 = arith.constant 0 : i32
      %gt3A_83 = vector.broadcast %gt3A_82 : i32 to vector<16xi32>
      %gt3A_84 = arith.cmpi sgt, %scan3A_69, %gt3A_83 : vector<16xi32>
      %jit3A_85 = arith.constant 0 : i32
      %broadcast_in_dim3A_86 = vector.broadcast %jit3A_85 : i32 to vector<16xi32>
      %select_n3A_87 = arith.select %gt3A_84, %gather3A, %broadcast_in_dim3A_86 : vector<16xi1>, vector<16xi32>
      %scan3A_88 = arith.constant 0 : i32
      %scan3A_89 = arith.constant 0 : i32
      %scan3A_90 = arith.constant 64 : i32
      %scan3A_91 = arith.addi %scan3A_89, %scan3A_90 : i32
      %scan3A_92 = arith.constant 1 : i32
      %scan3A_93 = scf.for %scan3A_103 = %scan3A_89 to %scan3A_91 step %scan3A_92 iter_args(%scan3A_104 = %scan3A_88) -> (i32)  : i32 {
        %broadcast_in_dim3A_105 = vector.broadcast %scan3A_103 : i32 to vector<16xi32>
        %add3A_106 = arith.addi %mul3A_44, %broadcast_in_dim3A_105 : vector<16xi32>
        %gather3A_107 = tpu.vector_load_idx %arg16[%add3A_106] : memref<1024xi32, #tpu.memory_space<vmem>>[vector<16xi32>], vector<16xi32>,
        %lt3A_108 = arith.cmpi slt, %broadcast_in_dim3A_105, %scan3A_69 : vector<16xi32>
        %select_n3A_109 = arith.select %lt3A_108, %gather3A_107, %select_n3A_87 : vector<16xi1>, vector<16xi32>
        %gather3A_110 = tpu.vector_load_idx %arg10[%select_n3A_109] : memref<1024xf32, #tpu.memory_space<vmem>>[vector<16xi32>], vector<16xf32>,
        %sub3A_111 = arith.subf %gather3A_110, %get3A_59 : vector<16xf32>
        %gather3A_112 = tpu.vector_load_idx %arg11[%select_n3A_109] : memref<1024xf32, #tpu.memory_space<vmem>>[vector<16xi32>], vector<16xf32>,
        %sub3A_113 = arith.subf %gather3A_112, %get3A_63 : vector<16xf32>
        %gather3A_114 = tpu.vector_load_idx %arg12[%select_n3A_109] : memref<1024xf32, #tpu.memory_space<vmem>>[vector<16xi32>], vector<16xf32>,
        %sub3A_115 = arith.subf %gather3A_114, %get3A_55 : vector<16xf32>
        %add3A_116 = arith.addi %mul3A_44, %broadcast_in_dim3A_105 : vector<16xi32>
        %mul3A_117 = arith.constant 3 : i32
        %mul3A_118 = vector.broadcast %mul3A_117 : i32 to vector<16xi32>
        %mul3A_119 = arith.muli %add3A_116, %mul3A_118 : vector<16xi32>
        tpu.vector_store_idx %arg17[%mul3A_119], %sub3A_111 : memref<3072xf32, #tpu.memory_space<vmem>>[vector<16xi32>], vector<16xf32>,
        %add3A_120 = arith.constant 1 : i32
        %add3A_121 = vector.broadcast %add3A_120 : i32 to vector<16xi32>
        %add3A_122 = arith.addi %mul3A_119, %add3A_121 : vector<16xi32>
        tpu.vector_store_idx %arg17[%add3A_122], %sub3A_113 : memref<3072xf32, #tpu.memory_space<vmem>>[vector<16xi32>], vector<16xf32>,
        %add3A_123 = arith.constant 2 : i32
        %add3A_124 = vector.broadcast %add3A_123 : i32 to vector<16xi32>
        %add3A_125 = arith.addi %mul3A_119, %add3A_124 : vector<16xi32>
        tpu.vector_store_idx %arg17[%add3A_125], %sub3A_115 : memref<3072xf32, #tpu.memory_space<vmem>>[vector<16xi32>], vector<16xf32>,
        %scan3A_126 = arith.constant 0 : i32
        scf.yield %scan3A_126 : i32
      }
      %scan3A_94 = arith.constant 64 : i32
      %mul3A_95 = arith.constant 16 : i32
      %mul3A_96 = arith.muli %scan3A_51, %mul3A_95 : i32
      %add3A_97 = arith.addi %add3A_35, %mul3A_96 : i32
      %mul3A_98 = arith.constant 64 : i32
      %mul3A_99 = arith.muli %add3A_97, %mul3A_98 : i32
      %mul3A_100 = arith.constant 3 : i32
      %mul3A_101 = arith.muli %mul3A_99, %mul3A_100 : i32
      "tpu.region"() ({
        %run_scoped3A = tpu.sem_alloc : memref<!tpu.dma_semaphore, #tpu.memory_space<semaphore_mem>>
        %dma_start3A = tpu.memref_slice %arg8[%mul3A_101] : memref<786432xf32, #tpu.memory_space<hbm>> -> memref<3072xf32, #tpu.memory_space<hbm>>
        %dma_start3A_103 = tpu.memref_slice %arg8[%mul3A_101] : memref<786432xf32, #tpu.memory_space<hbm>> -> memref<3072xf32, #tpu.memory_space<hbm>>
        tpu.enqueue_dma source(%arg17 : memref<3072xf32, #tpu.memory_space<vmem>>) target(%dma_start3A_103 : memref<3072xf32, #tpu.memory_space<hbm>>) target_semaphore(%run_scoped3A : memref<!tpu.dma_semaphore, #tpu.memory_space<semaphore_mem>>)
        %dma_wait3A = tpu.memref_slice %arg8[%mul3A_101] : memref<786432xf32, #tpu.memory_space<hbm>> -> memref<3072xf32, #tpu.memory_space<hbm>>
        %dma_wait3A_104 = tpu.memref_slice %arg8[%mul3A_101] : memref<786432xf32, #tpu.memory_space<hbm>> -> memref<3072xf32, #tpu.memory_space<hbm>>
        tpu.wait_dma2 semaphore(%run_scoped3A : memref<!tpu.dma_semaphore, #tpu.memory_space<semaphore_mem>>) src(%arg17 : memref<3072xf32, #tpu.memory_space<vmem>>) dst(%dma_wait3A_104 : memref<3072xf32, #tpu.memory_space<hbm>>)
        tpu.yield
      }) : () -> ()
      %scan3A_102 = arith.constant 0 : i32
      scf.yield %scan3A_102 : i32
    }
    %scan3A_50 = arith.constant 8 : i32
    return
  }
}

#map = affine_map<(d0, d1) -> (0)>
module attributes {stable_mosaic.version = 14 : i64} {
  func.func @sck(%arg0: i32, %arg1: i32, %arg2: memref<16384xf32, #tpu.memory_space<hbm>>, %arg3: memref<16384xf32, #tpu.memory_space<hbm>>, %arg4: memref<16384xf32, #tpu.memory_space<hbm>>, %arg5: memref<8192xf32, #tpu.memory_space<hbm>>, %arg6: memref<8192xf32, #tpu.memory_space<hbm>>, %arg7: memref<8192xf32, #tpu.memory_space<hbm>>, %arg8: memref<1572864xf32, #tpu.memory_space<hbm>>, %arg9: memref<8192xf32, #tpu.memory_space<hbm>>, %arg10: memref<1024xf32, #tpu.memory_space<vmem>>, %arg11: memref<1024xf32, #tpu.memory_space<vmem>>, %arg12: memref<1024xf32, #tpu.memory_space<vmem>>, %arg13: memref<256xf32, #tpu.memory_space<vmem>>, %arg14: memref<256xf32, #tpu.memory_space<vmem>>, %arg15: memref<256xf32, #tpu.memory_space<vmem>>, %arg16: memref<1024xi32, #tpu.memory_space<vmem>>, %arg17: memref<3072xf32, #tpu.memory_space<vmem>>, %arg18: memref<16xf32, #tpu.memory_space<vmem>>) attributes {dimension_semantics = [#tpu.dimension_semantics<core_parallel>, #tpu.dimension_semantics<subcore_parallel>], iteration_bounds = array<i64: 2, 16>, scalar_prefetch = 0 : i64, scratch_operands = 9 : i64, tpu.core_type = #tpu.core_type<sc_vector_subcore>, window_params = [{transform_indices = #map}, {transform_indices = #map}, {transform_indices = #map}, {transform_indices = #map}, {transform_indices = #map}, {transform_indices = #map}, {transform_indices = #map}, {transform_indices = #map}]} {
    %mul3A = arith.constant 2 : i32
    %mul3A_0 = arith.muli %arg1, %mul3A : i32
    %add3A = arith.addi %mul3A_0, %arg0 : i32
    %jit3A = arith.constant 2 : i32
    %div3A = arith.divsi %add3A, %jit3A : i32
    %sign3A = arith.constant 0 : i32
    %sign3A_1 = arith.cmpi sgt, %add3A, %sign3A : i32
    %sign3A_2 = arith.extui %sign3A_1 : i1 to i32
    %sign3A_3 = arith.constant 0 : i32
    %sign3A_4 = arith.cmpi slt, %add3A, %sign3A_3 : i32
    %sign3A_5 = arith.extui %sign3A_4 : i1 to i32
    %sign3A_6 = arith.subi %sign3A_2, %sign3A_5 : i32
    %sign3A_7 = arith.constant 0 : i32
    %sign3A_8 = arith.cmpi sgt, %jit3A, %sign3A_7 : i32
    %sign3A_9 = arith.extui %sign3A_8 : i1 to i32
    %sign3A_10 = arith.constant 0 : i32
    %sign3A_11 = arith.cmpi slt, %jit3A, %sign3A_10 : i32
    %sign3A_12 = arith.extui %sign3A_11 : i1 to i32
    %sign3A_13 = arith.subi %sign3A_9, %sign3A_12 : i32
    %ne3A = arith.cmpi ne, %sign3A_6, %sign3A_13 : i32
    %rem3A = arith.remsi %add3A, %jit3A : i32
    %ne3A_14 = arith.constant 0 : i32
    %ne3A_15 = arith.cmpi ne, %rem3A, %ne3A_14 : i32
    %and3A = arith.andi %ne3A, %ne3A_15 : i1
    %sub3A = arith.constant 1 : i32
    %sub3A_16 = arith.subi %div3A, %sub3A : i32
    %select_n3A = arith.select %and3A, %sub3A_16, %div3A : i32
    %mul3A_17 = arith.constant 512 : i32
    %mul3A_18 = arith.muli %select_n3A, %mul3A_17 : i32
    %jit3A_19 = arith.constant 2 : i32
    %eq3A = arith.constant 0 : i32
    %eq3A_20 = arith.cmpi eq, %jit3A_19, %eq3A : i32
    %jit3A_21 = arith.constant 1 : i32
    %select_n3A_22 = arith.select %eq3A_20, %jit3A_21, %jit3A_19 : i32
    %rem3A_23 = arith.remsi %add3A, %select_n3A_22 : i32
    %ne3A_24 = arith.constant 0 : i32
    %ne3A_25 = arith.cmpi ne, %rem3A_23, %ne3A_24 : i32
    %lt3A = arith.constant 0 : i32
    %lt3A_26 = arith.cmpi slt, %rem3A_23, %lt3A : i32
    %lt3A_27 = arith.constant 0 : i32
    %lt3A_28 = arith.cmpi slt, %select_n3A_22, %lt3A_27 : i32
    %ne3A_29 = arith.xori %lt3A_26, %lt3A_28 : i1
    %and3A_30 = arith.andi %ne3A_29, %ne3A_25 : i1
    %add3A_31 = arith.addi %rem3A_23, %select_n3A_22 : i32
    %select_n3A_32 = arith.select %and3A_30, %add3A_31, %rem3A_23 : i32
    %mul3A_33 = arith.constant 256 : i32
    %mul3A_34 = arith.muli %select_n3A_32, %mul3A_33 : i32
    %add3A_35 = arith.addi %mul3A_18, %mul3A_34 : i32
    %mul3A_36 = arith.constant 1024 : i32
    %mul3A_37 = arith.muli %select_n3A, %mul3A_36 : i32
    "tpu.region"() ({
      %run_scoped3A = tpu.sem_alloc : memref<!tpu.dma_semaphore, #tpu.memory_space<semaphore_mem>>
      %dma_start3A = tpu.memref_slice %arg2[%mul3A_37] : memref<16384xf32, #tpu.memory_space<hbm>> -> memref<1024xf32, #tpu.memory_space<hbm>>
      %dma_start3A_51 = tpu.memref_slice %arg2[%mul3A_37] : memref<16384xf32, #tpu.memory_space<hbm>> -> memref<1024xf32, #tpu.memory_space<hbm>>
      tpu.enqueue_dma source(%dma_start3A_51 : memref<1024xf32, #tpu.memory_space<hbm>>) target(%arg10 : memref<1024xf32, #tpu.memory_space<vmem>>) target_semaphore(%run_scoped3A : memref<!tpu.dma_semaphore, #tpu.memory_space<semaphore_mem>>)
      %dma_wait3A = tpu.memref_slice %arg2[%mul3A_37] : memref<16384xf32, #tpu.memory_space<hbm>> -> memref<1024xf32, #tpu.memory_space<hbm>>
      %dma_wait3A_52 = tpu.memref_slice %arg2[%mul3A_37] : memref<16384xf32, #tpu.memory_space<hbm>> -> memref<1024xf32, #tpu.memory_space<hbm>>
      tpu.wait_dma2 semaphore(%run_scoped3A : memref<!tpu.dma_semaphore, #tpu.memory_space<semaphore_mem>>) src(%dma_wait3A_52 : memref<1024xf32, #tpu.memory_space<hbm>>) dst(%arg10 : memref<1024xf32, #tpu.memory_space<vmem>>)
      tpu.yield
    }) : () -> ()
    %mul3A_38 = arith.constant 1024 : i32
    %mul3A_39 = arith.muli %select_n3A, %mul3A_38 : i32
    "tpu.region"() ({
      %run_scoped3A = tpu.sem_alloc : memref<!tpu.dma_semaphore, #tpu.memory_space<semaphore_mem>>
      %dma_start3A = tpu.memref_slice %arg3[%mul3A_39] : memref<16384xf32, #tpu.memory_space<hbm>> -> memref<1024xf32, #tpu.memory_space<hbm>>
      %dma_start3A_51 = tpu.memref_slice %arg3[%mul3A_39] : memref<16384xf32, #tpu.memory_space<hbm>> -> memref<1024xf32, #tpu.memory_space<hbm>>
      tpu.enqueue_dma source(%dma_start3A_51 : memref<1024xf32, #tpu.memory_space<hbm>>) target(%arg11 : memref<1024xf32, #tpu.memory_space<vmem>>) target_semaphore(%run_scoped3A : memref<!tpu.dma_semaphore, #tpu.memory_space<semaphore_mem>>)
      %dma_wait3A = tpu.memref_slice %arg3[%mul3A_39] : memref<16384xf32, #tpu.memory_space<hbm>> -> memref<1024xf32, #tpu.memory_space<hbm>>
      %dma_wait3A_52 = tpu.memref_slice %arg3[%mul3A_39] : memref<16384xf32, #tpu.memory_space<hbm>> -> memref<1024xf32, #tpu.memory_space<hbm>>
      tpu.wait_dma2 semaphore(%run_scoped3A : memref<!tpu.dma_semaphore, #tpu.memory_space<semaphore_mem>>) src(%dma_wait3A_52 : memref<1024xf32, #tpu.memory_space<hbm>>) dst(%arg11 : memref<1024xf32, #tpu.memory_space<vmem>>)
      tpu.yield
    }) : () -> ()
    %mul3A_40 = arith.constant 1024 : i32
    %mul3A_41 = arith.muli %select_n3A, %mul3A_40 : i32
    "tpu.region"() ({
      %run_scoped3A = tpu.sem_alloc : memref<!tpu.dma_semaphore, #tpu.memory_space<semaphore_mem>>
      %dma_start3A = tpu.memref_slice %arg4[%mul3A_41] : memref<16384xf32, #tpu.memory_space<hbm>> -> memref<1024xf32, #tpu.memory_space<hbm>>
      %dma_start3A_51 = tpu.memref_slice %arg4[%mul3A_41] : memref<16384xf32, #tpu.memory_space<hbm>> -> memref<1024xf32, #tpu.memory_space<hbm>>
      tpu.enqueue_dma source(%dma_start3A_51 : memref<1024xf32, #tpu.memory_space<hbm>>) target(%arg12 : memref<1024xf32, #tpu.memory_space<vmem>>) target_semaphore(%run_scoped3A : memref<!tpu.dma_semaphore, #tpu.memory_space<semaphore_mem>>)
      %dma_wait3A = tpu.memref_slice %arg4[%mul3A_41] : memref<16384xf32, #tpu.memory_space<hbm>> -> memref<1024xf32, #tpu.memory_space<hbm>>
      %dma_wait3A_52 = tpu.memref_slice %arg4[%mul3A_41] : memref<16384xf32, #tpu.memory_space<hbm>> -> memref<1024xf32, #tpu.memory_space<hbm>>
      tpu.wait_dma2 semaphore(%run_scoped3A : memref<!tpu.dma_semaphore, #tpu.memory_space<semaphore_mem>>) src(%dma_wait3A_52 : memref<1024xf32, #tpu.memory_space<hbm>>) dst(%arg12 : memref<1024xf32, #tpu.memory_space<vmem>>)
      tpu.yield
    }) : () -> ()
    "tpu.region"() ({
      %run_scoped3A = tpu.sem_alloc : memref<!tpu.dma_semaphore, #tpu.memory_space<semaphore_mem>>
      %dma_start3A = tpu.memref_slice %arg5[%add3A_35] : memref<8192xf32, #tpu.memory_space<hbm>> -> memref<256xf32, #tpu.memory_space<hbm>>
      %dma_start3A_51 = tpu.memref_slice %arg5[%add3A_35] : memref<8192xf32, #tpu.memory_space<hbm>> -> memref<256xf32, #tpu.memory_space<hbm>>
      tpu.enqueue_dma source(%dma_start3A_51 : memref<256xf32, #tpu.memory_space<hbm>>) target(%arg13 : memref<256xf32, #tpu.memory_space<vmem>>) target_semaphore(%run_scoped3A : memref<!tpu.dma_semaphore, #tpu.memory_space<semaphore_mem>>)
      %dma_wait3A = tpu.memref_slice %arg5[%add3A_35] : memref<8192xf32, #tpu.memory_space<hbm>> -> memref<256xf32, #tpu.memory_space<hbm>>
      %dma_wait3A_52 = tpu.memref_slice %arg5[%add3A_35] : memref<8192xf32, #tpu.memory_space<hbm>> -> memref<256xf32, #tpu.memory_space<hbm>>
      tpu.wait_dma2 semaphore(%run_scoped3A : memref<!tpu.dma_semaphore, #tpu.memory_space<semaphore_mem>>) src(%dma_wait3A_52 : memref<256xf32, #tpu.memory_space<hbm>>) dst(%arg13 : memref<256xf32, #tpu.memory_space<vmem>>)
      tpu.yield
    }) : () -> ()
    "tpu.region"() ({
      %run_scoped3A = tpu.sem_alloc : memref<!tpu.dma_semaphore, #tpu.memory_space<semaphore_mem>>
      %dma_start3A = tpu.memref_slice %arg6[%add3A_35] : memref<8192xf32, #tpu.memory_space<hbm>> -> memref<256xf32, #tpu.memory_space<hbm>>
      %dma_start3A_51 = tpu.memref_slice %arg6[%add3A_35] : memref<8192xf32, #tpu.memory_space<hbm>> -> memref<256xf32, #tpu.memory_space<hbm>>
      tpu.enqueue_dma source(%dma_start3A_51 : memref<256xf32, #tpu.memory_space<hbm>>) target(%arg14 : memref<256xf32, #tpu.memory_space<vmem>>) target_semaphore(%run_scoped3A : memref<!tpu.dma_semaphore, #tpu.memory_space<semaphore_mem>>)
      %dma_wait3A = tpu.memref_slice %arg6[%add3A_35] : memref<8192xf32, #tpu.memory_space<hbm>> -> memref<256xf32, #tpu.memory_space<hbm>>
      %dma_wait3A_52 = tpu.memref_slice %arg6[%add3A_35] : memref<8192xf32, #tpu.memory_space<hbm>> -> memref<256xf32, #tpu.memory_space<hbm>>
      tpu.wait_dma2 semaphore(%run_scoped3A : memref<!tpu.dma_semaphore, #tpu.memory_space<semaphore_mem>>) src(%dma_wait3A_52 : memref<256xf32, #tpu.memory_space<hbm>>) dst(%arg14 : memref<256xf32, #tpu.memory_space<vmem>>)
      tpu.yield
    }) : () -> ()
    "tpu.region"() ({
      %run_scoped3A = tpu.sem_alloc : memref<!tpu.dma_semaphore, #tpu.memory_space<semaphore_mem>>
      %dma_start3A = tpu.memref_slice %arg7[%add3A_35] : memref<8192xf32, #tpu.memory_space<hbm>> -> memref<256xf32, #tpu.memory_space<hbm>>
      %dma_start3A_51 = tpu.memref_slice %arg7[%add3A_35] : memref<8192xf32, #tpu.memory_space<hbm>> -> memref<256xf32, #tpu.memory_space<hbm>>
      tpu.enqueue_dma source(%dma_start3A_51 : memref<256xf32, #tpu.memory_space<hbm>>) target(%arg15 : memref<256xf32, #tpu.memory_space<vmem>>) target_semaphore(%run_scoped3A : memref<!tpu.dma_semaphore, #tpu.memory_space<semaphore_mem>>)
      %dma_wait3A = tpu.memref_slice %arg7[%add3A_35] : memref<8192xf32, #tpu.memory_space<hbm>> -> memref<256xf32, #tpu.memory_space<hbm>>
      %dma_wait3A_52 = tpu.memref_slice %arg7[%add3A_35] : memref<8192xf32, #tpu.memory_space<hbm>> -> memref<256xf32, #tpu.memory_space<hbm>>
      tpu.wait_dma2 semaphore(%run_scoped3A : memref<!tpu.dma_semaphore, #tpu.memory_space<semaphore_mem>>) src(%dma_wait3A_52 : memref<256xf32, #tpu.memory_space<hbm>>) dst(%arg15 : memref<256xf32, #tpu.memory_space<vmem>>)
      tpu.yield
    }) : () -> ()
    %iota3A = tpu.iota {dimensions = array<i32: 0>} : vector<16xi32>
    %mul3A_42 = arith.constant 64 : i32
    %mul3A_43 = vector.broadcast %mul3A_42 : i32 to vector<16xi32>
    %mul3A_44 = arith.muli %iota3A, %mul3A_43 : vector<16xi32>
    %scan3A = arith.constant 0 : i32
    %scan3A_45 = arith.constant 0 : i32
    %scan3A_46 = arith.constant 16 : i32
    %scan3A_47 = arith.addi %scan3A_45, %scan3A_46 : i32
    %scan3A_48 = arith.constant 1 : i32
    %scan3A_49 = scf.for %scan3A_51 = %scan3A_45 to %scan3A_47 step %scan3A_48 iter_args(%scan3A_52 = %scan3A) -> (i32)  : i32 {
      %mul3A_53 = arith.constant 16 : i32
      %mul3A_54 = arith.muli %scan3A_51, %mul3A_53 : i32
      %get3A = arith.index_cast %mul3A_54 : i32 to index
      %get3A_55 = tpu.vector_load %arg15[%get3A] {strides = array<i32>} : memref<256xf32, #tpu.memory_space<vmem>>, vector<16xf32>,
      %mul3A_56 = arith.constant 16 : i32
      %mul3A_57 = arith.muli %scan3A_51, %mul3A_56 : i32
      %get3A_58 = arith.index_cast %mul3A_57 : i32 to index
      %get3A_59 = tpu.vector_load %arg13[%get3A_58] {strides = array<i32>} : memref<256xf32, #tpu.memory_space<vmem>>, vector<16xf32>,
      %mul3A_60 = arith.constant 16 : i32
      %mul3A_61 = arith.muli %scan3A_51, %mul3A_60 : i32
      %get3A_62 = arith.index_cast %mul3A_61 : i32 to index
      %get3A_63 = tpu.vector_load %arg14[%get3A_62] {strides = array<i32>} : memref<256xf32, #tpu.memory_space<vmem>>, vector<16xf32>,
      %broadcast_in_dim3A = arith.constant 0 : i32
      %broadcast_in_dim3A_64 = vector.broadcast %broadcast_in_dim3A : i32 to vector<16xi32>
      %scan3A_65 = arith.constant 0 : i32
      %scan3A_66 = arith.constant 1024 : i32
      %scan3A_67 = arith.addi %scan3A_65, %scan3A_66 : i32
      %scan3A_68 = arith.constant 4 : i32
      %scan3A_69 = scf.for %scan3A_103 = %scan3A_65 to %scan3A_67 step %scan3A_68 iter_args(%scan3A_104 = %broadcast_in_dim3A_64) -> (vector<16xi32>)  : i32 {
        %broadcast_in_dim3A_105 = vector.broadcast %scan3A_103 : i32 to vector<16xi32>
        %gather3A_106 = tpu.vector_load_idx %arg12[%broadcast_in_dim3A_105] : memref<1024xf32, #tpu.memory_space<vmem>>[vector<16xi32>], vector<16xf32>,
        %sub3A_107 = arith.subf %gather3A_106, %get3A_55 : vector<16xf32>
        %abs3A = math.absf %sub3A_107 : vector<16xf32>
        %lt3A_108 = arith.constant 5.000000e-01 : f32
        %lt3A_109 = vector.broadcast %lt3A_108 : f32 to vector<16xf32>
        %lt3A_110 = arith.cmpf olt, %abs3A, %lt3A_109 : vector<16xf32>
        %lt3A_111 = arith.constant 64 : i32
        %lt3A_112 = vector.broadcast %lt3A_111 : i32 to vector<16xi32>
        %lt3A_113 = arith.cmpi slt, %scan3A_104, %lt3A_112 : vector<16xi32>
        %and3A_114 = arith.andi %lt3A_110, %lt3A_113 : vector<16xi1>
        %add3A_115 = arith.addi %mul3A_44, %scan3A_104 : vector<16xi32>
        tpu.vector_store_idx %arg16[%add3A_115], %broadcast_in_dim3A_105 masked %and3A_114 : memref<1024xi32, #tpu.memory_space<vmem>>[vector<16xi32>], vector<16xi32>, vector<16xi1>
        %jit3A_116 = arith.constant 1 : i32
        %jit3A_117 = arith.constant 0 : i32
        %broadcast_in_dim3A_118 = vector.broadcast %jit3A_116 : i32 to vector<16xi32>
        %broadcast_in_dim3A_119 = vector.broadcast %jit3A_117 : i32 to vector<16xi32>
        %select_n3A_120 = arith.select %and3A_114, %broadcast_in_dim3A_118, %broadcast_in_dim3A_119 : vector<16xi1>, vector<16xi32>
        %add3A_121 = arith.addi %scan3A_104, %select_n3A_120 : vector<16xi32>
        %scan3A_122 = arith.constant 1 : i32
        %scan3A_123 = arith.addi %scan3A_103, %scan3A_122 : i32
        %broadcast_in_dim3A_124 = vector.broadcast %scan3A_123 : i32 to vector<16xi32>
        %gather3A_125 = tpu.vector_load_idx %arg12[%broadcast_in_dim3A_124] : memref<1024xf32, #tpu.memory_space<vmem>>[vector<16xi32>], vector<16xf32>,
        %sub3A_126 = arith.subf %gather3A_125, %get3A_55 : vector<16xf32>
        %abs3A_127 = math.absf %sub3A_126 : vector<16xf32>
        %lt3A_128 = arith.constant 5.000000e-01 : f32
        %lt3A_129 = vector.broadcast %lt3A_128 : f32 to vector<16xf32>
        %lt3A_130 = arith.cmpf olt, %abs3A_127, %lt3A_129 : vector<16xf32>
        %lt3A_131 = arith.constant 64 : i32
        %lt3A_132 = vector.broadcast %lt3A_131 : i32 to vector<16xi32>
        %lt3A_133 = arith.cmpi slt, %add3A_121, %lt3A_132 : vector<16xi32>
        %and3A_134 = arith.andi %lt3A_130, %lt3A_133 : vector<16xi1>
        %add3A_135 = arith.addi %mul3A_44, %add3A_121 : vector<16xi32>
        tpu.vector_store_idx %arg16[%add3A_135], %broadcast_in_dim3A_124 masked %and3A_134 : memref<1024xi32, #tpu.memory_space<vmem>>[vector<16xi32>], vector<16xi32>, vector<16xi1>
        %jit3A_136 = arith.constant 1 : i32
        %jit3A_137 = arith.constant 0 : i32
        %broadcast_in_dim3A_138 = vector.broadcast %jit3A_136 : i32 to vector<16xi32>
        %broadcast_in_dim3A_139 = vector.broadcast %jit3A_137 : i32 to vector<16xi32>
        %select_n3A_140 = arith.select %and3A_134, %broadcast_in_dim3A_138, %broadcast_in_dim3A_139 : vector<16xi1>, vector<16xi32>
        %add3A_141 = arith.addi %add3A_121, %select_n3A_140 : vector<16xi32>
        %scan3A_142 = arith.constant 2 : i32
        %scan3A_143 = arith.addi %scan3A_103, %scan3A_142 : i32
        %broadcast_in_dim3A_144 = vector.broadcast %scan3A_143 : i32 to vector<16xi32>
        %gather3A_145 = tpu.vector_load_idx %arg12[%broadcast_in_dim3A_144] : memref<1024xf32, #tpu.memory_space<vmem>>[vector<16xi32>], vector<16xf32>,
        %sub3A_146 = arith.subf %gather3A_145, %get3A_55 : vector<16xf32>
        %abs3A_147 = math.absf %sub3A_146 : vector<16xf32>
        %lt3A_148 = arith.constant 5.000000e-01 : f32
        %lt3A_149 = vector.broadcast %lt3A_148 : f32 to vector<16xf32>
        %lt3A_150 = arith.cmpf olt, %abs3A_147, %lt3A_149 : vector<16xf32>
        %lt3A_151 = arith.constant 64 : i32
        %lt3A_152 = vector.broadcast %lt3A_151 : i32 to vector<16xi32>
        %lt3A_153 = arith.cmpi slt, %add3A_141, %lt3A_152 : vector<16xi32>
        %and3A_154 = arith.andi %lt3A_150, %lt3A_153 : vector<16xi1>
        %add3A_155 = arith.addi %mul3A_44, %add3A_141 : vector<16xi32>
        tpu.vector_store_idx %arg16[%add3A_155], %broadcast_in_dim3A_144 masked %and3A_154 : memref<1024xi32, #tpu.memory_space<vmem>>[vector<16xi32>], vector<16xi32>, vector<16xi1>
        %jit3A_156 = arith.constant 1 : i32
        %jit3A_157 = arith.constant 0 : i32
        %broadcast_in_dim3A_158 = vector.broadcast %jit3A_156 : i32 to vector<16xi32>
        %broadcast_in_dim3A_159 = vector.broadcast %jit3A_157 : i32 to vector<16xi32>
        %select_n3A_160 = arith.select %and3A_154, %broadcast_in_dim3A_158, %broadcast_in_dim3A_159 : vector<16xi1>, vector<16xi32>
        %add3A_161 = arith.addi %add3A_141, %select_n3A_160 : vector<16xi32>
        %scan3A_162 = arith.constant 3 : i32
        %scan3A_163 = arith.addi %scan3A_103, %scan3A_162 : i32
        %broadcast_in_dim3A_164 = vector.broadcast %scan3A_163 : i32 to vector<16xi32>
        %gather3A_165 = tpu.vector_load_idx %arg12[%broadcast_in_dim3A_164] : memref<1024xf32, #tpu.memory_space<vmem>>[vector<16xi32>], vector<16xf32>,
        %sub3A_166 = arith.subf %gather3A_165, %get3A_55 : vector<16xf32>
        %abs3A_167 = math.absf %sub3A_166 : vector<16xf32>
        %lt3A_168 = arith.constant 5.000000e-01 : f32
        %lt3A_169 = vector.broadcast %lt3A_168 : f32 to vector<16xf32>
        %lt3A_170 = arith.cmpf olt, %abs3A_167, %lt3A_169 : vector<16xf32>
        %lt3A_171 = arith.constant 64 : i32
        %lt3A_172 = vector.broadcast %lt3A_171 : i32 to vector<16xi32>
        %lt3A_173 = arith.cmpi slt, %add3A_161, %lt3A_172 : vector<16xi32>
        %and3A_174 = arith.andi %lt3A_170, %lt3A_173 : vector<16xi1>
        %add3A_175 = arith.addi %mul3A_44, %add3A_161 : vector<16xi32>
        tpu.vector_store_idx %arg16[%add3A_175], %broadcast_in_dim3A_164 masked %and3A_174 : memref<1024xi32, #tpu.memory_space<vmem>>[vector<16xi32>], vector<16xi32>, vector<16xi1>
        %jit3A_176 = arith.constant 1 : i32
        %jit3A_177 = arith.constant 0 : i32
        %broadcast_in_dim3A_178 = vector.broadcast %jit3A_176 : i32 to vector<16xi32>
        %broadcast_in_dim3A_179 = vector.broadcast %jit3A_177 : i32 to vector<16xi32>
        %select_n3A_180 = arith.select %and3A_174, %broadcast_in_dim3A_178, %broadcast_in_dim3A_179 : vector<16xi1>, vector<16xi32>
        %add3A_181 = arith.addi %add3A_161, %select_n3A_180 : vector<16xi32>
        scf.yield %add3A_181 : vector<16xi32>
      }
      %scan3A_70 = arith.constant 1024 : i32
      %gt3A = arith.constant 0 : i32
      %gt3A_71 = vector.broadcast %gt3A : i32 to vector<16xi32>
      %gt3A_72 = arith.cmpi sgt, %scan3A_69, %gt3A_71 : vector<16xi32>
      %jit3A_73 = arith.constant 1.000000e+00 : f32
      %jit3A_74 = arith.constant 0.000000e+00 : f32
      %broadcast_in_dim3A_75 = vector.broadcast %jit3A_73 : f32 to vector<16xf32>
      %broadcast_in_dim3A_76 = vector.broadcast %jit3A_74 : f32 to vector<16xf32>
      %select_n3A_77 = arith.select %gt3A_72, %broadcast_in_dim3A_75, %broadcast_in_dim3A_76 : vector<16xi1>, vector<16xf32>
      %swap3A = arith.constant 0 : index
      %swap3A_78 = tpu.vector_load %arg18[%swap3A] {strides = array<i32>} : memref<16xf32, #tpu.memory_space<vmem>>, vector<16xf32>,
      tpu.vector_store %arg18[%swap3A], %select_n3A_77 {strides = array<i32>} : memref<16xf32, #tpu.memory_space<vmem>>, vector<16xf32>,
      %mul3A_79 = arith.constant 16 : i32
      %mul3A_80 = arith.muli %scan3A_51, %mul3A_79 : i32
      %add3A_81 = arith.addi %add3A_35, %mul3A_80 : i32
      "tpu.region"() ({
        %run_scoped3A = tpu.sem_alloc : memref<!tpu.dma_semaphore, #tpu.memory_space<semaphore_mem>>
        %dma_start3A = tpu.memref_slice %arg9[%add3A_81] : memref<8192xf32, #tpu.memory_space<hbm>> -> memref<16xf32, #tpu.memory_space<hbm>>
        %dma_start3A_103 = tpu.memref_slice %arg9[%add3A_81] : memref<8192xf32, #tpu.memory_space<hbm>> -> memref<16xf32, #tpu.memory_space<hbm>>
        tpu.enqueue_dma source(%arg18 : memref<16xf32, #tpu.memory_space<vmem>>) target(%dma_start3A_103 : memref<16xf32, #tpu.memory_space<hbm>>) target_semaphore(%run_scoped3A : memref<!tpu.dma_semaphore, #tpu.memory_space<semaphore_mem>>)
        %dma_wait3A = tpu.memref_slice %arg9[%add3A_81] : memref<8192xf32, #tpu.memory_space<hbm>> -> memref<16xf32, #tpu.memory_space<hbm>>
        %dma_wait3A_104 = tpu.memref_slice %arg9[%add3A_81] : memref<8192xf32, #tpu.memory_space<hbm>> -> memref<16xf32, #tpu.memory_space<hbm>>
        tpu.wait_dma2 semaphore(%run_scoped3A : memref<!tpu.dma_semaphore, #tpu.memory_space<semaphore_mem>>) src(%arg18 : memref<16xf32, #tpu.memory_space<vmem>>) dst(%dma_wait3A_104 : memref<16xf32, #tpu.memory_space<hbm>>)
        tpu.yield
      }) : () -> ()
      %gather3A = tpu.vector_load_idx %arg16[%mul3A_44] : memref<1024xi32, #tpu.memory_space<vmem>>[vector<16xi32>], vector<16xi32>,
      %gt3A_82 = arith.constant 0 : i32
      %gt3A_83 = vector.broadcast %gt3A_82 : i32 to vector<16xi32>
      %gt3A_84 = arith.cmpi sgt, %scan3A_69, %gt3A_83 : vector<16xi32>
      %jit3A_85 = arith.constant 0 : i32
      %broadcast_in_dim3A_86 = vector.broadcast %jit3A_85 : i32 to vector<16xi32>
      %select_n3A_87 = arith.select %gt3A_84, %gather3A, %broadcast_in_dim3A_86 : vector<16xi1>, vector<16xi32>
      %scan3A_88 = arith.constant 0 : i32
      %scan3A_89 = arith.constant 0 : i32
      %scan3A_90 = arith.constant 64 : i32
      %scan3A_91 = arith.addi %scan3A_89, %scan3A_90 : i32
      %scan3A_92 = arith.constant 1 : i32
      %scan3A_93 = scf.for %scan3A_103 = %scan3A_89 to %scan3A_91 step %scan3A_92 iter_args(%scan3A_104 = %scan3A_88) -> (i32)  : i32 {
        %broadcast_in_dim3A_105 = vector.broadcast %scan3A_103 : i32 to vector<16xi32>
        %add3A_106 = arith.addi %mul3A_44, %broadcast_in_dim3A_105 : vector<16xi32>
        %gather3A_107 = tpu.vector_load_idx %arg16[%add3A_106] : memref<1024xi32, #tpu.memory_space<vmem>>[vector<16xi32>], vector<16xi32>,
        %lt3A_108 = arith.cmpi slt, %broadcast_in_dim3A_105, %scan3A_69 : vector<16xi32>
        %select_n3A_109 = arith.select %lt3A_108, %gather3A_107, %select_n3A_87 : vector<16xi1>, vector<16xi32>
        %gather3A_110 = tpu.vector_load_idx %arg10[%select_n3A_109] : memref<1024xf32, #tpu.memory_space<vmem>>[vector<16xi32>], vector<16xf32>,
        %sub3A_111 = arith.subf %gather3A_110, %get3A_59 : vector<16xf32>
        %gather3A_112 = tpu.vector_load_idx %arg11[%select_n3A_109] : memref<1024xf32, #tpu.memory_space<vmem>>[vector<16xi32>], vector<16xf32>,
        %sub3A_113 = arith.subf %gather3A_112, %get3A_63 : vector<16xf32>
        %gather3A_114 = tpu.vector_load_idx %arg12[%select_n3A_109] : memref<1024xf32, #tpu.memory_space<vmem>>[vector<16xi32>], vector<16xf32>,
        %sub3A_115 = arith.subf %gather3A_114, %get3A_55 : vector<16xf32>
        %add3A_116 = arith.addi %mul3A_44, %broadcast_in_dim3A_105 : vector<16xi32>
        %mul3A_117 = arith.constant 3 : i32
        %mul3A_118 = vector.broadcast %mul3A_117 : i32 to vector<16xi32>
        %mul3A_119 = arith.muli %add3A_116, %mul3A_118 : vector<16xi32>
        tpu.vector_store_idx %arg17[%mul3A_119], %sub3A_111 : memref<3072xf32, #tpu.memory_space<vmem>>[vector<16xi32>], vector<16xf32>,
        %add3A_120 = arith.constant 1 : i32
        %add3A_121 = vector.broadcast %add3A_120 : i32 to vector<16xi32>
        %add3A_122 = arith.addi %mul3A_119, %add3A_121 : vector<16xi32>
        tpu.vector_store_idx %arg17[%add3A_122], %sub3A_113 : memref<3072xf32, #tpu.memory_space<vmem>>[vector<16xi32>], vector<16xf32>,
        %add3A_123 = arith.constant 2 : i32
        %add3A_124 = vector.broadcast %add3A_123 : i32 to vector<16xi32>
        %add3A_125 = arith.addi %mul3A_119, %add3A_124 : vector<16xi32>
        tpu.vector_store_idx %arg17[%add3A_125], %sub3A_115 : memref<3072xf32, #tpu.memory_space<vmem>>[vector<16xi32>], vector<16xf32>,
        %scan3A_126 = arith.constant 0 : i32
        scf.yield %scan3A_126 : i32
      }
      %scan3A_94 = arith.constant 64 : i32
      %mul3A_95 = arith.constant 16 : i32
      %mul3A_96 = arith.muli %scan3A_51, %mul3A_95 : i32
      %add3A_97 = arith.addi %add3A_35, %mul3A_96 : i32
      %mul3A_98 = arith.constant 64 : i32
      %mul3A_99 = arith.muli %add3A_97, %mul3A_98 : i32
      %mul3A_100 = arith.constant 3 : i32
      %mul3A_101 = arith.muli %mul3A_99, %mul3A_100 : i32
      "tpu.region"() ({
        %run_scoped3A = tpu.sem_alloc : memref<!tpu.dma_semaphore, #tpu.memory_space<semaphore_mem>>
        %dma_start3A = tpu.memref_slice %arg8[%mul3A_101] : memref<1572864xf32, #tpu.memory_space<hbm>> -> memref<3072xf32, #tpu.memory_space<hbm>>
        %dma_start3A_103 = tpu.memref_slice %arg8[%mul3A_101] : memref<1572864xf32, #tpu.memory_space<hbm>> -> memref<3072xf32, #tpu.memory_space<hbm>>
        tpu.enqueue_dma source(%arg17 : memref<3072xf32, #tpu.memory_space<vmem>>) target(%dma_start3A_103 : memref<3072xf32, #tpu.memory_space<hbm>>) target_semaphore(%run_scoped3A : memref<!tpu.dma_semaphore, #tpu.memory_space<semaphore_mem>>)
        %dma_wait3A = tpu.memref_slice %arg8[%mul3A_101] : memref<1572864xf32, #tpu.memory_space<hbm>> -> memref<3072xf32, #tpu.memory_space<hbm>>
        %dma_wait3A_104 = tpu.memref_slice %arg8[%mul3A_101] : memref<1572864xf32, #tpu.memory_space<hbm>> -> memref<3072xf32, #tpu.memory_space<hbm>>
        tpu.wait_dma2 semaphore(%run_scoped3A : memref<!tpu.dma_semaphore, #tpu.memory_space<semaphore_mem>>) src(%arg17 : memref<3072xf32, #tpu.memory_space<vmem>>) dst(%dma_wait3A_104 : memref<3072xf32, #tpu.memory_space<hbm>>)
        tpu.yield
      }) : () -> ()
      %scan3A_102 = arith.constant 0 : i32
      scf.yield %scan3A_102 : i32
    }
    %scan3A_50 = arith.constant 16 : i32
    return
  }
}

module attributes {stable_mosaic.version = 14 : i64} {
  func.func @_mm_stats_kernel(%arg0: i32, %arg1: memref<2048x3xf32, #tpu.memory_space<vmem>>, %arg2: memref<2x3xf32, #tpu.memory_space<vmem>>, %arg3: memref<3x256xf32, #tpu.memory_space<vmem>>, %arg4: memref<2048x256xf32, #tpu.memory_space<vmem>>, %arg5: memref<2x256xf32, #tpu.memory_space<vmem>>) attributes {dimension_semantics = [#tpu.dimension_semantics<arbitrary>], iteration_bounds = array<i64: 128>, scalar_prefetch = 0 : i64, scratch_operands = 0 : i64, tpu.core_type = #tpu.core_type<tc>, window_params = [{transform_indices = @transform_0, window_bounds = array<i64: 2048, 3>}, {pipeline_mode = #tpu.pipeline_mode<synchronous>, transform_indices = @transform_1, window_bounds = array<i64: 2, 3>}, {pipeline_mode = #tpu.pipeline_mode<synchronous>, transform_indices = @transform_2, window_bounds = array<i64: 3, 256>}, {transform_indices = @transform_3, window_bounds = array<i64: 2048, 256>}, {pipeline_mode = #tpu.pipeline_mode<synchronous>, transform_indices = @transform_4, window_bounds = array<i64: 2, 256>}]} {
    %get3A = arith.constant 0 : index
    %get3A_0 = arith.constant 0 : index
    %get3A_1 = vector.load %arg1[%get3A, %get3A_0] : memref<2048x3xf32, #tpu.memory_space<vmem>>, vector<2048x3xf32>
    %get3A_2 = arith.constant 0 : index
    %get3A_3 = arith.constant 0 : index
    %get3A_4 = vector.load %arg3[%get3A_2, %get3A_3] : memref<3x256xf32, #tpu.memory_space<vmem>>, vector<3x256xf32>
    %dot_general3A = arith.constant dense<0.000000e+00> : vector<2048x256xf32>
    %dot_general3A_5 = tpu.matmul %get3A_1, %get3A_4, %dot_general3A {dimension_numbers = #tpu.dot_dimension_numbers<[1], [0], [0], [1], [0, 0, 1, 1], [], []>, transpose_lhs_hint = false} : vector<2048x3xf32>, vector<3x256xf32>, vector<2048x256xf32> -> vector<2048x256xf32>
    %swap3A = arith.constant 0 : index
    %swap3A_6 = arith.constant 0 : index
    %swap3A_7 = vector.load %arg4[%swap3A, %swap3A_6] : memref<2048x256xf32, #tpu.memory_space<vmem>>, vector<2048x256xf32>
    tpu.vector_store %arg4[%swap3A, %swap3A_6], %dot_general3A_5 {strides = array<i32>} : memref<2048x256xf32, #tpu.memory_space<vmem>>, vector<2048x256xf32>,
    %reduce_sum3A = arith.constant dense<0.000000e+00> : vector<256xf32>
    %reduce_sum3A_8 = vector.multi_reduction <add>, %dot_general3A_5, %reduce_sum3A [0] : vector<2048x256xf32> to vector<256xf32>
    %broadcast_in_dim3A = vector.shape_cast %reduce_sum3A_8 : vector<256xf32> to vector<1x256xf32>
    %mul3A = arith.mulf %dot_general3A_5, %dot_general3A_5 : vector<2048x256xf32>
    %reduce_sum3A_9 = arith.constant dense<0.000000e+00> : vector<256xf32>
    %reduce_sum3A_10 = vector.multi_reduction <add>, %mul3A, %reduce_sum3A_9 [0] : vector<2048x256xf32> to vector<256xf32>
    %broadcast_in_dim3A_11 = vector.shape_cast %reduce_sum3A_10 : vector<256xf32> to vector<1x256xf32>
    %concatenate3A = tpu.concatenate %broadcast_in_dim3A, %broadcast_in_dim3A_11 in 0 : vector<1x256xf32>, vector<1x256xf32> -> vector<2x256xf32>
    %eq3A = arith.constant 0 : i32
    %eq3A_12 = arith.cmpi eq, %arg0, %eq3A : i32
    %convert_element_type3A = arith.extui %eq3A_12 : i1 to i32
    %cond3A = arith.constant 0 : i32
    %cond3A_13 = arith.cmpi ne, %convert_element_type3A, %cond3A : i32
    scf.if %cond3A_13 {
      %swap3A_18 = arith.constant 0 : index
      %swap3A_19 = arith.constant 0 : index
      %swap3A_20 = vector.load %arg5[%swap3A_18, %swap3A_19] : memref<2x256xf32, #tpu.memory_space<vmem>>, vector<2x256xf32>
      tpu.vector_store %arg5[%swap3A_18, %swap3A_19], %concatenate3A {strides = array<i32>} : memref<2x256xf32, #tpu.memory_space<vmem>>, vector<2x256xf32>,
    } else {
    }
    %gt3A = arith.constant 0 : i32
    %gt3A_14 = arith.cmpi sgt, %arg0, %gt3A : i32
    %convert_element_type3A_15 = arith.extui %gt3A_14 : i1 to i32
    %cond3A_16 = arith.constant 0 : i32
    %cond3A_17 = arith.cmpi ne, %convert_element_type3A_15, %cond3A_16 : i32
    scf.if %cond3A_17 {
      %get3A_18 = arith.constant 0 : index
      %get3A_19 = arith.constant 0 : index
      %get3A_20 = vector.load %arg5[%get3A_18, %get3A_19] : memref<2x256xf32, #tpu.memory_space<vmem>>, vector<2x256xf32>
      %add3A = arith.addf %get3A_20, %concatenate3A : vector<2x256xf32>
      %swap3A_21 = arith.constant 0 : index
      %swap3A_22 = arith.constant 0 : index
      %swap3A_23 = vector.load %arg5[%swap3A_21, %swap3A_22] : memref<2x256xf32, #tpu.memory_space<vmem>>, vector<2x256xf32>
      tpu.vector_store %arg5[%swap3A_21, %swap3A_22], %add3A {strides = array<i32>} : memref<2x256xf32, #tpu.memory_space<vmem>>, vector<2x256xf32>,
    } else {
    }
    return
  }
  func.func @transform_0(%arg0: i32) -> (i32, i32) {
    %c0_i32 = arith.constant 0 : i32
    %c0_i32_0 = arith.constant 0 : i32
    return %arg0, %c0_i32 : i32, i32
  }
  func.func @transform_1(%arg0: i32) -> (i32, i32) {
    %c0_i32 = arith.constant 0 : i32
    %c0_i32_0 = arith.constant 0 : i32
    %c0_i32_1 = arith.constant 0 : i32
    return %c0_i32, %c0_i32_0 : i32, i32
  }
  func.func @transform_2(%arg0: i32) -> (i32, i32) {
    %c0_i32 = arith.constant 0 : i32
    %c0_i32_0 = arith.constant 0 : i32
    %c0_i32_1 = arith.constant 0 : i32
    return %c0_i32, %c0_i32_0 : i32, i32
  }
  func.func @transform_3(%arg0: i32) -> (i32, i32) {
    %c0_i32 = arith.constant 0 : i32
    %c0_i32_0 = arith.constant 0 : i32
    return %arg0, %c0_i32 : i32, i32
  }
  func.func @transform_4(%arg0: i32) -> (i32, i32) {
    %c0_i32 = arith.constant 0 : i32
    %c0_i32_0 = arith.constant 0 : i32
    %c0_i32_1 = arith.constant 0 : i32
    return %c0_i32, %c0_i32_0 : i32, i32
  }
}

module attributes {stable_mosaic.version = 14 : i64} {
  func.func @_mm2_kernel(%arg0: i32, %arg1: memref<2048x3xf32, #tpu.memory_space<vmem>>, %arg2: memref<2x256xf32, #tpu.memory_space<vmem>>, %arg3: memref<3x256xf32, #tpu.memory_space<vmem>>, %arg4: memref<256x256xf32, #tpu.memory_space<vmem>>, %arg5: memref<2048x256xf32, #tpu.memory_space<vmem>>, %arg6: memref<2x256xf32, #tpu.memory_space<vmem>>) attributes {dimension_semantics = [#tpu.dimension_semantics<arbitrary>], iteration_bounds = array<i64: 128>, scalar_prefetch = 0 : i64, scratch_operands = 0 : i64, tpu.core_type = #tpu.core_type<tc>, window_params = [{transform_indices = @transform_0, window_bounds = array<i64: 2048, 3>}, {pipeline_mode = #tpu.pipeline_mode<synchronous>, transform_indices = @transform_1, window_bounds = array<i64: 2, 256>}, {pipeline_mode = #tpu.pipeline_mode<synchronous>, transform_indices = @transform_2, window_bounds = array<i64: 3, 256>}, {pipeline_mode = #tpu.pipeline_mode<synchronous>, transform_indices = @transform_3, window_bounds = array<i64: 256, 256>}, {transform_indices = @transform_4, window_bounds = array<i64: 2048, 256>}, {pipeline_mode = #tpu.pipeline_mode<synchronous>, transform_indices = @transform_5, window_bounds = array<i64: 2, 256>}]} {
    %get3A = arith.constant 0 : index
    %get3A_0 = arith.constant 0 : index
    %get3A_1 = vector.load %arg1[%get3A, %get3A_0] : memref<2048x3xf32, #tpu.memory_space<vmem>>, vector<2048x3xf32>
    %get3A_2 = arith.constant 0 : index
    %get3A_3 = arith.constant 0 : index
    %get3A_4 = vector.load %arg3[%get3A_2, %get3A_3] : memref<3x256xf32, #tpu.memory_space<vmem>>, vector<3x256xf32>
    %dot_general3A = arith.constant dense<0.000000e+00> : vector<2048x256xf32>
    %dot_general3A_5 = tpu.matmul %get3A_1, %get3A_4, %dot_general3A {dimension_numbers = #tpu.dot_dimension_numbers<[1], [0], [0], [1], [0, 0, 1, 1], [], []>, transpose_lhs_hint = false} : vector<2048x3xf32>, vector<3x256xf32>, vector<2048x256xf32> -> vector<2048x256xf32>
    %get3A_6 = arith.constant 0 : index
    %get3A_7 = arith.constant 0 : index
    %get3A_8 = vector.load %arg2[%get3A_6, %get3A_7] : memref<2x256xf32, #tpu.memory_space<vmem>>, vector<1x256xf32>
    %sub3A = vector.broadcast %get3A_8 : vector<1x256xf32> to vector<2048x256xf32>
    %sub3A_9 = arith.subf %dot_general3A_5, %sub3A : vector<2048x256xf32>
    %get3A_10 = arith.constant 1 : index
    %get3A_11 = arith.constant 0 : index
    %get3A_12 = vector.load %arg2[%get3A_10, %get3A_11] : memref<2x256xf32, #tpu.memory_space<vmem>>, vector<1x256xf32>
    %mul3A = vector.broadcast %get3A_12 : vector<1x256xf32> to vector<2048x256xf32>
    %mul3A_13 = arith.mulf %sub3A_9, %mul3A : vector<2048x256xf32>
    %max3A = arith.constant 0.000000e+00 : f32
    %max3A_14 = vector.broadcast %max3A : f32 to vector<2048x256xf32>
    %max3A_15 = arith.maximumf %mul3A_13, %max3A_14 : vector<2048x256xf32>
    %get3A_16 = arith.constant 0 : index
    %get3A_17 = arith.constant 0 : index
    %get3A_18 = vector.load %arg4[%get3A_16, %get3A_17] : memref<256x256xf32, #tpu.memory_space<vmem>>, vector<256x256xf32>
    %dot_general3A_19 = arith.constant dense<0.000000e+00> : vector<2048x256xf32>
    %dot_general3A_20 = tpu.matmul %max3A_15, %get3A_18, %dot_general3A_19 {dimension_numbers = #tpu.dot_dimension_numbers<[1], [0], [0], [1], [0, 0, 1, 1], [], []>, transpose_lhs_hint = false} : vector<2048x256xf32>, vector<256x256xf32>, vector<2048x256xf32> -> vector<2048x256xf32>
    %swap3A = arith.constant 0 : index
    %swap3A_21 = arith.constant 0 : index
    %swap3A_22 = vector.load %arg5[%swap3A, %swap3A_21] : memref<2048x256xf32, #tpu.memory_space<vmem>>, vector<2048x256xf32>
    tpu.vector_store %arg5[%swap3A, %swap3A_21], %dot_general3A_20 {strides = array<i32>} : memref<2048x256xf32, #tpu.memory_space<vmem>>, vector<2048x256xf32>,
    %reduce_sum3A = arith.constant dense<0.000000e+00> : vector<256xf32>
    %reduce_sum3A_23 = vector.multi_reduction <add>, %dot_general3A_20, %reduce_sum3A [0] : vector<2048x256xf32> to vector<256xf32>
    %broadcast_in_dim3A = vector.shape_cast %reduce_sum3A_23 : vector<256xf32> to vector<1x256xf32>
    %mul3A_24 = arith.mulf %dot_general3A_20, %dot_general3A_20 : vector<2048x256xf32>
    %reduce_sum3A_25 = arith.constant dense<0.000000e+00> : vector<256xf32>
    %reduce_sum3A_26 = vector.multi_reduction <add>, %mul3A_24, %reduce_sum3A_25 [0] : vector<2048x256xf32> to vector<256xf32>
    %broadcast_in_dim3A_27 = vector.shape_cast %reduce_sum3A_26 : vector<256xf32> to vector<1x256xf32>
    %concatenate3A = tpu.concatenate %broadcast_in_dim3A, %broadcast_in_dim3A_27 in 0 : vector<1x256xf32>, vector<1x256xf32> -> vector<2x256xf32>
    %eq3A = arith.constant 0 : i32
    %eq3A_28 = arith.cmpi eq, %arg0, %eq3A : i32
    %convert_element_type3A = arith.extui %eq3A_28 : i1 to i32
    %cond3A = arith.constant 0 : i32
    %cond3A_29 = arith.cmpi ne, %convert_element_type3A, %cond3A : i32
    scf.if %cond3A_29 {
      %swap3A_34 = arith.constant 0 : index
      %swap3A_35 = arith.constant 0 : index
      %swap3A_36 = vector.load %arg6[%swap3A_34, %swap3A_35] : memref<2x256xf32, #tpu.memory_space<vmem>>, vector<2x256xf32>
      tpu.vector_store %arg6[%swap3A_34, %swap3A_35], %concatenate3A {strides = array<i32>} : memref<2x256xf32, #tpu.memory_space<vmem>>, vector<2x256xf32>,
    } else {
    }
    %gt3A = arith.constant 0 : i32
    %gt3A_30 = arith.cmpi sgt, %arg0, %gt3A : i32
    %convert_element_type3A_31 = arith.extui %gt3A_30 : i1 to i32
    %cond3A_32 = arith.constant 0 : i32
    %cond3A_33 = arith.cmpi ne, %convert_element_type3A_31, %cond3A_32 : i32
    scf.if %cond3A_33 {
      %get3A_34 = arith.constant 0 : index
      %get3A_35 = arith.constant 0 : index
      %get3A_36 = vector.load %arg6[%get3A_34, %get3A_35] : memref<2x256xf32, #tpu.memory_space<vmem>>, vector<2x256xf32>
      %add3A = arith.addf %get3A_36, %concatenate3A : vector<2x256xf32>
      %swap3A_37 = arith.constant 0 : index
      %swap3A_38 = arith.constant 0 : index
      %swap3A_39 = vector.load %arg6[%swap3A_37, %swap3A_38] : memref<2x256xf32, #tpu.memory_space<vmem>>, vector<2x256xf32>
      tpu.vector_store %arg6[%swap3A_37, %swap3A_38], %add3A {strides = array<i32>} : memref<2x256xf32, #tpu.memory_space<vmem>>, vector<2x256xf32>,
    } else {
    }
    return
  }
  func.func @transform_0(%arg0: i32) -> (i32, i32) {
    %c0_i32 = arith.constant 0 : i32
    %c0_i32_0 = arith.constant 0 : i32
    return %arg0, %c0_i32 : i32, i32
  }
  func.func @transform_1(%arg0: i32) -> (i32, i32) {
    %c0_i32 = arith.constant 0 : i32
    %c0_i32_0 = arith.constant 0 : i32
    %c0_i32_1 = arith.constant 0 : i32
    return %c0_i32, %c0_i32_0 : i32, i32
  }
  func.func @transform_2(%arg0: i32) -> (i32, i32) {
    %c0_i32 = arith.constant 0 : i32
    %c0_i32_0 = arith.constant 0 : i32
    %c0_i32_1 = arith.constant 0 : i32
    return %c0_i32, %c0_i32_0 : i32, i32
  }
  func.func @transform_3(%arg0: i32) -> (i32, i32) {
    %c0_i32 = arith.constant 0 : i32
    %c0_i32_0 = arith.constant 0 : i32
    %c0_i32_1 = arith.constant 0 : i32
    return %c0_i32, %c0_i32_0 : i32, i32
  }
  func.func @transform_4(%arg0: i32) -> (i32, i32) {
    %c0_i32 = arith.constant 0 : i32
    %c0_i32_0 = arith.constant 0 : i32
    return %arg0, %c0_i32 : i32, i32
  }
  func.func @transform_5(%arg0: i32) -> (i32, i32) {
    %c0_i32 = arith.constant 0 : i32
    %c0_i32_0 = arith.constant 0 : i32
    %c0_i32_1 = arith.constant 0 : i32
    return %c0_i32, %c0_i32_0 : i32, i32
  }
}

module attributes {stable_mosaic.version = 14 : i64} {
  func.func @_mm_stats_kernel(%arg0: i32, %arg1: memref<2048x3xf32, #tpu.memory_space<vmem>>, %arg2: memref<2x3xf32, #tpu.memory_space<vmem>>, %arg3: memref<3x128xf32, #tpu.memory_space<vmem>>, %arg4: memref<2048x128xf32, #tpu.memory_space<vmem>>, %arg5: memref<2x128xf32, #tpu.memory_space<vmem>>) attributes {dimension_semantics = [#tpu.dimension_semantics<arbitrary>], iteration_bounds = array<i64: 128>, scalar_prefetch = 0 : i64, scratch_operands = 0 : i64, tpu.core_type = #tpu.core_type<tc>, window_params = [{transform_indices = @transform_0, window_bounds = array<i64: 2048, 3>}, {pipeline_mode = #tpu.pipeline_mode<synchronous>, transform_indices = @transform_1, window_bounds = array<i64: 2, 3>}, {pipeline_mode = #tpu.pipeline_mode<synchronous>, transform_indices = @transform_2, window_bounds = array<i64: 3, 128>}, {transform_indices = @transform_3, window_bounds = array<i64: 2048, 128>}, {pipeline_mode = #tpu.pipeline_mode<synchronous>, transform_indices = @transform_4, window_bounds = array<i64: 2, 128>}]} {
    %get3A = arith.constant 0 : index
    %get3A_0 = arith.constant 0 : index
    %get3A_1 = vector.load %arg1[%get3A, %get3A_0] : memref<2048x3xf32, #tpu.memory_space<vmem>>, vector<2048x3xf32>
    %get3A_2 = arith.constant 0 : index
    %get3A_3 = arith.constant 0 : index
    %get3A_4 = vector.load %arg3[%get3A_2, %get3A_3] : memref<3x128xf32, #tpu.memory_space<vmem>>, vector<3x128xf32>
    %dot_general3A = arith.constant dense<0.000000e+00> : vector<2048x128xf32>
    %dot_general3A_5 = tpu.matmul %get3A_1, %get3A_4, %dot_general3A {dimension_numbers = #tpu.dot_dimension_numbers<[1], [0], [0], [1], [0, 0, 1, 1], [], []>, transpose_lhs_hint = false} : vector<2048x3xf32>, vector<3x128xf32>, vector<2048x128xf32> -> vector<2048x128xf32>
    %swap3A = arith.constant 0 : index
    %swap3A_6 = arith.constant 0 : index
    %swap3A_7 = vector.load %arg4[%swap3A, %swap3A_6] : memref<2048x128xf32, #tpu.memory_space<vmem>>, vector<2048x128xf32>
    tpu.vector_store %arg4[%swap3A, %swap3A_6], %dot_general3A_5 {strides = array<i32>} : memref<2048x128xf32, #tpu.memory_space<vmem>>, vector<2048x128xf32>,
    %reduce_sum3A = arith.constant dense<0.000000e+00> : vector<128xf32>
    %reduce_sum3A_8 = vector.multi_reduction <add>, %dot_general3A_5, %reduce_sum3A [0] : vector<2048x128xf32> to vector<128xf32>
    %broadcast_in_dim3A = vector.shape_cast %reduce_sum3A_8 : vector<128xf32> to vector<1x128xf32>
    %mul3A = arith.mulf %dot_general3A_5, %dot_general3A_5 : vector<2048x128xf32>
    %reduce_sum3A_9 = arith.constant dense<0.000000e+00> : vector<128xf32>
    %reduce_sum3A_10 = vector.multi_reduction <add>, %mul3A, %reduce_sum3A_9 [0] : vector<2048x128xf32> to vector<128xf32>
    %broadcast_in_dim3A_11 = vector.shape_cast %reduce_sum3A_10 : vector<128xf32> to vector<1x128xf32>
    %concatenate3A = tpu.concatenate %broadcast_in_dim3A, %broadcast_in_dim3A_11 in 0 : vector<1x128xf32>, vector<1x128xf32> -> vector<2x128xf32>
    %eq3A = arith.constant 0 : i32
    %eq3A_12 = arith.cmpi eq, %arg0, %eq3A : i32
    %convert_element_type3A = arith.extui %eq3A_12 : i1 to i32
    %cond3A = arith.constant 0 : i32
    %cond3A_13 = arith.cmpi ne, %convert_element_type3A, %cond3A : i32
    scf.if %cond3A_13 {
      %swap3A_18 = arith.constant 0 : index
      %swap3A_19 = arith.constant 0 : index
      %swap3A_20 = vector.load %arg5[%swap3A_18, %swap3A_19] : memref<2x128xf32, #tpu.memory_space<vmem>>, vector<2x128xf32>
      tpu.vector_store %arg5[%swap3A_18, %swap3A_19], %concatenate3A {strides = array<i32>} : memref<2x128xf32, #tpu.memory_space<vmem>>, vector<2x128xf32>,
    } else {
    }
    %gt3A = arith.constant 0 : i32
    %gt3A_14 = arith.cmpi sgt, %arg0, %gt3A : i32
    %convert_element_type3A_15 = arith.extui %gt3A_14 : i1 to i32
    %cond3A_16 = arith.constant 0 : i32
    %cond3A_17 = arith.cmpi ne, %convert_element_type3A_15, %cond3A_16 : i32
    scf.if %cond3A_17 {
      %get3A_18 = arith.constant 0 : index
      %get3A_19 = arith.constant 0 : index
      %get3A_20 = vector.load %arg5[%get3A_18, %get3A_19] : memref<2x128xf32, #tpu.memory_space<vmem>>, vector<2x128xf32>
      %add3A = arith.addf %get3A_20, %concatenate3A : vector<2x128xf32>
      %swap3A_21 = arith.constant 0 : index
      %swap3A_22 = arith.constant 0 : index
      %swap3A_23 = vector.load %arg5[%swap3A_21, %swap3A_22] : memref<2x128xf32, #tpu.memory_space<vmem>>, vector<2x128xf32>
      tpu.vector_store %arg5[%swap3A_21, %swap3A_22], %add3A {strides = array<i32>} : memref<2x128xf32, #tpu.memory_space<vmem>>, vector<2x128xf32>,
    } else {
    }
    return
  }
  func.func @transform_0(%arg0: i32) -> (i32, i32) {
    %c0_i32 = arith.constant 0 : i32
    %c0_i32_0 = arith.constant 0 : i32
    return %arg0, %c0_i32 : i32, i32
  }
  func.func @transform_1(%arg0: i32) -> (i32, i32) {
    %c0_i32 = arith.constant 0 : i32
    %c0_i32_0 = arith.constant 0 : i32
    %c0_i32_1 = arith.constant 0 : i32
    return %c0_i32, %c0_i32_0 : i32, i32
  }
  func.func @transform_2(%arg0: i32) -> (i32, i32) {
    %c0_i32 = arith.constant 0 : i32
    %c0_i32_0 = arith.constant 0 : i32
    %c0_i32_1 = arith.constant 0 : i32
    return %c0_i32, %c0_i32_0 : i32, i32
  }
  func.func @transform_3(%arg0: i32) -> (i32, i32) {
    %c0_i32 = arith.constant 0 : i32
    %c0_i32_0 = arith.constant 0 : i32
    return %arg0, %c0_i32 : i32, i32
  }
  func.func @transform_4(%arg0: i32) -> (i32, i32) {
    %c0_i32 = arith.constant 0 : i32
    %c0_i32_0 = arith.constant 0 : i32
    %c0_i32_1 = arith.constant 0 : i32
    return %c0_i32, %c0_i32_0 : i32, i32
  }
}

module attributes {stable_mosaic.version = 14 : i64} {
  func.func @_mm2_kernel(%arg0: i32, %arg1: memref<2048x3xf32, #tpu.memory_space<vmem>>, %arg2: memref<2x128xf32, #tpu.memory_space<vmem>>, %arg3: memref<3x128xf32, #tpu.memory_space<vmem>>, %arg4: memref<128x128xf32, #tpu.memory_space<vmem>>, %arg5: memref<2048x128xf32, #tpu.memory_space<vmem>>, %arg6: memref<2x128xf32, #tpu.memory_space<vmem>>) attributes {dimension_semantics = [#tpu.dimension_semantics<arbitrary>], iteration_bounds = array<i64: 128>, scalar_prefetch = 0 : i64, scratch_operands = 0 : i64, tpu.core_type = #tpu.core_type<tc>, window_params = [{transform_indices = @transform_0, window_bounds = array<i64: 2048, 3>}, {pipeline_mode = #tpu.pipeline_mode<synchronous>, transform_indices = @transform_1, window_bounds = array<i64: 2, 128>}, {pipeline_mode = #tpu.pipeline_mode<synchronous>, transform_indices = @transform_2, window_bounds = array<i64: 3, 128>}, {pipeline_mode = #tpu.pipeline_mode<synchronous>, transform_indices = @transform_3, window_bounds = array<i64: 128, 128>}, {transform_indices = @transform_4, window_bounds = array<i64: 2048, 128>}, {pipeline_mode = #tpu.pipeline_mode<synchronous>, transform_indices = @transform_5, window_bounds = array<i64: 2, 128>}]} {
    %get3A = arith.constant 0 : index
    %get3A_0 = arith.constant 0 : index
    %get3A_1 = vector.load %arg1[%get3A, %get3A_0] : memref<2048x3xf32, #tpu.memory_space<vmem>>, vector<2048x3xf32>
    %get3A_2 = arith.constant 0 : index
    %get3A_3 = arith.constant 0 : index
    %get3A_4 = vector.load %arg3[%get3A_2, %get3A_3] : memref<3x128xf32, #tpu.memory_space<vmem>>, vector<3x128xf32>
    %dot_general3A = arith.constant dense<0.000000e+00> : vector<2048x128xf32>
    %dot_general3A_5 = tpu.matmul %get3A_1, %get3A_4, %dot_general3A {dimension_numbers = #tpu.dot_dimension_numbers<[1], [0], [0], [1], [0, 0, 1, 1], [], []>, transpose_lhs_hint = false} : vector<2048x3xf32>, vector<3x128xf32>, vector<2048x128xf32> -> vector<2048x128xf32>
    %get3A_6 = arith.constant 0 : index
    %get3A_7 = arith.constant 0 : index
    %get3A_8 = vector.load %arg2[%get3A_6, %get3A_7] : memref<2x128xf32, #tpu.memory_space<vmem>>, vector<1x128xf32>
    %sub3A = vector.broadcast %get3A_8 : vector<1x128xf32> to vector<2048x128xf32>
    %sub3A_9 = arith.subf %dot_general3A_5, %sub3A : vector<2048x128xf32>
    %get3A_10 = arith.constant 1 : index
    %get3A_11 = arith.constant 0 : index
    %get3A_12 = vector.load %arg2[%get3A_10, %get3A_11] : memref<2x128xf32, #tpu.memory_space<vmem>>, vector<1x128xf32>
    %mul3A = vector.broadcast %get3A_12 : vector<1x128xf32> to vector<2048x128xf32>
    %mul3A_13 = arith.mulf %sub3A_9, %mul3A : vector<2048x128xf32>
    %max3A = arith.constant 0.000000e+00 : f32
    %max3A_14 = vector.broadcast %max3A : f32 to vector<2048x128xf32>
    %max3A_15 = arith.maximumf %mul3A_13, %max3A_14 : vector<2048x128xf32>
    %get3A_16 = arith.constant 0 : index
    %get3A_17 = arith.constant 0 : index
    %get3A_18 = vector.load %arg4[%get3A_16, %get3A_17] : memref<128x128xf32, #tpu.memory_space<vmem>>, vector<128x128xf32>
    %dot_general3A_19 = arith.constant dense<0.000000e+00> : vector<2048x128xf32>
    %dot_general3A_20 = tpu.matmul %max3A_15, %get3A_18, %dot_general3A_19 {dimension_numbers = #tpu.dot_dimension_numbers<[1], [0], [0], [1], [0, 0, 1, 1], [], []>, transpose_lhs_hint = false} : vector<2048x128xf32>, vector<128x128xf32>, vector<2048x128xf32> -> vector<2048x128xf32>
    %swap3A = arith.constant 0 : index
    %swap3A_21 = arith.constant 0 : index
    %swap3A_22 = vector.load %arg5[%swap3A, %swap3A_21] : memref<2048x128xf32, #tpu.memory_space<vmem>>, vector<2048x128xf32>
    tpu.vector_store %arg5[%swap3A, %swap3A_21], %dot_general3A_20 {strides = array<i32>} : memref<2048x128xf32, #tpu.memory_space<vmem>>, vector<2048x128xf32>,
    %reduce_sum3A = arith.constant dense<0.000000e+00> : vector<128xf32>
    %reduce_sum3A_23 = vector.multi_reduction <add>, %dot_general3A_20, %reduce_sum3A [0] : vector<2048x128xf32> to vector<128xf32>
    %broadcast_in_dim3A = vector.shape_cast %reduce_sum3A_23 : vector<128xf32> to vector<1x128xf32>
    %mul3A_24 = arith.mulf %dot_general3A_20, %dot_general3A_20 : vector<2048x128xf32>
    %reduce_sum3A_25 = arith.constant dense<0.000000e+00> : vector<128xf32>
    %reduce_sum3A_26 = vector.multi_reduction <add>, %mul3A_24, %reduce_sum3A_25 [0] : vector<2048x128xf32> to vector<128xf32>
    %broadcast_in_dim3A_27 = vector.shape_cast %reduce_sum3A_26 : vector<128xf32> to vector<1x128xf32>
    %concatenate3A = tpu.concatenate %broadcast_in_dim3A, %broadcast_in_dim3A_27 in 0 : vector<1x128xf32>, vector<1x128xf32> -> vector<2x128xf32>
    %eq3A = arith.constant 0 : i32
    %eq3A_28 = arith.cmpi eq, %arg0, %eq3A : i32
    %convert_element_type3A = arith.extui %eq3A_28 : i1 to i32
    %cond3A = arith.constant 0 : i32
    %cond3A_29 = arith.cmpi ne, %convert_element_type3A, %cond3A : i32
    scf.if %cond3A_29 {
      %swap3A_34 = arith.constant 0 : index
      %swap3A_35 = arith.constant 0 : index
      %swap3A_36 = vector.load %arg6[%swap3A_34, %swap3A_35] : memref<2x128xf32, #tpu.memory_space<vmem>>, vector<2x128xf32>
      tpu.vector_store %arg6[%swap3A_34, %swap3A_35], %concatenate3A {strides = array<i32>} : memref<2x128xf32, #tpu.memory_space<vmem>>, vector<2x128xf32>,
    } else {
    }
    %gt3A = arith.constant 0 : i32
    %gt3A_30 = arith.cmpi sgt, %arg0, %gt3A : i32
    %convert_element_type3A_31 = arith.extui %gt3A_30 : i1 to i32
    %cond3A_32 = arith.constant 0 : i32
    %cond3A_33 = arith.cmpi ne, %convert_element_type3A_31, %cond3A_32 : i32
    scf.if %cond3A_33 {
      %get3A_34 = arith.constant 0 : index
      %get3A_35 = arith.constant 0 : index
      %get3A_36 = vector.load %arg6[%get3A_34, %get3A_35] : memref<2x128xf32, #tpu.memory_space<vmem>>, vector<2x128xf32>
      %add3A = arith.addf %get3A_36, %concatenate3A : vector<2x128xf32>
      %swap3A_37 = arith.constant 0 : index
      %swap3A_38 = arith.constant 0 : index
      %swap3A_39 = vector.load %arg6[%swap3A_37, %swap3A_38] : memref<2x128xf32, #tpu.memory_space<vmem>>, vector<2x128xf32>
      tpu.vector_store %arg6[%swap3A_37, %swap3A_38], %add3A {strides = array<i32>} : memref<2x128xf32, #tpu.memory_space<vmem>>, vector<2x128xf32>,
    } else {
    }
    return
  }
  func.func @transform_0(%arg0: i32) -> (i32, i32) {
    %c0_i32 = arith.constant 0 : i32
    %c0_i32_0 = arith.constant 0 : i32
    return %arg0, %c0_i32 : i32, i32
  }
  func.func @transform_1(%arg0: i32) -> (i32, i32) {
    %c0_i32 = arith.constant 0 : i32
    %c0_i32_0 = arith.constant 0 : i32
    %c0_i32_1 = arith.constant 0 : i32
    return %c0_i32, %c0_i32_0 : i32, i32
  }
  func.func @transform_2(%arg0: i32) -> (i32, i32) {
    %c0_i32 = arith.constant 0 : i32
    %c0_i32_0 = arith.constant 0 : i32
    %c0_i32_1 = arith.constant 0 : i32
    return %c0_i32, %c0_i32_0 : i32, i32
  }
  func.func @transform_3(%arg0: i32) -> (i32, i32) {
    %c0_i32 = arith.constant 0 : i32
    %c0_i32_0 = arith.constant 0 : i32
    %c0_i32_1 = arith.constant 0 : i32
    return %c0_i32, %c0_i32_0 : i32, i32
  }
  func.func @transform_4(%arg0: i32) -> (i32, i32) {
    %c0_i32 = arith.constant 0 : i32
    %c0_i32_0 = arith.constant 0 : i32
    return %arg0, %c0_i32 : i32, i32
  }
  func.func @transform_5(%arg0: i32) -> (i32, i32) {
    %c0_i32 = arith.constant 0 : i32
    %c0_i32_0 = arith.constant 0 : i32
    %c0_i32_1 = arith.constant 0 : i32
    return %c0_i32, %c0_i32_0 : i32, i32
  }
}

module attributes {stable_mosaic.version = 14 : i64} {
  func.func @_mm_stats_kernel(%arg0: i32, %arg1: memref<2048x3xf32, #tpu.memory_space<vmem>>, %arg2: memref<2x3xf32, #tpu.memory_space<vmem>>, %arg3: memref<3x64xf32, #tpu.memory_space<vmem>>, %arg4: memref<2048x64xf32, #tpu.memory_space<vmem>>, %arg5: memref<2x64xf32, #tpu.memory_space<vmem>>) attributes {dimension_semantics = [#tpu.dimension_semantics<arbitrary>], iteration_bounds = array<i64: 256>, scalar_prefetch = 0 : i64, scratch_operands = 0 : i64, tpu.core_type = #tpu.core_type<tc>, window_params = [{transform_indices = @transform_0, window_bounds = array<i64: 2048, 3>}, {pipeline_mode = #tpu.pipeline_mode<synchronous>, transform_indices = @transform_1, window_bounds = array<i64: 2, 3>}, {pipeline_mode = #tpu.pipeline_mode<synchronous>, transform_indices = @transform_2, window_bounds = array<i64: 3, 64>}, {transform_indices = @transform_3, window_bounds = array<i64: 2048, 64>}, {pipeline_mode = #tpu.pipeline_mode<synchronous>, transform_indices = @transform_4, window_bounds = array<i64: 2, 64>}]} {
    %get3A = arith.constant 0 : index
    %get3A_0 = arith.constant 0 : index
    %get3A_1 = vector.load %arg1[%get3A, %get3A_0] : memref<2048x3xf32, #tpu.memory_space<vmem>>, vector<2048x3xf32>
    %get3A_2 = arith.constant 0 : index
    %get3A_3 = arith.constant 0 : index
    %get3A_4 = vector.load %arg3[%get3A_2, %get3A_3] : memref<3x64xf32, #tpu.memory_space<vmem>>, vector<3x64xf32>
    %dot_general3A = arith.constant dense<0.000000e+00> : vector<2048x64xf32>
    %dot_general3A_5 = tpu.matmul %get3A_1, %get3A_4, %dot_general3A {dimension_numbers = #tpu.dot_dimension_numbers<[1], [0], [0], [1], [0, 0, 1, 1], [], []>, transpose_lhs_hint = false} : vector<2048x3xf32>, vector<3x64xf32>, vector<2048x64xf32> -> vector<2048x64xf32>
    %swap3A = arith.constant 0 : index
    %swap3A_6 = arith.constant 0 : index
    %swap3A_7 = vector.load %arg4[%swap3A, %swap3A_6] : memref<2048x64xf32, #tpu.memory_space<vmem>>, vector<2048x64xf32>
    tpu.vector_store %arg4[%swap3A, %swap3A_6], %dot_general3A_5 {strides = array<i32>} : memref<2048x64xf32, #tpu.memory_space<vmem>>, vector<2048x64xf32>,
    %reduce_sum3A = arith.constant dense<0.000000e+00> : vector<64xf32>
    %reduce_sum3A_8 = vector.multi_reduction <add>, %dot_general3A_5, %reduce_sum3A [0] : vector<2048x64xf32> to vector<64xf32>
    %broadcast_in_dim3A = vector.shape_cast %reduce_sum3A_8 : vector<64xf32> to vector<1x64xf32>
    %mul3A = arith.mulf %dot_general3A_5, %dot_general3A_5 : vector<2048x64xf32>
    %reduce_sum3A_9 = arith.constant dense<0.000000e+00> : vector<64xf32>
    %reduce_sum3A_10 = vector.multi_reduction <add>, %mul3A, %reduce_sum3A_9 [0] : vector<2048x64xf32> to vector<64xf32>
    %broadcast_in_dim3A_11 = vector.shape_cast %reduce_sum3A_10 : vector<64xf32> to vector<1x64xf32>
    %concatenate3A = tpu.concatenate %broadcast_in_dim3A, %broadcast_in_dim3A_11 in 0 : vector<1x64xf32>, vector<1x64xf32> -> vector<2x64xf32>
    %eq3A = arith.constant 0 : i32
    %eq3A_12 = arith.cmpi eq, %arg0, %eq3A : i32
    %convert_element_type3A = arith.extui %eq3A_12 : i1 to i32
    %cond3A = arith.constant 0 : i32
    %cond3A_13 = arith.cmpi ne, %convert_element_type3A, %cond3A : i32
    scf.if %cond3A_13 {
      %swap3A_18 = arith.constant 0 : index
      %swap3A_19 = arith.constant 0 : index
      %swap3A_20 = vector.load %arg5[%swap3A_18, %swap3A_19] : memref<2x64xf32, #tpu.memory_space<vmem>>, vector<2x64xf32>
      tpu.vector_store %arg5[%swap3A_18, %swap3A_19], %concatenate3A {strides = array<i32>} : memref<2x64xf32, #tpu.memory_space<vmem>>, vector<2x64xf32>,
    } else {
    }
    %gt3A = arith.constant 0 : i32
    %gt3A_14 = arith.cmpi sgt, %arg0, %gt3A : i32
    %convert_element_type3A_15 = arith.extui %gt3A_14 : i1 to i32
    %cond3A_16 = arith.constant 0 : i32
    %cond3A_17 = arith.cmpi ne, %convert_element_type3A_15, %cond3A_16 : i32
    scf.if %cond3A_17 {
      %get3A_18 = arith.constant 0 : index
      %get3A_19 = arith.constant 0 : index
      %get3A_20 = vector.load %arg5[%get3A_18, %get3A_19] : memref<2x64xf32, #tpu.memory_space<vmem>>, vector<2x64xf32>
      %add3A = arith.addf %get3A_20, %concatenate3A : vector<2x64xf32>
      %swap3A_21 = arith.constant 0 : index
      %swap3A_22 = arith.constant 0 : index
      %swap3A_23 = vector.load %arg5[%swap3A_21, %swap3A_22] : memref<2x64xf32, #tpu.memory_space<vmem>>, vector<2x64xf32>
      tpu.vector_store %arg5[%swap3A_21, %swap3A_22], %add3A {strides = array<i32>} : memref<2x64xf32, #tpu.memory_space<vmem>>, vector<2x64xf32>,
    } else {
    }
    return
  }
  func.func @transform_0(%arg0: i32) -> (i32, i32) {
    %c0_i32 = arith.constant 0 : i32
    %c0_i32_0 = arith.constant 0 : i32
    return %arg0, %c0_i32 : i32, i32
  }
  func.func @transform_1(%arg0: i32) -> (i32, i32) {
    %c0_i32 = arith.constant 0 : i32
    %c0_i32_0 = arith.constant 0 : i32
    %c0_i32_1 = arith.constant 0 : i32
    return %c0_i32, %c0_i32_0 : i32, i32
  }
  func.func @transform_2(%arg0: i32) -> (i32, i32) {
    %c0_i32 = arith.constant 0 : i32
    %c0_i32_0 = arith.constant 0 : i32
    %c0_i32_1 = arith.constant 0 : i32
    return %c0_i32, %c0_i32_0 : i32, i32
  }
  func.func @transform_3(%arg0: i32) -> (i32, i32) {
    %c0_i32 = arith.constant 0 : i32
    %c0_i32_0 = arith.constant 0 : i32
    return %arg0, %c0_i32 : i32, i32
  }
  func.func @transform_4(%arg0: i32) -> (i32, i32) {
    %c0_i32 = arith.constant 0 : i32
    %c0_i32_0 = arith.constant 0 : i32
    %c0_i32_1 = arith.constant 0 : i32
    return %c0_i32, %c0_i32_0 : i32, i32
  }
}

module attributes {stable_mosaic.version = 14 : i64} {
  func.func @_mm2_kernel(%arg0: i32, %arg1: memref<2048x3xf32, #tpu.memory_space<vmem>>, %arg2: memref<2x64xf32, #tpu.memory_space<vmem>>, %arg3: memref<3x64xf32, #tpu.memory_space<vmem>>, %arg4: memref<64x64xf32, #tpu.memory_space<vmem>>, %arg5: memref<2048x64xf32, #tpu.memory_space<vmem>>, %arg6: memref<2x64xf32, #tpu.memory_space<vmem>>) attributes {dimension_semantics = [#tpu.dimension_semantics<arbitrary>], iteration_bounds = array<i64: 256>, scalar_prefetch = 0 : i64, scratch_operands = 0 : i64, tpu.core_type = #tpu.core_type<tc>, window_params = [{transform_indices = @transform_0, window_bounds = array<i64: 2048, 3>}, {pipeline_mode = #tpu.pipeline_mode<synchronous>, transform_indices = @transform_1, window_bounds = array<i64: 2, 64>}, {pipeline_mode = #tpu.pipeline_mode<synchronous>, transform_indices = @transform_2, window_bounds = array<i64: 3, 64>}, {pipeline_mode = #tpu.pipeline_mode<synchronous>, transform_indices = @transform_3, window_bounds = array<i64: 64, 64>}, {transform_indices = @transform_4, window_bounds = array<i64: 2048, 64>}, {pipeline_mode = #tpu.pipeline_mode<synchronous>, transform_indices = @transform_5, window_bounds = array<i64: 2, 64>}]} {
    %get3A = arith.constant 0 : index
    %get3A_0 = arith.constant 0 : index
    %get3A_1 = vector.load %arg1[%get3A, %get3A_0] : memref<2048x3xf32, #tpu.memory_space<vmem>>, vector<2048x3xf32>
    %get3A_2 = arith.constant 0 : index
    %get3A_3 = arith.constant 0 : index
    %get3A_4 = vector.load %arg3[%get3A_2, %get3A_3] : memref<3x64xf32, #tpu.memory_space<vmem>>, vector<3x64xf32>
    %dot_general3A = arith.constant dense<0.000000e+00> : vector<2048x64xf32>
    %dot_general3A_5 = tpu.matmul %get3A_1, %get3A_4, %dot_general3A {dimension_numbers = #tpu.dot_dimension_numbers<[1], [0], [0], [1], [0, 0, 1, 1], [], []>, transpose_lhs_hint = false} : vector<2048x3xf32>, vector<3x64xf32>, vector<2048x64xf32> -> vector<2048x64xf32>
    %get3A_6 = arith.constant 0 : index
    %get3A_7 = arith.constant 0 : index
    %get3A_8 = vector.load %arg2[%get3A_6, %get3A_7] : memref<2x64xf32, #tpu.memory_space<vmem>>, vector<1x64xf32>
    %sub3A = vector.broadcast %get3A_8 : vector<1x64xf32> to vector<2048x64xf32>
    %sub3A_9 = arith.subf %dot_general3A_5, %sub3A : vector<2048x64xf32>
    %get3A_10 = arith.constant 1 : index
    %get3A_11 = arith.constant 0 : index
    %get3A_12 = vector.load %arg2[%get3A_10, %get3A_11] : memref<2x64xf32, #tpu.memory_space<vmem>>, vector<1x64xf32>
    %mul3A = vector.broadcast %get3A_12 : vector<1x64xf32> to vector<2048x64xf32>
    %mul3A_13 = arith.mulf %sub3A_9, %mul3A : vector<2048x64xf32>
    %max3A = arith.constant 0.000000e+00 : f32
    %max3A_14 = vector.broadcast %max3A : f32 to vector<2048x64xf32>
    %max3A_15 = arith.maximumf %mul3A_13, %max3A_14 : vector<2048x64xf32>
    %get3A_16 = arith.constant 0 : index
    %get3A_17 = arith.constant 0 : index
    %get3A_18 = vector.load %arg4[%get3A_16, %get3A_17] : memref<64x64xf32, #tpu.memory_space<vmem>>, vector<64x64xf32>
    %dot_general3A_19 = arith.constant dense<0.000000e+00> : vector<2048x64xf32>
    %dot_general3A_20 = tpu.matmul %max3A_15, %get3A_18, %dot_general3A_19 {dimension_numbers = #tpu.dot_dimension_numbers<[1], [0], [0], [1], [0, 0, 1, 1], [], []>, transpose_lhs_hint = false} : vector<2048x64xf32>, vector<64x64xf32>, vector<2048x64xf32> -> vector<2048x64xf32>
    %swap3A = arith.constant 0 : index
    %swap3A_21 = arith.constant 0 : index
    %swap3A_22 = vector.load %arg5[%swap3A, %swap3A_21] : memref<2048x64xf32, #tpu.memory_space<vmem>>, vector<2048x64xf32>
    tpu.vector_store %arg5[%swap3A, %swap3A_21], %dot_general3A_20 {strides = array<i32>} : memref<2048x64xf32, #tpu.memory_space<vmem>>, vector<2048x64xf32>,
    %reduce_sum3A = arith.constant dense<0.000000e+00> : vector<64xf32>
    %reduce_sum3A_23 = vector.multi_reduction <add>, %dot_general3A_20, %reduce_sum3A [0] : vector<2048x64xf32> to vector<64xf32>
    %broadcast_in_dim3A = vector.shape_cast %reduce_sum3A_23 : vector<64xf32> to vector<1x64xf32>
    %mul3A_24 = arith.mulf %dot_general3A_20, %dot_general3A_20 : vector<2048x64xf32>
    %reduce_sum3A_25 = arith.constant dense<0.000000e+00> : vector<64xf32>
    %reduce_sum3A_26 = vector.multi_reduction <add>, %mul3A_24, %reduce_sum3A_25 [0] : vector<2048x64xf32> to vector<64xf32>
    %broadcast_in_dim3A_27 = vector.shape_cast %reduce_sum3A_26 : vector<64xf32> to vector<1x64xf32>
    %concatenate3A = tpu.concatenate %broadcast_in_dim3A, %broadcast_in_dim3A_27 in 0 : vector<1x64xf32>, vector<1x64xf32> -> vector<2x64xf32>
    %eq3A = arith.constant 0 : i32
    %eq3A_28 = arith.cmpi eq, %arg0, %eq3A : i32
    %convert_element_type3A = arith.extui %eq3A_28 : i1 to i32
    %cond3A = arith.constant 0 : i32
    %cond3A_29 = arith.cmpi ne, %convert_element_type3A, %cond3A : i32
    scf.if %cond3A_29 {
      %swap3A_34 = arith.constant 0 : index
      %swap3A_35 = arith.constant 0 : index
      %swap3A_36 = vector.load %arg6[%swap3A_34, %swap3A_35] : memref<2x64xf32, #tpu.memory_space<vmem>>, vector<2x64xf32>
      tpu.vector_store %arg6[%swap3A_34, %swap3A_35], %concatenate3A {strides = array<i32>} : memref<2x64xf32, #tpu.memory_space<vmem>>, vector<2x64xf32>,
    } else {
    }
    %gt3A = arith.constant 0 : i32
    %gt3A_30 = arith.cmpi sgt, %arg0, %gt3A : i32
    %convert_element_type3A_31 = arith.extui %gt3A_30 : i1 to i32
    %cond3A_32 = arith.constant 0 : i32
    %cond3A_33 = arith.cmpi ne, %convert_element_type3A_31, %cond3A_32 : i32
    scf.if %cond3A_33 {
      %get3A_34 = arith.constant 0 : index
      %get3A_35 = arith.constant 0 : index
      %get3A_36 = vector.load %arg6[%get3A_34, %get3A_35] : memref<2x64xf32, #tpu.memory_space<vmem>>, vector<2x64xf32>
      %add3A = arith.addf %get3A_36, %concatenate3A : vector<2x64xf32>
      %swap3A_37 = arith.constant 0 : index
      %swap3A_38 = arith.constant 0 : index
      %swap3A_39 = vector.load %arg6[%swap3A_37, %swap3A_38] : memref<2x64xf32, #tpu.memory_space<vmem>>, vector<2x64xf32>
      tpu.vector_store %arg6[%swap3A_37, %swap3A_38], %add3A {strides = array<i32>} : memref<2x64xf32, #tpu.memory_space<vmem>>, vector<2x64xf32>,
    } else {
    }
    return
  }
  func.func @transform_0(%arg0: i32) -> (i32, i32) {
    %c0_i32 = arith.constant 0 : i32
    %c0_i32_0 = arith.constant 0 : i32
    return %arg0, %c0_i32 : i32, i32
  }
  func.func @transform_1(%arg0: i32) -> (i32, i32) {
    %c0_i32 = arith.constant 0 : i32
    %c0_i32_0 = arith.constant 0 : i32
    %c0_i32_1 = arith.constant 0 : i32
    return %c0_i32, %c0_i32_0 : i32, i32
  }
  func.func @transform_2(%arg0: i32) -> (i32, i32) {
    %c0_i32 = arith.constant 0 : i32
    %c0_i32_0 = arith.constant 0 : i32
    %c0_i32_1 = arith.constant 0 : i32
    return %c0_i32, %c0_i32_0 : i32, i32
  }
  func.func @transform_3(%arg0: i32) -> (i32, i32) {
    %c0_i32 = arith.constant 0 : i32
    %c0_i32_0 = arith.constant 0 : i32
    %c0_i32_1 = arith.constant 0 : i32
    return %c0_i32, %c0_i32_0 : i32, i32
  }
  func.func @transform_4(%arg0: i32) -> (i32, i32) {
    %c0_i32 = arith.constant 0 : i32
    %c0_i32_0 = arith.constant 0 : i32
    return %arg0, %c0_i32 : i32, i32
  }
  func.func @transform_5(%arg0: i32) -> (i32, i32) {
    %c0_i32 = arith.constant 0 : i32
    %c0_i32_0 = arith.constant 0 : i32
    %c0_i32_1 = arith.constant 0 : i32
    return %c0_i32, %c0_i32_0 : i32, i32
  }
}

module attributes {stable_mosaic.version = 14 : i64} {
  func.func @_mm_stats_kernel(%arg0: i32, %arg1: memref<2048x256xf32, #tpu.memory_space<vmem>>, %arg2: memref<2x256xf32, #tpu.memory_space<vmem>>, %arg3: memref<256x512xf32, #tpu.memory_space<vmem>>, %arg4: memref<2048x512xf32, #tpu.memory_space<vmem>>, %arg5: memref<2x512xf32, #tpu.memory_space<vmem>>) attributes {dimension_semantics = [#tpu.dimension_semantics<arbitrary>], iteration_bounds = array<i64: 128>, scalar_prefetch = 0 : i64, scratch_operands = 0 : i64, tpu.core_type = #tpu.core_type<tc>, window_params = [{transform_indices = @transform_0, window_bounds = array<i64: 2048, 256>}, {pipeline_mode = #tpu.pipeline_mode<synchronous>, transform_indices = @transform_1, window_bounds = array<i64: 2, 256>}, {pipeline_mode = #tpu.pipeline_mode<synchronous>, transform_indices = @transform_2, window_bounds = array<i64: 256, 512>}, {transform_indices = @transform_3, window_bounds = array<i64: 2048, 512>}, {pipeline_mode = #tpu.pipeline_mode<synchronous>, transform_indices = @transform_4, window_bounds = array<i64: 2, 512>}]} {
    %get3A = arith.constant 0 : index
    %get3A_0 = arith.constant 0 : index
    %get3A_1 = vector.load %arg1[%get3A, %get3A_0] : memref<2048x256xf32, #tpu.memory_space<vmem>>, vector<2048x256xf32>
    %get3A_2 = arith.constant 0 : index
    %get3A_3 = arith.constant 0 : index
    %get3A_4 = vector.load %arg2[%get3A_2, %get3A_3] : memref<2x256xf32, #tpu.memory_space<vmem>>, vector<1x256xf32>
    %get3A_5 = arith.constant 1 : index
    %get3A_6 = arith.constant 0 : index
    %get3A_7 = vector.load %arg2[%get3A_5, %get3A_6] : memref<2x256xf32, #tpu.memory_space<vmem>>, vector<1x256xf32>
    %sub3A = vector.broadcast %get3A_4 : vector<1x256xf32> to vector<2048x256xf32>
    %sub3A_8 = arith.subf %get3A_1, %sub3A : vector<2048x256xf32>
    %mul3A = vector.broadcast %get3A_7 : vector<1x256xf32> to vector<2048x256xf32>
    %mul3A_9 = arith.mulf %sub3A_8, %mul3A : vector<2048x256xf32>
    %max3A = arith.constant 0.000000e+00 : f32
    %max3A_10 = vector.broadcast %max3A : f32 to vector<2048x256xf32>
    %max3A_11 = arith.maximumf %mul3A_9, %max3A_10 : vector<2048x256xf32>
    %get3A_12 = arith.constant 0 : index
    %get3A_13 = arith.constant 0 : index
    %get3A_14 = vector.load %arg3[%get3A_12, %get3A_13] : memref<256x512xf32, #tpu.memory_space<vmem>>, vector<256x512xf32>
    %dot_general3A = arith.constant dense<0.000000e+00> : vector<2048x512xf32>
    %dot_general3A_15 = tpu.matmul %max3A_11, %get3A_14, %dot_general3A {dimension_numbers = #tpu.dot_dimension_numbers<[1], [0], [0], [1], [0, 0, 1, 1], [], []>, transpose_lhs_hint = false} : vector<2048x256xf32>, vector<256x512xf32>, vector<2048x512xf32> -> vector<2048x512xf32>
    %swap3A = arith.constant 0 : index
    %swap3A_16 = arith.constant 0 : index
    %swap3A_17 = vector.load %arg4[%swap3A, %swap3A_16] : memref<2048x512xf32, #tpu.memory_space<vmem>>, vector<2048x512xf32>
    tpu.vector_store %arg4[%swap3A, %swap3A_16], %dot_general3A_15 {strides = array<i32>} : memref<2048x512xf32, #tpu.memory_space<vmem>>, vector<2048x512xf32>,
    %reduce_sum3A = arith.constant dense<0.000000e+00> : vector<512xf32>
    %reduce_sum3A_18 = vector.multi_reduction <add>, %dot_general3A_15, %reduce_sum3A [0] : vector<2048x512xf32> to vector<512xf32>
    %broadcast_in_dim3A = vector.shape_cast %reduce_sum3A_18 : vector<512xf32> to vector<1x512xf32>
    %mul3A_19 = arith.mulf %dot_general3A_15, %dot_general3A_15 : vector<2048x512xf32>
    %reduce_sum3A_20 = arith.constant dense<0.000000e+00> : vector<512xf32>
    %reduce_sum3A_21 = vector.multi_reduction <add>, %mul3A_19, %reduce_sum3A_20 [0] : vector<2048x512xf32> to vector<512xf32>
    %broadcast_in_dim3A_22 = vector.shape_cast %reduce_sum3A_21 : vector<512xf32> to vector<1x512xf32>
    %concatenate3A = tpu.concatenate %broadcast_in_dim3A, %broadcast_in_dim3A_22 in 0 : vector<1x512xf32>, vector<1x512xf32> -> vector<2x512xf32>
    %eq3A = arith.constant 0 : i32
    %eq3A_23 = arith.cmpi eq, %arg0, %eq3A : i32
    %convert_element_type3A = arith.extui %eq3A_23 : i1 to i32
    %cond3A = arith.constant 0 : i32
    %cond3A_24 = arith.cmpi ne, %convert_element_type3A, %cond3A : i32
    scf.if %cond3A_24 {
      %swap3A_29 = arith.constant 0 : index
      %swap3A_30 = arith.constant 0 : index
      %swap3A_31 = vector.load %arg5[%swap3A_29, %swap3A_30] : memref<2x512xf32, #tpu.memory_space<vmem>>, vector<2x512xf32>
      tpu.vector_store %arg5[%swap3A_29, %swap3A_30], %concatenate3A {strides = array<i32>} : memref<2x512xf32, #tpu.memory_space<vmem>>, vector<2x512xf32>,
    } else {
    }
    %gt3A = arith.constant 0 : i32
    %gt3A_25 = arith.cmpi sgt, %arg0, %gt3A : i32
    %convert_element_type3A_26 = arith.extui %gt3A_25 : i1 to i32
    %cond3A_27 = arith.constant 0 : i32
    %cond3A_28 = arith.cmpi ne, %convert_element_type3A_26, %cond3A_27 : i32
    scf.if %cond3A_28 {
      %get3A_29 = arith.constant 0 : index
      %get3A_30 = arith.constant 0 : index
      %get3A_31 = vector.load %arg5[%get3A_29, %get3A_30] : memref<2x512xf32, #tpu.memory_space<vmem>>, vector<2x512xf32>
      %add3A = arith.addf %get3A_31, %concatenate3A : vector<2x512xf32>
      %swap3A_32 = arith.constant 0 : index
      %swap3A_33 = arith.constant 0 : index
      %swap3A_34 = vector.load %arg5[%swap3A_32, %swap3A_33] : memref<2x512xf32, #tpu.memory_space<vmem>>, vector<2x512xf32>
      tpu.vector_store %arg5[%swap3A_32, %swap3A_33], %add3A {strides = array<i32>} : memref<2x512xf32, #tpu.memory_space<vmem>>, vector<2x512xf32>,
    } else {
    }
    return
  }
  func.func @transform_0(%arg0: i32) -> (i32, i32) {
    %c0_i32 = arith.constant 0 : i32
    %c0_i32_0 = arith.constant 0 : i32
    return %arg0, %c0_i32 : i32, i32
  }
  func.func @transform_1(%arg0: i32) -> (i32, i32) {
    %c0_i32 = arith.constant 0 : i32
    %c0_i32_0 = arith.constant 0 : i32
    %c0_i32_1 = arith.constant 0 : i32
    return %c0_i32, %c0_i32_0 : i32, i32
  }
  func.func @transform_2(%arg0: i32) -> (i32, i32) {
    %c0_i32 = arith.constant 0 : i32
    %c0_i32_0 = arith.constant 0 : i32
    %c0_i32_1 = arith.constant 0 : i32
    return %c0_i32, %c0_i32_0 : i32, i32
  }
  func.func @transform_3(%arg0: i32) -> (i32, i32) {
    %c0_i32 = arith.constant 0 : i32
    %c0_i32_0 = arith.constant 0 : i32
    return %arg0, %c0_i32 : i32, i32
  }
  func.func @transform_4(%arg0: i32) -> (i32, i32) {
    %c0_i32 = arith.constant 0 : i32
    %c0_i32_0 = arith.constant 0 : i32
    %c0_i32_1 = arith.constant 0 : i32
    return %c0_i32, %c0_i32_0 : i32, i32
  }
}

module attributes {stable_mosaic.version = 14 : i64} {
  func.func @_mm_stats_kernel(%arg0: i32, %arg1: memref<2048x128xf32, #tpu.memory_space<vmem>>, %arg2: memref<2x128xf32, #tpu.memory_space<vmem>>, %arg3: memref<128x256xf32, #tpu.memory_space<vmem>>, %arg4: memref<2048x256xf32, #tpu.memory_space<vmem>>, %arg5: memref<2x256xf32, #tpu.memory_space<vmem>>) attributes {dimension_semantics = [#tpu.dimension_semantics<arbitrary>], iteration_bounds = array<i64: 128>, scalar_prefetch = 0 : i64, scratch_operands = 0 : i64, tpu.core_type = #tpu.core_type<tc>, window_params = [{transform_indices = @transform_0, window_bounds = array<i64: 2048, 128>}, {pipeline_mode = #tpu.pipeline_mode<synchronous>, transform_indices = @transform_1, window_bounds = array<i64: 2, 128>}, {pipeline_mode = #tpu.pipeline_mode<synchronous>, transform_indices = @transform_2, window_bounds = array<i64: 128, 256>}, {transform_indices = @transform_3, window_bounds = array<i64: 2048, 256>}, {pipeline_mode = #tpu.pipeline_mode<synchronous>, transform_indices = @transform_4, window_bounds = array<i64: 2, 256>}]} {
    %get3A = arith.constant 0 : index
    %get3A_0 = arith.constant 0 : index
    %get3A_1 = vector.load %arg1[%get3A, %get3A_0] : memref<2048x128xf32, #tpu.memory_space<vmem>>, vector<2048x128xf32>
    %get3A_2 = arith.constant 0 : index
    %get3A_3 = arith.constant 0 : index
    %get3A_4 = vector.load %arg2[%get3A_2, %get3A_3] : memref<2x128xf32, #tpu.memory_space<vmem>>, vector<1x128xf32>
    %get3A_5 = arith.constant 1 : index
    %get3A_6 = arith.constant 0 : index
    %get3A_7 = vector.load %arg2[%get3A_5, %get3A_6] : memref<2x128xf32, #tpu.memory_space<vmem>>, vector<1x128xf32>
    %sub3A = vector.broadcast %get3A_4 : vector<1x128xf32> to vector<2048x128xf32>
    %sub3A_8 = arith.subf %get3A_1, %sub3A : vector<2048x128xf32>
    %mul3A = vector.broadcast %get3A_7 : vector<1x128xf32> to vector<2048x128xf32>
    %mul3A_9 = arith.mulf %sub3A_8, %mul3A : vector<2048x128xf32>
    %max3A = arith.constant 0.000000e+00 : f32
    %max3A_10 = vector.broadcast %max3A : f32 to vector<2048x128xf32>
    %max3A_11 = arith.maximumf %mul3A_9, %max3A_10 : vector<2048x128xf32>
    %get3A_12 = arith.constant 0 : index
    %get3A_13 = arith.constant 0 : index
    %get3A_14 = vector.load %arg3[%get3A_12, %get3A_13] : memref<128x256xf32, #tpu.memory_space<vmem>>, vector<128x256xf32>
    %dot_general3A = arith.constant dense<0.000000e+00> : vector<2048x256xf32>
    %dot_general3A_15 = tpu.matmul %max3A_11, %get3A_14, %dot_general3A {dimension_numbers = #tpu.dot_dimension_numbers<[1], [0], [0], [1], [0, 0, 1, 1], [], []>, transpose_lhs_hint = false} : vector<2048x128xf32>, vector<128x256xf32>, vector<2048x256xf32> -> vector<2048x256xf32>
    %swap3A = arith.constant 0 : index
    %swap3A_16 = arith.constant 0 : index
    %swap3A_17 = vector.load %arg4[%swap3A, %swap3A_16] : memref<2048x256xf32, #tpu.memory_space<vmem>>, vector<2048x256xf32>
    tpu.vector_store %arg4[%swap3A, %swap3A_16], %dot_general3A_15 {strides = array<i32>} : memref<2048x256xf32, #tpu.memory_space<vmem>>, vector<2048x256xf32>,
    %reduce_sum3A = arith.constant dense<0.000000e+00> : vector<256xf32>
    %reduce_sum3A_18 = vector.multi_reduction <add>, %dot_general3A_15, %reduce_sum3A [0] : vector<2048x256xf32> to vector<256xf32>
    %broadcast_in_dim3A = vector.shape_cast %reduce_sum3A_18 : vector<256xf32> to vector<1x256xf32>
    %mul3A_19 = arith.mulf %dot_general3A_15, %dot_general3A_15 : vector<2048x256xf32>
    %reduce_sum3A_20 = arith.constant dense<0.000000e+00> : vector<256xf32>
    %reduce_sum3A_21 = vector.multi_reduction <add>, %mul3A_19, %reduce_sum3A_20 [0] : vector<2048x256xf32> to vector<256xf32>
    %broadcast_in_dim3A_22 = vector.shape_cast %reduce_sum3A_21 : vector<256xf32> to vector<1x256xf32>
    %concatenate3A = tpu.concatenate %broadcast_in_dim3A, %broadcast_in_dim3A_22 in 0 : vector<1x256xf32>, vector<1x256xf32> -> vector<2x256xf32>
    %eq3A = arith.constant 0 : i32
    %eq3A_23 = arith.cmpi eq, %arg0, %eq3A : i32
    %convert_element_type3A = arith.extui %eq3A_23 : i1 to i32
    %cond3A = arith.constant 0 : i32
    %cond3A_24 = arith.cmpi ne, %convert_element_type3A, %cond3A : i32
    scf.if %cond3A_24 {
      %swap3A_29 = arith.constant 0 : index
      %swap3A_30 = arith.constant 0 : index
      %swap3A_31 = vector.load %arg5[%swap3A_29, %swap3A_30] : memref<2x256xf32, #tpu.memory_space<vmem>>, vector<2x256xf32>
      tpu.vector_store %arg5[%swap3A_29, %swap3A_30], %concatenate3A {strides = array<i32>} : memref<2x256xf32, #tpu.memory_space<vmem>>, vector<2x256xf32>,
    } else {
    }
    %gt3A = arith.constant 0 : i32
    %gt3A_25 = arith.cmpi sgt, %arg0, %gt3A : i32
    %convert_element_type3A_26 = arith.extui %gt3A_25 : i1 to i32
    %cond3A_27 = arith.constant 0 : i32
    %cond3A_28 = arith.cmpi ne, %convert_element_type3A_26, %cond3A_27 : i32
    scf.if %cond3A_28 {
      %get3A_29 = arith.constant 0 : index
      %get3A_30 = arith.constant 0 : index
      %get3A_31 = vector.load %arg5[%get3A_29, %get3A_30] : memref<2x256xf32, #tpu.memory_space<vmem>>, vector<2x256xf32>
      %add3A = arith.addf %get3A_31, %concatenate3A : vector<2x256xf32>
      %swap3A_32 = arith.constant 0 : index
      %swap3A_33 = arith.constant 0 : index
      %swap3A_34 = vector.load %arg5[%swap3A_32, %swap3A_33] : memref<2x256xf32, #tpu.memory_space<vmem>>, vector<2x256xf32>
      tpu.vector_store %arg5[%swap3A_32, %swap3A_33], %add3A {strides = array<i32>} : memref<2x256xf32, #tpu.memory_space<vmem>>, vector<2x256xf32>,
    } else {
    }
    return
  }
  func.func @transform_0(%arg0: i32) -> (i32, i32) {
    %c0_i32 = arith.constant 0 : i32
    %c0_i32_0 = arith.constant 0 : i32
    return %arg0, %c0_i32 : i32, i32
  }
  func.func @transform_1(%arg0: i32) -> (i32, i32) {
    %c0_i32 = arith.constant 0 : i32
    %c0_i32_0 = arith.constant 0 : i32
    %c0_i32_1 = arith.constant 0 : i32
    return %c0_i32, %c0_i32_0 : i32, i32
  }
  func.func @transform_2(%arg0: i32) -> (i32, i32) {
    %c0_i32 = arith.constant 0 : i32
    %c0_i32_0 = arith.constant 0 : i32
    %c0_i32_1 = arith.constant 0 : i32
    return %c0_i32, %c0_i32_0 : i32, i32
  }
  func.func @transform_3(%arg0: i32) -> (i32, i32) {
    %c0_i32 = arith.constant 0 : i32
    %c0_i32_0 = arith.constant 0 : i32
    return %arg0, %c0_i32 : i32, i32
  }
  func.func @transform_4(%arg0: i32) -> (i32, i32) {
    %c0_i32 = arith.constant 0 : i32
    %c0_i32_0 = arith.constant 0 : i32
    %c0_i32_1 = arith.constant 0 : i32
    return %c0_i32, %c0_i32_0 : i32, i32
  }
}

module attributes {stable_mosaic.version = 14 : i64} {
  func.func @_mm_stats_kernel(%arg0: i32, %arg1: memref<2048x64xf32, #tpu.memory_space<vmem>>, %arg2: memref<2x64xf32, #tpu.memory_space<vmem>>, %arg3: memref<64x128xf32, #tpu.memory_space<vmem>>, %arg4: memref<2048x128xf32, #tpu.memory_space<vmem>>, %arg5: memref<2x128xf32, #tpu.memory_space<vmem>>) attributes {dimension_semantics = [#tpu.dimension_semantics<arbitrary>], iteration_bounds = array<i64: 256>, scalar_prefetch = 0 : i64, scratch_operands = 0 : i64, tpu.core_type = #tpu.core_type<tc>, window_params = [{transform_indices = @transform_0, window_bounds = array<i64: 2048, 64>}, {pipeline_mode = #tpu.pipeline_mode<synchronous>, transform_indices = @transform_1, window_bounds = array<i64: 2, 64>}, {pipeline_mode = #tpu.pipeline_mode<synchronous>, transform_indices = @transform_2, window_bounds = array<i64: 64, 128>}, {transform_indices = @transform_3, window_bounds = array<i64: 2048, 128>}, {pipeline_mode = #tpu.pipeline_mode<synchronous>, transform_indices = @transform_4, window_bounds = array<i64: 2, 128>}]} {
    %get3A = arith.constant 0 : index
    %get3A_0 = arith.constant 0 : index
    %get3A_1 = vector.load %arg1[%get3A, %get3A_0] : memref<2048x64xf32, #tpu.memory_space<vmem>>, vector<2048x64xf32>
    %get3A_2 = arith.constant 0 : index
    %get3A_3 = arith.constant 0 : index
    %get3A_4 = vector.load %arg2[%get3A_2, %get3A_3] : memref<2x64xf32, #tpu.memory_space<vmem>>, vector<1x64xf32>
    %get3A_5 = arith.constant 1 : index
    %get3A_6 = arith.constant 0 : index
    %get3A_7 = vector.load %arg2[%get3A_5, %get3A_6] : memref<2x64xf32, #tpu.memory_space<vmem>>, vector<1x64xf32>
    %sub3A = vector.broadcast %get3A_4 : vector<1x64xf32> to vector<2048x64xf32>
    %sub3A_8 = arith.subf %get3A_1, %sub3A : vector<2048x64xf32>
    %mul3A = vector.broadcast %get3A_7 : vector<1x64xf32> to vector<2048x64xf32>
    %mul3A_9 = arith.mulf %sub3A_8, %mul3A : vector<2048x64xf32>
    %max3A = arith.constant 0.000000e+00 : f32
    %max3A_10 = vector.broadcast %max3A : f32 to vector<2048x64xf32>
    %max3A_11 = arith.maximumf %mul3A_9, %max3A_10 : vector<2048x64xf32>
    %get3A_12 = arith.constant 0 : index
    %get3A_13 = arith.constant 0 : index
    %get3A_14 = vector.load %arg3[%get3A_12, %get3A_13] : memref<64x128xf32, #tpu.memory_space<vmem>>, vector<64x128xf32>
    %dot_general3A = arith.constant dense<0.000000e+00> : vector<2048x128xf32>
    %dot_general3A_15 = tpu.matmul %max3A_11, %get3A_14, %dot_general3A {dimension_numbers = #tpu.dot_dimension_numbers<[1], [0], [0], [1], [0, 0, 1, 1], [], []>, transpose_lhs_hint = false} : vector<2048x64xf32>, vector<64x128xf32>, vector<2048x128xf32> -> vector<2048x128xf32>
    %swap3A = arith.constant 0 : index
    %swap3A_16 = arith.constant 0 : index
    %swap3A_17 = vector.load %arg4[%swap3A, %swap3A_16] : memref<2048x128xf32, #tpu.memory_space<vmem>>, vector<2048x128xf32>
    tpu.vector_store %arg4[%swap3A, %swap3A_16], %dot_general3A_15 {strides = array<i32>} : memref<2048x128xf32, #tpu.memory_space<vmem>>, vector<2048x128xf32>,
    %reduce_sum3A = arith.constant dense<0.000000e+00> : vector<128xf32>
    %reduce_sum3A_18 = vector.multi_reduction <add>, %dot_general3A_15, %reduce_sum3A [0] : vector<2048x128xf32> to vector<128xf32>
    %broadcast_in_dim3A = vector.shape_cast %reduce_sum3A_18 : vector<128xf32> to vector<1x128xf32>
    %mul3A_19 = arith.mulf %dot_general3A_15, %dot_general3A_15 : vector<2048x128xf32>
    %reduce_sum3A_20 = arith.constant dense<0.000000e+00> : vector<128xf32>
    %reduce_sum3A_21 = vector.multi_reduction <add>, %mul3A_19, %reduce_sum3A_20 [0] : vector<2048x128xf32> to vector<128xf32>
    %broadcast_in_dim3A_22 = vector.shape_cast %reduce_sum3A_21 : vector<128xf32> to vector<1x128xf32>
    %concatenate3A = tpu.concatenate %broadcast_in_dim3A, %broadcast_in_dim3A_22 in 0 : vector<1x128xf32>, vector<1x128xf32> -> vector<2x128xf32>
    %eq3A = arith.constant 0 : i32
    %eq3A_23 = arith.cmpi eq, %arg0, %eq3A : i32
    %convert_element_type3A = arith.extui %eq3A_23 : i1 to i32
    %cond3A = arith.constant 0 : i32
    %cond3A_24 = arith.cmpi ne, %convert_element_type3A, %cond3A : i32
    scf.if %cond3A_24 {
      %swap3A_29 = arith.constant 0 : index
      %swap3A_30 = arith.constant 0 : index
      %swap3A_31 = vector.load %arg5[%swap3A_29, %swap3A_30] : memref<2x128xf32, #tpu.memory_space<vmem>>, vector<2x128xf32>
      tpu.vector_store %arg5[%swap3A_29, %swap3A_30], %concatenate3A {strides = array<i32>} : memref<2x128xf32, #tpu.memory_space<vmem>>, vector<2x128xf32>,
    } else {
    }
    %gt3A = arith.constant 0 : i32
    %gt3A_25 = arith.cmpi sgt, %arg0, %gt3A : i32
    %convert_element_type3A_26 = arith.extui %gt3A_25 : i1 to i32
    %cond3A_27 = arith.constant 0 : i32
    %cond3A_28 = arith.cmpi ne, %convert_element_type3A_26, %cond3A_27 : i32
    scf.if %cond3A_28 {
      %get3A_29 = arith.constant 0 : index
      %get3A_30 = arith.constant 0 : index
      %get3A_31 = vector.load %arg5[%get3A_29, %get3A_30] : memref<2x128xf32, #tpu.memory_space<vmem>>, vector<2x128xf32>
      %add3A = arith.addf %get3A_31, %concatenate3A : vector<2x128xf32>
      %swap3A_32 = arith.constant 0 : index
      %swap3A_33 = arith.constant 0 : index
      %swap3A_34 = vector.load %arg5[%swap3A_32, %swap3A_33] : memref<2x128xf32, #tpu.memory_space<vmem>>, vector<2x128xf32>
      tpu.vector_store %arg5[%swap3A_32, %swap3A_33], %add3A {strides = array<i32>} : memref<2x128xf32, #tpu.memory_space<vmem>>, vector<2x128xf32>,
    } else {
    }
    return
  }
  func.func @transform_0(%arg0: i32) -> (i32, i32) {
    %c0_i32 = arith.constant 0 : i32
    %c0_i32_0 = arith.constant 0 : i32
    return %arg0, %c0_i32 : i32, i32
  }
  func.func @transform_1(%arg0: i32) -> (i32, i32) {
    %c0_i32 = arith.constant 0 : i32
    %c0_i32_0 = arith.constant 0 : i32
    %c0_i32_1 = arith.constant 0 : i32
    return %c0_i32, %c0_i32_0 : i32, i32
  }
  func.func @transform_2(%arg0: i32) -> (i32, i32) {
    %c0_i32 = arith.constant 0 : i32
    %c0_i32_0 = arith.constant 0 : i32
    %c0_i32_1 = arith.constant 0 : i32
    return %c0_i32, %c0_i32_0 : i32, i32
  }
  func.func @transform_3(%arg0: i32) -> (i32, i32) {
    %c0_i32 = arith.constant 0 : i32
    %c0_i32_0 = arith.constant 0 : i32
    return %arg0, %c0_i32 : i32, i32
  }
  func.func @transform_4(%arg0: i32) -> (i32, i32) {
    %c0_i32 = arith.constant 0 : i32
    %c0_i32_0 = arith.constant 0 : i32
    %c0_i32_1 = arith.constant 0 : i32
    return %c0_i32, %c0_i32_0 : i32, i32
  }
}

module attributes {stable_mosaic.version = 14 : i64} {
  func.func @_final_kernel(%arg0: i32, %arg1: memref<2048x128xf32, #tpu.memory_space<vmem>>, %arg2: memref<2x128xf32, #tpu.memory_space<vmem>>, %arg3: memref<64x1xf32, #tpu.memory_space<vmem>>, %arg4: memref<64x3xf32, #tpu.memory_space<vmem>>, %arg5: memref<64x131xf32, #tpu.memory_space<vmem>>) attributes {dimension_semantics = [#tpu.dimension_semantics<arbitrary>], iteration_bounds = array<i64: 256>, scalar_prefetch = 0 : i64, scratch_operands = 0 : i64, tpu.core_type = #tpu.core_type<tc>, window_params = [{transform_indices = @transform_0, window_bounds = array<i64: 2048, 128>}, {pipeline_mode = #tpu.pipeline_mode<synchronous>, transform_indices = @transform_1, window_bounds = array<i64: 2, 128>}, {transform_indices = @transform_2, window_bounds = array<i64: 64, 1>}, {transform_indices = @transform_3, window_bounds = array<i64: 64, 3>}, {transform_indices = @transform_4, window_bounds = array<i64: 64, 131>}]} {
    %get3A = arith.constant 0 : index
    %get3A_0 = arith.constant 0 : index
    %get3A_1 = vector.load %arg2[%get3A, %get3A_0] : memref<2x128xf32, #tpu.memory_space<vmem>>, vector<1x128xf32>
    %get3A_2 = arith.constant 1 : index
    %get3A_3 = arith.constant 0 : index
    %get3A_4 = vector.load %arg2[%get3A_2, %get3A_3] : memref<2x128xf32, #tpu.memory_space<vmem>>, vector<1x128xf32>
    %get3A_5 = arith.constant 0 : index
    %get3A_6 = arith.constant 0 : index
    %get3A_7 = vector.load %arg1[%get3A_5, %get3A_6] : memref<2048x128xf32, #tpu.memory_space<vmem>>, vector<2048x128xf32>
    %sub3A = vector.broadcast %get3A_1 : vector<1x128xf32> to vector<2048x128xf32>
    %sub3A_8 = arith.subf %get3A_7, %sub3A : vector<2048x128xf32>
    %mul3A = vector.broadcast %get3A_4 : vector<1x128xf32> to vector<2048x128xf32>
    %mul3A_9 = arith.mulf %sub3A_8, %mul3A : vector<2048x128xf32>
    %max3A = arith.constant 0.000000e+00 : f32
    %max3A_10 = vector.broadcast %max3A : f32 to vector<2048x128xf32>
    %max3A_11 = arith.maximumf %mul3A_9, %max3A_10 : vector<2048x128xf32>
    %reshape3A = vector.shape_cast %max3A_11 : vector<2048x128xf32> to vector<64x32x128xf32>
    %reduce_max3A = arith.constant dense<0xFF800000> : vector<64x128xf32>
    %reduce_max3A_12 = vector.multi_reduction <maximumf>, %reshape3A, %reduce_max3A [1] : vector<64x32x128xf32> to vector<64x128xf32>
    %get3A_13 = arith.constant 0 : index
    %get3A_14 = arith.constant 0 : index
    %get3A_15 = vector.load %arg3[%get3A_13, %get3A_14] : memref<64x1xf32, #tpu.memory_space<vmem>>, vector<64x1xf32>
    %mul3A_16 = vector.broadcast %get3A_15 : vector<64x1xf32> to vector<64x128xf32>
    %mul3A_17 = arith.mulf %reduce_max3A_12, %mul3A_16 : vector<64x128xf32>
    %get3A_18 = arith.constant 0 : index
    %get3A_19 = arith.constant 0 : index
    %get3A_20 = vector.load %arg4[%get3A_18, %get3A_19] : memref<64x3xf32, #tpu.memory_space<vmem>>, vector<64x3xf32>
    %concatenate3A = tpu.concatenate %mul3A_17, %get3A_20 in 1 : vector<64x128xf32>, vector<64x3xf32> -> vector<64x131xf32>
    %swap3A = arith.constant 0 : index
    %swap3A_21 = arith.constant 0 : index
    %swap3A_22 = vector.load %arg5[%swap3A, %swap3A_21] : memref<64x131xf32, #tpu.memory_space<vmem>>, vector<64x131xf32>
    tpu.vector_store %arg5[%swap3A, %swap3A_21], %concatenate3A {strides = array<i32>} : memref<64x131xf32, #tpu.memory_space<vmem>>, vector<64x131xf32>,
    return
  }
  func.func @transform_0(%arg0: i32) -> (i32, i32) {
    %c0_i32 = arith.constant 0 : i32
    %c0_i32_0 = arith.constant 0 : i32
    return %arg0, %c0_i32 : i32, i32
  }
  func.func @transform_1(%arg0: i32) -> (i32, i32) {
    %c0_i32 = arith.constant 0 : i32
    %c0_i32_0 = arith.constant 0 : i32
    %c0_i32_1 = arith.constant 0 : i32
    return %c0_i32, %c0_i32_0 : i32, i32
  }
  func.func @transform_2(%arg0: i32) -> (i32, i32) {
    %c0_i32 = arith.constant 0 : i32
    %c0_i32_0 = arith.constant 0 : i32
    return %arg0, %c0_i32 : i32, i32
  }
  func.func @transform_3(%arg0: i32) -> (i32, i32) {
    %c0_i32 = arith.constant 0 : i32
    %c0_i32_0 = arith.constant 0 : i32
    return %arg0, %c0_i32 : i32, i32
  }
  func.func @transform_4(%arg0: i32) -> (i32, i32) {
    %c0_i32 = arith.constant 0 : i32
    %c0_i32_0 = arith.constant 0 : i32
    return %arg0, %c0_i32 : i32, i32
  }
}

module attributes {stable_mosaic.version = 14 : i64} {
  func.func @_layer_kernel(%arg0: i32, %arg1: memref<16384x131xf32, #tpu.memory_space<vmem>>, %arg2: memref<2x131xf32, #tpu.memory_space<vmem>>, %arg3: memref<131x128xf32, #tpu.memory_space<vmem>>, %arg4: memref<131x128xf32, #tpu.memory_space<vmem>>, %arg5: memref<131x128xf32, #tpu.memory_space<vmem>>, %arg6: memref<16384x128xf32, #tpu.memory_space<vmem>>, %arg7: memref<2x128xf32, #tpu.memory_space<vmem>>) attributes {dimension_semantics = [#tpu.dimension_semantics<arbitrary>], iteration_bounds = array<i64: 1>, scalar_prefetch = 0 : i64, scratch_operands = 0 : i64, tpu.core_type = #tpu.core_type<tc>, window_params = [{pipeline_mode = #tpu.pipeline_mode<synchronous>, transform_indices = @transform_0, window_bounds = array<i64: 16384, 131>}, {pipeline_mode = #tpu.pipeline_mode<synchronous>, transform_indices = @transform_1, window_bounds = array<i64: 2, 131>}, {pipeline_mode = #tpu.pipeline_mode<synchronous>, transform_indices = @transform_2, window_bounds = array<i64: 131, 128>}, {pipeline_mode = #tpu.pipeline_mode<synchronous>, transform_indices = @transform_3, window_bounds = array<i64: 131, 128>}, {pipeline_mode = #tpu.pipeline_mode<synchronous>, transform_indices = @transform_4, window_bounds = array<i64: 131, 128>}, {pipeline_mode = #tpu.pipeline_mode<synchronous>, transform_indices = @transform_5, window_bounds = array<i64: 16384, 128>}, {pipeline_mode = #tpu.pipeline_mode<synchronous>, transform_indices = @transform_6, window_bounds = array<i64: 2, 128>}]} {
    %get3A = arith.constant 0 : index
    %get3A_0 = arith.constant 0 : index
    %get3A_1 = vector.load %arg1[%get3A, %get3A_0] : memref<16384x131xf32, #tpu.memory_space<vmem>>, vector<16384x131xf32>
    %roll3A = arith.constant 1 : i32
    %roll3A_2 = tpu.dynamic_rotate %get3A_1 by %roll3A dim 0 : vector<16384x131xf32>, i32 -> vector<16384x131xf32>
    %iota3A = tpu.iota {dimensions = array<i32: 0>} : vector<16384x131xi32>
    %jit3A = arith.constant 1024 : i32
    %eq3A = arith.constant 0 : i32
    %eq3A_3 = arith.cmpi eq, %jit3A, %eq3A : i32
    %jit3A_4 = arith.constant 1 : i32
    %select_n3A = arith.select %eq3A_3, %jit3A_4, %jit3A : i32
    %rem3A = vector.broadcast %select_n3A : i32 to vector<16384x131xi32>
    %rem3A_5 = arith.remsi %iota3A, %rem3A : vector<16384x131xi32>
    %ne3A = arith.constant 0 : i32
    %ne3A_6 = vector.broadcast %ne3A : i32 to vector<16384x131xi32>
    %ne3A_7 = arith.cmpi ne, %rem3A_5, %ne3A_6 : vector<16384x131xi32>
    %lt3A = arith.constant 0 : i32
    %lt3A_8 = vector.broadcast %lt3A : i32 to vector<16384x131xi32>
    %lt3A_9 = arith.cmpi slt, %rem3A_5, %lt3A_8 : vector<16384x131xi32>
    %lt3A_10 = arith.constant 0 : i32
    %lt3A_11 = arith.cmpi slt, %select_n3A, %lt3A_10 : i32
    %ne3A_12 = vector.broadcast %lt3A_11 : i1 to vector<16384x131xi1>
    %ne3A_13 = vector.broadcast %ne3A_12 : vector<16384x131xi1> to vector<16384x131xi1>
    %ne3A_14 = arith.xori %lt3A_9, %ne3A_13 : vector<16384x131xi1>
    %and3A = arith.andi %ne3A_14, %ne3A_7 : vector<16384x131xi1>
    %add3A = vector.broadcast %select_n3A : i32 to vector<16384x131xi32>
    %add3A_15 = arith.addi %rem3A_5, %add3A : vector<16384x131xi32>
    %select_n3A_16 = arith.select %and3A, %add3A_15, %rem3A_5 : vector<16384x131xi1>, vector<16384x131xi32>
    %eq3A_17 = arith.constant 0 : i32
    %eq3A_18 = vector.broadcast %eq3A_17 : i32 to vector<16384x131xi32>
    %eq3A_19 = arith.cmpi eq, %select_n3A_16, %eq3A_18 : vector<16384x131xi32>
    %jit3A_20 = arith.constant 0.000000e+00 : f32
    %broadcast_in_dim3A = vector.broadcast %jit3A_20 : f32 to vector<16384x131xf32>
    %select_n3A_21 = arith.select %eq3A_19, %broadcast_in_dim3A, %roll3A_2 : vector<16384x131xi1>, vector<16384x131xf32>
    %get3A_22 = arith.constant 0 : index
    %get3A_23 = arith.constant 0 : index
    %get3A_24 = vector.load %arg3[%get3A_22, %get3A_23] : memref<131x128xf32, #tpu.memory_space<vmem>>, vector<131x128xf32>
    %dot_general3A = arith.constant dense<0.000000e+00> : vector<16384x128xf32>
    %dot_general3A_25 = tpu.matmul %select_n3A_21, %get3A_24, %dot_general3A {dimension_numbers = #tpu.dot_dimension_numbers<[1], [0], [0], [1], [0, 0, 1, 1], [], []>, transpose_lhs_hint = false} : vector<16384x131xf32>, vector<131x128xf32>, vector<16384x128xf32> -> vector<16384x128xf32>
    %get3A_26 = arith.constant 0 : index
    %get3A_27 = arith.constant 0 : index
    %get3A_28 = vector.load %arg4[%get3A_26, %get3A_27] : memref<131x128xf32, #tpu.memory_space<vmem>>, vector<131x128xf32>
    %dot_general3A_29 = arith.constant dense<0.000000e+00> : vector<16384x128xf32>
    %dot_general3A_30 = tpu.matmul %get3A_1, %get3A_28, %dot_general3A_29 {dimension_numbers = #tpu.dot_dimension_numbers<[1], [0], [0], [1], [0, 0, 1, 1], [], []>, transpose_lhs_hint = false} : vector<16384x131xf32>, vector<131x128xf32>, vector<16384x128xf32> -> vector<16384x128xf32>
    %add3A_31 = arith.addf %dot_general3A_25, %dot_general3A_30 : vector<16384x128xf32>
    %roll3A_32 = arith.constant 16383 : i32
    %roll3A_33 = tpu.dynamic_rotate %get3A_1 by %roll3A_32 dim 0 : vector<16384x131xf32>, i32 -> vector<16384x131xf32>
    %iota3A_34 = tpu.iota {dimensions = array<i32: 0>} : vector<16384x131xi32>
    %jit3A_35 = arith.constant 1024 : i32
    %eq3A_36 = arith.constant 0 : i32
    %eq3A_37 = arith.cmpi eq, %jit3A_35, %eq3A_36 : i32
    %jit3A_38 = arith.constant 1 : i32
    %select_n3A_39 = arith.select %eq3A_37, %jit3A_38, %jit3A_35 : i32
    %rem3A_40 = vector.broadcast %select_n3A_39 : i32 to vector<16384x131xi32>
    %rem3A_41 = arith.remsi %iota3A_34, %rem3A_40 : vector<16384x131xi32>
    %ne3A_42 = arith.constant 0 : i32
    %ne3A_43 = vector.broadcast %ne3A_42 : i32 to vector<16384x131xi32>
    %ne3A_44 = arith.cmpi ne, %rem3A_41, %ne3A_43 : vector<16384x131xi32>
    %lt3A_45 = arith.constant 0 : i32
    %lt3A_46 = vector.broadcast %lt3A_45 : i32 to vector<16384x131xi32>
    %lt3A_47 = arith.cmpi slt, %rem3A_41, %lt3A_46 : vector<16384x131xi32>
    %lt3A_48 = arith.constant 0 : i32
    %lt3A_49 = arith.cmpi slt, %select_n3A_39, %lt3A_48 : i32
    %ne3A_50 = vector.broadcast %lt3A_49 : i1 to vector<16384x131xi1>
    %ne3A_51 = vector.broadcast %ne3A_50 : vector<16384x131xi1> to vector<16384x131xi1>
    %ne3A_52 = arith.xori %lt3A_47, %ne3A_51 : vector<16384x131xi1>
    %and3A_53 = arith.andi %ne3A_52, %ne3A_44 : vector<16384x131xi1>
    %add3A_54 = vector.broadcast %select_n3A_39 : i32 to vector<16384x131xi32>
    %add3A_55 = arith.addi %rem3A_41, %add3A_54 : vector<16384x131xi32>
    %select_n3A_56 = arith.select %and3A_53, %add3A_55, %rem3A_41 : vector<16384x131xi1>, vector<16384x131xi32>
    %eq3A_57 = arith.constant 1023 : i32
    %eq3A_58 = vector.broadcast %eq3A_57 : i32 to vector<16384x131xi32>
    %eq3A_59 = arith.cmpi eq, %select_n3A_56, %eq3A_58 : vector<16384x131xi32>
    %jit3A_60 = arith.constant 0.000000e+00 : f32
    %broadcast_in_dim3A_61 = vector.broadcast %jit3A_60 : f32 to vector<16384x131xf32>
    %select_n3A_62 = arith.select %eq3A_59, %broadcast_in_dim3A_61, %roll3A_33 : vector<16384x131xi1>, vector<16384x131xf32>
    %get3A_63 = arith.constant 0 : index
    %get3A_64 = arith.constant 0 : index
    %get3A_65 = vector.load %arg5[%get3A_63, %get3A_64] : memref<131x128xf32, #tpu.memory_space<vmem>>, vector<131x128xf32>
    %dot_general3A_66 = arith.constant dense<0.000000e+00> : vector<16384x128xf32>
    %dot_general3A_67 = tpu.matmul %select_n3A_62, %get3A_65, %dot_general3A_66 {dimension_numbers = #tpu.dot_dimension_numbers<[1], [0], [0], [1], [0, 0, 1, 1], [], []>, transpose_lhs_hint = false} : vector<16384x131xf32>, vector<131x128xf32>, vector<16384x128xf32> -> vector<16384x128xf32>
    %add3A_68 = arith.addf %add3A_31, %dot_general3A_67 : vector<16384x128xf32>
    %swap3A = arith.constant 0 : index
    %swap3A_69 = arith.constant 0 : index
    %swap3A_70 = vector.load %arg6[%swap3A, %swap3A_69] : memref<16384x128xf32, #tpu.memory_space<vmem>>, vector<16384x128xf32>
    tpu.vector_store %arg6[%swap3A, %swap3A_69], %add3A_68 {strides = array<i32>} : memref<16384x128xf32, #tpu.memory_space<vmem>>, vector<16384x128xf32>,
    %reduce_sum3A = arith.constant dense<0.000000e+00> : vector<128xf32>
    %reduce_sum3A_71 = vector.multi_reduction <add>, %add3A_68, %reduce_sum3A [0] : vector<16384x128xf32> to vector<128xf32>
    %broadcast_in_dim3A_72 = vector.shape_cast %reduce_sum3A_71 : vector<128xf32> to vector<1x128xf32>
    %mul3A = arith.mulf %add3A_68, %add3A_68 : vector<16384x128xf32>
    %reduce_sum3A_73 = arith.constant dense<0.000000e+00> : vector<128xf32>
    %reduce_sum3A_74 = vector.multi_reduction <add>, %mul3A, %reduce_sum3A_73 [0] : vector<16384x128xf32> to vector<128xf32>
    %broadcast_in_dim3A_75 = vector.shape_cast %reduce_sum3A_74 : vector<128xf32> to vector<1x128xf32>
    %concatenate3A = tpu.concatenate %broadcast_in_dim3A_72, %broadcast_in_dim3A_75 in 0 : vector<1x128xf32>, vector<1x128xf32> -> vector<2x128xf32>
    %swap3A_76 = arith.constant 0 : index
    %swap3A_77 = arith.constant 0 : index
    %swap3A_78 = vector.load %arg7[%swap3A_76, %swap3A_77] : memref<2x128xf32, #tpu.memory_space<vmem>>, vector<2x128xf32>
    tpu.vector_store %arg7[%swap3A_76, %swap3A_77], %concatenate3A {strides = array<i32>} : memref<2x128xf32, #tpu.memory_space<vmem>>, vector<2x128xf32>,
    return
  }
  func.func @transform_0(%arg0: i32) -> (i32, i32) {
    %c0_i32 = arith.constant 0 : i32
    %c0_i32_0 = arith.constant 0 : i32
    %c0_i32_1 = arith.constant 0 : i32
    return %c0_i32, %c0_i32_0 : i32, i32
  }
  func.func @transform_1(%arg0: i32) -> (i32, i32) {
    %c0_i32 = arith.constant 0 : i32
    %c0_i32_0 = arith.constant 0 : i32
    %c0_i32_1 = arith.constant 0 : i32
    return %c0_i32, %c0_i32_0 : i32, i32
  }
  func.func @transform_2(%arg0: i32) -> (i32, i32) {
    %c0_i32 = arith.constant 0 : i32
    %c0_i32_0 = arith.constant 0 : i32
    %c0_i32_1 = arith.constant 0 : i32
    return %c0_i32, %c0_i32_0 : i32, i32
  }
  func.func @transform_3(%arg0: i32) -> (i32, i32) {
    %c0_i32 = arith.constant 0 : i32
    %c0_i32_0 = arith.constant 0 : i32
    %c0_i32_1 = arith.constant 0 : i32
    return %c0_i32, %c0_i32_0 : i32, i32
  }
  func.func @transform_4(%arg0: i32) -> (i32, i32) {
    %c0_i32 = arith.constant 0 : i32
    %c0_i32_0 = arith.constant 0 : i32
    %c0_i32_1 = arith.constant 0 : i32
    return %c0_i32, %c0_i32_0 : i32, i32
  }
  func.func @transform_5(%arg0: i32) -> (i32, i32) {
    %c0_i32 = arith.constant 0 : i32
    %c0_i32_0 = arith.constant 0 : i32
    %c0_i32_1 = arith.constant 0 : i32
    return %c0_i32, %c0_i32_0 : i32, i32
  }
  func.func @transform_6(%arg0: i32) -> (i32, i32) {
    %c0_i32 = arith.constant 0 : i32
    %c0_i32_0 = arith.constant 0 : i32
    %c0_i32_1 = arith.constant 0 : i32
    return %c0_i32, %c0_i32_0 : i32, i32
  }
}

module attributes {stable_mosaic.version = 14 : i64} {
  func.func @_final_kernel(%arg0: i32, %arg1: memref<2048x128xf32, #tpu.memory_space<vmem>>, %arg2: memref<2x128xf32, #tpu.memory_space<vmem>>, %arg3: memref<32x1xf32, #tpu.memory_space<vmem>>, %arg4: memref<32x3xf32, #tpu.memory_space<vmem>>, %arg5: memref<32x131xf32, #tpu.memory_space<vmem>>) attributes {dimension_semantics = [#tpu.dimension_semantics<arbitrary>], iteration_bounds = array<i64: 256>, scalar_prefetch = 0 : i64, scratch_operands = 0 : i64, tpu.core_type = #tpu.core_type<tc>, window_params = [{transform_indices = @transform_0, window_bounds = array<i64: 2048, 128>}, {pipeline_mode = #tpu.pipeline_mode<synchronous>, transform_indices = @transform_1, window_bounds = array<i64: 2, 128>}, {transform_indices = @transform_2, window_bounds = array<i64: 32, 1>}, {transform_indices = @transform_3, window_bounds = array<i64: 32, 3>}, {transform_indices = @transform_4, window_bounds = array<i64: 32, 131>}]} {
    %get3A = arith.constant 0 : index
    %get3A_0 = arith.constant 0 : index
    %get3A_1 = vector.load %arg2[%get3A, %get3A_0] : memref<2x128xf32, #tpu.memory_space<vmem>>, vector<1x128xf32>
    %get3A_2 = arith.constant 1 : index
    %get3A_3 = arith.constant 0 : index
    %get3A_4 = vector.load %arg2[%get3A_2, %get3A_3] : memref<2x128xf32, #tpu.memory_space<vmem>>, vector<1x128xf32>
    %get3A_5 = arith.constant 0 : index
    %get3A_6 = arith.constant 0 : index
    %get3A_7 = vector.load %arg1[%get3A_5, %get3A_6] : memref<2048x128xf32, #tpu.memory_space<vmem>>, vector<2048x128xf32>
    %sub3A = vector.broadcast %get3A_1 : vector<1x128xf32> to vector<2048x128xf32>
    %sub3A_8 = arith.subf %get3A_7, %sub3A : vector<2048x128xf32>
    %mul3A = vector.broadcast %get3A_4 : vector<1x128xf32> to vector<2048x128xf32>
    %mul3A_9 = arith.mulf %sub3A_8, %mul3A : vector<2048x128xf32>
    %max3A = arith.constant 0.000000e+00 : f32
    %max3A_10 = vector.broadcast %max3A : f32 to vector<2048x128xf32>
    %max3A_11 = arith.maximumf %mul3A_9, %max3A_10 : vector<2048x128xf32>
    %reshape3A = vector.shape_cast %max3A_11 : vector<2048x128xf32> to vector<32x64x128xf32>
    %reduce_max3A = arith.constant dense<0xFF800000> : vector<32x128xf32>
    %reduce_max3A_12 = vector.multi_reduction <maximumf>, %reshape3A, %reduce_max3A [1] : vector<32x64x128xf32> to vector<32x128xf32>
    %get3A_13 = arith.constant 0 : index
    %get3A_14 = arith.constant 0 : index
    %get3A_15 = vector.load %arg3[%get3A_13, %get3A_14] : memref<32x1xf32, #tpu.memory_space<vmem>>, vector<32x1xf32>
    %mul3A_16 = vector.broadcast %get3A_15 : vector<32x1xf32> to vector<32x128xf32>
    %mul3A_17 = arith.mulf %reduce_max3A_12, %mul3A_16 : vector<32x128xf32>
    %get3A_18 = arith.constant 0 : index
    %get3A_19 = arith.constant 0 : index
    %get3A_20 = vector.load %arg4[%get3A_18, %get3A_19] : memref<32x3xf32, #tpu.memory_space<vmem>>, vector<32x3xf32>
    %concatenate3A = tpu.concatenate %mul3A_17, %get3A_20 in 1 : vector<32x128xf32>, vector<32x3xf32> -> vector<32x131xf32>
    %swap3A = arith.constant 0 : index
    %swap3A_21 = arith.constant 0 : index
    %swap3A_22 = vector.load %arg5[%swap3A, %swap3A_21] : memref<32x131xf32, #tpu.memory_space<vmem>>, vector<32x131xf32>
    tpu.vector_store %arg5[%swap3A, %swap3A_21], %concatenate3A {strides = array<i32>} : memref<32x131xf32, #tpu.memory_space<vmem>>, vector<32x131xf32>,
    return
  }
  func.func @transform_0(%arg0: i32) -> (i32, i32) {
    %c0_i32 = arith.constant 0 : i32
    %c0_i32_0 = arith.constant 0 : i32
    return %arg0, %c0_i32 : i32, i32
  }
  func.func @transform_1(%arg0: i32) -> (i32, i32) {
    %c0_i32 = arith.constant 0 : i32
    %c0_i32_0 = arith.constant 0 : i32
    %c0_i32_1 = arith.constant 0 : i32
    return %c0_i32, %c0_i32_0 : i32, i32
  }
  func.func @transform_2(%arg0: i32) -> (i32, i32) {
    %c0_i32 = arith.constant 0 : i32
    %c0_i32_0 = arith.constant 0 : i32
    return %arg0, %c0_i32 : i32, i32
  }
  func.func @transform_3(%arg0: i32) -> (i32, i32) {
    %c0_i32 = arith.constant 0 : i32
    %c0_i32_0 = arith.constant 0 : i32
    return %arg0, %c0_i32 : i32, i32
  }
  func.func @transform_4(%arg0: i32) -> (i32, i32) {
    %c0_i32 = arith.constant 0 : i32
    %c0_i32_0 = arith.constant 0 : i32
    return %arg0, %c0_i32 : i32, i32
  }
}

module attributes {stable_mosaic.version = 14 : i64} {
  func.func @_layer_kernel(%arg0: i32, %arg1: memref<8192x128xf32, #tpu.memory_space<vmem>>, %arg2: memref<8192x128xf32, #tpu.memory_space<vmem>>, %arg3: memref<8192x128xf32, #tpu.memory_space<vmem>>, %arg4: memref<2x128xf32, #tpu.memory_space<vmem>>, %arg5: memref<2x128xf32, #tpu.memory_space<vmem>>, %arg6: memref<2x128xf32, #tpu.memory_space<vmem>>, %arg7: memref<128x128xf32, #tpu.memory_space<vmem>>, %arg8: memref<128x128xf32, #tpu.memory_space<vmem>>, %arg9: memref<128x128xf32, #tpu.memory_space<vmem>>, %arg10: memref<8192x128xf32, #tpu.memory_space<vmem>>, %arg11: memref<2x128xf32, #tpu.memory_space<vmem>>) attributes {dimension_semantics = [#tpu.dimension_semantics<arbitrary>], iteration_bounds = array<i64: 1>, scalar_prefetch = 0 : i64, scratch_operands = 0 : i64, tpu.core_type = #tpu.core_type<tc>, window_params = [{pipeline_mode = #tpu.pipeline_mode<synchronous>, transform_indices = @transform_0, window_bounds = array<i64: 8192, 128>}, {pipeline_mode = #tpu.pipeline_mode<synchronous>, transform_indices = @transform_1, window_bounds = array<i64: 8192, 128>}, {pipeline_mode = #tpu.pipeline_mode<synchronous>, transform_indices = @transform_2, window_bounds = array<i64: 8192, 128>}, {pipeline_mode = #tpu.pipeline_mode<synchronous>, transform_indices = @transform_3, window_bounds = array<i64: 2, 128>}, {pipeline_mode = #tpu.pipeline_mode<synchronous>, transform_indices = @transform_4, window_bounds = array<i64: 2, 128>}, {pipeline_mode = #tpu.pipeline_mode<synchronous>, transform_indices = @transform_5, window_bounds = array<i64: 2, 128>}, {pipeline_mode = #tpu.pipeline_mode<synchronous>, transform_indices = @transform_6, window_bounds = array<i64: 128, 128>}, {pipeline_mode = #tpu.pipeline_mode<synchronous>, transform_indices = @transform_7, window_bounds = array<i64: 128, 128>}, {pipeline_mode = #tpu.pipeline_mode<synchronous>, transform_indices = @transform_8, window_bounds = array<i64: 128, 128>}, {pipeline_mode = #tpu.pipeline_mode<synchronous>, transform_indices = @transform_9, window_bounds = array<i64: 8192, 128>}, {pipeline_mode = #tpu.pipeline_mode<synchronous>, transform_indices = @transform_10, window_bounds = array<i64: 2, 128>}]} {
    %get3A = arith.constant 0 : index
    %get3A_0 = arith.constant 0 : index
    %get3A_1 = vector.load %arg1[%get3A, %get3A_0] : memref<8192x128xf32, #tpu.memory_space<vmem>>, vector<8192x128xf32>
    %get3A_2 = arith.constant 0 : index
    %get3A_3 = arith.constant 0 : index
    %get3A_4 = vector.load %arg4[%get3A_2, %get3A_3] : memref<2x128xf32, #tpu.memory_space<vmem>>, vector<2x128xf32>
    %slice3A = vector.extract_strided_slice %get3A_4 {offsets = [0, 0], sizes = [1, 128], strides = [1, 1]} : vector<2x128xf32> to vector<1x128xf32>
    %mul3A = arith.constant 6.10351563E-5 : f32
    %mul3A_5 = vector.broadcast %mul3A : f32 to vector<1x128xf32>
    %mul3A_6 = arith.mulf %slice3A, %mul3A_5 : vector<1x128xf32>
    %slice3A_7 = vector.extract_strided_slice %get3A_4 {offsets = [1, 0], sizes = [1, 128], strides = [1, 1]} : vector<2x128xf32> to vector<1x128xf32>
    %mul3A_8 = arith.constant 6.10351563E-5 : f32
    %mul3A_9 = vector.broadcast %mul3A_8 : f32 to vector<1x128xf32>
    %mul3A_10 = arith.mulf %slice3A_7, %mul3A_9 : vector<1x128xf32>
    %mul3A_11 = arith.mulf %mul3A_6, %mul3A_6 : vector<1x128xf32>
    %sub3A = arith.subf %mul3A_10, %mul3A_11 : vector<1x128xf32>
    %max3A = arith.constant 0.000000e+00 : f32
    %max3A_12 = vector.broadcast %max3A : f32 to vector<1x128xf32>
    %max3A_13 = arith.maximumf %sub3A, %max3A_12 : vector<1x128xf32>
    %sub3A_14 = vector.broadcast %mul3A_6 : vector<1x128xf32> to vector<8192x128xf32>
    %sub3A_15 = arith.subf %get3A_1, %sub3A_14 : vector<8192x128xf32>
    %add3A = arith.constant 9.99999974E-6 : f32
    %add3A_16 = vector.broadcast %add3A : f32 to vector<1x128xf32>
    %add3A_17 = arith.addf %max3A_13, %add3A_16 : vector<1x128xf32>
    %rsqrt3A = math.rsqrt %add3A_17 : vector<1x128xf32>
    %mul3A_18 = vector.broadcast %rsqrt3A : vector<1x128xf32> to vector<8192x128xf32>
    %mul3A_19 = arith.mulf %sub3A_15, %mul3A_18 : vector<8192x128xf32>
    %max3A_20 = arith.constant 0.000000e+00 : f32
    %max3A_21 = vector.broadcast %max3A_20 : f32 to vector<8192x128xf32>
    %max3A_22 = arith.maximumf %mul3A_19, %max3A_21 : vector<8192x128xf32>
    %get3A_23 = arith.constant 0 : index
    %get3A_24 = arith.constant 0 : index
    %get3A_25 = vector.load %arg2[%get3A_23, %get3A_24] : memref<8192x128xf32, #tpu.memory_space<vmem>>, vector<8192x128xf32>
    %get3A_26 = arith.constant 0 : index
    %get3A_27 = arith.constant 0 : index
    %get3A_28 = vector.load %arg5[%get3A_26, %get3A_27] : memref<2x128xf32, #tpu.memory_space<vmem>>, vector<2x128xf32>
    %slice3A_29 = vector.extract_strided_slice %get3A_28 {offsets = [0, 0], sizes = [1, 128], strides = [1, 1]} : vector<2x128xf32> to vector<1x128xf32>
    %mul3A_30 = arith.constant 6.10351563E-5 : f32
    %mul3A_31 = vector.broadcast %mul3A_30 : f32 to vector<1x128xf32>
    %mul3A_32 = arith.mulf %slice3A_29, %mul3A_31 : vector<1x128xf32>
    %slice3A_33 = vector.extract_strided_slice %get3A_28 {offsets = [1, 0], sizes = [1, 128], strides = [1, 1]} : vector<2x128xf32> to vector<1x128xf32>
    %mul3A_34 = arith.constant 6.10351563E-5 : f32
    %mul3A_35 = vector.broadcast %mul3A_34 : f32 to vector<1x128xf32>
    %mul3A_36 = arith.mulf %slice3A_33, %mul3A_35 : vector<1x128xf32>
    %mul3A_37 = arith.mulf %mul3A_32, %mul3A_32 : vector<1x128xf32>
    %sub3A_38 = arith.subf %mul3A_36, %mul3A_37 : vector<1x128xf32>
    %max3A_39 = arith.constant 0.000000e+00 : f32
    %max3A_40 = vector.broadcast %max3A_39 : f32 to vector<1x128xf32>
    %max3A_41 = arith.maximumf %sub3A_38, %max3A_40 : vector<1x128xf32>
    %sub3A_42 = vector.broadcast %mul3A_32 : vector<1x128xf32> to vector<8192x128xf32>
    %sub3A_43 = arith.subf %get3A_25, %sub3A_42 : vector<8192x128xf32>
    %add3A_44 = arith.constant 9.99999974E-6 : f32
    %add3A_45 = vector.broadcast %add3A_44 : f32 to vector<1x128xf32>
    %add3A_46 = arith.addf %max3A_41, %add3A_45 : vector<1x128xf32>
    %rsqrt3A_47 = math.rsqrt %add3A_46 : vector<1x128xf32>
    %mul3A_48 = vector.broadcast %rsqrt3A_47 : vector<1x128xf32> to vector<8192x128xf32>
    %mul3A_49 = arith.mulf %sub3A_43, %mul3A_48 : vector<8192x128xf32>
    %max3A_50 = arith.constant 0.000000e+00 : f32
    %max3A_51 = vector.broadcast %max3A_50 : f32 to vector<8192x128xf32>
    %max3A_52 = arith.maximumf %mul3A_49, %max3A_51 : vector<8192x128xf32>
    %get3A_53 = arith.constant 0 : index
    %get3A_54 = arith.constant 0 : index
    %get3A_55 = vector.load %arg3[%get3A_53, %get3A_54] : memref<8192x128xf32, #tpu.memory_space<vmem>>, vector<8192x128xf32>
    %get3A_56 = arith.constant 0 : index
    %get3A_57 = arith.constant 0 : index
    %get3A_58 = vector.load %arg6[%get3A_56, %get3A_57] : memref<2x128xf32, #tpu.memory_space<vmem>>, vector<2x128xf32>
    %slice3A_59 = vector.extract_strided_slice %get3A_58 {offsets = [0, 0], sizes = [1, 128], strides = [1, 1]} : vector<2x128xf32> to vector<1x128xf32>
    %mul3A_60 = arith.constant 6.10351563E-5 : f32
    %mul3A_61 = vector.broadcast %mul3A_60 : f32 to vector<1x128xf32>
    %mul3A_62 = arith.mulf %slice3A_59, %mul3A_61 : vector<1x128xf32>
    %slice3A_63 = vector.extract_strided_slice %get3A_58 {offsets = [1, 0], sizes = [1, 128], strides = [1, 1]} : vector<2x128xf32> to vector<1x128xf32>
    %mul3A_64 = arith.constant 6.10351563E-5 : f32
    %mul3A_65 = vector.broadcast %mul3A_64 : f32 to vector<1x128xf32>
    %mul3A_66 = arith.mulf %slice3A_63, %mul3A_65 : vector<1x128xf32>
    %mul3A_67 = arith.mulf %mul3A_62, %mul3A_62 : vector<1x128xf32>
    %sub3A_68 = arith.subf %mul3A_66, %mul3A_67 : vector<1x128xf32>
    %max3A_69 = arith.constant 0.000000e+00 : f32
    %max3A_70 = vector.broadcast %max3A_69 : f32 to vector<1x128xf32>
    %max3A_71 = arith.maximumf %sub3A_68, %max3A_70 : vector<1x128xf32>
    %sub3A_72 = vector.broadcast %mul3A_62 : vector<1x128xf32> to vector<8192x128xf32>
    %sub3A_73 = arith.subf %get3A_55, %sub3A_72 : vector<8192x128xf32>
    %add3A_74 = arith.constant 9.99999974E-6 : f32
    %add3A_75 = vector.broadcast %add3A_74 : f32 to vector<1x128xf32>
    %add3A_76 = arith.addf %max3A_71, %add3A_75 : vector<1x128xf32>
    %rsqrt3A_77 = math.rsqrt %add3A_76 : vector<1x128xf32>
    %mul3A_78 = vector.broadcast %rsqrt3A_77 : vector<1x128xf32> to vector<8192x128xf32>
    %mul3A_79 = arith.mulf %sub3A_73, %mul3A_78 : vector<8192x128xf32>
    %max3A_80 = arith.constant 0.000000e+00 : f32
    %max3A_81 = vector.broadcast %max3A_80 : f32 to vector<8192x128xf32>
    %max3A_82 = arith.maximumf %mul3A_79, %max3A_81 : vector<8192x128xf32>
    %iota3A = tpu.iota {dimensions = array<i32: 0>} : vector<8192x128xi32>
    %jit3A = arith.constant 512 : i32
    %eq3A = arith.constant 0 : i32
    %eq3A_83 = arith.cmpi eq, %jit3A, %eq3A : i32
    %jit3A_84 = arith.constant 1 : i32
    %select_n3A = arith.select %eq3A_83, %jit3A_84, %jit3A : i32
    %rem3A = vector.broadcast %select_n3A : i32 to vector<8192x128xi32>
    %rem3A_85 = arith.remsi %iota3A, %rem3A : vector<8192x128xi32>
    %ne3A = arith.constant 0 : i32
    %ne3A_86 = vector.broadcast %ne3A : i32 to vector<8192x128xi32>
    %ne3A_87 = arith.cmpi ne, %rem3A_85, %ne3A_86 : vector<8192x128xi32>
    %lt3A = arith.constant 0 : i32
    %lt3A_88 = vector.broadcast %lt3A : i32 to vector<8192x128xi32>
    %lt3A_89 = arith.cmpi slt, %rem3A_85, %lt3A_88 : vector<8192x128xi32>
    %lt3A_90 = arith.constant 0 : i32
    %lt3A_91 = arith.cmpi slt, %select_n3A, %lt3A_90 : i32
    %ne3A_92 = vector.broadcast %lt3A_91 : i1 to vector<8192x128xi1>
    %ne3A_93 = vector.broadcast %ne3A_92 : vector<8192x128xi1> to vector<8192x128xi1>
    %ne3A_94 = arith.xori %lt3A_89, %ne3A_93 : vector<8192x128xi1>
    %and3A = arith.andi %ne3A_94, %ne3A_87 : vector<8192x128xi1>
    %add3A_95 = vector.broadcast %select_n3A : i32 to vector<8192x128xi32>
    %add3A_96 = arith.addi %rem3A_85, %add3A_95 : vector<8192x128xi32>
    %select_n3A_97 = arith.select %and3A, %add3A_96, %rem3A_85 : vector<8192x128xi1>, vector<8192x128xi32>
    %eq3A_98 = arith.constant 0 : i32
    %eq3A_99 = vector.broadcast %eq3A_98 : i32 to vector<8192x128xi32>
    %eq3A_100 = arith.cmpi eq, %select_n3A_97, %eq3A_99 : vector<8192x128xi32>
    %jit3A_101 = arith.constant 0.000000e+00 : f32
    %broadcast_in_dim3A = vector.broadcast %jit3A_101 : f32 to vector<8192x128xf32>
    %select_n3A_102 = arith.select %eq3A_100, %broadcast_in_dim3A, %max3A_22 : vector<8192x128xi1>, vector<8192x128xf32>
    %get3A_103 = arith.constant 0 : index
    %get3A_104 = arith.constant 0 : index
    %get3A_105 = vector.load %arg7[%get3A_103, %get3A_104] : memref<128x128xf32, #tpu.memory_space<vmem>>, vector<128x128xf32>
    %dot_general3A = arith.constant dense<0.000000e+00> : vector<8192x128xf32>
    %dot_general3A_106 = tpu.matmul %select_n3A_102, %get3A_105, %dot_general3A {dimension_numbers = #tpu.dot_dimension_numbers<[1], [0], [0], [1], [0, 0, 1, 1], [], []>, transpose_lhs_hint = false} : vector<8192x128xf32>, vector<128x128xf32>, vector<8192x128xf32> -> vector<8192x128xf32>
    %get3A_107 = arith.constant 0 : index
    %get3A_108 = arith.constant 0 : index
    %get3A_109 = vector.load %arg8[%get3A_107, %get3A_108] : memref<128x128xf32, #tpu.memory_space<vmem>>, vector<128x128xf32>
    %dot_general3A_110 = arith.constant dense<0.000000e+00> : vector<8192x128xf32>
    %dot_general3A_111 = tpu.matmul %max3A_52, %get3A_109, %dot_general3A_110 {dimension_numbers = #tpu.dot_dimension_numbers<[1], [0], [0], [1], [0, 0, 1, 1], [], []>, transpose_lhs_hint = false} : vector<8192x128xf32>, vector<128x128xf32>, vector<8192x128xf32> -> vector<8192x128xf32>
    %add3A_112 = arith.addf %dot_general3A_106, %dot_general3A_111 : vector<8192x128xf32>
    %get3A_113 = arith.constant 0 : index
    %get3A_114 = arith.constant 0 : index
    %get3A_115 = vector.load %arg9[%get3A_113, %get3A_114] : memref<128x128xf32, #tpu.memory_space<vmem>>, vector<128x128xf32>
    %dot_general3A_116 = arith.constant dense<0.000000e+00> : vector<8192x128xf32>
    %dot_general3A_117 = tpu.matmul %max3A_82, %get3A_115, %dot_general3A_116 {dimension_numbers = #tpu.dot_dimension_numbers<[1], [0], [0], [1], [0, 0, 1, 1], [], []>, transpose_lhs_hint = false} : vector<8192x128xf32>, vector<128x128xf32>, vector<8192x128xf32> -> vector<8192x128xf32>
    %add3A_118 = arith.addf %add3A_112, %dot_general3A_117 : vector<8192x128xf32>
    %swap3A = arith.constant 0 : index
    %swap3A_119 = arith.constant 0 : index
    %swap3A_120 = vector.load %arg10[%swap3A, %swap3A_119] : memref<8192x128xf32, #tpu.memory_space<vmem>>, vector<8192x128xf32>
    tpu.vector_store %arg10[%swap3A, %swap3A_119], %add3A_118 {strides = array<i32>} : memref<8192x128xf32, #tpu.memory_space<vmem>>, vector<8192x128xf32>,
    %reduce_sum3A = arith.constant dense<0.000000e+00> : vector<128xf32>
    %reduce_sum3A_121 = vector.multi_reduction <add>, %add3A_118, %reduce_sum3A [0] : vector<8192x128xf32> to vector<128xf32>
    %broadcast_in_dim3A_122 = vector.shape_cast %reduce_sum3A_121 : vector<128xf32> to vector<1x128xf32>
    %mul3A_123 = arith.mulf %add3A_118, %add3A_118 : vector<8192x128xf32>
    %reduce_sum3A_124 = arith.constant dense<0.000000e+00> : vector<128xf32>
    %reduce_sum3A_125 = vector.multi_reduction <add>, %mul3A_123, %reduce_sum3A_124 [0] : vector<8192x128xf32> to vector<128xf32>
    %broadcast_in_dim3A_126 = vector.shape_cast %reduce_sum3A_125 : vector<128xf32> to vector<1x128xf32>
    %concatenate3A = tpu.concatenate %broadcast_in_dim3A_122, %broadcast_in_dim3A_126 in 0 : vector<1x128xf32>, vector<1x128xf32> -> vector<2x128xf32>
    %swap3A_127 = arith.constant 0 : index
    %swap3A_128 = arith.constant 0 : index
    %swap3A_129 = vector.load %arg11[%swap3A_127, %swap3A_128] : memref<2x128xf32, #tpu.memory_space<vmem>>, vector<2x128xf32>
    tpu.vector_store %arg11[%swap3A_127, %swap3A_128], %concatenate3A {strides = array<i32>} : memref<2x128xf32, #tpu.memory_space<vmem>>, vector<2x128xf32>,
    return
  }
  func.func @transform_0(%arg0: i32) -> (i32, i32) {
    %c0_i32 = arith.constant 0 : i32
    %c0_i32_0 = arith.constant 0 : i32
    %c0_i32_1 = arith.constant 0 : i32
    return %c0_i32, %c0_i32_0 : i32, i32
  }
  func.func @transform_1(%arg0: i32) -> (i32, i32) {
    %c0_i32 = arith.constant 0 : i32
    %c0_i32_0 = arith.constant 0 : i32
    %c0_i32_1 = arith.constant 0 : i32
    return %c0_i32, %c0_i32_0 : i32, i32
  }
  func.func @transform_2(%arg0: i32) -> (i32, i32) {
    %c0_i32 = arith.constant 0 : i32
    %c0_i32_0 = arith.constant 0 : i32
    %c0_i32_1 = arith.constant 0 : i32
    return %c0_i32, %c0_i32_0 : i32, i32
  }
  func.func @transform_3(%arg0: i32) -> (i32, i32) {
    %c0_i32 = arith.constant 0 : i32
    %c0_i32_0 = arith.constant 0 : i32
    %c0_i32_1 = arith.constant 0 : i32
    return %c0_i32, %c0_i32_0 : i32, i32
  }
  func.func @transform_4(%arg0: i32) -> (i32, i32) {
    %c0_i32 = arith.constant 0 : i32
    %c0_i32_0 = arith.constant 0 : i32
    %c0_i32_1 = arith.constant 0 : i32
    return %c0_i32, %c0_i32_0 : i32, i32
  }
  func.func @transform_5(%arg0: i32) -> (i32, i32) {
    %c0_i32 = arith.constant 0 : i32
    %c0_i32_0 = arith.constant 0 : i32
    %c0_i32_1 = arith.constant 0 : i32
    return %c0_i32, %c0_i32_0 : i32, i32
  }
  func.func @transform_6(%arg0: i32) -> (i32, i32) {
    %c0_i32 = arith.constant 0 : i32
    %c0_i32_0 = arith.constant 0 : i32
    %c0_i32_1 = arith.constant 0 : i32
    return %c0_i32, %c0_i32_0 : i32, i32
  }
  func.func @transform_7(%arg0: i32) -> (i32, i32) {
    %c0_i32 = arith.constant 0 : i32
    %c0_i32_0 = arith.constant 0 : i32
    %c0_i32_1 = arith.constant 0 : i32
    return %c0_i32, %c0_i32_0 : i32, i32
  }
  func.func @transform_8(%arg0: i32) -> (i32, i32) {
    %c0_i32 = arith.constant 0 : i32
    %c0_i32_0 = arith.constant 0 : i32
    %c0_i32_1 = arith.constant 0 : i32
    return %c0_i32, %c0_i32_0 : i32, i32
  }
  func.func @transform_9(%arg0: i32) -> (i32, i32) {
    %c0_i32 = arith.constant 0 : i32
    %c0_i32_0 = arith.constant 0 : i32
    %c0_i32_1 = arith.constant 0 : i32
    return %c0_i32, %c0_i32_0 : i32, i32
  }
  func.func @transform_10(%arg0: i32) -> (i32, i32) {
    %c0_i32 = arith.constant 0 : i32
    %c0_i32_0 = arith.constant 0 : i32
    %c0_i32_1 = arith.constant 0 : i32
    return %c0_i32, %c0_i32_0 : i32, i32
  }
}

module attributes {stable_mosaic.version = 14 : i64} {
  func.func @_layer_kernel(%arg0: i32, %arg1: memref<8192x128xf32, #tpu.memory_space<vmem>>, %arg2: memref<2x128xf32, #tpu.memory_space<vmem>>, %arg3: memref<128x128xf32, #tpu.memory_space<vmem>>, %arg4: memref<128x128xf32, #tpu.memory_space<vmem>>, %arg5: memref<128x128xf32, #tpu.memory_space<vmem>>, %arg6: memref<8192x128xf32, #tpu.memory_space<vmem>>, %arg7: memref<2x128xf32, #tpu.memory_space<vmem>>) attributes {dimension_semantics = [#tpu.dimension_semantics<arbitrary>], iteration_bounds = array<i64: 1>, scalar_prefetch = 0 : i64, scratch_operands = 0 : i64, tpu.core_type = #tpu.core_type<tc>, window_params = [{pipeline_mode = #tpu.pipeline_mode<synchronous>, transform_indices = @transform_0, window_bounds = array<i64: 8192, 128>}, {pipeline_mode = #tpu.pipeline_mode<synchronous>, transform_indices = @transform_1, window_bounds = array<i64: 2, 128>}, {pipeline_mode = #tpu.pipeline_mode<synchronous>, transform_indices = @transform_2, window_bounds = array<i64: 128, 128>}, {pipeline_mode = #tpu.pipeline_mode<synchronous>, transform_indices = @transform_3, window_bounds = array<i64: 128, 128>}, {pipeline_mode = #tpu.pipeline_mode<synchronous>, transform_indices = @transform_4, window_bounds = array<i64: 128, 128>}, {pipeline_mode = #tpu.pipeline_mode<synchronous>, transform_indices = @transform_5, window_bounds = array<i64: 8192, 128>}, {pipeline_mode = #tpu.pipeline_mode<synchronous>, transform_indices = @transform_6, window_bounds = array<i64: 2, 128>}]} {
    %get3A = arith.constant 0 : index
    %get3A_0 = arith.constant 0 : index
    %get3A_1 = vector.load %arg1[%get3A, %get3A_0] : memref<8192x128xf32, #tpu.memory_space<vmem>>, vector<8192x128xf32>
    %get3A_2 = arith.constant 0 : index
    %get3A_3 = arith.constant 0 : index
    %get3A_4 = vector.load %arg2[%get3A_2, %get3A_3] : memref<2x128xf32, #tpu.memory_space<vmem>>, vector<2x128xf32>
    %slice3A = vector.extract_strided_slice %get3A_4 {offsets = [0, 0], sizes = [1, 128], strides = [1, 1]} : vector<2x128xf32> to vector<1x128xf32>
    %mul3A = arith.constant 1.22070313E-4 : f32
    %mul3A_5 = vector.broadcast %mul3A : f32 to vector<1x128xf32>
    %mul3A_6 = arith.mulf %slice3A, %mul3A_5 : vector<1x128xf32>
    %slice3A_7 = vector.extract_strided_slice %get3A_4 {offsets = [1, 0], sizes = [1, 128], strides = [1, 1]} : vector<2x128xf32> to vector<1x128xf32>
    %mul3A_8 = arith.constant 1.22070313E-4 : f32
    %mul3A_9 = vector.broadcast %mul3A_8 : f32 to vector<1x128xf32>
    %mul3A_10 = arith.mulf %slice3A_7, %mul3A_9 : vector<1x128xf32>
    %mul3A_11 = arith.mulf %mul3A_6, %mul3A_6 : vector<1x128xf32>
    %sub3A = arith.subf %mul3A_10, %mul3A_11 : vector<1x128xf32>
    %max3A = arith.constant 0.000000e+00 : f32
    %max3A_12 = vector.broadcast %max3A : f32 to vector<1x128xf32>
    %max3A_13 = arith.maximumf %sub3A, %max3A_12 : vector<1x128xf32>
    %sub3A_14 = vector.broadcast %mul3A_6 : vector<1x128xf32> to vector<8192x128xf32>
    %sub3A_15 = arith.subf %get3A_1, %sub3A_14 : vector<8192x128xf32>
    %add3A = arith.constant 9.99999974E-6 : f32
    %add3A_16 = vector.broadcast %add3A : f32 to vector<1x128xf32>
    %add3A_17 = arith.addf %max3A_13, %add3A_16 : vector<1x128xf32>
    %rsqrt3A = math.rsqrt %add3A_17 : vector<1x128xf32>
    %mul3A_18 = vector.broadcast %rsqrt3A : vector<1x128xf32> to vector<8192x128xf32>
    %mul3A_19 = arith.mulf %sub3A_15, %mul3A_18 : vector<8192x128xf32>
    %max3A_20 = arith.constant 0.000000e+00 : f32
    %max3A_21 = vector.broadcast %max3A_20 : f32 to vector<8192x128xf32>
    %max3A_22 = arith.maximumf %mul3A_19, %max3A_21 : vector<8192x128xf32>
    %roll3A = arith.constant 1 : i32
    %roll3A_23 = tpu.dynamic_rotate %max3A_22 by %roll3A dim 0 : vector<8192x128xf32>, i32 -> vector<8192x128xf32>
    %iota3A = tpu.iota {dimensions = array<i32: 0>} : vector<8192x128xi32>
    %jit3A = arith.constant 512 : i32
    %eq3A = arith.constant 0 : i32
    %eq3A_24 = arith.cmpi eq, %jit3A, %eq3A : i32
    %jit3A_25 = arith.constant 1 : i32
    %select_n3A = arith.select %eq3A_24, %jit3A_25, %jit3A : i32
    %rem3A = vector.broadcast %select_n3A : i32 to vector<8192x128xi32>
    %rem3A_26 = arith.remsi %iota3A, %rem3A : vector<8192x128xi32>
    %ne3A = arith.constant 0 : i32
    %ne3A_27 = vector.broadcast %ne3A : i32 to vector<8192x128xi32>
    %ne3A_28 = arith.cmpi ne, %rem3A_26, %ne3A_27 : vector<8192x128xi32>
    %lt3A = arith.constant 0 : i32
    %lt3A_29 = vector.broadcast %lt3A : i32 to vector<8192x128xi32>
    %lt3A_30 = arith.cmpi slt, %rem3A_26, %lt3A_29 : vector<8192x128xi32>
    %lt3A_31 = arith.constant 0 : i32
    %lt3A_32 = arith.cmpi slt, %select_n3A, %lt3A_31 : i32
    %ne3A_33 = vector.broadcast %lt3A_32 : i1 to vector<8192x128xi1>
    %ne3A_34 = vector.broadcast %ne3A_33 : vector<8192x128xi1> to vector<8192x128xi1>
    %ne3A_35 = arith.xori %lt3A_30, %ne3A_34 : vector<8192x128xi1>
    %and3A = arith.andi %ne3A_35, %ne3A_28 : vector<8192x128xi1>
    %add3A_36 = vector.broadcast %select_n3A : i32 to vector<8192x128xi32>
    %add3A_37 = arith.addi %rem3A_26, %add3A_36 : vector<8192x128xi32>
    %select_n3A_38 = arith.select %and3A, %add3A_37, %rem3A_26 : vector<8192x128xi1>, vector<8192x128xi32>
    %eq3A_39 = arith.constant 0 : i32
    %eq3A_40 = vector.broadcast %eq3A_39 : i32 to vector<8192x128xi32>
    %eq3A_41 = arith.cmpi eq, %select_n3A_38, %eq3A_40 : vector<8192x128xi32>
    %jit3A_42 = arith.constant 0.000000e+00 : f32
    %broadcast_in_dim3A = vector.broadcast %jit3A_42 : f32 to vector<8192x128xf32>
    %select_n3A_43 = arith.select %eq3A_41, %broadcast_in_dim3A, %roll3A_23 : vector<8192x128xi1>, vector<8192x128xf32>
    %get3A_44 = arith.constant 0 : index
    %get3A_45 = arith.constant 0 : index
    %get3A_46 = vector.load %arg3[%get3A_44, %get3A_45] : memref<128x128xf32, #tpu.memory_space<vmem>>, vector<128x128xf32>
    %dot_general3A = arith.constant dense<0.000000e+00> : vector<8192x128xf32>
    %dot_general3A_47 = tpu.matmul %select_n3A_43, %get3A_46, %dot_general3A {dimension_numbers = #tpu.dot_dimension_numbers<[1], [0], [0], [1], [0, 0, 1, 1], [], []>, transpose_lhs_hint = false} : vector<8192x128xf32>, vector<128x128xf32>, vector<8192x128xf32> -> vector<8192x128xf32>
    %get3A_48 = arith.constant 0 : index
    %get3A_49 = arith.constant 0 : index
    %get3A_50 = vector.load %arg4[%get3A_48, %get3A_49] : memref<128x128xf32, #tpu.memory_space<vmem>>, vector<128x128xf32>
    %dot_general3A_51 = arith.constant dense<0.000000e+00> : vector<8192x128xf32>
    %dot_general3A_52 = tpu.matmul %max3A_22, %get3A_50, %dot_general3A_51 {dimension_numbers = #tpu.dot_dimension_numbers<[1], [0], [0], [1], [0, 0, 1, 1], [], []>, transpose_lhs_hint = false} : vector<8192x128xf32>, vector<128x128xf32>, vector<8192x128xf32> -> vector<8192x128xf32>
    %add3A_53 = arith.addf %dot_general3A_47, %dot_general3A_52 : vector<8192x128xf32>
    %roll3A_54 = arith.constant 8191 : i32
    %roll3A_55 = tpu.dynamic_rotate %max3A_22 by %roll3A_54 dim 0 : vector<8192x128xf32>, i32 -> vector<8192x128xf32>
    %iota3A_56 = tpu.iota {dimensions = array<i32: 0>} : vector<8192x128xi32>
    %jit3A_57 = arith.constant 512 : i32
    %eq3A_58 = arith.constant 0 : i32
    %eq3A_59 = arith.cmpi eq, %jit3A_57, %eq3A_58 : i32
    %jit3A_60 = arith.constant 1 : i32
    %select_n3A_61 = arith.select %eq3A_59, %jit3A_60, %jit3A_57 : i32
    %rem3A_62 = vector.broadcast %select_n3A_61 : i32 to vector<8192x128xi32>
    %rem3A_63 = arith.remsi %iota3A_56, %rem3A_62 : vector<8192x128xi32>
    %ne3A_64 = arith.constant 0 : i32
    %ne3A_65 = vector.broadcast %ne3A_64 : i32 to vector<8192x128xi32>
    %ne3A_66 = arith.cmpi ne, %rem3A_63, %ne3A_65 : vector<8192x128xi32>
    %lt3A_67 = arith.constant 0 : i32
    %lt3A_68 = vector.broadcast %lt3A_67 : i32 to vector<8192x128xi32>
    %lt3A_69 = arith.cmpi slt, %rem3A_63, %lt3A_68 : vector<8192x128xi32>
    %lt3A_70 = arith.constant 0 : i32
    %lt3A_71 = arith.cmpi slt, %select_n3A_61, %lt3A_70 : i32
    %ne3A_72 = vector.broadcast %lt3A_71 : i1 to vector<8192x128xi1>
    %ne3A_73 = vector.broadcast %ne3A_72 : vector<8192x128xi1> to vector<8192x128xi1>
    %ne3A_74 = arith.xori %lt3A_69, %ne3A_73 : vector<8192x128xi1>
    %and3A_75 = arith.andi %ne3A_74, %ne3A_66 : vector<8192x128xi1>
    %add3A_76 = vector.broadcast %select_n3A_61 : i32 to vector<8192x128xi32>
    %add3A_77 = arith.addi %rem3A_63, %add3A_76 : vector<8192x128xi32>
    %select_n3A_78 = arith.select %and3A_75, %add3A_77, %rem3A_63 : vector<8192x128xi1>, vector<8192x128xi32>
    %eq3A_79 = arith.constant 511 : i32
    %eq3A_80 = vector.broadcast %eq3A_79 : i32 to vector<8192x128xi32>
    %eq3A_81 = arith.cmpi eq, %select_n3A_78, %eq3A_80 : vector<8192x128xi32>
    %jit3A_82 = arith.constant 0.000000e+00 : f32
    %broadcast_in_dim3A_83 = vector.broadcast %jit3A_82 : f32 to vector<8192x128xf32>
    %select_n3A_84 = arith.select %eq3A_81, %broadcast_in_dim3A_83, %roll3A_55 : vector<8192x128xi1>, vector<8192x128xf32>
    %get3A_85 = arith.constant 0 : index
    %get3A_86 = arith.constant 0 : index
    %get3A_87 = vector.load %arg5[%get3A_85, %get3A_86] : memref<128x128xf32, #tpu.memory_space<vmem>>, vector<128x128xf32>
    %dot_general3A_88 = arith.constant dense<0.000000e+00> : vector<8192x128xf32>
    %dot_general3A_89 = tpu.matmul %select_n3A_84, %get3A_87, %dot_general3A_88 {dimension_numbers = #tpu.dot_dimension_numbers<[1], [0], [0], [1], [0, 0, 1, 1], [], []>, transpose_lhs_hint = false} : vector<8192x128xf32>, vector<128x128xf32>, vector<8192x128xf32> -> vector<8192x128xf32>
    %add3A_90 = arith.addf %add3A_53, %dot_general3A_89 : vector<8192x128xf32>
    %swap3A = arith.constant 0 : index
    %swap3A_91 = arith.constant 0 : index
    %swap3A_92 = vector.load %arg6[%swap3A, %swap3A_91] : memref<8192x128xf32, #tpu.memory_space<vmem>>, vector<8192x128xf32>
    tpu.vector_store %arg6[%swap3A, %swap3A_91], %add3A_90 {strides = array<i32>} : memref<8192x128xf32, #tpu.memory_space<vmem>>, vector<8192x128xf32>,
    %reduce_sum3A = arith.constant dense<0.000000e+00> : vector<128xf32>
    %reduce_sum3A_93 = vector.multi_reduction <add>, %add3A_90, %reduce_sum3A [0] : vector<8192x128xf32> to vector<128xf32>
    %broadcast_in_dim3A_94 = vector.shape_cast %reduce_sum3A_93 : vector<128xf32> to vector<1x128xf32>
    %mul3A_95 = arith.mulf %add3A_90, %add3A_90 : vector<8192x128xf32>
    %reduce_sum3A_96 = arith.constant dense<0.000000e+00> : vector<128xf32>
    %reduce_sum3A_97 = vector.multi_reduction <add>, %mul3A_95, %reduce_sum3A_96 [0] : vector<8192x128xf32> to vector<128xf32>
    %broadcast_in_dim3A_98 = vector.shape_cast %reduce_sum3A_97 : vector<128xf32> to vector<1x128xf32>
    %concatenate3A = tpu.concatenate %broadcast_in_dim3A_94, %broadcast_in_dim3A_98 in 0 : vector<1x128xf32>, vector<1x128xf32> -> vector<2x128xf32>
    %swap3A_99 = arith.constant 0 : index
    %swap3A_100 = arith.constant 0 : index
    %swap3A_101 = vector.load %arg7[%swap3A_99, %swap3A_100] : memref<2x128xf32, #tpu.memory_space<vmem>>, vector<2x128xf32>
    tpu.vector_store %arg7[%swap3A_99, %swap3A_100], %concatenate3A {strides = array<i32>} : memref<2x128xf32, #tpu.memory_space<vmem>>, vector<2x128xf32>,
    return
  }
  func.func @transform_0(%arg0: i32) -> (i32, i32) {
    %c0_i32 = arith.constant 0 : i32
    %c0_i32_0 = arith.constant 0 : i32
    %c0_i32_1 = arith.constant 0 : i32
    return %c0_i32, %c0_i32_0 : i32, i32
  }
  func.func @transform_1(%arg0: i32) -> (i32, i32) {
    %c0_i32 = arith.constant 0 : i32
    %c0_i32_0 = arith.constant 0 : i32
    %c0_i32_1 = arith.constant 0 : i32
    return %c0_i32, %c0_i32_0 : i32, i32
  }
  func.func @transform_2(%arg0: i32) -> (i32, i32) {
    %c0_i32 = arith.constant 0 : i32
    %c0_i32_0 = arith.constant 0 : i32
    %c0_i32_1 = arith.constant 0 : i32
    return %c0_i32, %c0_i32_0 : i32, i32
  }
  func.func @transform_3(%arg0: i32) -> (i32, i32) {
    %c0_i32 = arith.constant 0 : i32
    %c0_i32_0 = arith.constant 0 : i32
    %c0_i32_1 = arith.constant 0 : i32
    return %c0_i32, %c0_i32_0 : i32, i32
  }
  func.func @transform_4(%arg0: i32) -> (i32, i32) {
    %c0_i32 = arith.constant 0 : i32
    %c0_i32_0 = arith.constant 0 : i32
    %c0_i32_1 = arith.constant 0 : i32
    return %c0_i32, %c0_i32_0 : i32, i32
  }
  func.func @transform_5(%arg0: i32) -> (i32, i32) {
    %c0_i32 = arith.constant 0 : i32
    %c0_i32_0 = arith.constant 0 : i32
    %c0_i32_1 = arith.constant 0 : i32
    return %c0_i32, %c0_i32_0 : i32, i32
  }
  func.func @transform_6(%arg0: i32) -> (i32, i32) {
    %c0_i32 = arith.constant 0 : i32
    %c0_i32_0 = arith.constant 0 : i32
    %c0_i32_1 = arith.constant 0 : i32
    return %c0_i32, %c0_i32_0 : i32, i32
  }
}

module attributes {stable_mosaic.version = 14 : i64} {
  func.func @_layer_kernel(%arg0: i32, %arg1: memref<8192x128xf32, #tpu.memory_space<vmem>>, %arg2: memref<8192x131xf32, #tpu.memory_space<vmem>>, %arg3: memref<2x128xf32, #tpu.memory_space<vmem>>, %arg4: memref<2x131xf32, #tpu.memory_space<vmem>>, %arg5: memref<128x128xf32, #tpu.memory_space<vmem>>, %arg6: memref<131x128xf32, #tpu.memory_space<vmem>>, %arg7: memref<8192x128xf32, #tpu.memory_space<vmem>>, %arg8: memref<2x128xf32, #tpu.memory_space<vmem>>) attributes {dimension_semantics = [#tpu.dimension_semantics<arbitrary>], iteration_bounds = array<i64: 1>, scalar_prefetch = 0 : i64, scratch_operands = 0 : i64, tpu.core_type = #tpu.core_type<tc>, window_params = [{pipeline_mode = #tpu.pipeline_mode<synchronous>, transform_indices = @transform_0, window_bounds = array<i64: 8192, 128>}, {pipeline_mode = #tpu.pipeline_mode<synchronous>, transform_indices = @transform_1, window_bounds = array<i64: 8192, 131>}, {pipeline_mode = #tpu.pipeline_mode<synchronous>, transform_indices = @transform_2, window_bounds = array<i64: 2, 128>}, {pipeline_mode = #tpu.pipeline_mode<synchronous>, transform_indices = @transform_3, window_bounds = array<i64: 2, 131>}, {pipeline_mode = #tpu.pipeline_mode<synchronous>, transform_indices = @transform_4, window_bounds = array<i64: 128, 128>}, {pipeline_mode = #tpu.pipeline_mode<synchronous>, transform_indices = @transform_5, window_bounds = array<i64: 131, 128>}, {pipeline_mode = #tpu.pipeline_mode<synchronous>, transform_indices = @transform_6, window_bounds = array<i64: 8192, 128>}, {pipeline_mode = #tpu.pipeline_mode<synchronous>, transform_indices = @transform_7, window_bounds = array<i64: 2, 128>}]} {
    %get3A = arith.constant 0 : index
    %get3A_0 = arith.constant 0 : index
    %get3A_1 = vector.load %arg1[%get3A, %get3A_0] : memref<8192x128xf32, #tpu.memory_space<vmem>>, vector<8192x128xf32>
    %get3A_2 = arith.constant 0 : index
    %get3A_3 = arith.constant 0 : index
    %get3A_4 = vector.load %arg3[%get3A_2, %get3A_3] : memref<2x128xf32, #tpu.memory_space<vmem>>, vector<2x128xf32>
    %slice3A = vector.extract_strided_slice %get3A_4 {offsets = [0, 0], sizes = [1, 128], strides = [1, 1]} : vector<2x128xf32> to vector<1x128xf32>
    %mul3A = arith.constant 1.22070313E-4 : f32
    %mul3A_5 = vector.broadcast %mul3A : f32 to vector<1x128xf32>
    %mul3A_6 = arith.mulf %slice3A, %mul3A_5 : vector<1x128xf32>
    %slice3A_7 = vector.extract_strided_slice %get3A_4 {offsets = [1, 0], sizes = [1, 128], strides = [1, 1]} : vector<2x128xf32> to vector<1x128xf32>
    %mul3A_8 = arith.constant 1.22070313E-4 : f32
    %mul3A_9 = vector.broadcast %mul3A_8 : f32 to vector<1x128xf32>
    %mul3A_10 = arith.mulf %slice3A_7, %mul3A_9 : vector<1x128xf32>
    %mul3A_11 = arith.mulf %mul3A_6, %mul3A_6 : vector<1x128xf32>
    %sub3A = arith.subf %mul3A_10, %mul3A_11 : vector<1x128xf32>
    %max3A = arith.constant 0.000000e+00 : f32
    %max3A_12 = vector.broadcast %max3A : f32 to vector<1x128xf32>
    %max3A_13 = arith.maximumf %sub3A, %max3A_12 : vector<1x128xf32>
    %sub3A_14 = vector.broadcast %mul3A_6 : vector<1x128xf32> to vector<8192x128xf32>
    %sub3A_15 = arith.subf %get3A_1, %sub3A_14 : vector<8192x128xf32>
    %add3A = arith.constant 9.99999974E-6 : f32
    %add3A_16 = vector.broadcast %add3A : f32 to vector<1x128xf32>
    %add3A_17 = arith.addf %max3A_13, %add3A_16 : vector<1x128xf32>
    %rsqrt3A = math.rsqrt %add3A_17 : vector<1x128xf32>
    %mul3A_18 = vector.broadcast %rsqrt3A : vector<1x128xf32> to vector<8192x128xf32>
    %mul3A_19 = arith.mulf %sub3A_15, %mul3A_18 : vector<8192x128xf32>
    %max3A_20 = arith.constant 0.000000e+00 : f32
    %max3A_21 = vector.broadcast %max3A_20 : f32 to vector<8192x128xf32>
    %max3A_22 = arith.maximumf %mul3A_19, %max3A_21 : vector<8192x128xf32>
    %get3A_23 = arith.constant 0 : index
    %get3A_24 = arith.constant 0 : index
    %get3A_25 = vector.load %arg2[%get3A_23, %get3A_24] : memref<8192x131xf32, #tpu.memory_space<vmem>>, vector<8192x131xf32>
    %get3A_26 = arith.constant 0 : index
    %get3A_27 = arith.constant 0 : index
    %get3A_28 = vector.load %arg5[%get3A_26, %get3A_27] : memref<128x128xf32, #tpu.memory_space<vmem>>, vector<128x128xf32>
    %dot_general3A = arith.constant dense<0.000000e+00> : vector<8192x128xf32>
    %dot_general3A_29 = tpu.matmul %max3A_22, %get3A_28, %dot_general3A {dimension_numbers = #tpu.dot_dimension_numbers<[1], [0], [0], [1], [0, 0, 1, 1], [], []>, transpose_lhs_hint = false} : vector<8192x128xf32>, vector<128x128xf32>, vector<8192x128xf32> -> vector<8192x128xf32>
    %get3A_30 = arith.constant 0 : index
    %get3A_31 = arith.constant 0 : index
    %get3A_32 = vector.load %arg6[%get3A_30, %get3A_31] : memref<131x128xf32, #tpu.memory_space<vmem>>, vector<131x128xf32>
    %dot_general3A_33 = arith.constant dense<0.000000e+00> : vector<8192x128xf32>
    %dot_general3A_34 = tpu.matmul %get3A_25, %get3A_32, %dot_general3A_33 {dimension_numbers = #tpu.dot_dimension_numbers<[1], [0], [0], [1], [0, 0, 1, 1], [], []>, transpose_lhs_hint = false} : vector<8192x131xf32>, vector<131x128xf32>, vector<8192x128xf32> -> vector<8192x128xf32>
    %add3A_35 = arith.addf %dot_general3A_29, %dot_general3A_34 : vector<8192x128xf32>
    %swap3A = arith.constant 0 : index
    %swap3A_36 = arith.constant 0 : index
    %swap3A_37 = vector.load %arg7[%swap3A, %swap3A_36] : memref<8192x128xf32, #tpu.memory_space<vmem>>, vector<8192x128xf32>
    tpu.vector_store %arg7[%swap3A, %swap3A_36], %add3A_35 {strides = array<i32>} : memref<8192x128xf32, #tpu.memory_space<vmem>>, vector<8192x128xf32>,
    %reduce_sum3A = arith.constant dense<0.000000e+00> : vector<128xf32>
    %reduce_sum3A_38 = vector.multi_reduction <add>, %add3A_35, %reduce_sum3A [0] : vector<8192x128xf32> to vector<128xf32>
    %broadcast_in_dim3A = vector.shape_cast %reduce_sum3A_38 : vector<128xf32> to vector<1x128xf32>
    %mul3A_39 = arith.mulf %add3A_35, %add3A_35 : vector<8192x128xf32>
    %reduce_sum3A_40 = arith.constant dense<0.000000e+00> : vector<128xf32>
    %reduce_sum3A_41 = vector.multi_reduction <add>, %mul3A_39, %reduce_sum3A_40 [0] : vector<8192x128xf32> to vector<128xf32>
    %broadcast_in_dim3A_42 = vector.shape_cast %reduce_sum3A_41 : vector<128xf32> to vector<1x128xf32>
    %concatenate3A = tpu.concatenate %broadcast_in_dim3A, %broadcast_in_dim3A_42 in 0 : vector<1x128xf32>, vector<1x128xf32> -> vector<2x128xf32>
    %swap3A_43 = arith.constant 0 : index
    %swap3A_44 = arith.constant 0 : index
    %swap3A_45 = vector.load %arg8[%swap3A_43, %swap3A_44] : memref<2x128xf32, #tpu.memory_space<vmem>>, vector<2x128xf32>
    tpu.vector_store %arg8[%swap3A_43, %swap3A_44], %concatenate3A {strides = array<i32>} : memref<2x128xf32, #tpu.memory_space<vmem>>, vector<2x128xf32>,
    return
  }
  func.func @transform_0(%arg0: i32) -> (i32, i32) {
    %c0_i32 = arith.constant 0 : i32
    %c0_i32_0 = arith.constant 0 : i32
    %c0_i32_1 = arith.constant 0 : i32
    return %c0_i32, %c0_i32_0 : i32, i32
  }
  func.func @transform_1(%arg0: i32) -> (i32, i32) {
    %c0_i32 = arith.constant 0 : i32
    %c0_i32_0 = arith.constant 0 : i32
    %c0_i32_1 = arith.constant 0 : i32
    return %c0_i32, %c0_i32_0 : i32, i32
  }
  func.func @transform_2(%arg0: i32) -> (i32, i32) {
    %c0_i32 = arith.constant 0 : i32
    %c0_i32_0 = arith.constant 0 : i32
    %c0_i32_1 = arith.constant 0 : i32
    return %c0_i32, %c0_i32_0 : i32, i32
  }
  func.func @transform_3(%arg0: i32) -> (i32, i32) {
    %c0_i32 = arith.constant 0 : i32
    %c0_i32_0 = arith.constant 0 : i32
    %c0_i32_1 = arith.constant 0 : i32
    return %c0_i32, %c0_i32_0 : i32, i32
  }
  func.func @transform_4(%arg0: i32) -> (i32, i32) {
    %c0_i32 = arith.constant 0 : i32
    %c0_i32_0 = arith.constant 0 : i32
    %c0_i32_1 = arith.constant 0 : i32
    return %c0_i32, %c0_i32_0 : i32, i32
  }
  func.func @transform_5(%arg0: i32) -> (i32, i32) {
    %c0_i32 = arith.constant 0 : i32
    %c0_i32_0 = arith.constant 0 : i32
    %c0_i32_1 = arith.constant 0 : i32
    return %c0_i32, %c0_i32_0 : i32, i32
  }
  func.func @transform_6(%arg0: i32) -> (i32, i32) {
    %c0_i32 = arith.constant 0 : i32
    %c0_i32_0 = arith.constant 0 : i32
    %c0_i32_1 = arith.constant 0 : i32
    return %c0_i32, %c0_i32_0 : i32, i32
  }
  func.func @transform_7(%arg0: i32) -> (i32, i32) {
    %c0_i32 = arith.constant 0 : i32
    %c0_i32_0 = arith.constant 0 : i32
    %c0_i32_1 = arith.constant 0 : i32
    return %c0_i32, %c0_i32_0 : i32, i32
  }
}

module attributes {stable_mosaic.version = 14 : i64} {
  func.func @_final_kernel(%arg0: i32, %arg1: memref<2048x256xf32, #tpu.memory_space<vmem>>, %arg2: memref<2x256xf32, #tpu.memory_space<vmem>>, %arg3: memref<32x1xf32, #tpu.memory_space<vmem>>, %arg4: memref<32x3xf32, #tpu.memory_space<vmem>>, %arg5: memref<32x259xf32, #tpu.memory_space<vmem>>) attributes {dimension_semantics = [#tpu.dimension_semantics<arbitrary>], iteration_bounds = array<i64: 128>, scalar_prefetch = 0 : i64, scratch_operands = 0 : i64, tpu.core_type = #tpu.core_type<tc>, window_params = [{transform_indices = @transform_0, window_bounds = array<i64: 2048, 256>}, {pipeline_mode = #tpu.pipeline_mode<synchronous>, transform_indices = @transform_1, window_bounds = array<i64: 2, 256>}, {transform_indices = @transform_2, window_bounds = array<i64: 32, 1>}, {transform_indices = @transform_3, window_bounds = array<i64: 32, 3>}, {transform_indices = @transform_4, window_bounds = array<i64: 32, 259>}]} {
    %get3A = arith.constant 0 : index
    %get3A_0 = arith.constant 0 : index
    %get3A_1 = vector.load %arg2[%get3A, %get3A_0] : memref<2x256xf32, #tpu.memory_space<vmem>>, vector<1x256xf32>
    %get3A_2 = arith.constant 1 : index
    %get3A_3 = arith.constant 0 : index
    %get3A_4 = vector.load %arg2[%get3A_2, %get3A_3] : memref<2x256xf32, #tpu.memory_space<vmem>>, vector<1x256xf32>
    %get3A_5 = arith.constant 0 : index
    %get3A_6 = arith.constant 0 : index
    %get3A_7 = vector.load %arg1[%get3A_5, %get3A_6] : memref<2048x256xf32, #tpu.memory_space<vmem>>, vector<2048x256xf32>
    %sub3A = vector.broadcast %get3A_1 : vector<1x256xf32> to vector<2048x256xf32>
    %sub3A_8 = arith.subf %get3A_7, %sub3A : vector<2048x256xf32>
    %mul3A = vector.broadcast %get3A_4 : vector<1x256xf32> to vector<2048x256xf32>
    %mul3A_9 = arith.mulf %sub3A_8, %mul3A : vector<2048x256xf32>
    %max3A = arith.constant 0.000000e+00 : f32
    %max3A_10 = vector.broadcast %max3A : f32 to vector<2048x256xf32>
    %max3A_11 = arith.maximumf %mul3A_9, %max3A_10 : vector<2048x256xf32>
    %reshape3A = vector.shape_cast %max3A_11 : vector<2048x256xf32> to vector<32x64x256xf32>
    %reduce_max3A = arith.constant dense<0xFF800000> : vector<32x256xf32>
    %reduce_max3A_12 = vector.multi_reduction <maximumf>, %reshape3A, %reduce_max3A [1] : vector<32x64x256xf32> to vector<32x256xf32>
    %get3A_13 = arith.constant 0 : index
    %get3A_14 = arith.constant 0 : index
    %get3A_15 = vector.load %arg3[%get3A_13, %get3A_14] : memref<32x1xf32, #tpu.memory_space<vmem>>, vector<32x1xf32>
    %mul3A_16 = vector.broadcast %get3A_15 : vector<32x1xf32> to vector<32x256xf32>
    %mul3A_17 = arith.mulf %reduce_max3A_12, %mul3A_16 : vector<32x256xf32>
    %get3A_18 = arith.constant 0 : index
    %get3A_19 = arith.constant 0 : index
    %get3A_20 = vector.load %arg4[%get3A_18, %get3A_19] : memref<32x3xf32, #tpu.memory_space<vmem>>, vector<32x3xf32>
    %concatenate3A = tpu.concatenate %mul3A_17, %get3A_20 in 1 : vector<32x256xf32>, vector<32x3xf32> -> vector<32x259xf32>
    %swap3A = arith.constant 0 : index
    %swap3A_21 = arith.constant 0 : index
    %swap3A_22 = vector.load %arg5[%swap3A, %swap3A_21] : memref<32x259xf32, #tpu.memory_space<vmem>>, vector<32x259xf32>
    tpu.vector_store %arg5[%swap3A, %swap3A_21], %concatenate3A {strides = array<i32>} : memref<32x259xf32, #tpu.memory_space<vmem>>, vector<32x259xf32>,
    return
  }
  func.func @transform_0(%arg0: i32) -> (i32, i32) {
    %c0_i32 = arith.constant 0 : i32
    %c0_i32_0 = arith.constant 0 : i32
    return %arg0, %c0_i32 : i32, i32
  }
  func.func @transform_1(%arg0: i32) -> (i32, i32) {
    %c0_i32 = arith.constant 0 : i32
    %c0_i32_0 = arith.constant 0 : i32
    %c0_i32_1 = arith.constant 0 : i32
    return %c0_i32, %c0_i32_0 : i32, i32
  }
  func.func @transform_2(%arg0: i32) -> (i32, i32) {
    %c0_i32 = arith.constant 0 : i32
    %c0_i32_0 = arith.constant 0 : i32
    return %arg0, %c0_i32 : i32, i32
  }
  func.func @transform_3(%arg0: i32) -> (i32, i32) {
    %c0_i32 = arith.constant 0 : i32
    %c0_i32_0 = arith.constant 0 : i32
    return %arg0, %c0_i32 : i32, i32
  }
  func.func @transform_4(%arg0: i32) -> (i32, i32) {
    %c0_i32 = arith.constant 0 : i32
    %c0_i32_0 = arith.constant 0 : i32
    return %arg0, %c0_i32 : i32, i32
  }
}

module attributes {stable_mosaic.version = 14 : i64} {
  func.func @_layer_kernel(%arg0: i32, %arg1: memref<4096x128xf32, #tpu.memory_space<vmem>>, %arg2: memref<4096x128xf32, #tpu.memory_space<vmem>>, %arg3: memref<4096x128xf32, #tpu.memory_space<vmem>>, %arg4: memref<2x128xf32, #tpu.memory_space<vmem>>, %arg5: memref<2x128xf32, #tpu.memory_space<vmem>>, %arg6: memref<2x128xf32, #tpu.memory_space<vmem>>, %arg7: memref<128x256xf32, #tpu.memory_space<vmem>>, %arg8: memref<128x256xf32, #tpu.memory_space<vmem>>, %arg9: memref<128x256xf32, #tpu.memory_space<vmem>>, %arg10: memref<4096x256xf32, #tpu.memory_space<vmem>>, %arg11: memref<2x256xf32, #tpu.memory_space<vmem>>) attributes {dimension_semantics = [#tpu.dimension_semantics<arbitrary>], iteration_bounds = array<i64: 1>, scalar_prefetch = 0 : i64, scratch_operands = 0 : i64, tpu.core_type = #tpu.core_type<tc>, window_params = [{pipeline_mode = #tpu.pipeline_mode<synchronous>, transform_indices = @transform_0, window_bounds = array<i64: 4096, 128>}, {pipeline_mode = #tpu.pipeline_mode<synchronous>, transform_indices = @transform_1, window_bounds = array<i64: 4096, 128>}, {pipeline_mode = #tpu.pipeline_mode<synchronous>, transform_indices = @transform_2, window_bounds = array<i64: 4096, 128>}, {pipeline_mode = #tpu.pipeline_mode<synchronous>, transform_indices = @transform_3, window_bounds = array<i64: 2, 128>}, {pipeline_mode = #tpu.pipeline_mode<synchronous>, transform_indices = @transform_4, window_bounds = array<i64: 2, 128>}, {pipeline_mode = #tpu.pipeline_mode<synchronous>, transform_indices = @transform_5, window_bounds = array<i64: 2, 128>}, {pipeline_mode = #tpu.pipeline_mode<synchronous>, transform_indices = @transform_6, window_bounds = array<i64: 128, 256>}, {pipeline_mode = #tpu.pipeline_mode<synchronous>, transform_indices = @transform_7, window_bounds = array<i64: 128, 256>}, {pipeline_mode = #tpu.pipeline_mode<synchronous>, transform_indices = @transform_8, window_bounds = array<i64: 128, 256>}, {pipeline_mode = #tpu.pipeline_mode<synchronous>, transform_indices = @transform_9, window_bounds = array<i64: 4096, 256>}, {pipeline_mode = #tpu.pipeline_mode<synchronous>, transform_indices = @transform_10, window_bounds = array<i64: 2, 256>}]} {
    %get3A = arith.constant 0 : index
    %get3A_0 = arith.constant 0 : index
    %get3A_1 = vector.load %arg1[%get3A, %get3A_0] : memref<4096x128xf32, #tpu.memory_space<vmem>>, vector<4096x128xf32>
    %get3A_2 = arith.constant 0 : index
    %get3A_3 = arith.constant 0 : index
    %get3A_4 = vector.load %arg4[%get3A_2, %get3A_3] : memref<2x128xf32, #tpu.memory_space<vmem>>, vector<2x128xf32>
    %slice3A = vector.extract_strided_slice %get3A_4 {offsets = [0, 0], sizes = [1, 128], strides = [1, 1]} : vector<2x128xf32> to vector<1x128xf32>
    %mul3A = arith.constant 1.22070313E-4 : f32
    %mul3A_5 = vector.broadcast %mul3A : f32 to vector<1x128xf32>
    %mul3A_6 = arith.mulf %slice3A, %mul3A_5 : vector<1x128xf32>
    %slice3A_7 = vector.extract_strided_slice %get3A_4 {offsets = [1, 0], sizes = [1, 128], strides = [1, 1]} : vector<2x128xf32> to vector<1x128xf32>
    %mul3A_8 = arith.constant 1.22070313E-4 : f32
    %mul3A_9 = vector.broadcast %mul3A_8 : f32 to vector<1x128xf32>
    %mul3A_10 = arith.mulf %slice3A_7, %mul3A_9 : vector<1x128xf32>
    %mul3A_11 = arith.mulf %mul3A_6, %mul3A_6 : vector<1x128xf32>
    %sub3A = arith.subf %mul3A_10, %mul3A_11 : vector<1x128xf32>
    %max3A = arith.constant 0.000000e+00 : f32
    %max3A_12 = vector.broadcast %max3A : f32 to vector<1x128xf32>
    %max3A_13 = arith.maximumf %sub3A, %max3A_12 : vector<1x128xf32>
    %sub3A_14 = vector.broadcast %mul3A_6 : vector<1x128xf32> to vector<4096x128xf32>
    %sub3A_15 = arith.subf %get3A_1, %sub3A_14 : vector<4096x128xf32>
    %add3A = arith.constant 9.99999974E-6 : f32
    %add3A_16 = vector.broadcast %add3A : f32 to vector<1x128xf32>
    %add3A_17 = arith.addf %max3A_13, %add3A_16 : vector<1x128xf32>
    %rsqrt3A = math.rsqrt %add3A_17 : vector<1x128xf32>
    %mul3A_18 = vector.broadcast %rsqrt3A : vector<1x128xf32> to vector<4096x128xf32>
    %mul3A_19 = arith.mulf %sub3A_15, %mul3A_18 : vector<4096x128xf32>
    %max3A_20 = arith.constant 0.000000e+00 : f32
    %max3A_21 = vector.broadcast %max3A_20 : f32 to vector<4096x128xf32>
    %max3A_22 = arith.maximumf %mul3A_19, %max3A_21 : vector<4096x128xf32>
    %get3A_23 = arith.constant 0 : index
    %get3A_24 = arith.constant 0 : index
    %get3A_25 = vector.load %arg2[%get3A_23, %get3A_24] : memref<4096x128xf32, #tpu.memory_space<vmem>>, vector<4096x128xf32>
    %get3A_26 = arith.constant 0 : index
    %get3A_27 = arith.constant 0 : index
    %get3A_28 = vector.load %arg5[%get3A_26, %get3A_27] : memref<2x128xf32, #tpu.memory_space<vmem>>, vector<2x128xf32>
    %slice3A_29 = vector.extract_strided_slice %get3A_28 {offsets = [0, 0], sizes = [1, 128], strides = [1, 1]} : vector<2x128xf32> to vector<1x128xf32>
    %mul3A_30 = arith.constant 1.22070313E-4 : f32
    %mul3A_31 = vector.broadcast %mul3A_30 : f32 to vector<1x128xf32>
    %mul3A_32 = arith.mulf %slice3A_29, %mul3A_31 : vector<1x128xf32>
    %slice3A_33 = vector.extract_strided_slice %get3A_28 {offsets = [1, 0], sizes = [1, 128], strides = [1, 1]} : vector<2x128xf32> to vector<1x128xf32>
    %mul3A_34 = arith.constant 1.22070313E-4 : f32
    %mul3A_35 = vector.broadcast %mul3A_34 : f32 to vector<1x128xf32>
    %mul3A_36 = arith.mulf %slice3A_33, %mul3A_35 : vector<1x128xf32>
    %mul3A_37 = arith.mulf %mul3A_32, %mul3A_32 : vector<1x128xf32>
    %sub3A_38 = arith.subf %mul3A_36, %mul3A_37 : vector<1x128xf32>
    %max3A_39 = arith.constant 0.000000e+00 : f32
    %max3A_40 = vector.broadcast %max3A_39 : f32 to vector<1x128xf32>
    %max3A_41 = arith.maximumf %sub3A_38, %max3A_40 : vector<1x128xf32>
    %sub3A_42 = vector.broadcast %mul3A_32 : vector<1x128xf32> to vector<4096x128xf32>
    %sub3A_43 = arith.subf %get3A_25, %sub3A_42 : vector<4096x128xf32>
    %add3A_44 = arith.constant 9.99999974E-6 : f32
    %add3A_45 = vector.broadcast %add3A_44 : f32 to vector<1x128xf32>
    %add3A_46 = arith.addf %max3A_41, %add3A_45 : vector<1x128xf32>
    %rsqrt3A_47 = math.rsqrt %add3A_46 : vector<1x128xf32>
    %mul3A_48 = vector.broadcast %rsqrt3A_47 : vector<1x128xf32> to vector<4096x128xf32>
    %mul3A_49 = arith.mulf %sub3A_43, %mul3A_48 : vector<4096x128xf32>
    %max3A_50 = arith.constant 0.000000e+00 : f32
    %max3A_51 = vector.broadcast %max3A_50 : f32 to vector<4096x128xf32>
    %max3A_52 = arith.maximumf %mul3A_49, %max3A_51 : vector<4096x128xf32>
    %get3A_53 = arith.constant 0 : index
    %get3A_54 = arith.constant 0 : index
    %get3A_55 = vector.load %arg3[%get3A_53, %get3A_54] : memref<4096x128xf32, #tpu.memory_space<vmem>>, vector<4096x128xf32>
    %get3A_56 = arith.constant 0 : index
    %get3A_57 = arith.constant 0 : index
    %get3A_58 = vector.load %arg6[%get3A_56, %get3A_57] : memref<2x128xf32, #tpu.memory_space<vmem>>, vector<2x128xf32>
    %slice3A_59 = vector.extract_strided_slice %get3A_58 {offsets = [0, 0], sizes = [1, 128], strides = [1, 1]} : vector<2x128xf32> to vector<1x128xf32>
    %mul3A_60 = arith.constant 1.22070313E-4 : f32
    %mul3A_61 = vector.broadcast %mul3A_60 : f32 to vector<1x128xf32>
    %mul3A_62 = arith.mulf %slice3A_59, %mul3A_61 : vector<1x128xf32>
    %slice3A_63 = vector.extract_strided_slice %get3A_58 {offsets = [1, 0], sizes = [1, 128], strides = [1, 1]} : vector<2x128xf32> to vector<1x128xf32>
    %mul3A_64 = arith.constant 1.22070313E-4 : f32
    %mul3A_65 = vector.broadcast %mul3A_64 : f32 to vector<1x128xf32>
    %mul3A_66 = arith.mulf %slice3A_63, %mul3A_65 : vector<1x128xf32>
    %mul3A_67 = arith.mulf %mul3A_62, %mul3A_62 : vector<1x128xf32>
    %sub3A_68 = arith.subf %mul3A_66, %mul3A_67 : vector<1x128xf32>
    %max3A_69 = arith.constant 0.000000e+00 : f32
    %max3A_70 = vector.broadcast %max3A_69 : f32 to vector<1x128xf32>
    %max3A_71 = arith.maximumf %sub3A_68, %max3A_70 : vector<1x128xf32>
    %sub3A_72 = vector.broadcast %mul3A_62 : vector<1x128xf32> to vector<4096x128xf32>
    %sub3A_73 = arith.subf %get3A_55, %sub3A_72 : vector<4096x128xf32>
    %add3A_74 = arith.constant 9.99999974E-6 : f32
    %add3A_75 = vector.broadcast %add3A_74 : f32 to vector<1x128xf32>
    %add3A_76 = arith.addf %max3A_71, %add3A_75 : vector<1x128xf32>
    %rsqrt3A_77 = math.rsqrt %add3A_76 : vector<1x128xf32>
    %mul3A_78 = vector.broadcast %rsqrt3A_77 : vector<1x128xf32> to vector<4096x128xf32>
    %mul3A_79 = arith.mulf %sub3A_73, %mul3A_78 : vector<4096x128xf32>
    %max3A_80 = arith.constant 0.000000e+00 : f32
    %max3A_81 = vector.broadcast %max3A_80 : f32 to vector<4096x128xf32>
    %max3A_82 = arith.maximumf %mul3A_79, %max3A_81 : vector<4096x128xf32>
    %iota3A = tpu.iota {dimensions = array<i32: 0>} : vector<4096x128xi32>
    %jit3A = arith.constant 256 : i32
    %eq3A = arith.constant 0 : i32
    %eq3A_83 = arith.cmpi eq, %jit3A, %eq3A : i32
    %jit3A_84 = arith.constant 1 : i32
    %select_n3A = arith.select %eq3A_83, %jit3A_84, %jit3A : i32
    %rem3A = vector.broadcast %select_n3A : i32 to vector<4096x128xi32>
    %rem3A_85 = arith.remsi %iota3A, %rem3A : vector<4096x128xi32>
    %ne3A = arith.constant 0 : i32
    %ne3A_86 = vector.broadcast %ne3A : i32 to vector<4096x128xi32>
    %ne3A_87 = arith.cmpi ne, %rem3A_85, %ne3A_86 : vector<4096x128xi32>
    %lt3A = arith.constant 0 : i32
    %lt3A_88 = vector.broadcast %lt3A : i32 to vector<4096x128xi32>
    %lt3A_89 = arith.cmpi slt, %rem3A_85, %lt3A_88 : vector<4096x128xi32>
    %lt3A_90 = arith.constant 0 : i32
    %lt3A_91 = arith.cmpi slt, %select_n3A, %lt3A_90 : i32
    %ne3A_92 = vector.broadcast %lt3A_91 : i1 to vector<4096x128xi1>
    %ne3A_93 = vector.broadcast %ne3A_92 : vector<4096x128xi1> to vector<4096x128xi1>
    %ne3A_94 = arith.xori %lt3A_89, %ne3A_93 : vector<4096x128xi1>
    %and3A = arith.andi %ne3A_94, %ne3A_87 : vector<4096x128xi1>
    %add3A_95 = vector.broadcast %select_n3A : i32 to vector<4096x128xi32>
    %add3A_96 = arith.addi %rem3A_85, %add3A_95 : vector<4096x128xi32>
    %select_n3A_97 = arith.select %and3A, %add3A_96, %rem3A_85 : vector<4096x128xi1>, vector<4096x128xi32>
    %eq3A_98 = arith.constant 0 : i32
    %eq3A_99 = vector.broadcast %eq3A_98 : i32 to vector<4096x128xi32>
    %eq3A_100 = arith.cmpi eq, %select_n3A_97, %eq3A_99 : vector<4096x128xi32>
    %jit3A_101 = arith.constant 0.000000e+00 : f32
    %broadcast_in_dim3A = vector.broadcast %jit3A_101 : f32 to vector<4096x128xf32>
    %select_n3A_102 = arith.select %eq3A_100, %broadcast_in_dim3A, %max3A_22 : vector<4096x128xi1>, vector<4096x128xf32>
    %get3A_103 = arith.constant 0 : index
    %get3A_104 = arith.constant 0 : index
    %get3A_105 = vector.load %arg7[%get3A_103, %get3A_104] : memref<128x256xf32, #tpu.memory_space<vmem>>, vector<128x256xf32>
    %dot_general3A = arith.constant dense<0.000000e+00> : vector<4096x256xf32>
    %dot_general3A_106 = tpu.matmul %select_n3A_102, %get3A_105, %dot_general3A {dimension_numbers = #tpu.dot_dimension_numbers<[1], [0], [0], [1], [0, 0, 1, 1], [], []>, transpose_lhs_hint = false} : vector<4096x128xf32>, vector<128x256xf32>, vector<4096x256xf32> -> vector<4096x256xf32>
    %get3A_107 = arith.constant 0 : index
    %get3A_108 = arith.constant 0 : index
    %get3A_109 = vector.load %arg8[%get3A_107, %get3A_108] : memref<128x256xf32, #tpu.memory_space<vmem>>, vector<128x256xf32>
    %dot_general3A_110 = arith.constant dense<0.000000e+00> : vector<4096x256xf32>
    %dot_general3A_111 = tpu.matmul %max3A_52, %get3A_109, %dot_general3A_110 {dimension_numbers = #tpu.dot_dimension_numbers<[1], [0], [0], [1], [0, 0, 1, 1], [], []>, transpose_lhs_hint = false} : vector<4096x128xf32>, vector<128x256xf32>, vector<4096x256xf32> -> vector<4096x256xf32>
    %add3A_112 = arith.addf %dot_general3A_106, %dot_general3A_111 : vector<4096x256xf32>
    %get3A_113 = arith.constant 0 : index
    %get3A_114 = arith.constant 0 : index
    %get3A_115 = vector.load %arg9[%get3A_113, %get3A_114] : memref<128x256xf32, #tpu.memory_space<vmem>>, vector<128x256xf32>
    %dot_general3A_116 = arith.constant dense<0.000000e+00> : vector<4096x256xf32>
    %dot_general3A_117 = tpu.matmul %max3A_82, %get3A_115, %dot_general3A_116 {dimension_numbers = #tpu.dot_dimension_numbers<[1], [0], [0], [1], [0, 0, 1, 1], [], []>, transpose_lhs_hint = false} : vector<4096x128xf32>, vector<128x256xf32>, vector<4096x256xf32> -> vector<4096x256xf32>
    %add3A_118 = arith.addf %add3A_112, %dot_general3A_117 : vector<4096x256xf32>
    %swap3A = arith.constant 0 : index
    %swap3A_119 = arith.constant 0 : index
    %swap3A_120 = vector.load %arg10[%swap3A, %swap3A_119] : memref<4096x256xf32, #tpu.memory_space<vmem>>, vector<4096x256xf32>
    tpu.vector_store %arg10[%swap3A, %swap3A_119], %add3A_118 {strides = array<i32>} : memref<4096x256xf32, #tpu.memory_space<vmem>>, vector<4096x256xf32>,
    %reduce_sum3A = arith.constant dense<0.000000e+00> : vector<256xf32>
    %reduce_sum3A_121 = vector.multi_reduction <add>, %add3A_118, %reduce_sum3A [0] : vector<4096x256xf32> to vector<256xf32>
    %broadcast_in_dim3A_122 = vector.shape_cast %reduce_sum3A_121 : vector<256xf32> to vector<1x256xf32>
    %mul3A_123 = arith.mulf %add3A_118, %add3A_118 : vector<4096x256xf32>
    %reduce_sum3A_124 = arith.constant dense<0.000000e+00> : vector<256xf32>
    %reduce_sum3A_125 = vector.multi_reduction <add>, %mul3A_123, %reduce_sum3A_124 [0] : vector<4096x256xf32> to vector<256xf32>
    %broadcast_in_dim3A_126 = vector.shape_cast %reduce_sum3A_125 : vector<256xf32> to vector<1x256xf32>
    %concatenate3A = tpu.concatenate %broadcast_in_dim3A_122, %broadcast_in_dim3A_126 in 0 : vector<1x256xf32>, vector<1x256xf32> -> vector<2x256xf32>
    %swap3A_127 = arith.constant 0 : index
    %swap3A_128 = arith.constant 0 : index
    %swap3A_129 = vector.load %arg11[%swap3A_127, %swap3A_128] : memref<2x256xf32, #tpu.memory_space<vmem>>, vector<2x256xf32>
    tpu.vector_store %arg11[%swap3A_127, %swap3A_128], %concatenate3A {strides = array<i32>} : memref<2x256xf32, #tpu.memory_space<vmem>>, vector<2x256xf32>,
    return
  }
  func.func @transform_0(%arg0: i32) -> (i32, i32) {
    %c0_i32 = arith.constant 0 : i32
    %c0_i32_0 = arith.constant 0 : i32
    %c0_i32_1 = arith.constant 0 : i32
    return %c0_i32, %c0_i32_0 : i32, i32
  }
  func.func @transform_1(%arg0: i32) -> (i32, i32) {
    %c0_i32 = arith.constant 0 : i32
    %c0_i32_0 = arith.constant 0 : i32
    %c0_i32_1 = arith.constant 0 : i32
    return %c0_i32, %c0_i32_0 : i32, i32
  }
  func.func @transform_2(%arg0: i32) -> (i32, i32) {
    %c0_i32 = arith.constant 0 : i32
    %c0_i32_0 = arith.constant 0 : i32
    %c0_i32_1 = arith.constant 0 : i32
    return %c0_i32, %c0_i32_0 : i32, i32
  }
  func.func @transform_3(%arg0: i32) -> (i32, i32) {
    %c0_i32 = arith.constant 0 : i32
    %c0_i32_0 = arith.constant 0 : i32
    %c0_i32_1 = arith.constant 0 : i32
    return %c0_i32, %c0_i32_0 : i32, i32
  }
  func.func @transform_4(%arg0: i32) -> (i32, i32) {
    %c0_i32 = arith.constant 0 : i32
    %c0_i32_0 = arith.constant 0 : i32
    %c0_i32_1 = arith.constant 0 : i32
    return %c0_i32, %c0_i32_0 : i32, i32
  }
  func.func @transform_5(%arg0: i32) -> (i32, i32) {
    %c0_i32 = arith.constant 0 : i32
    %c0_i32_0 = arith.constant 0 : i32
    %c0_i32_1 = arith.constant 0 : i32
    return %c0_i32, %c0_i32_0 : i32, i32
  }
  func.func @transform_6(%arg0: i32) -> (i32, i32) {
    %c0_i32 = arith.constant 0 : i32
    %c0_i32_0 = arith.constant 0 : i32
    %c0_i32_1 = arith.constant 0 : i32
    return %c0_i32, %c0_i32_0 : i32, i32
  }
  func.func @transform_7(%arg0: i32) -> (i32, i32) {
    %c0_i32 = arith.constant 0 : i32
    %c0_i32_0 = arith.constant 0 : i32
    %c0_i32_1 = arith.constant 0 : i32
    return %c0_i32, %c0_i32_0 : i32, i32
  }
  func.func @transform_8(%arg0: i32) -> (i32, i32) {
    %c0_i32 = arith.constant 0 : i32
    %c0_i32_0 = arith.constant 0 : i32
    %c0_i32_1 = arith.constant 0 : i32
    return %c0_i32, %c0_i32_0 : i32, i32
  }
  func.func @transform_9(%arg0: i32) -> (i32, i32) {
    %c0_i32 = arith.constant 0 : i32
    %c0_i32_0 = arith.constant 0 : i32
    %c0_i32_1 = arith.constant 0 : i32
    return %c0_i32, %c0_i32_0 : i32, i32
  }
  func.func @transform_10(%arg0: i32) -> (i32, i32) {
    %c0_i32 = arith.constant 0 : i32
    %c0_i32_0 = arith.constant 0 : i32
    %c0_i32_1 = arith.constant 0 : i32
    return %c0_i32, %c0_i32_0 : i32, i32
  }
}

module attributes {stable_mosaic.version = 14 : i64} {
  func.func @_layer_kernel(%arg0: i32, %arg1: memref<4096x256xf32, #tpu.memory_space<vmem>>, %arg2: memref<2x256xf32, #tpu.memory_space<vmem>>, %arg3: memref<256x256xf32, #tpu.memory_space<vmem>>, %arg4: memref<256x256xf32, #tpu.memory_space<vmem>>, %arg5: memref<256x256xf32, #tpu.memory_space<vmem>>, %arg6: memref<4096x256xf32, #tpu.memory_space<vmem>>, %arg7: memref<2x256xf32, #tpu.memory_space<vmem>>) attributes {dimension_semantics = [#tpu.dimension_semantics<arbitrary>], iteration_bounds = array<i64: 1>, scalar_prefetch = 0 : i64, scratch_operands = 0 : i64, tpu.core_type = #tpu.core_type<tc>, window_params = [{pipeline_mode = #tpu.pipeline_mode<synchronous>, transform_indices = @transform_0, window_bounds = array<i64: 4096, 256>}, {pipeline_mode = #tpu.pipeline_mode<synchronous>, transform_indices = @transform_1, window_bounds = array<i64: 2, 256>}, {pipeline_mode = #tpu.pipeline_mode<synchronous>, transform_indices = @transform_2, window_bounds = array<i64: 256, 256>}, {pipeline_mode = #tpu.pipeline_mode<synchronous>, transform_indices = @transform_3, window_bounds = array<i64: 256, 256>}, {pipeline_mode = #tpu.pipeline_mode<synchronous>, transform_indices = @transform_4, window_bounds = array<i64: 256, 256>}, {pipeline_mode = #tpu.pipeline_mode<synchronous>, transform_indices = @transform_5, window_bounds = array<i64: 4096, 256>}, {pipeline_mode = #tpu.pipeline_mode<synchronous>, transform_indices = @transform_6, window_bounds = array<i64: 2, 256>}]} {
    %get3A = arith.constant 0 : index
    %get3A_0 = arith.constant 0 : index
    %get3A_1 = vector.load %arg1[%get3A, %get3A_0] : memref<4096x256xf32, #tpu.memory_space<vmem>>, vector<4096x256xf32>
    %get3A_2 = arith.constant 0 : index
    %get3A_3 = arith.constant 0 : index
    %get3A_4 = vector.load %arg2[%get3A_2, %get3A_3] : memref<2x256xf32, #tpu.memory_space<vmem>>, vector<2x256xf32>
    %slice3A = vector.extract_strided_slice %get3A_4 {offsets = [0, 0], sizes = [1, 256], strides = [1, 1]} : vector<2x256xf32> to vector<1x256xf32>
    %mul3A = arith.constant 2.44140625E-4 : f32
    %mul3A_5 = vector.broadcast %mul3A : f32 to vector<1x256xf32>
    %mul3A_6 = arith.mulf %slice3A, %mul3A_5 : vector<1x256xf32>
    %slice3A_7 = vector.extract_strided_slice %get3A_4 {offsets = [1, 0], sizes = [1, 256], strides = [1, 1]} : vector<2x256xf32> to vector<1x256xf32>
    %mul3A_8 = arith.constant 2.44140625E-4 : f32
    %mul3A_9 = vector.broadcast %mul3A_8 : f32 to vector<1x256xf32>
    %mul3A_10 = arith.mulf %slice3A_7, %mul3A_9 : vector<1x256xf32>
    %mul3A_11 = arith.mulf %mul3A_6, %mul3A_6 : vector<1x256xf32>
    %sub3A = arith.subf %mul3A_10, %mul3A_11 : vector<1x256xf32>
    %max3A = arith.constant 0.000000e+00 : f32
    %max3A_12 = vector.broadcast %max3A : f32 to vector<1x256xf32>
    %max3A_13 = arith.maximumf %sub3A, %max3A_12 : vector<1x256xf32>
    %sub3A_14 = vector.broadcast %mul3A_6 : vector<1x256xf32> to vector<4096x256xf32>
    %sub3A_15 = arith.subf %get3A_1, %sub3A_14 : vector<4096x256xf32>
    %add3A = arith.constant 9.99999974E-6 : f32
    %add3A_16 = vector.broadcast %add3A : f32 to vector<1x256xf32>
    %add3A_17 = arith.addf %max3A_13, %add3A_16 : vector<1x256xf32>
    %rsqrt3A = math.rsqrt %add3A_17 : vector<1x256xf32>
    %mul3A_18 = vector.broadcast %rsqrt3A : vector<1x256xf32> to vector<4096x256xf32>
    %mul3A_19 = arith.mulf %sub3A_15, %mul3A_18 : vector<4096x256xf32>
    %max3A_20 = arith.constant 0.000000e+00 : f32
    %max3A_21 = vector.broadcast %max3A_20 : f32 to vector<4096x256xf32>
    %max3A_22 = arith.maximumf %mul3A_19, %max3A_21 : vector<4096x256xf32>
    %roll3A = arith.constant 1 : i32
    %roll3A_23 = tpu.dynamic_rotate %max3A_22 by %roll3A dim 0 : vector<4096x256xf32>, i32 -> vector<4096x256xf32>
    %iota3A = tpu.iota {dimensions = array<i32: 0>} : vector<4096x256xi32>
    %jit3A = arith.constant 256 : i32
    %eq3A = arith.constant 0 : i32
    %eq3A_24 = arith.cmpi eq, %jit3A, %eq3A : i32
    %jit3A_25 = arith.constant 1 : i32
    %select_n3A = arith.select %eq3A_24, %jit3A_25, %jit3A : i32
    %rem3A = vector.broadcast %select_n3A : i32 to vector<4096x256xi32>
    %rem3A_26 = arith.remsi %iota3A, %rem3A : vector<4096x256xi32>
    %ne3A = arith.constant 0 : i32
    %ne3A_27 = vector.broadcast %ne3A : i32 to vector<4096x256xi32>
    %ne3A_28 = arith.cmpi ne, %rem3A_26, %ne3A_27 : vector<4096x256xi32>
    %lt3A = arith.constant 0 : i32
    %lt3A_29 = vector.broadcast %lt3A : i32 to vector<4096x256xi32>
    %lt3A_30 = arith.cmpi slt, %rem3A_26, %lt3A_29 : vector<4096x256xi32>
    %lt3A_31 = arith.constant 0 : i32
    %lt3A_32 = arith.cmpi slt, %select_n3A, %lt3A_31 : i32
    %ne3A_33 = vector.broadcast %lt3A_32 : i1 to vector<4096x256xi1>
    %ne3A_34 = vector.broadcast %ne3A_33 : vector<4096x256xi1> to vector<4096x256xi1>
    %ne3A_35 = arith.xori %lt3A_30, %ne3A_34 : vector<4096x256xi1>
    %and3A = arith.andi %ne3A_35, %ne3A_28 : vector<4096x256xi1>
    %add3A_36 = vector.broadcast %select_n3A : i32 to vector<4096x256xi32>
    %add3A_37 = arith.addi %rem3A_26, %add3A_36 : vector<4096x256xi32>
    %select_n3A_38 = arith.select %and3A, %add3A_37, %rem3A_26 : vector<4096x256xi1>, vector<4096x256xi32>
    %eq3A_39 = arith.constant 0 : i32
    %eq3A_40 = vector.broadcast %eq3A_39 : i32 to vector<4096x256xi32>
    %eq3A_41 = arith.cmpi eq, %select_n3A_38, %eq3A_40 : vector<4096x256xi32>
    %jit3A_42 = arith.constant 0.000000e+00 : f32
    %broadcast_in_dim3A = vector.broadcast %jit3A_42 : f32 to vector<4096x256xf32>
    %select_n3A_43 = arith.select %eq3A_41, %broadcast_in_dim3A, %roll3A_23 : vector<4096x256xi1>, vector<4096x256xf32>
    %get3A_44 = arith.constant 0 : index
    %get3A_45 = arith.constant 0 : index
    %get3A_46 = vector.load %arg3[%get3A_44, %get3A_45] : memref<256x256xf32, #tpu.memory_space<vmem>>, vector<256x256xf32>
    %dot_general3A = arith.constant dense<0.000000e+00> : vector<4096x256xf32>
    %dot_general3A_47 = tpu.matmul %select_n3A_43, %get3A_46, %dot_general3A {dimension_numbers = #tpu.dot_dimension_numbers<[1], [0], [0], [1], [0, 0, 1, 1], [], []>, transpose_lhs_hint = false} : vector<4096x256xf32>, vector<256x256xf32>, vector<4096x256xf32> -> vector<4096x256xf32>
    %get3A_48 = arith.constant 0 : index
    %get3A_49 = arith.constant 0 : index
    %get3A_50 = vector.load %arg4[%get3A_48, %get3A_49] : memref<256x256xf32, #tpu.memory_space<vmem>>, vector<256x256xf32>
    %dot_general3A_51 = arith.constant dense<0.000000e+00> : vector<4096x256xf32>
    %dot_general3A_52 = tpu.matmul %max3A_22, %get3A_50, %dot_general3A_51 {dimension_numbers = #tpu.dot_dimension_numbers<[1], [0], [0], [1], [0, 0, 1, 1], [], []>, transpose_lhs_hint = false} : vector<4096x256xf32>, vector<256x256xf32>, vector<4096x256xf32> -> vector<4096x256xf32>
    %add3A_53 = arith.addf %dot_general3A_47, %dot_general3A_52 : vector<4096x256xf32>
    %roll3A_54 = arith.constant 4095 : i32
    %roll3A_55 = tpu.dynamic_rotate %max3A_22 by %roll3A_54 dim 0 : vector<4096x256xf32>, i32 -> vector<4096x256xf32>
    %iota3A_56 = tpu.iota {dimensions = array<i32: 0>} : vector<4096x256xi32>
    %jit3A_57 = arith.constant 256 : i32
    %eq3A_58 = arith.constant 0 : i32
    %eq3A_59 = arith.cmpi eq, %jit3A_57, %eq3A_58 : i32
    %jit3A_60 = arith.constant 1 : i32
    %select_n3A_61 = arith.select %eq3A_59, %jit3A_60, %jit3A_57 : i32
    %rem3A_62 = vector.broadcast %select_n3A_61 : i32 to vector<4096x256xi32>
    %rem3A_63 = arith.remsi %iota3A_56, %rem3A_62 : vector<4096x256xi32>
    %ne3A_64 = arith.constant 0 : i32
    %ne3A_65 = vector.broadcast %ne3A_64 : i32 to vector<4096x256xi32>
    %ne3A_66 = arith.cmpi ne, %rem3A_63, %ne3A_65 : vector<4096x256xi32>
    %lt3A_67 = arith.constant 0 : i32
    %lt3A_68 = vector.broadcast %lt3A_67 : i32 to vector<4096x256xi32>
    %lt3A_69 = arith.cmpi slt, %rem3A_63, %lt3A_68 : vector<4096x256xi32>
    %lt3A_70 = arith.constant 0 : i32
    %lt3A_71 = arith.cmpi slt, %select_n3A_61, %lt3A_70 : i32
    %ne3A_72 = vector.broadcast %lt3A_71 : i1 to vector<4096x256xi1>
    %ne3A_73 = vector.broadcast %ne3A_72 : vector<4096x256xi1> to vector<4096x256xi1>
    %ne3A_74 = arith.xori %lt3A_69, %ne3A_73 : vector<4096x256xi1>
    %and3A_75 = arith.andi %ne3A_74, %ne3A_66 : vector<4096x256xi1>
    %add3A_76 = vector.broadcast %select_n3A_61 : i32 to vector<4096x256xi32>
    %add3A_77 = arith.addi %rem3A_63, %add3A_76 : vector<4096x256xi32>
    %select_n3A_78 = arith.select %and3A_75, %add3A_77, %rem3A_63 : vector<4096x256xi1>, vector<4096x256xi32>
    %eq3A_79 = arith.constant 255 : i32
    %eq3A_80 = vector.broadcast %eq3A_79 : i32 to vector<4096x256xi32>
    %eq3A_81 = arith.cmpi eq, %select_n3A_78, %eq3A_80 : vector<4096x256xi32>
    %jit3A_82 = arith.constant 0.000000e+00 : f32
    %broadcast_in_dim3A_83 = vector.broadcast %jit3A_82 : f32 to vector<4096x256xf32>
    %select_n3A_84 = arith.select %eq3A_81, %broadcast_in_dim3A_83, %roll3A_55 : vector<4096x256xi1>, vector<4096x256xf32>
    %get3A_85 = arith.constant 0 : index
    %get3A_86 = arith.constant 0 : index
    %get3A_87 = vector.load %arg5[%get3A_85, %get3A_86] : memref<256x256xf32, #tpu.memory_space<vmem>>, vector<256x256xf32>
    %dot_general3A_88 = arith.constant dense<0.000000e+00> : vector<4096x256xf32>
    %dot_general3A_89 = tpu.matmul %select_n3A_84, %get3A_87, %dot_general3A_88 {dimension_numbers = #tpu.dot_dimension_numbers<[1], [0], [0], [1], [0, 0, 1, 1], [], []>, transpose_lhs_hint = false} : vector<4096x256xf32>, vector<256x256xf32>, vector<4096x256xf32> -> vector<4096x256xf32>
    %add3A_90 = arith.addf %add3A_53, %dot_general3A_89 : vector<4096x256xf32>
    %swap3A = arith.constant 0 : index
    %swap3A_91 = arith.constant 0 : index
    %swap3A_92 = vector.load %arg6[%swap3A, %swap3A_91] : memref<4096x256xf32, #tpu.memory_space<vmem>>, vector<4096x256xf32>
    tpu.vector_store %arg6[%swap3A, %swap3A_91], %add3A_90 {strides = array<i32>} : memref<4096x256xf32, #tpu.memory_space<vmem>>, vector<4096x256xf32>,
    %reduce_sum3A = arith.constant dense<0.000000e+00> : vector<256xf32>
    %reduce_sum3A_93 = vector.multi_reduction <add>, %add3A_90, %reduce_sum3A [0] : vector<4096x256xf32> to vector<256xf32>
    %broadcast_in_dim3A_94 = vector.shape_cast %reduce_sum3A_93 : vector<256xf32> to vector<1x256xf32>
    %mul3A_95 = arith.mulf %add3A_90, %add3A_90 : vector<4096x256xf32>
    %reduce_sum3A_96 = arith.constant dense<0.000000e+00> : vector<256xf32>
    %reduce_sum3A_97 = vector.multi_reduction <add>, %mul3A_95, %reduce_sum3A_96 [0] : vector<4096x256xf32> to vector<256xf32>
    %broadcast_in_dim3A_98 = vector.shape_cast %reduce_sum3A_97 : vector<256xf32> to vector<1x256xf32>
    %concatenate3A = tpu.concatenate %broadcast_in_dim3A_94, %broadcast_in_dim3A_98 in 0 : vector<1x256xf32>, vector<1x256xf32> -> vector<2x256xf32>
    %swap3A_99 = arith.constant 0 : index
    %swap3A_100 = arith.constant 0 : index
    %swap3A_101 = vector.load %arg7[%swap3A_99, %swap3A_100] : memref<2x256xf32, #tpu.memory_space<vmem>>, vector<2x256xf32>
    tpu.vector_store %arg7[%swap3A_99, %swap3A_100], %concatenate3A {strides = array<i32>} : memref<2x256xf32, #tpu.memory_space<vmem>>, vector<2x256xf32>,
    return
  }
  func.func @transform_0(%arg0: i32) -> (i32, i32) {
    %c0_i32 = arith.constant 0 : i32
    %c0_i32_0 = arith.constant 0 : i32
    %c0_i32_1 = arith.constant 0 : i32
    return %c0_i32, %c0_i32_0 : i32, i32
  }
  func.func @transform_1(%arg0: i32) -> (i32, i32) {
    %c0_i32 = arith.constant 0 : i32
    %c0_i32_0 = arith.constant 0 : i32
    %c0_i32_1 = arith.constant 0 : i32
    return %c0_i32, %c0_i32_0 : i32, i32
  }
  func.func @transform_2(%arg0: i32) -> (i32, i32) {
    %c0_i32 = arith.constant 0 : i32
    %c0_i32_0 = arith.constant 0 : i32
    %c0_i32_1 = arith.constant 0 : i32
    return %c0_i32, %c0_i32_0 : i32, i32
  }
  func.func @transform_3(%arg0: i32) -> (i32, i32) {
    %c0_i32 = arith.constant 0 : i32
    %c0_i32_0 = arith.constant 0 : i32
    %c0_i32_1 = arith.constant 0 : i32
    return %c0_i32, %c0_i32_0 : i32, i32
  }
  func.func @transform_4(%arg0: i32) -> (i32, i32) {
    %c0_i32 = arith.constant 0 : i32
    %c0_i32_0 = arith.constant 0 : i32
    %c0_i32_1 = arith.constant 0 : i32
    return %c0_i32, %c0_i32_0 : i32, i32
  }
  func.func @transform_5(%arg0: i32) -> (i32, i32) {
    %c0_i32 = arith.constant 0 : i32
    %c0_i32_0 = arith.constant 0 : i32
    %c0_i32_1 = arith.constant 0 : i32
    return %c0_i32, %c0_i32_0 : i32, i32
  }
  func.func @transform_6(%arg0: i32) -> (i32, i32) {
    %c0_i32 = arith.constant 0 : i32
    %c0_i32_0 = arith.constant 0 : i32
    %c0_i32_1 = arith.constant 0 : i32
    return %c0_i32, %c0_i32_0 : i32, i32
  }
}

module attributes {stable_mosaic.version = 14 : i64} {
  func.func @_layer_kernel(%arg0: i32, %arg1: memref<4096x256xf32, #tpu.memory_space<vmem>>, %arg2: memref<4096x259xf32, #tpu.memory_space<vmem>>, %arg3: memref<2x256xf32, #tpu.memory_space<vmem>>, %arg4: memref<2x259xf32, #tpu.memory_space<vmem>>, %arg5: memref<256x256xf32, #tpu.memory_space<vmem>>, %arg6: memref<259x256xf32, #tpu.memory_space<vmem>>, %arg7: memref<4096x256xf32, #tpu.memory_space<vmem>>, %arg8: memref<2x256xf32, #tpu.memory_space<vmem>>) attributes {dimension_semantics = [#tpu.dimension_semantics<arbitrary>], iteration_bounds = array<i64: 1>, scalar_prefetch = 0 : i64, scratch_operands = 0 : i64, tpu.core_type = #tpu.core_type<tc>, window_params = [{pipeline_mode = #tpu.pipeline_mode<synchronous>, transform_indices = @transform_0, window_bounds = array<i64: 4096, 256>}, {pipeline_mode = #tpu.pipeline_mode<synchronous>, transform_indices = @transform_1, window_bounds = array<i64: 4096, 259>}, {pipeline_mode = #tpu.pipeline_mode<synchronous>, transform_indices = @transform_2, window_bounds = array<i64: 2, 256>}, {pipeline_mode = #tpu.pipeline_mode<synchronous>, transform_indices = @transform_3, window_bounds = array<i64: 2, 259>}, {pipeline_mode = #tpu.pipeline_mode<synchronous>, transform_indices = @transform_4, window_bounds = array<i64: 256, 256>}, {pipeline_mode = #tpu.pipeline_mode<synchronous>, transform_indices = @transform_5, window_bounds = array<i64: 259, 256>}, {pipeline_mode = #tpu.pipeline_mode<synchronous>, transform_indices = @transform_6, window_bounds = array<i64: 4096, 256>}, {pipeline_mode = #tpu.pipeline_mode<synchronous>, transform_indices = @transform_7, window_bounds = array<i64: 2, 256>}]} {
    %get3A = arith.constant 0 : index
    %get3A_0 = arith.constant 0 : index
    %get3A_1 = vector.load %arg1[%get3A, %get3A_0] : memref<4096x256xf32, #tpu.memory_space<vmem>>, vector<4096x256xf32>
    %get3A_2 = arith.constant 0 : index
    %get3A_3 = arith.constant 0 : index
    %get3A_4 = vector.load %arg3[%get3A_2, %get3A_3] : memref<2x256xf32, #tpu.memory_space<vmem>>, vector<2x256xf32>
    %slice3A = vector.extract_strided_slice %get3A_4 {offsets = [0, 0], sizes = [1, 256], strides = [1, 1]} : vector<2x256xf32> to vector<1x256xf32>
    %mul3A = arith.constant 2.44140625E-4 : f32
    %mul3A_5 = vector.broadcast %mul3A : f32 to vector<1x256xf32>
    %mul3A_6 = arith.mulf %slice3A, %mul3A_5 : vector<1x256xf32>
    %slice3A_7 = vector.extract_strided_slice %get3A_4 {offsets = [1, 0], sizes = [1, 256], strides = [1, 1]} : vector<2x256xf32> to vector<1x256xf32>
    %mul3A_8 = arith.constant 2.44140625E-4 : f32
    %mul3A_9 = vector.broadcast %mul3A_8 : f32 to vector<1x256xf32>
    %mul3A_10 = arith.mulf %slice3A_7, %mul3A_9 : vector<1x256xf32>
    %mul3A_11 = arith.mulf %mul3A_6, %mul3A_6 : vector<1x256xf32>
    %sub3A = arith.subf %mul3A_10, %mul3A_11 : vector<1x256xf32>
    %max3A = arith.constant 0.000000e+00 : f32
    %max3A_12 = vector.broadcast %max3A : f32 to vector<1x256xf32>
    %max3A_13 = arith.maximumf %sub3A, %max3A_12 : vector<1x256xf32>
    %sub3A_14 = vector.broadcast %mul3A_6 : vector<1x256xf32> to vector<4096x256xf32>
    %sub3A_15 = arith.subf %get3A_1, %sub3A_14 : vector<4096x256xf32>
    %add3A = arith.constant 9.99999974E-6 : f32
    %add3A_16 = vector.broadcast %add3A : f32 to vector<1x256xf32>
    %add3A_17 = arith.addf %max3A_13, %add3A_16 : vector<1x256xf32>
    %rsqrt3A = math.rsqrt %add3A_17 : vector<1x256xf32>
    %mul3A_18 = vector.broadcast %rsqrt3A : vector<1x256xf32> to vector<4096x256xf32>
    %mul3A_19 = arith.mulf %sub3A_15, %mul3A_18 : vector<4096x256xf32>
    %max3A_20 = arith.constant 0.000000e+00 : f32
    %max3A_21 = vector.broadcast %max3A_20 : f32 to vector<4096x256xf32>
    %max3A_22 = arith.maximumf %mul3A_19, %max3A_21 : vector<4096x256xf32>
    %get3A_23 = arith.constant 0 : index
    %get3A_24 = arith.constant 0 : index
    %get3A_25 = vector.load %arg2[%get3A_23, %get3A_24] : memref<4096x259xf32, #tpu.memory_space<vmem>>, vector<4096x259xf32>
    %get3A_26 = arith.constant 0 : index
    %get3A_27 = arith.constant 0 : index
    %get3A_28 = vector.load %arg5[%get3A_26, %get3A_27] : memref<256x256xf32, #tpu.memory_space<vmem>>, vector<256x256xf32>
    %dot_general3A = arith.constant dense<0.000000e+00> : vector<4096x256xf32>
    %dot_general3A_29 = tpu.matmul %max3A_22, %get3A_28, %dot_general3A {dimension_numbers = #tpu.dot_dimension_numbers<[1], [0], [0], [1], [0, 0, 1, 1], [], []>, transpose_lhs_hint = false} : vector<4096x256xf32>, vector<256x256xf32>, vector<4096x256xf32> -> vector<4096x256xf32>
    %get3A_30 = arith.constant 0 : index
    %get3A_31 = arith.constant 0 : index
    %get3A_32 = vector.load %arg6[%get3A_30, %get3A_31] : memref<259x256xf32, #tpu.memory_space<vmem>>, vector<259x256xf32>
    %dot_general3A_33 = arith.constant dense<0.000000e+00> : vector<4096x256xf32>
    %dot_general3A_34 = tpu.matmul %get3A_25, %get3A_32, %dot_general3A_33 {dimension_numbers = #tpu.dot_dimension_numbers<[1], [0], [0], [1], [0, 0, 1, 1], [], []>, transpose_lhs_hint = false} : vector<4096x259xf32>, vector<259x256xf32>, vector<4096x256xf32> -> vector<4096x256xf32>
    %add3A_35 = arith.addf %dot_general3A_29, %dot_general3A_34 : vector<4096x256xf32>
    %swap3A = arith.constant 0 : index
    %swap3A_36 = arith.constant 0 : index
    %swap3A_37 = vector.load %arg7[%swap3A, %swap3A_36] : memref<4096x256xf32, #tpu.memory_space<vmem>>, vector<4096x256xf32>
    tpu.vector_store %arg7[%swap3A, %swap3A_36], %add3A_35 {strides = array<i32>} : memref<4096x256xf32, #tpu.memory_space<vmem>>, vector<4096x256xf32>,
    %reduce_sum3A = arith.constant dense<0.000000e+00> : vector<256xf32>
    %reduce_sum3A_38 = vector.multi_reduction <add>, %add3A_35, %reduce_sum3A [0] : vector<4096x256xf32> to vector<256xf32>
    %broadcast_in_dim3A = vector.shape_cast %reduce_sum3A_38 : vector<256xf32> to vector<1x256xf32>
    %mul3A_39 = arith.mulf %add3A_35, %add3A_35 : vector<4096x256xf32>
    %reduce_sum3A_40 = arith.constant dense<0.000000e+00> : vector<256xf32>
    %reduce_sum3A_41 = vector.multi_reduction <add>, %mul3A_39, %reduce_sum3A_40 [0] : vector<4096x256xf32> to vector<256xf32>
    %broadcast_in_dim3A_42 = vector.shape_cast %reduce_sum3A_41 : vector<256xf32> to vector<1x256xf32>
    %concatenate3A = tpu.concatenate %broadcast_in_dim3A, %broadcast_in_dim3A_42 in 0 : vector<1x256xf32>, vector<1x256xf32> -> vector<2x256xf32>
    %swap3A_43 = arith.constant 0 : index
    %swap3A_44 = arith.constant 0 : index
    %swap3A_45 = vector.load %arg8[%swap3A_43, %swap3A_44] : memref<2x256xf32, #tpu.memory_space<vmem>>, vector<2x256xf32>
    tpu.vector_store %arg8[%swap3A_43, %swap3A_44], %concatenate3A {strides = array<i32>} : memref<2x256xf32, #tpu.memory_space<vmem>>, vector<2x256xf32>,
    return
  }
  func.func @transform_0(%arg0: i32) -> (i32, i32) {
    %c0_i32 = arith.constant 0 : i32
    %c0_i32_0 = arith.constant 0 : i32
    %c0_i32_1 = arith.constant 0 : i32
    return %c0_i32, %c0_i32_0 : i32, i32
  }
  func.func @transform_1(%arg0: i32) -> (i32, i32) {
    %c0_i32 = arith.constant 0 : i32
    %c0_i32_0 = arith.constant 0 : i32
    %c0_i32_1 = arith.constant 0 : i32
    return %c0_i32, %c0_i32_0 : i32, i32
  }
  func.func @transform_2(%arg0: i32) -> (i32, i32) {
    %c0_i32 = arith.constant 0 : i32
    %c0_i32_0 = arith.constant 0 : i32
    %c0_i32_1 = arith.constant 0 : i32
    return %c0_i32, %c0_i32_0 : i32, i32
  }
  func.func @transform_3(%arg0: i32) -> (i32, i32) {
    %c0_i32 = arith.constant 0 : i32
    %c0_i32_0 = arith.constant 0 : i32
    %c0_i32_1 = arith.constant 0 : i32
    return %c0_i32, %c0_i32_0 : i32, i32
  }
  func.func @transform_4(%arg0: i32) -> (i32, i32) {
    %c0_i32 = arith.constant 0 : i32
    %c0_i32_0 = arith.constant 0 : i32
    %c0_i32_1 = arith.constant 0 : i32
    return %c0_i32, %c0_i32_0 : i32, i32
  }
  func.func @transform_5(%arg0: i32) -> (i32, i32) {
    %c0_i32 = arith.constant 0 : i32
    %c0_i32_0 = arith.constant 0 : i32
    %c0_i32_1 = arith.constant 0 : i32
    return %c0_i32, %c0_i32_0 : i32, i32
  }
  func.func @transform_6(%arg0: i32) -> (i32, i32) {
    %c0_i32 = arith.constant 0 : i32
    %c0_i32_0 = arith.constant 0 : i32
    %c0_i32_1 = arith.constant 0 : i32
    return %c0_i32, %c0_i32_0 : i32, i32
  }
  func.func @transform_7(%arg0: i32) -> (i32, i32) {
    %c0_i32 = arith.constant 0 : i32
    %c0_i32_0 = arith.constant 0 : i32
    %c0_i32_1 = arith.constant 0 : i32
    return %c0_i32, %c0_i32_0 : i32, i32
  }
}

module attributes {stable_mosaic.version = 14 : i64} {
  func.func @_final_kernel(%arg0: i32, %arg1: memref<2048x512xf32, #tpu.memory_space<vmem>>, %arg2: memref<2x512xf32, #tpu.memory_space<vmem>>, %arg3: memref<16x1xf32, #tpu.memory_space<vmem>>, %arg4: memref<16x3xf32, #tpu.memory_space<vmem>>, %arg5: memref<16x515xf32, #tpu.memory_space<vmem>>) attributes {dimension_semantics = [#tpu.dimension_semantics<arbitrary>], iteration_bounds = array<i64: 128>, scalar_prefetch = 0 : i64, scratch_operands = 0 : i64, tpu.core_type = #tpu.core_type<tc>, window_params = [{transform_indices = @transform_0, window_bounds = array<i64: 2048, 512>}, {pipeline_mode = #tpu.pipeline_mode<synchronous>, transform_indices = @transform_1, window_bounds = array<i64: 2, 512>}, {transform_indices = @transform_2, window_bounds = array<i64: 16, 1>}, {transform_indices = @transform_3, window_bounds = array<i64: 16, 3>}, {transform_indices = @transform_4, window_bounds = array<i64: 16, 515>}]} {
    %get3A = arith.constant 0 : index
    %get3A_0 = arith.constant 0 : index
    %get3A_1 = vector.load %arg2[%get3A, %get3A_0] : memref<2x512xf32, #tpu.memory_space<vmem>>, vector<1x512xf32>
    %get3A_2 = arith.constant 1 : index
    %get3A_3 = arith.constant 0 : index
    %get3A_4 = vector.load %arg2[%get3A_2, %get3A_3] : memref<2x512xf32, #tpu.memory_space<vmem>>, vector<1x512xf32>
    %get3A_5 = arith.constant 0 : index
    %get3A_6 = arith.constant 0 : index
    %get3A_7 = vector.load %arg1[%get3A_5, %get3A_6] : memref<2048x512xf32, #tpu.memory_space<vmem>>, vector<2048x512xf32>
    %sub3A = vector.broadcast %get3A_1 : vector<1x512xf32> to vector<2048x512xf32>
    %sub3A_8 = arith.subf %get3A_7, %sub3A : vector<2048x512xf32>
    %mul3A = vector.broadcast %get3A_4 : vector<1x512xf32> to vector<2048x512xf32>
    %mul3A_9 = arith.mulf %sub3A_8, %mul3A : vector<2048x512xf32>
    %max3A = arith.constant 0.000000e+00 : f32
    %max3A_10 = vector.broadcast %max3A : f32 to vector<2048x512xf32>
    %max3A_11 = arith.maximumf %mul3A_9, %max3A_10 : vector<2048x512xf32>
    %reshape3A = vector.shape_cast %max3A_11 : vector<2048x512xf32> to vector<16x128x512xf32>
    %reduce_max3A = arith.constant dense<0xFF800000> : vector<16x512xf32>
    %reduce_max3A_12 = vector.multi_reduction <maximumf>, %reshape3A, %reduce_max3A [1] : vector<16x128x512xf32> to vector<16x512xf32>
    %get3A_13 = arith.constant 0 : index
    %get3A_14 = arith.constant 0 : index
    %get3A_15 = vector.load %arg3[%get3A_13, %get3A_14] : memref<16x1xf32, #tpu.memory_space<vmem>>, vector<16x1xf32>
    %mul3A_16 = vector.broadcast %get3A_15 : vector<16x1xf32> to vector<16x512xf32>
    %mul3A_17 = arith.mulf %reduce_max3A_12, %mul3A_16 : vector<16x512xf32>
    %get3A_18 = arith.constant 0 : index
    %get3A_19 = arith.constant 0 : index
    %get3A_20 = vector.load %arg4[%get3A_18, %get3A_19] : memref<16x3xf32, #tpu.memory_space<vmem>>, vector<16x3xf32>
    %concatenate3A = tpu.concatenate %mul3A_17, %get3A_20 in 1 : vector<16x512xf32>, vector<16x3xf32> -> vector<16x515xf32>
    %swap3A = arith.constant 0 : index
    %swap3A_21 = arith.constant 0 : index
    %swap3A_22 = vector.load %arg5[%swap3A, %swap3A_21] : memref<16x515xf32, #tpu.memory_space<vmem>>, vector<16x515xf32>
    tpu.vector_store %arg5[%swap3A, %swap3A_21], %concatenate3A {strides = array<i32>} : memref<16x515xf32, #tpu.memory_space<vmem>>, vector<16x515xf32>,
    return
  }
  func.func @transform_0(%arg0: i32) -> (i32, i32) {
    %c0_i32 = arith.constant 0 : i32
    %c0_i32_0 = arith.constant 0 : i32
    return %arg0, %c0_i32 : i32, i32
  }
  func.func @transform_1(%arg0: i32) -> (i32, i32) {
    %c0_i32 = arith.constant 0 : i32
    %c0_i32_0 = arith.constant 0 : i32
    %c0_i32_1 = arith.constant 0 : i32
    return %c0_i32, %c0_i32_0 : i32, i32
  }
  func.func @transform_2(%arg0: i32) -> (i32, i32) {
    %c0_i32 = arith.constant 0 : i32
    %c0_i32_0 = arith.constant 0 : i32
    return %arg0, %c0_i32 : i32, i32
  }
  func.func @transform_3(%arg0: i32) -> (i32, i32) {
    %c0_i32 = arith.constant 0 : i32
    %c0_i32_0 = arith.constant 0 : i32
    return %arg0, %c0_i32 : i32, i32
  }
  func.func @transform_4(%arg0: i32) -> (i32, i32) {
    %c0_i32 = arith.constant 0 : i32
    %c0_i32_0 = arith.constant 0 : i32
    return %arg0, %c0_i32 : i32, i32
  }
}

module attributes {stable_mosaic.version = 14 : i64} {
  func.func @_layer_kernel(%arg0: i32, %arg1: memref<2048x256xf32, #tpu.memory_space<vmem>>, %arg2: memref<2048x256xf32, #tpu.memory_space<vmem>>, %arg3: memref<2048x256xf32, #tpu.memory_space<vmem>>, %arg4: memref<2x256xf32, #tpu.memory_space<vmem>>, %arg5: memref<2x256xf32, #tpu.memory_space<vmem>>, %arg6: memref<2x256xf32, #tpu.memory_space<vmem>>, %arg7: memref<256x512xf32, #tpu.memory_space<vmem>>, %arg8: memref<256x512xf32, #tpu.memory_space<vmem>>, %arg9: memref<256x512xf32, #tpu.memory_space<vmem>>, %arg10: memref<2048x512xf32, #tpu.memory_space<vmem>>, %arg11: memref<2x512xf32, #tpu.memory_space<vmem>>) attributes {dimension_semantics = [#tpu.dimension_semantics<arbitrary>], iteration_bounds = array<i64: 1>, scalar_prefetch = 0 : i64, scratch_operands = 0 : i64, tpu.core_type = #tpu.core_type<tc>, window_params = [{pipeline_mode = #tpu.pipeline_mode<synchronous>, transform_indices = @transform_0, window_bounds = array<i64: 2048, 256>}, {pipeline_mode = #tpu.pipeline_mode<synchronous>, transform_indices = @transform_1, window_bounds = array<i64: 2048, 256>}, {pipeline_mode = #tpu.pipeline_mode<synchronous>, transform_indices = @transform_2, window_bounds = array<i64: 2048, 256>}, {pipeline_mode = #tpu.pipeline_mode<synchronous>, transform_indices = @transform_3, window_bounds = array<i64: 2, 256>}, {pipeline_mode = #tpu.pipeline_mode<synchronous>, transform_indices = @transform_4, window_bounds = array<i64: 2, 256>}, {pipeline_mode = #tpu.pipeline_mode<synchronous>, transform_indices = @transform_5, window_bounds = array<i64: 2, 256>}, {pipeline_mode = #tpu.pipeline_mode<synchronous>, transform_indices = @transform_6, window_bounds = array<i64: 256, 512>}, {pipeline_mode = #tpu.pipeline_mode<synchronous>, transform_indices = @transform_7, window_bounds = array<i64: 256, 512>}, {pipeline_mode = #tpu.pipeline_mode<synchronous>, transform_indices = @transform_8, window_bounds = array<i64: 256, 512>}, {pipeline_mode = #tpu.pipeline_mode<synchronous>, transform_indices = @transform_9, window_bounds = array<i64: 2048, 512>}, {pipeline_mode = #tpu.pipeline_mode<synchronous>, transform_indices = @transform_10, window_bounds = array<i64: 2, 512>}]} {
    %get3A = arith.constant 0 : index
    %get3A_0 = arith.constant 0 : index
    %get3A_1 = vector.load %arg1[%get3A, %get3A_0] : memref<2048x256xf32, #tpu.memory_space<vmem>>, vector<2048x256xf32>
    %get3A_2 = arith.constant 0 : index
    %get3A_3 = arith.constant 0 : index
    %get3A_4 = vector.load %arg4[%get3A_2, %get3A_3] : memref<2x256xf32, #tpu.memory_space<vmem>>, vector<2x256xf32>
    %slice3A = vector.extract_strided_slice %get3A_4 {offsets = [0, 0], sizes = [1, 256], strides = [1, 1]} : vector<2x256xf32> to vector<1x256xf32>
    %mul3A = arith.constant 2.44140625E-4 : f32
    %mul3A_5 = vector.broadcast %mul3A : f32 to vector<1x256xf32>
    %mul3A_6 = arith.mulf %slice3A, %mul3A_5 : vector<1x256xf32>
    %slice3A_7 = vector.extract_strided_slice %get3A_4 {offsets = [1, 0], sizes = [1, 256], strides = [1, 1]} : vector<2x256xf32> to vector<1x256xf32>
    %mul3A_8 = arith.constant 2.44140625E-4 : f32
    %mul3A_9 = vector.broadcast %mul3A_8 : f32 to vector<1x256xf32>
    %mul3A_10 = arith.mulf %slice3A_7, %mul3A_9 : vector<1x256xf32>
    %mul3A_11 = arith.mulf %mul3A_6, %mul3A_6 : vector<1x256xf32>
    %sub3A = arith.subf %mul3A_10, %mul3A_11 : vector<1x256xf32>
    %max3A = arith.constant 0.000000e+00 : f32
    %max3A_12 = vector.broadcast %max3A : f32 to vector<1x256xf32>
    %max3A_13 = arith.maximumf %sub3A, %max3A_12 : vector<1x256xf32>
    %sub3A_14 = vector.broadcast %mul3A_6 : vector<1x256xf32> to vector<2048x256xf32>
    %sub3A_15 = arith.subf %get3A_1, %sub3A_14 : vector<2048x256xf32>
    %add3A = arith.constant 9.99999974E-6 : f32
    %add3A_16 = vector.broadcast %add3A : f32 to vector<1x256xf32>
    %add3A_17 = arith.addf %max3A_13, %add3A_16 : vector<1x256xf32>
    %rsqrt3A = math.rsqrt %add3A_17 : vector<1x256xf32>
    %mul3A_18 = vector.broadcast %rsqrt3A : vector<1x256xf32> to vector<2048x256xf32>
    %mul3A_19 = arith.mulf %sub3A_15, %mul3A_18 : vector<2048x256xf32>
    %max3A_20 = arith.constant 0.000000e+00 : f32
    %max3A_21 = vector.broadcast %max3A_20 : f32 to vector<2048x256xf32>
    %max3A_22 = arith.maximumf %mul3A_19, %max3A_21 : vector<2048x256xf32>
    %get3A_23 = arith.constant 0 : index
    %get3A_24 = arith.constant 0 : index
    %get3A_25 = vector.load %arg2[%get3A_23, %get3A_24] : memref<2048x256xf32, #tpu.memory_space<vmem>>, vector<2048x256xf32>
    %get3A_26 = arith.constant 0 : index
    %get3A_27 = arith.constant 0 : index
    %get3A_28 = vector.load %arg5[%get3A_26, %get3A_27] : memref<2x256xf32, #tpu.memory_space<vmem>>, vector<2x256xf32>
    %slice3A_29 = vector.extract_strided_slice %get3A_28 {offsets = [0, 0], sizes = [1, 256], strides = [1, 1]} : vector<2x256xf32> to vector<1x256xf32>
    %mul3A_30 = arith.constant 2.44140625E-4 : f32
    %mul3A_31 = vector.broadcast %mul3A_30 : f32 to vector<1x256xf32>
    %mul3A_32 = arith.mulf %slice3A_29, %mul3A_31 : vector<1x256xf32>
    %slice3A_33 = vector.extract_strided_slice %get3A_28 {offsets = [1, 0], sizes = [1, 256], strides = [1, 1]} : vector<2x256xf32> to vector<1x256xf32>
    %mul3A_34 = arith.constant 2.44140625E-4 : f32
    %mul3A_35 = vector.broadcast %mul3A_34 : f32 to vector<1x256xf32>
    %mul3A_36 = arith.mulf %slice3A_33, %mul3A_35 : vector<1x256xf32>
    %mul3A_37 = arith.mulf %mul3A_32, %mul3A_32 : vector<1x256xf32>
    %sub3A_38 = arith.subf %mul3A_36, %mul3A_37 : vector<1x256xf32>
    %max3A_39 = arith.constant 0.000000e+00 : f32
    %max3A_40 = vector.broadcast %max3A_39 : f32 to vector<1x256xf32>
    %max3A_41 = arith.maximumf %sub3A_38, %max3A_40 : vector<1x256xf32>
    %sub3A_42 = vector.broadcast %mul3A_32 : vector<1x256xf32> to vector<2048x256xf32>
    %sub3A_43 = arith.subf %get3A_25, %sub3A_42 : vector<2048x256xf32>
    %add3A_44 = arith.constant 9.99999974E-6 : f32
    %add3A_45 = vector.broadcast %add3A_44 : f32 to vector<1x256xf32>
    %add3A_46 = arith.addf %max3A_41, %add3A_45 : vector<1x256xf32>
    %rsqrt3A_47 = math.rsqrt %add3A_46 : vector<1x256xf32>
    %mul3A_48 = vector.broadcast %rsqrt3A_47 : vector<1x256xf32> to vector<2048x256xf32>
    %mul3A_49 = arith.mulf %sub3A_43, %mul3A_48 : vector<2048x256xf32>
    %max3A_50 = arith.constant 0.000000e+00 : f32
    %max3A_51 = vector.broadcast %max3A_50 : f32 to vector<2048x256xf32>
    %max3A_52 = arith.maximumf %mul3A_49, %max3A_51 : vector<2048x256xf32>
    %get3A_53 = arith.constant 0 : index
    %get3A_54 = arith.constant 0 : index
    %get3A_55 = vector.load %arg3[%get3A_53, %get3A_54] : memref<2048x256xf32, #tpu.memory_space<vmem>>, vector<2048x256xf32>
    %get3A_56 = arith.constant 0 : index
    %get3A_57 = arith.constant 0 : index
    %get3A_58 = vector.load %arg6[%get3A_56, %get3A_57] : memref<2x256xf32, #tpu.memory_space<vmem>>, vector<2x256xf32>
    %slice3A_59 = vector.extract_strided_slice %get3A_58 {offsets = [0, 0], sizes = [1, 256], strides = [1, 1]} : vector<2x256xf32> to vector<1x256xf32>
    %mul3A_60 = arith.constant 2.44140625E-4 : f32
    %mul3A_61 = vector.broadcast %mul3A_60 : f32 to vector<1x256xf32>
    %mul3A_62 = arith.mulf %slice3A_59, %mul3A_61 : vector<1x256xf32>
    %slice3A_63 = vector.extract_strided_slice %get3A_58 {offsets = [1, 0], sizes = [1, 256], strides = [1, 1]} : vector<2x256xf32> to vector<1x256xf32>
    %mul3A_64 = arith.constant 2.44140625E-4 : f32
    %mul3A_65 = vector.broadcast %mul3A_64 : f32 to vector<1x256xf32>
    %mul3A_66 = arith.mulf %slice3A_63, %mul3A_65 : vector<1x256xf32>
    %mul3A_67 = arith.mulf %mul3A_62, %mul3A_62 : vector<1x256xf32>
    %sub3A_68 = arith.subf %mul3A_66, %mul3A_67 : vector<1x256xf32>
    %max3A_69 = arith.constant 0.000000e+00 : f32
    %max3A_70 = vector.broadcast %max3A_69 : f32 to vector<1x256xf32>
    %max3A_71 = arith.maximumf %sub3A_68, %max3A_70 : vector<1x256xf32>
    %sub3A_72 = vector.broadcast %mul3A_62 : vector<1x256xf32> to vector<2048x256xf32>
    %sub3A_73 = arith.subf %get3A_55, %sub3A_72 : vector<2048x256xf32>
    %add3A_74 = arith.constant 9.99999974E-6 : f32
    %add3A_75 = vector.broadcast %add3A_74 : f32 to vector<1x256xf32>
    %add3A_76 = arith.addf %max3A_71, %add3A_75 : vector<1x256xf32>
    %rsqrt3A_77 = math.rsqrt %add3A_76 : vector<1x256xf32>
    %mul3A_78 = vector.broadcast %rsqrt3A_77 : vector<1x256xf32> to vector<2048x256xf32>
    %mul3A_79 = arith.mulf %sub3A_73, %mul3A_78 : vector<2048x256xf32>
    %max3A_80 = arith.constant 0.000000e+00 : f32
    %max3A_81 = vector.broadcast %max3A_80 : f32 to vector<2048x256xf32>
    %max3A_82 = arith.maximumf %mul3A_79, %max3A_81 : vector<2048x256xf32>
    %iota3A = tpu.iota {dimensions = array<i32: 0>} : vector<2048x256xi32>
    %jit3A = arith.constant 128 : i32
    %eq3A = arith.constant 0 : i32
    %eq3A_83 = arith.cmpi eq, %jit3A, %eq3A : i32
    %jit3A_84 = arith.constant 1 : i32
    %select_n3A = arith.select %eq3A_83, %jit3A_84, %jit3A : i32
    %rem3A = vector.broadcast %select_n3A : i32 to vector<2048x256xi32>
    %rem3A_85 = arith.remsi %iota3A, %rem3A : vector<2048x256xi32>
    %ne3A = arith.constant 0 : i32
    %ne3A_86 = vector.broadcast %ne3A : i32 to vector<2048x256xi32>
    %ne3A_87 = arith.cmpi ne, %rem3A_85, %ne3A_86 : vector<2048x256xi32>
    %lt3A = arith.constant 0 : i32
    %lt3A_88 = vector.broadcast %lt3A : i32 to vector<2048x256xi32>
    %lt3A_89 = arith.cmpi slt, %rem3A_85, %lt3A_88 : vector<2048x256xi32>
    %lt3A_90 = arith.constant 0 : i32
    %lt3A_91 = arith.cmpi slt, %select_n3A, %lt3A_90 : i32
    %ne3A_92 = vector.broadcast %lt3A_91 : i1 to vector<2048x256xi1>
    %ne3A_93 = vector.broadcast %ne3A_92 : vector<2048x256xi1> to vector<2048x256xi1>
    %ne3A_94 = arith.xori %lt3A_89, %ne3A_93 : vector<2048x256xi1>
    %and3A = arith.andi %ne3A_94, %ne3A_87 : vector<2048x256xi1>
    %add3A_95 = vector.broadcast %select_n3A : i32 to vector<2048x256xi32>
    %add3A_96 = arith.addi %rem3A_85, %add3A_95 : vector<2048x256xi32>
    %select_n3A_97 = arith.select %and3A, %add3A_96, %rem3A_85 : vector<2048x256xi1>, vector<2048x256xi32>
    %eq3A_98 = arith.constant 0 : i32
    %eq3A_99 = vector.broadcast %eq3A_98 : i32 to vector<2048x256xi32>
    %eq3A_100 = arith.cmpi eq, %select_n3A_97, %eq3A_99 : vector<2048x256xi32>
    %jit3A_101 = arith.constant 0.000000e+00 : f32
    %broadcast_in_dim3A = vector.broadcast %jit3A_101 : f32 to vector<2048x256xf32>
    %select_n3A_102 = arith.select %eq3A_100, %broadcast_in_dim3A, %max3A_22 : vector<2048x256xi1>, vector<2048x256xf32>
    %get3A_103 = arith.constant 0 : index
    %get3A_104 = arith.constant 0 : index
    %get3A_105 = vector.load %arg7[%get3A_103, %get3A_104] : memref<256x512xf32, #tpu.memory_space<vmem>>, vector<256x512xf32>
    %dot_general3A = arith.constant dense<0.000000e+00> : vector<2048x512xf32>
    %dot_general3A_106 = tpu.matmul %select_n3A_102, %get3A_105, %dot_general3A {dimension_numbers = #tpu.dot_dimension_numbers<[1], [0], [0], [1], [0, 0, 1, 1], [], []>, transpose_lhs_hint = false} : vector<2048x256xf32>, vector<256x512xf32>, vector<2048x512xf32> -> vector<2048x512xf32>
    %get3A_107 = arith.constant 0 : index
    %get3A_108 = arith.constant 0 : index
    %get3A_109 = vector.load %arg8[%get3A_107, %get3A_108] : memref<256x512xf32, #tpu.memory_space<vmem>>, vector<256x512xf32>
    %dot_general3A_110 = arith.constant dense<0.000000e+00> : vector<2048x512xf32>
    %dot_general3A_111 = tpu.matmul %max3A_52, %get3A_109, %dot_general3A_110 {dimension_numbers = #tpu.dot_dimension_numbers<[1], [0], [0], [1], [0, 0, 1, 1], [], []>, transpose_lhs_hint = false} : vector<2048x256xf32>, vector<256x512xf32>, vector<2048x512xf32> -> vector<2048x512xf32>
    %add3A_112 = arith.addf %dot_general3A_106, %dot_general3A_111 : vector<2048x512xf32>
    %get3A_113 = arith.constant 0 : index
    %get3A_114 = arith.constant 0 : index
    %get3A_115 = vector.load %arg9[%get3A_113, %get3A_114] : memref<256x512xf32, #tpu.memory_space<vmem>>, vector<256x512xf32>
    %dot_general3A_116 = arith.constant dense<0.000000e+00> : vector<2048x512xf32>
    %dot_general3A_117 = tpu.matmul %max3A_82, %get3A_115, %dot_general3A_116 {dimension_numbers = #tpu.dot_dimension_numbers<[1], [0], [0], [1], [0, 0, 1, 1], [], []>, transpose_lhs_hint = false} : vector<2048x256xf32>, vector<256x512xf32>, vector<2048x512xf32> -> vector<2048x512xf32>
    %add3A_118 = arith.addf %add3A_112, %dot_general3A_117 : vector<2048x512xf32>
    %swap3A = arith.constant 0 : index
    %swap3A_119 = arith.constant 0 : index
    %swap3A_120 = vector.load %arg10[%swap3A, %swap3A_119] : memref<2048x512xf32, #tpu.memory_space<vmem>>, vector<2048x512xf32>
    tpu.vector_store %arg10[%swap3A, %swap3A_119], %add3A_118 {strides = array<i32>} : memref<2048x512xf32, #tpu.memory_space<vmem>>, vector<2048x512xf32>,
    %reduce_sum3A = arith.constant dense<0.000000e+00> : vector<512xf32>
    %reduce_sum3A_121 = vector.multi_reduction <add>, %add3A_118, %reduce_sum3A [0] : vector<2048x512xf32> to vector<512xf32>
    %broadcast_in_dim3A_122 = vector.shape_cast %reduce_sum3A_121 : vector<512xf32> to vector<1x512xf32>
    %mul3A_123 = arith.mulf %add3A_118, %add3A_118 : vector<2048x512xf32>
    %reduce_sum3A_124 = arith.constant dense<0.000000e+00> : vector<512xf32>
    %reduce_sum3A_125 = vector.multi_reduction <add>, %mul3A_123, %reduce_sum3A_124 [0] : vector<2048x512xf32> to vector<512xf32>
    %broadcast_in_dim3A_126 = vector.shape_cast %reduce_sum3A_125 : vector<512xf32> to vector<1x512xf32>
    %concatenate3A = tpu.concatenate %broadcast_in_dim3A_122, %broadcast_in_dim3A_126 in 0 : vector<1x512xf32>, vector<1x512xf32> -> vector<2x512xf32>
    %swap3A_127 = arith.constant 0 : index
    %swap3A_128 = arith.constant 0 : index
    %swap3A_129 = vector.load %arg11[%swap3A_127, %swap3A_128] : memref<2x512xf32, #tpu.memory_space<vmem>>, vector<2x512xf32>
    tpu.vector_store %arg11[%swap3A_127, %swap3A_128], %concatenate3A {strides = array<i32>} : memref<2x512xf32, #tpu.memory_space<vmem>>, vector<2x512xf32>,
    return
  }
  func.func @transform_0(%arg0: i32) -> (i32, i32) {
    %c0_i32 = arith.constant 0 : i32
    %c0_i32_0 = arith.constant 0 : i32
    %c0_i32_1 = arith.constant 0 : i32
    return %c0_i32, %c0_i32_0 : i32, i32
  }
  func.func @transform_1(%arg0: i32) -> (i32, i32) {
    %c0_i32 = arith.constant 0 : i32
    %c0_i32_0 = arith.constant 0 : i32
    %c0_i32_1 = arith.constant 0 : i32
    return %c0_i32, %c0_i32_0 : i32, i32
  }
  func.func @transform_2(%arg0: i32) -> (i32, i32) {
    %c0_i32 = arith.constant 0 : i32
    %c0_i32_0 = arith.constant 0 : i32
    %c0_i32_1 = arith.constant 0 : i32
    return %c0_i32, %c0_i32_0 : i32, i32
  }
  func.func @transform_3(%arg0: i32) -> (i32, i32) {
    %c0_i32 = arith.constant 0 : i32
    %c0_i32_0 = arith.constant 0 : i32
    %c0_i32_1 = arith.constant 0 : i32
    return %c0_i32, %c0_i32_0 : i32, i32
  }
  func.func @transform_4(%arg0: i32) -> (i32, i32) {
    %c0_i32 = arith.constant 0 : i32
    %c0_i32_0 = arith.constant 0 : i32
    %c0_i32_1 = arith.constant 0 : i32
    return %c0_i32, %c0_i32_0 : i32, i32
  }
  func.func @transform_5(%arg0: i32) -> (i32, i32) {
    %c0_i32 = arith.constant 0 : i32
    %c0_i32_0 = arith.constant 0 : i32
    %c0_i32_1 = arith.constant 0 : i32
    return %c0_i32, %c0_i32_0 : i32, i32
  }
  func.func @transform_6(%arg0: i32) -> (i32, i32) {
    %c0_i32 = arith.constant 0 : i32
    %c0_i32_0 = arith.constant 0 : i32
    %c0_i32_1 = arith.constant 0 : i32
    return %c0_i32, %c0_i32_0 : i32, i32
  }
  func.func @transform_7(%arg0: i32) -> (i32, i32) {
    %c0_i32 = arith.constant 0 : i32
    %c0_i32_0 = arith.constant 0 : i32
    %c0_i32_1 = arith.constant 0 : i32
    return %c0_i32, %c0_i32_0 : i32, i32
  }
  func.func @transform_8(%arg0: i32) -> (i32, i32) {
    %c0_i32 = arith.constant 0 : i32
    %c0_i32_0 = arith.constant 0 : i32
    %c0_i32_1 = arith.constant 0 : i32
    return %c0_i32, %c0_i32_0 : i32, i32
  }
  func.func @transform_9(%arg0: i32) -> (i32, i32) {
    %c0_i32 = arith.constant 0 : i32
    %c0_i32_0 = arith.constant 0 : i32
    %c0_i32_1 = arith.constant 0 : i32
    return %c0_i32, %c0_i32_0 : i32, i32
  }
  func.func @transform_10(%arg0: i32) -> (i32, i32) {
    %c0_i32 = arith.constant 0 : i32
    %c0_i32_0 = arith.constant 0 : i32
    %c0_i32_1 = arith.constant 0 : i32
    return %c0_i32, %c0_i32_0 : i32, i32
  }
}

module attributes {stable_mosaic.version = 14 : i64} {
  func.func @_layer_kernel(%arg0: i32, %arg1: memref<2048x512xf32, #tpu.memory_space<vmem>>, %arg2: memref<2x512xf32, #tpu.memory_space<vmem>>, %arg3: memref<512x512xf32, #tpu.memory_space<vmem>>, %arg4: memref<512x512xf32, #tpu.memory_space<vmem>>, %arg5: memref<512x512xf32, #tpu.memory_space<vmem>>, %arg6: memref<2048x512xf32, #tpu.memory_space<vmem>>, %arg7: memref<2x512xf32, #tpu.memory_space<vmem>>) attributes {dimension_semantics = [#tpu.dimension_semantics<arbitrary>], iteration_bounds = array<i64: 1>, scalar_prefetch = 0 : i64, scratch_operands = 0 : i64, tpu.core_type = #tpu.core_type<tc>, window_params = [{pipeline_mode = #tpu.pipeline_mode<synchronous>, transform_indices = @transform_0, window_bounds = array<i64: 2048, 512>}, {pipeline_mode = #tpu.pipeline_mode<synchronous>, transform_indices = @transform_1, window_bounds = array<i64: 2, 512>}, {pipeline_mode = #tpu.pipeline_mode<synchronous>, transform_indices = @transform_2, window_bounds = array<i64: 512, 512>}, {pipeline_mode = #tpu.pipeline_mode<synchronous>, transform_indices = @transform_3, window_bounds = array<i64: 512, 512>}, {pipeline_mode = #tpu.pipeline_mode<synchronous>, transform_indices = @transform_4, window_bounds = array<i64: 512, 512>}, {pipeline_mode = #tpu.pipeline_mode<synchronous>, transform_indices = @transform_5, window_bounds = array<i64: 2048, 512>}, {pipeline_mode = #tpu.pipeline_mode<synchronous>, transform_indices = @transform_6, window_bounds = array<i64: 2, 512>}]} {
    %get3A = arith.constant 0 : index
    %get3A_0 = arith.constant 0 : index
    %get3A_1 = vector.load %arg1[%get3A, %get3A_0] : memref<2048x512xf32, #tpu.memory_space<vmem>>, vector<2048x512xf32>
    %get3A_2 = arith.constant 0 : index
    %get3A_3 = arith.constant 0 : index
    %get3A_4 = vector.load %arg2[%get3A_2, %get3A_3] : memref<2x512xf32, #tpu.memory_space<vmem>>, vector<2x512xf32>
    %slice3A = vector.extract_strided_slice %get3A_4 {offsets = [0, 0], sizes = [1, 512], strides = [1, 1]} : vector<2x512xf32> to vector<1x512xf32>
    %mul3A = arith.constant 4.8828125E-4 : f32
    %mul3A_5 = vector.broadcast %mul3A : f32 to vector<1x512xf32>
    %mul3A_6 = arith.mulf %slice3A, %mul3A_5 : vector<1x512xf32>
    %slice3A_7 = vector.extract_strided_slice %get3A_4 {offsets = [1, 0], sizes = [1, 512], strides = [1, 1]} : vector<2x512xf32> to vector<1x512xf32>
    %mul3A_8 = arith.constant 4.8828125E-4 : f32
    %mul3A_9 = vector.broadcast %mul3A_8 : f32 to vector<1x512xf32>
    %mul3A_10 = arith.mulf %slice3A_7, %mul3A_9 : vector<1x512xf32>
    %mul3A_11 = arith.mulf %mul3A_6, %mul3A_6 : vector<1x512xf32>
    %sub3A = arith.subf %mul3A_10, %mul3A_11 : vector<1x512xf32>
    %max3A = arith.constant 0.000000e+00 : f32
    %max3A_12 = vector.broadcast %max3A : f32 to vector<1x512xf32>
    %max3A_13 = arith.maximumf %sub3A, %max3A_12 : vector<1x512xf32>
    %sub3A_14 = vector.broadcast %mul3A_6 : vector<1x512xf32> to vector<2048x512xf32>
    %sub3A_15 = arith.subf %get3A_1, %sub3A_14 : vector<2048x512xf32>
    %add3A = arith.constant 9.99999974E-6 : f32
    %add3A_16 = vector.broadcast %add3A : f32 to vector<1x512xf32>
    %add3A_17 = arith.addf %max3A_13, %add3A_16 : vector<1x512xf32>
    %rsqrt3A = math.rsqrt %add3A_17 : vector<1x512xf32>
    %mul3A_18 = vector.broadcast %rsqrt3A : vector<1x512xf32> to vector<2048x512xf32>
    %mul3A_19 = arith.mulf %sub3A_15, %mul3A_18 : vector<2048x512xf32>
    %max3A_20 = arith.constant 0.000000e+00 : f32
    %max3A_21 = vector.broadcast %max3A_20 : f32 to vector<2048x512xf32>
    %max3A_22 = arith.maximumf %mul3A_19, %max3A_21 : vector<2048x512xf32>
    %roll3A = arith.constant 1 : i32
    %roll3A_23 = tpu.dynamic_rotate %max3A_22 by %roll3A dim 0 : vector<2048x512xf32>, i32 -> vector<2048x512xf32>
    %iota3A = tpu.iota {dimensions = array<i32: 0>} : vector<2048x512xi32>
    %jit3A = arith.constant 128 : i32
    %eq3A = arith.constant 0 : i32
    %eq3A_24 = arith.cmpi eq, %jit3A, %eq3A : i32
    %jit3A_25 = arith.constant 1 : i32
    %select_n3A = arith.select %eq3A_24, %jit3A_25, %jit3A : i32
    %rem3A = vector.broadcast %select_n3A : i32 to vector<2048x512xi32>
    %rem3A_26 = arith.remsi %iota3A, %rem3A : vector<2048x512xi32>
    %ne3A = arith.constant 0 : i32
    %ne3A_27 = vector.broadcast %ne3A : i32 to vector<2048x512xi32>
    %ne3A_28 = arith.cmpi ne, %rem3A_26, %ne3A_27 : vector<2048x512xi32>
    %lt3A = arith.constant 0 : i32
    %lt3A_29 = vector.broadcast %lt3A : i32 to vector<2048x512xi32>
    %lt3A_30 = arith.cmpi slt, %rem3A_26, %lt3A_29 : vector<2048x512xi32>
    %lt3A_31 = arith.constant 0 : i32
    %lt3A_32 = arith.cmpi slt, %select_n3A, %lt3A_31 : i32
    %ne3A_33 = vector.broadcast %lt3A_32 : i1 to vector<2048x512xi1>
    %ne3A_34 = vector.broadcast %ne3A_33 : vector<2048x512xi1> to vector<2048x512xi1>
    %ne3A_35 = arith.xori %lt3A_30, %ne3A_34 : vector<2048x512xi1>
    %and3A = arith.andi %ne3A_35, %ne3A_28 : vector<2048x512xi1>
    %add3A_36 = vector.broadcast %select_n3A : i32 to vector<2048x512xi32>
    %add3A_37 = arith.addi %rem3A_26, %add3A_36 : vector<2048x512xi32>
    %select_n3A_38 = arith.select %and3A, %add3A_37, %rem3A_26 : vector<2048x512xi1>, vector<2048x512xi32>
    %eq3A_39 = arith.constant 0 : i32
    %eq3A_40 = vector.broadcast %eq3A_39 : i32 to vector<2048x512xi32>
    %eq3A_41 = arith.cmpi eq, %select_n3A_38, %eq3A_40 : vector<2048x512xi32>
    %jit3A_42 = arith.constant 0.000000e+00 : f32
    %broadcast_in_dim3A = vector.broadcast %jit3A_42 : f32 to vector<2048x512xf32>
    %select_n3A_43 = arith.select %eq3A_41, %broadcast_in_dim3A, %roll3A_23 : vector<2048x512xi1>, vector<2048x512xf32>
    %get3A_44 = arith.constant 0 : index
    %get3A_45 = arith.constant 0 : index
    %get3A_46 = vector.load %arg3[%get3A_44, %get3A_45] : memref<512x512xf32, #tpu.memory_space<vmem>>, vector<512x512xf32>
    %dot_general3A = arith.constant dense<0.000000e+00> : vector<2048x512xf32>
    %dot_general3A_47 = tpu.matmul %select_n3A_43, %get3A_46, %dot_general3A {dimension_numbers = #tpu.dot_dimension_numbers<[1], [0], [0], [1], [0, 0, 1, 1], [], []>, transpose_lhs_hint = false} : vector<2048x512xf32>, vector<512x512xf32>, vector<2048x512xf32> -> vector<2048x512xf32>
    %get3A_48 = arith.constant 0 : index
    %get3A_49 = arith.constant 0 : index
    %get3A_50 = vector.load %arg4[%get3A_48, %get3A_49] : memref<512x512xf32, #tpu.memory_space<vmem>>, vector<512x512xf32>
    %dot_general3A_51 = arith.constant dense<0.000000e+00> : vector<2048x512xf32>
    %dot_general3A_52 = tpu.matmul %max3A_22, %get3A_50, %dot_general3A_51 {dimension_numbers = #tpu.dot_dimension_numbers<[1], [0], [0], [1], [0, 0, 1, 1], [], []>, transpose_lhs_hint = false} : vector<2048x512xf32>, vector<512x512xf32>, vector<2048x512xf32> -> vector<2048x512xf32>
    %add3A_53 = arith.addf %dot_general3A_47, %dot_general3A_52 : vector<2048x512xf32>
    %roll3A_54 = arith.constant 2047 : i32
    %roll3A_55 = tpu.dynamic_rotate %max3A_22 by %roll3A_54 dim 0 : vector<2048x512xf32>, i32 -> vector<2048x512xf32>
    %iota3A_56 = tpu.iota {dimensions = array<i32: 0>} : vector<2048x512xi32>
    %jit3A_57 = arith.constant 128 : i32
    %eq3A_58 = arith.constant 0 : i32
    %eq3A_59 = arith.cmpi eq, %jit3A_57, %eq3A_58 : i32
    %jit3A_60 = arith.constant 1 : i32
    %select_n3A_61 = arith.select %eq3A_59, %jit3A_60, %jit3A_57 : i32
    %rem3A_62 = vector.broadcast %select_n3A_61 : i32 to vector<2048x512xi32>
    %rem3A_63 = arith.remsi %iota3A_56, %rem3A_62 : vector<2048x512xi32>
    %ne3A_64 = arith.constant 0 : i32
    %ne3A_65 = vector.broadcast %ne3A_64 : i32 to vector<2048x512xi32>
    %ne3A_66 = arith.cmpi ne, %rem3A_63, %ne3A_65 : vector<2048x512xi32>
    %lt3A_67 = arith.constant 0 : i32
    %lt3A_68 = vector.broadcast %lt3A_67 : i32 to vector<2048x512xi32>
    %lt3A_69 = arith.cmpi slt, %rem3A_63, %lt3A_68 : vector<2048x512xi32>
    %lt3A_70 = arith.constant 0 : i32
    %lt3A_71 = arith.cmpi slt, %select_n3A_61, %lt3A_70 : i32
    %ne3A_72 = vector.broadcast %lt3A_71 : i1 to vector<2048x512xi1>
    %ne3A_73 = vector.broadcast %ne3A_72 : vector<2048x512xi1> to vector<2048x512xi1>
    %ne3A_74 = arith.xori %lt3A_69, %ne3A_73 : vector<2048x512xi1>
    %and3A_75 = arith.andi %ne3A_74, %ne3A_66 : vector<2048x512xi1>
    %add3A_76 = vector.broadcast %select_n3A_61 : i32 to vector<2048x512xi32>
    %add3A_77 = arith.addi %rem3A_63, %add3A_76 : vector<2048x512xi32>
    %select_n3A_78 = arith.select %and3A_75, %add3A_77, %rem3A_63 : vector<2048x512xi1>, vector<2048x512xi32>
    %eq3A_79 = arith.constant 127 : i32
    %eq3A_80 = vector.broadcast %eq3A_79 : i32 to vector<2048x512xi32>
    %eq3A_81 = arith.cmpi eq, %select_n3A_78, %eq3A_80 : vector<2048x512xi32>
    %jit3A_82 = arith.constant 0.000000e+00 : f32
    %broadcast_in_dim3A_83 = vector.broadcast %jit3A_82 : f32 to vector<2048x512xf32>
    %select_n3A_84 = arith.select %eq3A_81, %broadcast_in_dim3A_83, %roll3A_55 : vector<2048x512xi1>, vector<2048x512xf32>
    %get3A_85 = arith.constant 0 : index
    %get3A_86 = arith.constant 0 : index
    %get3A_87 = vector.load %arg5[%get3A_85, %get3A_86] : memref<512x512xf32, #tpu.memory_space<vmem>>, vector<512x512xf32>
    %dot_general3A_88 = arith.constant dense<0.000000e+00> : vector<2048x512xf32>
    %dot_general3A_89 = tpu.matmul %select_n3A_84, %get3A_87, %dot_general3A_88 {dimension_numbers = #tpu.dot_dimension_numbers<[1], [0], [0], [1], [0, 0, 1, 1], [], []>, transpose_lhs_hint = false} : vector<2048x512xf32>, vector<512x512xf32>, vector<2048x512xf32> -> vector<2048x512xf32>
    %add3A_90 = arith.addf %add3A_53, %dot_general3A_89 : vector<2048x512xf32>
    %swap3A = arith.constant 0 : index
    %swap3A_91 = arith.constant 0 : index
    %swap3A_92 = vector.load %arg6[%swap3A, %swap3A_91] : memref<2048x512xf32, #tpu.memory_space<vmem>>, vector<2048x512xf32>
    tpu.vector_store %arg6[%swap3A, %swap3A_91], %add3A_90 {strides = array<i32>} : memref<2048x512xf32, #tpu.memory_space<vmem>>, vector<2048x512xf32>,
    %reduce_sum3A = arith.constant dense<0.000000e+00> : vector<512xf32>
    %reduce_sum3A_93 = vector.multi_reduction <add>, %add3A_90, %reduce_sum3A [0] : vector<2048x512xf32> to vector<512xf32>
    %broadcast_in_dim3A_94 = vector.shape_cast %reduce_sum3A_93 : vector<512xf32> to vector<1x512xf32>
    %mul3A_95 = arith.mulf %add3A_90, %add3A_90 : vector<2048x512xf32>
    %reduce_sum3A_96 = arith.constant dense<0.000000e+00> : vector<512xf32>
    %reduce_sum3A_97 = vector.multi_reduction <add>, %mul3A_95, %reduce_sum3A_96 [0] : vector<2048x512xf32> to vector<512xf32>
    %broadcast_in_dim3A_98 = vector.shape_cast %reduce_sum3A_97 : vector<512xf32> to vector<1x512xf32>
    %concatenate3A = tpu.concatenate %broadcast_in_dim3A_94, %broadcast_in_dim3A_98 in 0 : vector<1x512xf32>, vector<1x512xf32> -> vector<2x512xf32>
    %swap3A_99 = arith.constant 0 : index
    %swap3A_100 = arith.constant 0 : index
    %swap3A_101 = vector.load %arg7[%swap3A_99, %swap3A_100] : memref<2x512xf32, #tpu.memory_space<vmem>>, vector<2x512xf32>
    tpu.vector_store %arg7[%swap3A_99, %swap3A_100], %concatenate3A {strides = array<i32>} : memref<2x512xf32, #tpu.memory_space<vmem>>, vector<2x512xf32>,
    return
  }
  func.func @transform_0(%arg0: i32) -> (i32, i32) {
    %c0_i32 = arith.constant 0 : i32
    %c0_i32_0 = arith.constant 0 : i32
    %c0_i32_1 = arith.constant 0 : i32
    return %c0_i32, %c0_i32_0 : i32, i32
  }
  func.func @transform_1(%arg0: i32) -> (i32, i32) {
    %c0_i32 = arith.constant 0 : i32
    %c0_i32_0 = arith.constant 0 : i32
    %c0_i32_1 = arith.constant 0 : i32
    return %c0_i32, %c0_i32_0 : i32, i32
  }
  func.func @transform_2(%arg0: i32) -> (i32, i32) {
    %c0_i32 = arith.constant 0 : i32
    %c0_i32_0 = arith.constant 0 : i32
    %c0_i32_1 = arith.constant 0 : i32
    return %c0_i32, %c0_i32_0 : i32, i32
  }
  func.func @transform_3(%arg0: i32) -> (i32, i32) {
    %c0_i32 = arith.constant 0 : i32
    %c0_i32_0 = arith.constant 0 : i32
    %c0_i32_1 = arith.constant 0 : i32
    return %c0_i32, %c0_i32_0 : i32, i32
  }
  func.func @transform_4(%arg0: i32) -> (i32, i32) {
    %c0_i32 = arith.constant 0 : i32
    %c0_i32_0 = arith.constant 0 : i32
    %c0_i32_1 = arith.constant 0 : i32
    return %c0_i32, %c0_i32_0 : i32, i32
  }
  func.func @transform_5(%arg0: i32) -> (i32, i32) {
    %c0_i32 = arith.constant 0 : i32
    %c0_i32_0 = arith.constant 0 : i32
    %c0_i32_1 = arith.constant 0 : i32
    return %c0_i32, %c0_i32_0 : i32, i32
  }
  func.func @transform_6(%arg0: i32) -> (i32, i32) {
    %c0_i32 = arith.constant 0 : i32
    %c0_i32_0 = arith.constant 0 : i32
    %c0_i32_1 = arith.constant 0 : i32
    return %c0_i32, %c0_i32_0 : i32, i32
  }
}

module attributes {stable_mosaic.version = 14 : i64} {
  func.func @_layer_kernel(%arg0: i32, %arg1: memref<2048x512xf32, #tpu.memory_space<vmem>>, %arg2: memref<2048x515xf32, #tpu.memory_space<vmem>>, %arg3: memref<2x512xf32, #tpu.memory_space<vmem>>, %arg4: memref<2x515xf32, #tpu.memory_space<vmem>>, %arg5: memref<512x512xf32, #tpu.memory_space<vmem>>, %arg6: memref<515x512xf32, #tpu.memory_space<vmem>>, %arg7: memref<2048x512xf32, #tpu.memory_space<vmem>>, %arg8: memref<2x512xf32, #tpu.memory_space<vmem>>) attributes {dimension_semantics = [#tpu.dimension_semantics<arbitrary>], iteration_bounds = array<i64: 1>, scalar_prefetch = 0 : i64, scratch_operands = 0 : i64, tpu.core_type = #tpu.core_type<tc>, window_params = [{pipeline_mode = #tpu.pipeline_mode<synchronous>, transform_indices = @transform_0, window_bounds = array<i64: 2048, 512>}, {pipeline_mode = #tpu.pipeline_mode<synchronous>, transform_indices = @transform_1, window_bounds = array<i64: 2048, 515>}, {pipeline_mode = #tpu.pipeline_mode<synchronous>, transform_indices = @transform_2, window_bounds = array<i64: 2, 512>}, {pipeline_mode = #tpu.pipeline_mode<synchronous>, transform_indices = @transform_3, window_bounds = array<i64: 2, 515>}, {pipeline_mode = #tpu.pipeline_mode<synchronous>, transform_indices = @transform_4, window_bounds = array<i64: 512, 512>}, {pipeline_mode = #tpu.pipeline_mode<synchronous>, transform_indices = @transform_5, window_bounds = array<i64: 515, 512>}, {pipeline_mode = #tpu.pipeline_mode<synchronous>, transform_indices = @transform_6, window_bounds = array<i64: 2048, 512>}, {pipeline_mode = #tpu.pipeline_mode<synchronous>, transform_indices = @transform_7, window_bounds = array<i64: 2, 512>}]} {
    %get3A = arith.constant 0 : index
    %get3A_0 = arith.constant 0 : index
    %get3A_1 = vector.load %arg1[%get3A, %get3A_0] : memref<2048x512xf32, #tpu.memory_space<vmem>>, vector<2048x512xf32>
    %get3A_2 = arith.constant 0 : index
    %get3A_3 = arith.constant 0 : index
    %get3A_4 = vector.load %arg3[%get3A_2, %get3A_3] : memref<2x512xf32, #tpu.memory_space<vmem>>, vector<2x512xf32>
    %slice3A = vector.extract_strided_slice %get3A_4 {offsets = [0, 0], sizes = [1, 512], strides = [1, 1]} : vector<2x512xf32> to vector<1x512xf32>
    %mul3A = arith.constant 4.8828125E-4 : f32
    %mul3A_5 = vector.broadcast %mul3A : f32 to vector<1x512xf32>
    %mul3A_6 = arith.mulf %slice3A, %mul3A_5 : vector<1x512xf32>
    %slice3A_7 = vector.extract_strided_slice %get3A_4 {offsets = [1, 0], sizes = [1, 512], strides = [1, 1]} : vector<2x512xf32> to vector<1x512xf32>
    %mul3A_8 = arith.constant 4.8828125E-4 : f32
    %mul3A_9 = vector.broadcast %mul3A_8 : f32 to vector<1x512xf32>
    %mul3A_10 = arith.mulf %slice3A_7, %mul3A_9 : vector<1x512xf32>
    %mul3A_11 = arith.mulf %mul3A_6, %mul3A_6 : vector<1x512xf32>
    %sub3A = arith.subf %mul3A_10, %mul3A_11 : vector<1x512xf32>
    %max3A = arith.constant 0.000000e+00 : f32
    %max3A_12 = vector.broadcast %max3A : f32 to vector<1x512xf32>
    %max3A_13 = arith.maximumf %sub3A, %max3A_12 : vector<1x512xf32>
    %sub3A_14 = vector.broadcast %mul3A_6 : vector<1x512xf32> to vector<2048x512xf32>
    %sub3A_15 = arith.subf %get3A_1, %sub3A_14 : vector<2048x512xf32>
    %add3A = arith.constant 9.99999974E-6 : f32
    %add3A_16 = vector.broadcast %add3A : f32 to vector<1x512xf32>
    %add3A_17 = arith.addf %max3A_13, %add3A_16 : vector<1x512xf32>
    %rsqrt3A = math.rsqrt %add3A_17 : vector<1x512xf32>
    %mul3A_18 = vector.broadcast %rsqrt3A : vector<1x512xf32> to vector<2048x512xf32>
    %mul3A_19 = arith.mulf %sub3A_15, %mul3A_18 : vector<2048x512xf32>
    %max3A_20 = arith.constant 0.000000e+00 : f32
    %max3A_21 = vector.broadcast %max3A_20 : f32 to vector<2048x512xf32>
    %max3A_22 = arith.maximumf %mul3A_19, %max3A_21 : vector<2048x512xf32>
    %get3A_23 = arith.constant 0 : index
    %get3A_24 = arith.constant 0 : index
    %get3A_25 = vector.load %arg2[%get3A_23, %get3A_24] : memref<2048x515xf32, #tpu.memory_space<vmem>>, vector<2048x515xf32>
    %get3A_26 = arith.constant 0 : index
    %get3A_27 = arith.constant 0 : index
    %get3A_28 = vector.load %arg5[%get3A_26, %get3A_27] : memref<512x512xf32, #tpu.memory_space<vmem>>, vector<512x512xf32>
    %dot_general3A = arith.constant dense<0.000000e+00> : vector<2048x512xf32>
    %dot_general3A_29 = tpu.matmul %max3A_22, %get3A_28, %dot_general3A {dimension_numbers = #tpu.dot_dimension_numbers<[1], [0], [0], [1], [0, 0, 1, 1], [], []>, transpose_lhs_hint = false} : vector<2048x512xf32>, vector<512x512xf32>, vector<2048x512xf32> -> vector<2048x512xf32>
    %get3A_30 = arith.constant 0 : index
    %get3A_31 = arith.constant 0 : index
    %get3A_32 = vector.load %arg6[%get3A_30, %get3A_31] : memref<515x512xf32, #tpu.memory_space<vmem>>, vector<515x512xf32>
    %dot_general3A_33 = arith.constant dense<0.000000e+00> : vector<2048x512xf32>
    %dot_general3A_34 = tpu.matmul %get3A_25, %get3A_32, %dot_general3A_33 {dimension_numbers = #tpu.dot_dimension_numbers<[1], [0], [0], [1], [0, 0, 1, 1], [], []>, transpose_lhs_hint = false} : vector<2048x515xf32>, vector<515x512xf32>, vector<2048x512xf32> -> vector<2048x512xf32>
    %add3A_35 = arith.addf %dot_general3A_29, %dot_general3A_34 : vector<2048x512xf32>
    %swap3A = arith.constant 0 : index
    %swap3A_36 = arith.constant 0 : index
    %swap3A_37 = vector.load %arg7[%swap3A, %swap3A_36] : memref<2048x512xf32, #tpu.memory_space<vmem>>, vector<2048x512xf32>
    tpu.vector_store %arg7[%swap3A, %swap3A_36], %add3A_35 {strides = array<i32>} : memref<2048x512xf32, #tpu.memory_space<vmem>>, vector<2048x512xf32>,
    %reduce_sum3A = arith.constant dense<0.000000e+00> : vector<512xf32>
    %reduce_sum3A_38 = vector.multi_reduction <add>, %add3A_35, %reduce_sum3A [0] : vector<2048x512xf32> to vector<512xf32>
    %broadcast_in_dim3A = vector.shape_cast %reduce_sum3A_38 : vector<512xf32> to vector<1x512xf32>
    %mul3A_39 = arith.mulf %add3A_35, %add3A_35 : vector<2048x512xf32>
    %reduce_sum3A_40 = arith.constant dense<0.000000e+00> : vector<512xf32>
    %reduce_sum3A_41 = vector.multi_reduction <add>, %mul3A_39, %reduce_sum3A_40 [0] : vector<2048x512xf32> to vector<512xf32>
    %broadcast_in_dim3A_42 = vector.shape_cast %reduce_sum3A_41 : vector<512xf32> to vector<1x512xf32>
    %concatenate3A = tpu.concatenate %broadcast_in_dim3A, %broadcast_in_dim3A_42 in 0 : vector<1x512xf32>, vector<1x512xf32> -> vector<2x512xf32>
    %swap3A_43 = arith.constant 0 : index
    %swap3A_44 = arith.constant 0 : index
    %swap3A_45 = vector.load %arg8[%swap3A_43, %swap3A_44] : memref<2x512xf32, #tpu.memory_space<vmem>>, vector<2x512xf32>
    tpu.vector_store %arg8[%swap3A_43, %swap3A_44], %concatenate3A {strides = array<i32>} : memref<2x512xf32, #tpu.memory_space<vmem>>, vector<2x512xf32>,
    return
  }
  func.func @transform_0(%arg0: i32) -> (i32, i32) {
    %c0_i32 = arith.constant 0 : i32
    %c0_i32_0 = arith.constant 0 : i32
    %c0_i32_1 = arith.constant 0 : i32
    return %c0_i32, %c0_i32_0 : i32, i32
  }
  func.func @transform_1(%arg0: i32) -> (i32, i32) {
    %c0_i32 = arith.constant 0 : i32
    %c0_i32_0 = arith.constant 0 : i32
    %c0_i32_1 = arith.constant 0 : i32
    return %c0_i32, %c0_i32_0 : i32, i32
  }
  func.func @transform_2(%arg0: i32) -> (i32, i32) {
    %c0_i32 = arith.constant 0 : i32
    %c0_i32_0 = arith.constant 0 : i32
    %c0_i32_1 = arith.constant 0 : i32
    return %c0_i32, %c0_i32_0 : i32, i32
  }
  func.func @transform_3(%arg0: i32) -> (i32, i32) {
    %c0_i32 = arith.constant 0 : i32
    %c0_i32_0 = arith.constant 0 : i32
    %c0_i32_1 = arith.constant 0 : i32
    return %c0_i32, %c0_i32_0 : i32, i32
  }
  func.func @transform_4(%arg0: i32) -> (i32, i32) {
    %c0_i32 = arith.constant 0 : i32
    %c0_i32_0 = arith.constant 0 : i32
    %c0_i32_1 = arith.constant 0 : i32
    return %c0_i32, %c0_i32_0 : i32, i32
  }
  func.func @transform_5(%arg0: i32) -> (i32, i32) {
    %c0_i32 = arith.constant 0 : i32
    %c0_i32_0 = arith.constant 0 : i32
    %c0_i32_1 = arith.constant 0 : i32
    return %c0_i32, %c0_i32_0 : i32, i32
  }
  func.func @transform_6(%arg0: i32) -> (i32, i32) {
    %c0_i32 = arith.constant 0 : i32
    %c0_i32_0 = arith.constant 0 : i32
    %c0_i32_1 = arith.constant 0 : i32
    return %c0_i32, %c0_i32_0 : i32, i32
  }
  func.func @transform_7(%arg0: i32) -> (i32, i32) {
    %c0_i32 = arith.constant 0 : i32
    %c0_i32_0 = arith.constant 0 : i32
    %c0_i32_1 = arith.constant 0 : i32
    return %c0_i32, %c0_i32_0 : i32, i32
  }
}

module attributes {stable_mosaic.version = 14 : i64} {
  func.func @_layer_kernel(%arg0: i32, %arg1: memref<2048x512xf32, #tpu.memory_space<vmem>>, %arg2: memref<2x512xf32, #tpu.memory_space<vmem>>, %arg3: memref<512x1024xf32, #tpu.memory_space<vmem>>, %arg4: memref<2048x1024xf32, #tpu.memory_space<vmem>>, %arg5: memref<2x1024xf32, #tpu.memory_space<vmem>>) attributes {dimension_semantics = [#tpu.dimension_semantics<arbitrary>], iteration_bounds = array<i64: 1>, scalar_prefetch = 0 : i64, scratch_operands = 0 : i64, tpu.core_type = #tpu.core_type<tc>, window_params = [{pipeline_mode = #tpu.pipeline_mode<synchronous>, transform_indices = @transform_0, window_bounds = array<i64: 2048, 512>}, {pipeline_mode = #tpu.pipeline_mode<synchronous>, transform_indices = @transform_1, window_bounds = array<i64: 2, 512>}, {pipeline_mode = #tpu.pipeline_mode<synchronous>, transform_indices = @transform_2, window_bounds = array<i64: 512, 1024>}, {pipeline_mode = #tpu.pipeline_mode<synchronous>, transform_indices = @transform_3, window_bounds = array<i64: 2048, 1024>}, {pipeline_mode = #tpu.pipeline_mode<synchronous>, transform_indices = @transform_4, window_bounds = array<i64: 2, 1024>}]} {
    %get3A = arith.constant 0 : index
    %get3A_0 = arith.constant 0 : index
    %get3A_1 = vector.load %arg1[%get3A, %get3A_0] : memref<2048x512xf32, #tpu.memory_space<vmem>>, vector<2048x512xf32>
    %get3A_2 = arith.constant 0 : index
    %get3A_3 = arith.constant 0 : index
    %get3A_4 = vector.load %arg2[%get3A_2, %get3A_3] : memref<2x512xf32, #tpu.memory_space<vmem>>, vector<2x512xf32>
    %slice3A = vector.extract_strided_slice %get3A_4 {offsets = [0, 0], sizes = [1, 512], strides = [1, 1]} : vector<2x512xf32> to vector<1x512xf32>
    %mul3A = arith.constant 4.8828125E-4 : f32
    %mul3A_5 = vector.broadcast %mul3A : f32 to vector<1x512xf32>
    %mul3A_6 = arith.mulf %slice3A, %mul3A_5 : vector<1x512xf32>
    %slice3A_7 = vector.extract_strided_slice %get3A_4 {offsets = [1, 0], sizes = [1, 512], strides = [1, 1]} : vector<2x512xf32> to vector<1x512xf32>
    %mul3A_8 = arith.constant 4.8828125E-4 : f32
    %mul3A_9 = vector.broadcast %mul3A_8 : f32 to vector<1x512xf32>
    %mul3A_10 = arith.mulf %slice3A_7, %mul3A_9 : vector<1x512xf32>
    %mul3A_11 = arith.mulf %mul3A_6, %mul3A_6 : vector<1x512xf32>
    %sub3A = arith.subf %mul3A_10, %mul3A_11 : vector<1x512xf32>
    %max3A = arith.constant 0.000000e+00 : f32
    %max3A_12 = vector.broadcast %max3A : f32 to vector<1x512xf32>
    %max3A_13 = arith.maximumf %sub3A, %max3A_12 : vector<1x512xf32>
    %sub3A_14 = vector.broadcast %mul3A_6 : vector<1x512xf32> to vector<2048x512xf32>
    %sub3A_15 = arith.subf %get3A_1, %sub3A_14 : vector<2048x512xf32>
    %add3A = arith.constant 9.99999974E-6 : f32
    %add3A_16 = vector.broadcast %add3A : f32 to vector<1x512xf32>
    %add3A_17 = arith.addf %max3A_13, %add3A_16 : vector<1x512xf32>
    %rsqrt3A = math.rsqrt %add3A_17 : vector<1x512xf32>
    %mul3A_18 = vector.broadcast %rsqrt3A : vector<1x512xf32> to vector<2048x512xf32>
    %mul3A_19 = arith.mulf %sub3A_15, %mul3A_18 : vector<2048x512xf32>
    %max3A_20 = arith.constant 0.000000e+00 : f32
    %max3A_21 = vector.broadcast %max3A_20 : f32 to vector<2048x512xf32>
    %max3A_22 = arith.maximumf %mul3A_19, %max3A_21 : vector<2048x512xf32>
    %get3A_23 = arith.constant 0 : index
    %get3A_24 = arith.constant 0 : index
    %get3A_25 = vector.load %arg3[%get3A_23, %get3A_24] : memref<512x1024xf32, #tpu.memory_space<vmem>>, vector<512x1024xf32>
    %dot_general3A = arith.constant dense<0.000000e+00> : vector<2048x1024xf32>
    %dot_general3A_26 = tpu.matmul %max3A_22, %get3A_25, %dot_general3A {dimension_numbers = #tpu.dot_dimension_numbers<[1], [0], [0], [1], [0, 0, 1, 1], [], []>, transpose_lhs_hint = false} : vector<2048x512xf32>, vector<512x1024xf32>, vector<2048x1024xf32> -> vector<2048x1024xf32>
    %swap3A = arith.constant 0 : index
    %swap3A_27 = arith.constant 0 : index
    %swap3A_28 = vector.load %arg4[%swap3A, %swap3A_27] : memref<2048x1024xf32, #tpu.memory_space<vmem>>, vector<2048x1024xf32>
    tpu.vector_store %arg4[%swap3A, %swap3A_27], %dot_general3A_26 {strides = array<i32>} : memref<2048x1024xf32, #tpu.memory_space<vmem>>, vector<2048x1024xf32>,
    %reduce_sum3A = arith.constant dense<0.000000e+00> : vector<1024xf32>
    %reduce_sum3A_29 = vector.multi_reduction <add>, %dot_general3A_26, %reduce_sum3A [0] : vector<2048x1024xf32> to vector<1024xf32>
    %broadcast_in_dim3A = vector.shape_cast %reduce_sum3A_29 : vector<1024xf32> to vector<1x1024xf32>
    %mul3A_30 = arith.mulf %dot_general3A_26, %dot_general3A_26 : vector<2048x1024xf32>
    %reduce_sum3A_31 = arith.constant dense<0.000000e+00> : vector<1024xf32>
    %reduce_sum3A_32 = vector.multi_reduction <add>, %mul3A_30, %reduce_sum3A_31 [0] : vector<2048x1024xf32> to vector<1024xf32>
    %broadcast_in_dim3A_33 = vector.shape_cast %reduce_sum3A_32 : vector<1024xf32> to vector<1x1024xf32>
    %concatenate3A = tpu.concatenate %broadcast_in_dim3A, %broadcast_in_dim3A_33 in 0 : vector<1x1024xf32>, vector<1x1024xf32> -> vector<2x1024xf32>
    %swap3A_34 = arith.constant 0 : index
    %swap3A_35 = arith.constant 0 : index
    %swap3A_36 = vector.load %arg5[%swap3A_34, %swap3A_35] : memref<2x1024xf32, #tpu.memory_space<vmem>>, vector<2x1024xf32>
    tpu.vector_store %arg5[%swap3A_34, %swap3A_35], %concatenate3A {strides = array<i32>} : memref<2x1024xf32, #tpu.memory_space<vmem>>, vector<2x1024xf32>,
    return
  }
  func.func @transform_0(%arg0: i32) -> (i32, i32) {
    %c0_i32 = arith.constant 0 : i32
    %c0_i32_0 = arith.constant 0 : i32
    %c0_i32_1 = arith.constant 0 : i32
    return %c0_i32, %c0_i32_0 : i32, i32
  }
  func.func @transform_1(%arg0: i32) -> (i32, i32) {
    %c0_i32 = arith.constant 0 : i32
    %c0_i32_0 = arith.constant 0 : i32
    %c0_i32_1 = arith.constant 0 : i32
    return %c0_i32, %c0_i32_0 : i32, i32
  }
  func.func @transform_2(%arg0: i32) -> (i32, i32) {
    %c0_i32 = arith.constant 0 : i32
    %c0_i32_0 = arith.constant 0 : i32
    %c0_i32_1 = arith.constant 0 : i32
    return %c0_i32, %c0_i32_0 : i32, i32
  }
  func.func @transform_3(%arg0: i32) -> (i32, i32) {
    %c0_i32 = arith.constant 0 : i32
    %c0_i32_0 = arith.constant 0 : i32
    %c0_i32_1 = arith.constant 0 : i32
    return %c0_i32, %c0_i32_0 : i32, i32
  }
  func.func @transform_4(%arg0: i32) -> (i32, i32) {
    %c0_i32 = arith.constant 0 : i32
    %c0_i32_0 = arith.constant 0 : i32
    %c0_i32_1 = arith.constant 0 : i32
    return %c0_i32, %c0_i32_0 : i32, i32
  }
}

module attributes {stable_mosaic.version = 14 : i64} {
  func.func @_layer_kernel(%arg0: i32, %arg1: memref<4096x256xf32, #tpu.memory_space<vmem>>, %arg2: memref<2x256xf32, #tpu.memory_space<vmem>>, %arg3: memref<256x512xf32, #tpu.memory_space<vmem>>, %arg4: memref<4096x512xf32, #tpu.memory_space<vmem>>, %arg5: memref<2x512xf32, #tpu.memory_space<vmem>>) attributes {dimension_semantics = [#tpu.dimension_semantics<arbitrary>], iteration_bounds = array<i64: 1>, scalar_prefetch = 0 : i64, scratch_operands = 0 : i64, tpu.core_type = #tpu.core_type<tc>, window_params = [{pipeline_mode = #tpu.pipeline_mode<synchronous>, transform_indices = @transform_0, window_bounds = array<i64: 4096, 256>}, {pipeline_mode = #tpu.pipeline_mode<synchronous>, transform_indices = @transform_1, window_bounds = array<i64: 2, 256>}, {pipeline_mode = #tpu.pipeline_mode<synchronous>, transform_indices = @transform_2, window_bounds = array<i64: 256, 512>}, {pipeline_mode = #tpu.pipeline_mode<synchronous>, transform_indices = @transform_3, window_bounds = array<i64: 4096, 512>}, {pipeline_mode = #tpu.pipeline_mode<synchronous>, transform_indices = @transform_4, window_bounds = array<i64: 2, 512>}]} {
    %get3A = arith.constant 0 : index
    %get3A_0 = arith.constant 0 : index
    %get3A_1 = vector.load %arg1[%get3A, %get3A_0] : memref<4096x256xf32, #tpu.memory_space<vmem>>, vector<4096x256xf32>
    %get3A_2 = arith.constant 0 : index
    %get3A_3 = arith.constant 0 : index
    %get3A_4 = vector.load %arg2[%get3A_2, %get3A_3] : memref<2x256xf32, #tpu.memory_space<vmem>>, vector<2x256xf32>
    %slice3A = vector.extract_strided_slice %get3A_4 {offsets = [0, 0], sizes = [1, 256], strides = [1, 1]} : vector<2x256xf32> to vector<1x256xf32>
    %mul3A = arith.constant 2.44140625E-4 : f32
    %mul3A_5 = vector.broadcast %mul3A : f32 to vector<1x256xf32>
    %mul3A_6 = arith.mulf %slice3A, %mul3A_5 : vector<1x256xf32>
    %slice3A_7 = vector.extract_strided_slice %get3A_4 {offsets = [1, 0], sizes = [1, 256], strides = [1, 1]} : vector<2x256xf32> to vector<1x256xf32>
    %mul3A_8 = arith.constant 2.44140625E-4 : f32
    %mul3A_9 = vector.broadcast %mul3A_8 : f32 to vector<1x256xf32>
    %mul3A_10 = arith.mulf %slice3A_7, %mul3A_9 : vector<1x256xf32>
    %mul3A_11 = arith.mulf %mul3A_6, %mul3A_6 : vector<1x256xf32>
    %sub3A = arith.subf %mul3A_10, %mul3A_11 : vector<1x256xf32>
    %max3A = arith.constant 0.000000e+00 : f32
    %max3A_12 = vector.broadcast %max3A : f32 to vector<1x256xf32>
    %max3A_13 = arith.maximumf %sub3A, %max3A_12 : vector<1x256xf32>
    %sub3A_14 = vector.broadcast %mul3A_6 : vector<1x256xf32> to vector<4096x256xf32>
    %sub3A_15 = arith.subf %get3A_1, %sub3A_14 : vector<4096x256xf32>
    %add3A = arith.constant 9.99999974E-6 : f32
    %add3A_16 = vector.broadcast %add3A : f32 to vector<1x256xf32>
    %add3A_17 = arith.addf %max3A_13, %add3A_16 : vector<1x256xf32>
    %rsqrt3A = math.rsqrt %add3A_17 : vector<1x256xf32>
    %mul3A_18 = vector.broadcast %rsqrt3A : vector<1x256xf32> to vector<4096x256xf32>
    %mul3A_19 = arith.mulf %sub3A_15, %mul3A_18 : vector<4096x256xf32>
    %max3A_20 = arith.constant 0.000000e+00 : f32
    %max3A_21 = vector.broadcast %max3A_20 : f32 to vector<4096x256xf32>
    %max3A_22 = arith.maximumf %mul3A_19, %max3A_21 : vector<4096x256xf32>
    %get3A_23 = arith.constant 0 : index
    %get3A_24 = arith.constant 0 : index
    %get3A_25 = vector.load %arg3[%get3A_23, %get3A_24] : memref<256x512xf32, #tpu.memory_space<vmem>>, vector<256x512xf32>
    %dot_general3A = arith.constant dense<0.000000e+00> : vector<4096x512xf32>
    %dot_general3A_26 = tpu.matmul %max3A_22, %get3A_25, %dot_general3A {dimension_numbers = #tpu.dot_dimension_numbers<[1], [0], [0], [1], [0, 0, 1, 1], [], []>, transpose_lhs_hint = false} : vector<4096x256xf32>, vector<256x512xf32>, vector<4096x512xf32> -> vector<4096x512xf32>
    %swap3A = arith.constant 0 : index
    %swap3A_27 = arith.constant 0 : index
    %swap3A_28 = vector.load %arg4[%swap3A, %swap3A_27] : memref<4096x512xf32, #tpu.memory_space<vmem>>, vector<4096x512xf32>
    tpu.vector_store %arg4[%swap3A, %swap3A_27], %dot_general3A_26 {strides = array<i32>} : memref<4096x512xf32, #tpu.memory_space<vmem>>, vector<4096x512xf32>,
    %reduce_sum3A = arith.constant dense<0.000000e+00> : vector<512xf32>
    %reduce_sum3A_29 = vector.multi_reduction <add>, %dot_general3A_26, %reduce_sum3A [0] : vector<4096x512xf32> to vector<512xf32>
    %broadcast_in_dim3A = vector.shape_cast %reduce_sum3A_29 : vector<512xf32> to vector<1x512xf32>
    %mul3A_30 = arith.mulf %dot_general3A_26, %dot_general3A_26 : vector<4096x512xf32>
    %reduce_sum3A_31 = arith.constant dense<0.000000e+00> : vector<512xf32>
    %reduce_sum3A_32 = vector.multi_reduction <add>, %mul3A_30, %reduce_sum3A_31 [0] : vector<4096x512xf32> to vector<512xf32>
    %broadcast_in_dim3A_33 = vector.shape_cast %reduce_sum3A_32 : vector<512xf32> to vector<1x512xf32>
    %concatenate3A = tpu.concatenate %broadcast_in_dim3A, %broadcast_in_dim3A_33 in 0 : vector<1x512xf32>, vector<1x512xf32> -> vector<2x512xf32>
    %swap3A_34 = arith.constant 0 : index
    %swap3A_35 = arith.constant 0 : index
    %swap3A_36 = vector.load %arg5[%swap3A_34, %swap3A_35] : memref<2x512xf32, #tpu.memory_space<vmem>>, vector<2x512xf32>
    tpu.vector_store %arg5[%swap3A_34, %swap3A_35], %concatenate3A {strides = array<i32>} : memref<2x512xf32, #tpu.memory_space<vmem>>, vector<2x512xf32>,
    return
  }
  func.func @transform_0(%arg0: i32) -> (i32, i32) {
    %c0_i32 = arith.constant 0 : i32
    %c0_i32_0 = arith.constant 0 : i32
    %c0_i32_1 = arith.constant 0 : i32
    return %c0_i32, %c0_i32_0 : i32, i32
  }
  func.func @transform_1(%arg0: i32) -> (i32, i32) {
    %c0_i32 = arith.constant 0 : i32
    %c0_i32_0 = arith.constant 0 : i32
    %c0_i32_1 = arith.constant 0 : i32
    return %c0_i32, %c0_i32_0 : i32, i32
  }
  func.func @transform_2(%arg0: i32) -> (i32, i32) {
    %c0_i32 = arith.constant 0 : i32
    %c0_i32_0 = arith.constant 0 : i32
    %c0_i32_1 = arith.constant 0 : i32
    return %c0_i32, %c0_i32_0 : i32, i32
  }
  func.func @transform_3(%arg0: i32) -> (i32, i32) {
    %c0_i32 = arith.constant 0 : i32
    %c0_i32_0 = arith.constant 0 : i32
    %c0_i32_1 = arith.constant 0 : i32
    return %c0_i32, %c0_i32_0 : i32, i32
  }
  func.func @transform_4(%arg0: i32) -> (i32, i32) {
    %c0_i32 = arith.constant 0 : i32
    %c0_i32_0 = arith.constant 0 : i32
    %c0_i32_1 = arith.constant 0 : i32
    return %c0_i32, %c0_i32_0 : i32, i32
  }
}

module attributes {stable_mosaic.version = 14 : i64} {
  func.func @_layer_kernel(%arg0: i32, %arg1: memref<8192x128xf32, #tpu.memory_space<vmem>>, %arg2: memref<2x128xf32, #tpu.memory_space<vmem>>, %arg3: memref<128x256xf32, #tpu.memory_space<vmem>>, %arg4: memref<8192x256xf32, #tpu.memory_space<vmem>>, %arg5: memref<2x256xf32, #tpu.memory_space<vmem>>) attributes {dimension_semantics = [#tpu.dimension_semantics<arbitrary>], iteration_bounds = array<i64: 1>, scalar_prefetch = 0 : i64, scratch_operands = 0 : i64, tpu.core_type = #tpu.core_type<tc>, window_params = [{pipeline_mode = #tpu.pipeline_mode<synchronous>, transform_indices = @transform_0, window_bounds = array<i64: 8192, 128>}, {pipeline_mode = #tpu.pipeline_mode<synchronous>, transform_indices = @transform_1, window_bounds = array<i64: 2, 128>}, {pipeline_mode = #tpu.pipeline_mode<synchronous>, transform_indices = @transform_2, window_bounds = array<i64: 128, 256>}, {pipeline_mode = #tpu.pipeline_mode<synchronous>, transform_indices = @transform_3, window_bounds = array<i64: 8192, 256>}, {pipeline_mode = #tpu.pipeline_mode<synchronous>, transform_indices = @transform_4, window_bounds = array<i64: 2, 256>}]} {
    %get3A = arith.constant 0 : index
    %get3A_0 = arith.constant 0 : index
    %get3A_1 = vector.load %arg1[%get3A, %get3A_0] : memref<8192x128xf32, #tpu.memory_space<vmem>>, vector<8192x128xf32>
    %get3A_2 = arith.constant 0 : index
    %get3A_3 = arith.constant 0 : index
    %get3A_4 = vector.load %arg2[%get3A_2, %get3A_3] : memref<2x128xf32, #tpu.memory_space<vmem>>, vector<2x128xf32>
    %slice3A = vector.extract_strided_slice %get3A_4 {offsets = [0, 0], sizes = [1, 128], strides = [1, 1]} : vector<2x128xf32> to vector<1x128xf32>
    %mul3A = arith.constant 1.22070313E-4 : f32
    %mul3A_5 = vector.broadcast %mul3A : f32 to vector<1x128xf32>
    %mul3A_6 = arith.mulf %slice3A, %mul3A_5 : vector<1x128xf32>
    %slice3A_7 = vector.extract_strided_slice %get3A_4 {offsets = [1, 0], sizes = [1, 128], strides = [1, 1]} : vector<2x128xf32> to vector<1x128xf32>
    %mul3A_8 = arith.constant 1.22070313E-4 : f32
    %mul3A_9 = vector.broadcast %mul3A_8 : f32 to vector<1x128xf32>
    %mul3A_10 = arith.mulf %slice3A_7, %mul3A_9 : vector<1x128xf32>
    %mul3A_11 = arith.mulf %mul3A_6, %mul3A_6 : vector<1x128xf32>
    %sub3A = arith.subf %mul3A_10, %mul3A_11 : vector<1x128xf32>
    %max3A = arith.constant 0.000000e+00 : f32
    %max3A_12 = vector.broadcast %max3A : f32 to vector<1x128xf32>
    %max3A_13 = arith.maximumf %sub3A, %max3A_12 : vector<1x128xf32>
    %sub3A_14 = vector.broadcast %mul3A_6 : vector<1x128xf32> to vector<8192x128xf32>
    %sub3A_15 = arith.subf %get3A_1, %sub3A_14 : vector<8192x128xf32>
    %add3A = arith.constant 9.99999974E-6 : f32
    %add3A_16 = vector.broadcast %add3A : f32 to vector<1x128xf32>
    %add3A_17 = arith.addf %max3A_13, %add3A_16 : vector<1x128xf32>
    %rsqrt3A = math.rsqrt %add3A_17 : vector<1x128xf32>
    %mul3A_18 = vector.broadcast %rsqrt3A : vector<1x128xf32> to vector<8192x128xf32>
    %mul3A_19 = arith.mulf %sub3A_15, %mul3A_18 : vector<8192x128xf32>
    %max3A_20 = arith.constant 0.000000e+00 : f32
    %max3A_21 = vector.broadcast %max3A_20 : f32 to vector<8192x128xf32>
    %max3A_22 = arith.maximumf %mul3A_19, %max3A_21 : vector<8192x128xf32>
    %get3A_23 = arith.constant 0 : index
    %get3A_24 = arith.constant 0 : index
    %get3A_25 = vector.load %arg3[%get3A_23, %get3A_24] : memref<128x256xf32, #tpu.memory_space<vmem>>, vector<128x256xf32>
    %dot_general3A = arith.constant dense<0.000000e+00> : vector<8192x256xf32>
    %dot_general3A_26 = tpu.matmul %max3A_22, %get3A_25, %dot_general3A {dimension_numbers = #tpu.dot_dimension_numbers<[1], [0], [0], [1], [0, 0, 1, 1], [], []>, transpose_lhs_hint = false} : vector<8192x128xf32>, vector<128x256xf32>, vector<8192x256xf32> -> vector<8192x256xf32>
    %swap3A = arith.constant 0 : index
    %swap3A_27 = arith.constant 0 : index
    %swap3A_28 = vector.load %arg4[%swap3A, %swap3A_27] : memref<8192x256xf32, #tpu.memory_space<vmem>>, vector<8192x256xf32>
    tpu.vector_store %arg4[%swap3A, %swap3A_27], %dot_general3A_26 {strides = array<i32>} : memref<8192x256xf32, #tpu.memory_space<vmem>>, vector<8192x256xf32>,
    %reduce_sum3A = arith.constant dense<0.000000e+00> : vector<256xf32>
    %reduce_sum3A_29 = vector.multi_reduction <add>, %dot_general3A_26, %reduce_sum3A [0] : vector<8192x256xf32> to vector<256xf32>
    %broadcast_in_dim3A = vector.shape_cast %reduce_sum3A_29 : vector<256xf32> to vector<1x256xf32>
    %mul3A_30 = arith.mulf %dot_general3A_26, %dot_general3A_26 : vector<8192x256xf32>
    %reduce_sum3A_31 = arith.constant dense<0.000000e+00> : vector<256xf32>
    %reduce_sum3A_32 = vector.multi_reduction <add>, %mul3A_30, %reduce_sum3A_31 [0] : vector<8192x256xf32> to vector<256xf32>
    %broadcast_in_dim3A_33 = vector.shape_cast %reduce_sum3A_32 : vector<256xf32> to vector<1x256xf32>
    %concatenate3A = tpu.concatenate %broadcast_in_dim3A, %broadcast_in_dim3A_33 in 0 : vector<1x256xf32>, vector<1x256xf32> -> vector<2x256xf32>
    %swap3A_34 = arith.constant 0 : index
    %swap3A_35 = arith.constant 0 : index
    %swap3A_36 = vector.load %arg5[%swap3A_34, %swap3A_35] : memref<2x256xf32, #tpu.memory_space<vmem>>, vector<2x256xf32>
    tpu.vector_store %arg5[%swap3A_34, %swap3A_35], %concatenate3A {strides = array<i32>} : memref<2x256xf32, #tpu.memory_space<vmem>>, vector<2x256xf32>,
    return
  }
  func.func @transform_0(%arg0: i32) -> (i32, i32) {
    %c0_i32 = arith.constant 0 : i32
    %c0_i32_0 = arith.constant 0 : i32
    %c0_i32_1 = arith.constant 0 : i32
    return %c0_i32, %c0_i32_0 : i32, i32
  }
  func.func @transform_1(%arg0: i32) -> (i32, i32) {
    %c0_i32 = arith.constant 0 : i32
    %c0_i32_0 = arith.constant 0 : i32
    %c0_i32_1 = arith.constant 0 : i32
    return %c0_i32, %c0_i32_0 : i32, i32
  }
  func.func @transform_2(%arg0: i32) -> (i32, i32) {
    %c0_i32 = arith.constant 0 : i32
    %c0_i32_0 = arith.constant 0 : i32
    %c0_i32_1 = arith.constant 0 : i32
    return %c0_i32, %c0_i32_0 : i32, i32
  }
  func.func @transform_3(%arg0: i32) -> (i32, i32) {
    %c0_i32 = arith.constant 0 : i32
    %c0_i32_0 = arith.constant 0 : i32
    %c0_i32_1 = arith.constant 0 : i32
    return %c0_i32, %c0_i32_0 : i32, i32
  }
  func.func @transform_4(%arg0: i32) -> (i32, i32) {
    %c0_i32 = arith.constant 0 : i32
    %c0_i32_0 = arith.constant 0 : i32
    %c0_i32_1 = arith.constant 0 : i32
    return %c0_i32, %c0_i32_0 : i32, i32
  }
}

module attributes {stable_mosaic.version = 14 : i64} {
  func.func @_layer_kernel(%arg0: i32, %arg1: memref<8192x256xf32, #tpu.memory_space<vmem>>, %arg2: memref<8192x256xf32, #tpu.memory_space<vmem>>, %arg3: memref<8192x256xf32, #tpu.memory_space<vmem>>, %arg4: memref<2x256xf32, #tpu.memory_space<vmem>>, %arg5: memref<2x256xf32, #tpu.memory_space<vmem>>, %arg6: memref<2x256xf32, #tpu.memory_space<vmem>>, %arg7: memref<256x41xf32, #tpu.memory_space<vmem>>, %arg8: memref<256x41xf32, #tpu.memory_space<vmem>>, %arg9: memref<256x41xf32, #tpu.memory_space<vmem>>, %arg10: memref<1x41xf32, #tpu.memory_space<vmem>>, %arg11: memref<8192x41xf32, #tpu.memory_space<vmem>>, %arg12: memref<2x41xf32, #tpu.memory_space<vmem>>) attributes {dimension_semantics = [#tpu.dimension_semantics<arbitrary>], iteration_bounds = array<i64: 1>, scalar_prefetch = 0 : i64, scratch_operands = 0 : i64, tpu.core_type = #tpu.core_type<tc>, window_params = [{pipeline_mode = #tpu.pipeline_mode<synchronous>, transform_indices = @transform_0, window_bounds = array<i64: 8192, 256>}, {pipeline_mode = #tpu.pipeline_mode<synchronous>, transform_indices = @transform_1, window_bounds = array<i64: 8192, 256>}, {pipeline_mode = #tpu.pipeline_mode<synchronous>, transform_indices = @transform_2, window_bounds = array<i64: 8192, 256>}, {pipeline_mode = #tpu.pipeline_mode<synchronous>, transform_indices = @transform_3, window_bounds = array<i64: 2, 256>}, {pipeline_mode = #tpu.pipeline_mode<synchronous>, transform_indices = @transform_4, window_bounds = array<i64: 2, 256>}, {pipeline_mode = #tpu.pipeline_mode<synchronous>, transform_indices = @transform_5, window_bounds = array<i64: 2, 256>}, {pipeline_mode = #tpu.pipeline_mode<synchronous>, transform_indices = @transform_6, window_bounds = array<i64: 256, 41>}, {pipeline_mode = #tpu.pipeline_mode<synchronous>, transform_indices = @transform_7, window_bounds = array<i64: 256, 41>}, {pipeline_mode = #tpu.pipeline_mode<synchronous>, transform_indices = @transform_8, window_bounds = array<i64: 256, 41>}, {pipeline_mode = #tpu.pipeline_mode<synchronous>, transform_indices = @transform_9, window_bounds = array<i64: 1, 41>}, {pipeline_mode = #tpu.pipeline_mode<synchronous>, transform_indices = @transform_10, window_bounds = array<i64: 8192, 41>}, {pipeline_mode = #tpu.pipeline_mode<synchronous>, transform_indices = @transform_11, window_bounds = array<i64: 2, 41>}]} {
    %get3A = arith.constant 0 : index
    %get3A_0 = arith.constant 0 : index
    %get3A_1 = vector.load %arg1[%get3A, %get3A_0] : memref<8192x256xf32, #tpu.memory_space<vmem>>, vector<8192x256xf32>
    %get3A_2 = arith.constant 0 : index
    %get3A_3 = arith.constant 0 : index
    %get3A_4 = vector.load %arg4[%get3A_2, %get3A_3] : memref<2x256xf32, #tpu.memory_space<vmem>>, vector<2x256xf32>
    %slice3A = vector.extract_strided_slice %get3A_4 {offsets = [0, 0], sizes = [1, 256], strides = [1, 1]} : vector<2x256xf32> to vector<1x256xf32>
    %mul3A = arith.constant 1.22070313E-4 : f32
    %mul3A_5 = vector.broadcast %mul3A : f32 to vector<1x256xf32>
    %mul3A_6 = arith.mulf %slice3A, %mul3A_5 : vector<1x256xf32>
    %slice3A_7 = vector.extract_strided_slice %get3A_4 {offsets = [1, 0], sizes = [1, 256], strides = [1, 1]} : vector<2x256xf32> to vector<1x256xf32>
    %mul3A_8 = arith.constant 1.22070313E-4 : f32
    %mul3A_9 = vector.broadcast %mul3A_8 : f32 to vector<1x256xf32>
    %mul3A_10 = arith.mulf %slice3A_7, %mul3A_9 : vector<1x256xf32>
    %mul3A_11 = arith.mulf %mul3A_6, %mul3A_6 : vector<1x256xf32>
    %sub3A = arith.subf %mul3A_10, %mul3A_11 : vector<1x256xf32>
    %max3A = arith.constant 0.000000e+00 : f32
    %max3A_12 = vector.broadcast %max3A : f32 to vector<1x256xf32>
    %max3A_13 = arith.maximumf %sub3A, %max3A_12 : vector<1x256xf32>
    %sub3A_14 = vector.broadcast %mul3A_6 : vector<1x256xf32> to vector<8192x256xf32>
    %sub3A_15 = arith.subf %get3A_1, %sub3A_14 : vector<8192x256xf32>
    %add3A = arith.constant 9.99999974E-6 : f32
    %add3A_16 = vector.broadcast %add3A : f32 to vector<1x256xf32>
    %add3A_17 = arith.addf %max3A_13, %add3A_16 : vector<1x256xf32>
    %rsqrt3A = math.rsqrt %add3A_17 : vector<1x256xf32>
    %mul3A_18 = vector.broadcast %rsqrt3A : vector<1x256xf32> to vector<8192x256xf32>
    %mul3A_19 = arith.mulf %sub3A_15, %mul3A_18 : vector<8192x256xf32>
    %max3A_20 = arith.constant 0.000000e+00 : f32
    %max3A_21 = vector.broadcast %max3A_20 : f32 to vector<8192x256xf32>
    %max3A_22 = arith.maximumf %mul3A_19, %max3A_21 : vector<8192x256xf32>
    %get3A_23 = arith.constant 0 : index
    %get3A_24 = arith.constant 0 : index
    %get3A_25 = vector.load %arg2[%get3A_23, %get3A_24] : memref<8192x256xf32, #tpu.memory_space<vmem>>, vector<8192x256xf32>
    %get3A_26 = arith.constant 0 : index
    %get3A_27 = arith.constant 0 : index
    %get3A_28 = vector.load %arg5[%get3A_26, %get3A_27] : memref<2x256xf32, #tpu.memory_space<vmem>>, vector<2x256xf32>
    %slice3A_29 = vector.extract_strided_slice %get3A_28 {offsets = [0, 0], sizes = [1, 256], strides = [1, 1]} : vector<2x256xf32> to vector<1x256xf32>
    %mul3A_30 = arith.constant 1.22070313E-4 : f32
    %mul3A_31 = vector.broadcast %mul3A_30 : f32 to vector<1x256xf32>
    %mul3A_32 = arith.mulf %slice3A_29, %mul3A_31 : vector<1x256xf32>
    %slice3A_33 = vector.extract_strided_slice %get3A_28 {offsets = [1, 0], sizes = [1, 256], strides = [1, 1]} : vector<2x256xf32> to vector<1x256xf32>
    %mul3A_34 = arith.constant 1.22070313E-4 : f32
    %mul3A_35 = vector.broadcast %mul3A_34 : f32 to vector<1x256xf32>
    %mul3A_36 = arith.mulf %slice3A_33, %mul3A_35 : vector<1x256xf32>
    %mul3A_37 = arith.mulf %mul3A_32, %mul3A_32 : vector<1x256xf32>
    %sub3A_38 = arith.subf %mul3A_36, %mul3A_37 : vector<1x256xf32>
    %max3A_39 = arith.constant 0.000000e+00 : f32
    %max3A_40 = vector.broadcast %max3A_39 : f32 to vector<1x256xf32>
    %max3A_41 = arith.maximumf %sub3A_38, %max3A_40 : vector<1x256xf32>
    %sub3A_42 = vector.broadcast %mul3A_32 : vector<1x256xf32> to vector<8192x256xf32>
    %sub3A_43 = arith.subf %get3A_25, %sub3A_42 : vector<8192x256xf32>
    %add3A_44 = arith.constant 9.99999974E-6 : f32
    %add3A_45 = vector.broadcast %add3A_44 : f32 to vector<1x256xf32>
    %add3A_46 = arith.addf %max3A_41, %add3A_45 : vector<1x256xf32>
    %rsqrt3A_47 = math.rsqrt %add3A_46 : vector<1x256xf32>
    %mul3A_48 = vector.broadcast %rsqrt3A_47 : vector<1x256xf32> to vector<8192x256xf32>
    %mul3A_49 = arith.mulf %sub3A_43, %mul3A_48 : vector<8192x256xf32>
    %max3A_50 = arith.constant 0.000000e+00 : f32
    %max3A_51 = vector.broadcast %max3A_50 : f32 to vector<8192x256xf32>
    %max3A_52 = arith.maximumf %mul3A_49, %max3A_51 : vector<8192x256xf32>
    %get3A_53 = arith.constant 0 : index
    %get3A_54 = arith.constant 0 : index
    %get3A_55 = vector.load %arg3[%get3A_53, %get3A_54] : memref<8192x256xf32, #tpu.memory_space<vmem>>, vector<8192x256xf32>
    %get3A_56 = arith.constant 0 : index
    %get3A_57 = arith.constant 0 : index
    %get3A_58 = vector.load %arg6[%get3A_56, %get3A_57] : memref<2x256xf32, #tpu.memory_space<vmem>>, vector<2x256xf32>
    %slice3A_59 = vector.extract_strided_slice %get3A_58 {offsets = [0, 0], sizes = [1, 256], strides = [1, 1]} : vector<2x256xf32> to vector<1x256xf32>
    %mul3A_60 = arith.constant 1.22070313E-4 : f32
    %mul3A_61 = vector.broadcast %mul3A_60 : f32 to vector<1x256xf32>
    %mul3A_62 = arith.mulf %slice3A_59, %mul3A_61 : vector<1x256xf32>
    %slice3A_63 = vector.extract_strided_slice %get3A_58 {offsets = [1, 0], sizes = [1, 256], strides = [1, 1]} : vector<2x256xf32> to vector<1x256xf32>
    %mul3A_64 = arith.constant 1.22070313E-4 : f32
    %mul3A_65 = vector.broadcast %mul3A_64 : f32 to vector<1x256xf32>
    %mul3A_66 = arith.mulf %slice3A_63, %mul3A_65 : vector<1x256xf32>
    %mul3A_67 = arith.mulf %mul3A_62, %mul3A_62 : vector<1x256xf32>
    %sub3A_68 = arith.subf %mul3A_66, %mul3A_67 : vector<1x256xf32>
    %max3A_69 = arith.constant 0.000000e+00 : f32
    %max3A_70 = vector.broadcast %max3A_69 : f32 to vector<1x256xf32>
    %max3A_71 = arith.maximumf %sub3A_68, %max3A_70 : vector<1x256xf32>
    %sub3A_72 = vector.broadcast %mul3A_62 : vector<1x256xf32> to vector<8192x256xf32>
    %sub3A_73 = arith.subf %get3A_55, %sub3A_72 : vector<8192x256xf32>
    %add3A_74 = arith.constant 9.99999974E-6 : f32
    %add3A_75 = vector.broadcast %add3A_74 : f32 to vector<1x256xf32>
    %add3A_76 = arith.addf %max3A_71, %add3A_75 : vector<1x256xf32>
    %rsqrt3A_77 = math.rsqrt %add3A_76 : vector<1x256xf32>
    %mul3A_78 = vector.broadcast %rsqrt3A_77 : vector<1x256xf32> to vector<8192x256xf32>
    %mul3A_79 = arith.mulf %sub3A_73, %mul3A_78 : vector<8192x256xf32>
    %max3A_80 = arith.constant 0.000000e+00 : f32
    %max3A_81 = vector.broadcast %max3A_80 : f32 to vector<8192x256xf32>
    %max3A_82 = arith.maximumf %mul3A_79, %max3A_81 : vector<8192x256xf32>
    %get3A_83 = arith.constant 0 : index
    %get3A_84 = arith.constant 0 : index
    %get3A_85 = vector.load %arg7[%get3A_83, %get3A_84] : memref<256x41xf32, #tpu.memory_space<vmem>>, vector<256x41xf32>
    %dot_general3A = arith.constant dense<0.000000e+00> : vector<8192x41xf32>
    %dot_general3A_86 = tpu.matmul %max3A_22, %get3A_85, %dot_general3A {dimension_numbers = #tpu.dot_dimension_numbers<[1], [0], [0], [1], [0, 0, 1, 1], [], []>, transpose_lhs_hint = false} : vector<8192x256xf32>, vector<256x41xf32>, vector<8192x41xf32> -> vector<8192x41xf32>
    %get3A_87 = arith.constant 0 : index
    %get3A_88 = arith.constant 0 : index
    %get3A_89 = vector.load %arg8[%get3A_87, %get3A_88] : memref<256x41xf32, #tpu.memory_space<vmem>>, vector<256x41xf32>
    %dot_general3A_90 = arith.constant dense<0.000000e+00> : vector<8192x41xf32>
    %dot_general3A_91 = tpu.matmul %max3A_52, %get3A_89, %dot_general3A_90 {dimension_numbers = #tpu.dot_dimension_numbers<[1], [0], [0], [1], [0, 0, 1, 1], [], []>, transpose_lhs_hint = false} : vector<8192x256xf32>, vector<256x41xf32>, vector<8192x41xf32> -> vector<8192x41xf32>
    %add3A_92 = arith.addf %dot_general3A_86, %dot_general3A_91 : vector<8192x41xf32>
    %get3A_93 = arith.constant 0 : index
    %get3A_94 = arith.constant 0 : index
    %get3A_95 = vector.load %arg9[%get3A_93, %get3A_94] : memref<256x41xf32, #tpu.memory_space<vmem>>, vector<256x41xf32>
    %dot_general3A_96 = arith.constant dense<0.000000e+00> : vector<8192x41xf32>
    %dot_general3A_97 = tpu.matmul %max3A_82, %get3A_95, %dot_general3A_96 {dimension_numbers = #tpu.dot_dimension_numbers<[1], [0], [0], [1], [0, 0, 1, 1], [], []>, transpose_lhs_hint = false} : vector<8192x256xf32>, vector<256x41xf32>, vector<8192x41xf32> -> vector<8192x41xf32>
    %add3A_98 = arith.addf %add3A_92, %dot_general3A_97 : vector<8192x41xf32>
    %get3A_99 = arith.constant 0 : index
    %get3A_100 = arith.constant 0 : index
    %get3A_101 = vector.load %arg10[%get3A_99, %get3A_100] : memref<1x41xf32, #tpu.memory_space<vmem>>, vector<1x41xf32>
    %add3A_102 = vector.broadcast %get3A_101 : vector<1x41xf32> to vector<8192x41xf32>
    %add3A_103 = arith.addf %add3A_98, %add3A_102 : vector<8192x41xf32>
    %swap3A = arith.constant 0 : index
    %swap3A_104 = arith.constant 0 : index
    %swap3A_105 = vector.load %arg11[%swap3A, %swap3A_104] : memref<8192x41xf32, #tpu.memory_space<vmem>>, vector<8192x41xf32>
    tpu.vector_store %arg11[%swap3A, %swap3A_104], %add3A_103 {strides = array<i32>} : memref<8192x41xf32, #tpu.memory_space<vmem>>, vector<8192x41xf32>,
    %reduce_sum3A = arith.constant dense<0.000000e+00> : vector<41xf32>
    %reduce_sum3A_106 = vector.multi_reduction <add>, %add3A_103, %reduce_sum3A [0] : vector<8192x41xf32> to vector<41xf32>
    %broadcast_in_dim3A = vector.shape_cast %reduce_sum3A_106 : vector<41xf32> to vector<1x41xf32>
    %mul3A_107 = arith.mulf %add3A_103, %add3A_103 : vector<8192x41xf32>
    %reduce_sum3A_108 = arith.constant dense<0.000000e+00> : vector<41xf32>
    %reduce_sum3A_109 = vector.multi_reduction <add>, %mul3A_107, %reduce_sum3A_108 [0] : vector<8192x41xf32> to vector<41xf32>
    %broadcast_in_dim3A_110 = vector.shape_cast %reduce_sum3A_109 : vector<41xf32> to vector<1x41xf32>
    %concatenate3A = tpu.concatenate %broadcast_in_dim3A, %broadcast_in_dim3A_110 in 0 : vector<1x41xf32>, vector<1x41xf32> -> vector<2x41xf32>
    %swap3A_111 = arith.constant 0 : index
    %swap3A_112 = arith.constant 0 : index
    %swap3A_113 = vector.load %arg12[%swap3A_111, %swap3A_112] : memref<2x41xf32, #tpu.memory_space<vmem>>, vector<2x41xf32>
    tpu.vector_store %arg12[%swap3A_111, %swap3A_112], %concatenate3A {strides = array<i32>} : memref<2x41xf32, #tpu.memory_space<vmem>>, vector<2x41xf32>,
    return
  }
  func.func @transform_0(%arg0: i32) -> (i32, i32) {
    %c0_i32 = arith.constant 0 : i32
    %c0_i32_0 = arith.constant 0 : i32
    %c0_i32_1 = arith.constant 0 : i32
    return %c0_i32, %c0_i32_0 : i32, i32
  }
  func.func @transform_1(%arg0: i32) -> (i32, i32) {
    %c0_i32 = arith.constant 0 : i32
    %c0_i32_0 = arith.constant 0 : i32
    %c0_i32_1 = arith.constant 0 : i32
    return %c0_i32, %c0_i32_0 : i32, i32
  }
  func.func @transform_2(%arg0: i32) -> (i32, i32) {
    %c0_i32 = arith.constant 0 : i32
    %c0_i32_0 = arith.constant 0 : i32
    %c0_i32_1 = arith.constant 0 : i32
    return %c0_i32, %c0_i32_0 : i32, i32
  }
  func.func @transform_3(%arg0: i32) -> (i32, i32) {
    %c0_i32 = arith.constant 0 : i32
    %c0_i32_0 = arith.constant 0 : i32
    %c0_i32_1 = arith.constant 0 : i32
    return %c0_i32, %c0_i32_0 : i32, i32
  }
  func.func @transform_4(%arg0: i32) -> (i32, i32) {
    %c0_i32 = arith.constant 0 : i32
    %c0_i32_0 = arith.constant 0 : i32
    %c0_i32_1 = arith.constant 0 : i32
    return %c0_i32, %c0_i32_0 : i32, i32
  }
  func.func @transform_5(%arg0: i32) -> (i32, i32) {
    %c0_i32 = arith.constant 0 : i32
    %c0_i32_0 = arith.constant 0 : i32
    %c0_i32_1 = arith.constant 0 : i32
    return %c0_i32, %c0_i32_0 : i32, i32
  }
  func.func @transform_6(%arg0: i32) -> (i32, i32) {
    %c0_i32 = arith.constant 0 : i32
    %c0_i32_0 = arith.constant 0 : i32
    %c0_i32_1 = arith.constant 0 : i32
    return %c0_i32, %c0_i32_0 : i32, i32
  }
  func.func @transform_7(%arg0: i32) -> (i32, i32) {
    %c0_i32 = arith.constant 0 : i32
    %c0_i32_0 = arith.constant 0 : i32
    %c0_i32_1 = arith.constant 0 : i32
    return %c0_i32, %c0_i32_0 : i32, i32
  }
  func.func @transform_8(%arg0: i32) -> (i32, i32) {
    %c0_i32 = arith.constant 0 : i32
    %c0_i32_0 = arith.constant 0 : i32
    %c0_i32_1 = arith.constant 0 : i32
    return %c0_i32, %c0_i32_0 : i32, i32
  }
  func.func @transform_9(%arg0: i32) -> (i32, i32) {
    %c0_i32 = arith.constant 0 : i32
    %c0_i32_0 = arith.constant 0 : i32
    %c0_i32_1 = arith.constant 0 : i32
    return %c0_i32, %c0_i32_0 : i32, i32
  }
  func.func @transform_10(%arg0: i32) -> (i32, i32) {
    %c0_i32 = arith.constant 0 : i32
    %c0_i32_0 = arith.constant 0 : i32
    %c0_i32_1 = arith.constant 0 : i32
    return %c0_i32, %c0_i32_0 : i32, i32
  }
  func.func @transform_11(%arg0: i32) -> (i32, i32) {
    %c0_i32 = arith.constant 0 : i32
    %c0_i32_0 = arith.constant 0 : i32
    %c0_i32_1 = arith.constant 0 : i32
    return %c0_i32, %c0_i32_0 : i32, i32
  }
}

</mosaic_0001>

<sc_bundles>
// kernel: kernel.36.cloned.1.call-start
scs
__scs_entry_jumppad:
0x0: {  	(pc) =	sbr.rel $0x88, $3  }
0x1: {  	(tag) =	ssettag $0x0;
	lr =	simm.s32 $0x1  }
0x2: {  	[smem:$0x3F7E] =	sst lr;
	_ =	strace $0xD0000000  }
0x3: {  	_ = 	snop  }
0x4: {  	_ = 	snop  }
0x5: {  	_ = 	snop  }
0x6: {  	_ = 	snop  }
0x7: {  	_ = 	snop  }
__scs_overlays_trampoline_lowered:
0x8: {  	[smem:$0x3F8D] =	sst s0  }
0x9: {  	[smem:$0x3F8E] =	sst s1  }
0xa: {  	[smem:$0x3F8F] =	sst s2  }
0xb: {  	[smem:$0x3F90] =	sst s3  }
0xc: {  	[smem:$0x3F91] =	sst s4  }
0xd: {  	[smem:$0x3F92] =	sst s5  }
0xe: {  	[smem:$0x3F93] =	sst s6  }
0xf: {  	[smem:$0x3F94] =	sst s7  }
0x10: {  	[smem:$0x3F95] =	sst s8  }
0x11: {  	[smem:$0x3F96] =	sst s9;
	s0 =	simm.s32 @!p0 $0x0  }
0x12: {  	s1 =	sld [smem:$0x3F7C];
	s0 =	simm.s32 @p0 $0x1  }
0x13: {  	[smem:$0x3F97] =	sst s0;
	s0 =	simm.s32 @!p1 $0x0  }
0x14: {  	s2 =	sld [smem:$0x3F7B];
	s0 =	simm.s32 @p1 $0x1  }
0x15: {  	[smem:$0x3F98] =	sst s0;
	s0 =	simm.s32 @!p2 $0x0  }
0x16: {  	s3 =	sld [smem:$0x3FDB];
	s0 =	simm.s32 @p2 $0x1  }
0x17: {  	s4 =	simm.s32 $0x1BF5;
	[smem:$0x3F9A] =	sst s0  }
0x18: {  	s0 =	sld [smem:$0x3F7D];
	_ =	swait.ge [sflag:s4], $0x0  }
0x19: {  	s7 =	sld [smem:$0x3F7E]  }
0x1a: {  	s8 =	sadd.s32 $0xFFFFE003, lr  }
0x1b: {  	s9 =	sadd.s32 $0xFFFFFEF7, lr;
	s5 =	simm.s32 $0xFFFFFFFF;
	p2 =	slt.u32 s8, $0xFFFFF086  }
0x1c: {  	p1 =	slt.u32 s9, $0xF7A;
	s5 =	simm.s32 @!p2 $0x0  }
0x1d: {  	s5 =	simm.s32 @p1 $0x1;
	p0 =	seq.s32 s7, s2  }
0x1e: {  	s7 =	smul.u32 @!p0 $0xF7A, s2;
	p2 =	seq.s32 @!p0 s5, $0x0  }
0x1f: {  	s9 =	smul.u32 $0xF7A, s1;
	s8 =	simm.s32 @!p0 $0x1BF5;
	p2 =	por !p2, p0  }
0x20: {  	[sflag:s8] =	ssyncset.s32 @!p0 $0xFFFFF086;
	s6 =	sadd.s32 @!p0 s3, s7;
	s7 =	simm.s32 @!p0 $0x108  }
0x21: {  	s3 =	sadd.s32 s3, s9;
	s6 =	sadd.s32 @!p0 $0x88, s6;
	s7 =	simm.s32 @p2 $0x1082  }
0x22: {  	[simem:s7], [sflag:s8] =	dma.local @!p0 [hbm:s6], $0xF7A  }
0x23: {  	s9 =	sor.u32 $0xD0000000, s2;
	s6 =	simm.s32 $0x108;
	_ =	swait.ge @!p0 [sflag:s8], $0x0  }
0x24: {  	s3 =	sadd.s32 $0x88, s3;
	s6 =	simm.s32 @!p1 $0x1082;
	[sflag:s4] =	ssyncset.s32 $0xFFFFF086  }
0x25: {  	[simem:s6], [sflag:s4] =	dma.local [hbm:s3], $0xF7A  }
0x26: {  	[smem:$0x3F7E] =	sst s1;
	(tag) =	ssettag s2;
	_ =	strace s9  }
0x27: {  	s1 =	sld [smem:$0x3F8E]  }
0x28: {  	s2 =	sld [smem:$0x3F8F]  }
0x29: {  	s4 =	sld [smem:$0x3F91]  }
0x2a: {  	p0 =	seq.s32 s5, $0x0;
	s5 =	sld [smem:$0x3F92]  }
0x2b: {  	s6 =	sld [smem:$0x3F93]  }
0x2c: {  	s7 =	sld [smem:$0x3F94]  }
0x2d: {  	s3 =	simm.s32 $0x108;
	s8 =	sld [smem:$0x3F95]  }
0x2e: {  	s3 =	simm.s32 @!p0 $0x1082;
	s9 =	sld [smem:$0x3F96]  }
0x2f: {  	lr =	sadd.s32 s0, s3;
	s0 =	sld [smem:$0x3F8D]  }
0x30: {  	s3 =	sld [smem:$0x3F90]  }
0x31: {  	[smem:$0x3F99] =	sst s10  }
0x32: {  	s10 =	sld [smem:$0x3F97];
	_ =	sdelay $0x3  }
0x33: {  	p0 =	seq.s32 s10, $0x1;
	s10 =	sld [smem:$0x3F99];
	_ =	sdelay $0x3  }
0x34: {  	[smem:$0x3F99] =	sst s10  }
0x35: {  	s10 =	sld [smem:$0x3F98];
	_ =	sdelay $0x3  }
0x36: {  	p1 =	seq.s32 s10, $0x1;
	s10 =	sld [smem:$0x3F99];
	_ =	sdelay $0x3  }
0x37: {  	[smem:$0x3F99] =	sst s10  }
0x38: {  	s10 =	sld [smem:$0x3F9A]  }
0x39: {  	_ = 	snop;
	(pc) =	sbr.ind lr, $3  }
0x3a: {  	_ = 	snop  }
0x3b: {  	_ = 	snop  }
0x3c: {  	p2 =	seq.s32 s10, $0x1;
	s10 =	sld [smem:$0x3F99]  }
0x3d: {  	_ =	shalt  }
0x3e: {  	_ =	shalt  }
0x3f: {  	_ =	shalt  }
0x40: {  	_ =	shalt  }
0x41: {  	_ =	shalt  }
0x42: {  	_ =	shalt  }
0x43: {  	_ =	shalt  }
0x44: {  	_ =	shalt  }
0x45: {  	_ =	shalt  }
0x46: {  	_ =	shalt  }
0x47: {  	_ =	shalt  }
0x48: {  	_ =	shalt  }
0x49: {  	_ =	shalt  }
0x4a: {  	_ =	shalt  }
0x4b: {  	_ =	shalt  }
0x4c: {  	_ =	shalt  }
0x4d: {  	_ =	shalt  }
0x4e: {  	_ =	shalt  }
0x4f: {  	_ =	shalt  }
0x50: {  	_ =	shalt  }
0x51: {  	_ =	shalt  }
0x52: {  	_ =	shalt  }
0x53: {  	_ =	shalt  }
0x54: {  	_ =	shalt  }
0x55: {  	_ =	shalt  }
0x56: {  	_ =	shalt  }
0x57: {  	_ =	shalt  }
0x58: {  	_ =	shalt  }
0x59: {  	_ =	shalt  }
0x5a: {  	_ =	shalt  }
0x5b: {  	_ =	shalt  }
0x5c: {  	_ =	shalt  }
0x5d: {  	_ =	shalt  }
0x5e: {  	_ =	shalt  }
0x5f: {  	_ =	shalt  }
0x60: {  	_ =	shalt  }
0x61: {  	_ =	shalt  }
0x62: {  	_ =	shalt  }
0x63: {  	_ =	shalt  }
0x64: {  	_ =	shalt  }
0x65: {  	_ =	shalt  }
0x66: {  	_ =	shalt  }
0x67: {  	_ =	shalt  }
0x68: {  	_ =	shalt  }
0x69: {  	_ =	shalt  }
0x6a: {  	_ =	shalt  }
0x6b: {  	_ =	shalt  }
0x6c: {  	_ =	shalt  }
0x6d: {  	_ =	shalt  }
0x6e: {  	_ =	shalt  }
0x6f: {  	_ =	shalt  }
0x70: {  	_ =	shalt  }
0x71: {  	_ =	shalt  }
0x72: {  	_ =	shalt  }
0x73: {  	_ =	shalt  }
0x74: {  	_ =	shalt  }
0x75: {  	_ =	shalt  }
0x76: {  	_ =	shalt  }
0x77: {  	_ =	shalt  }
0x78: {  	_ =	shalt  }
0x79: {  	_ =	shalt  }
0x7a: {  	_ =	shalt  }
0x7b: {  	_ =	shalt  }
0x7c: {  	_ =	shalt  }
0x7d: {  	_ =	shalt  }
0x7e: {  	_ =	shalt  }
0x7f: {  	_ =	shalt  }
0x80: {  	_ =	shalt  }
0x81: {  	_ =	shalt  }
0x82: {  	_ =	shalt  }
0x83: {  	_ =	shalt  }
0x84: {  	_ =	shalt  }
0x85: {  	_ =	shalt  }
0x86: {  	_ =	shalt  }
0x87: {  	_ =	shalt  }
.Lfunc_end0:
.L_simem_size_0:
called_computation_lowered:
.L_overlay_start_0:
0x88: {  	s2 =	sld [smem:$0x3FD9]  }
0x89: {  	s3 =	sld [smem:$0x3FFE];
	_ =	sdelay $0x1  }
0x8a: {  	s1 =	srdreg.scid  }
0x8b: {  	s0 =	sand.u32 $0x1, s1  }
0x8c: {  	s17 =	sshll.u32 s0, $0xA;
	s2 =	sadd.s32 s3, s2  }
0x8d: {  	s2 =	sadd.s32 s2, s17  }
0x8e: {  	[smem:$0x3FA5] =	sst s2  }
0x8f: {  	_ = 	snop  }
0x90: {  	(tm) =	ssettm $0x1  }
0x91: {  	s18 =	sld [smem:$0x3FFB];
	_ =	sdelay $0x3  }
0x92: {  	_ =	strace s18  }
0x93: {  	s2 =	sld [smem:$0x3FFC];
	_ =	sdelay $0x3  }
0x94: {  	_ =	strace s2  }
0x95: {  	s2 =	sld [smem:$0x3FFD];
	_ =	sdelay $0x3  }
0x96: {  	_ =	strace s2  }
0x97: {  	_ =	strace $0x8FFFFFFF  }
0x98: {  	s19 =	sld [smem:$0x3FDB];
	_ =	sdelay $0x1  }
0x99: {  	s20 =	simm.s32 $_scs_section_size  }
0x9a: {  	s4 =	simm.s32 $_size__tile_overlayer_lowered;
	s5 =	simm.s32 $_tile_overlayer_lowered  }
0x9b: {  	s6 =	simm.s32 $0x1BFF;
	s21 =	sshll.u32 s5, $0x1;
	s3 =	sadd.s32 s20, s19  }
0x9c: {  	s22 =	simm.s32 $0x0;
	s4 =	sshll.u32 s4, $0x1;
	s5 =	sadd.s32 s21, s3  }
0x9d: {  	[timem:s22], [sflag:s6] =	dma.local [hbm:s5], s4  }
0x9e: {  	_ =	swait.ge [sflag:s6], s4  }
0x9f: {  	s4 =	ssub.s32 $0x0, s4;
	[sflag:s6] =	ssyncset.done $0x0  }
0xa0: {  	[sflag:s6] =	ssyncadd.s32 s4;
	_ =	sdelay $0x1  }
0xa1: {  	s23 =	simm.s32 $0x1B8B  }
0xa2: {  	_ =	swait.ge [sflag:s23], $0x1  }
0xa3: {  	[sflag:s23] =	ssyncset.done $0x0  }
0xa4: {  	[sflag:s23] =	ssyncadd.s32 $0xFFFFFFFF  }
0xa5: {  	s4 =	sld [smem:$0x0]  }
0xa6: {  	s5 =	sand.u32 $0xFFFFFFFE, s1  }
0xa7: {  	p0 =	sne.s32 s1, s5  }
0xa8: {  	s5 =	sshll.u32 @p0 s5, $0xE  }
0xa9: {  	s5 =	sadd.s32 @p0 $0x11B8D, s5;
	s6 =	sshll.u32 @p0 s4, $0x11  }
0xaa: {  	s5 =	sor.u32 @p0 s6, s5  }
0xab: {  	[sflag:s5] =	ssyncadd.remote.s32 @p0 $0x1;
	_ =	sdelay $0x1  }
0xac: {  	s5 =	simm.s32 @p0 $0x1B8D  }
0xad: {  	_ =	swait.eq @p0 [sflag:s5], $0x1  }
0xae: {  	[sflag:s5] =	ssyncadd.s32 @p0 $0xFFFFFFFF  }
0xaf: {  	s6 =	sshll.u32 @!p0 s1, $0xE  }
0xb0: {  	s6 =	sor.u32 @!p0 $0x4000, s6;
	s5 =	simm.s32 @!p0 $0x1B8D  }
0xb1: {  	s4 =	sshll.u32 @!p0 s4, $0x11;
	s6 =	sadd.s32 @!p0 $0x11B8D, s6;
	_ =	swait.eq @!p0 [sflag:s5], $0x1  }
0xb2: {  	s4 =	sor.u32 @!p0 s4, s6;
	[sflag:s5] =	ssyncadd.s32 @!p0 $0xFFFFFFFF  }
0xb3: {  	s25 =	simm.s32 $0x1B8E;
	s24 =	sld [smem:$0x3FFE];
	[sflag:s4] =	ssyncadd.remote.s32 @!p0 $0x1  }
0xb4: {  	s26 =	simm.s32 $execute0_lowered;
	[smem:$0x3FD2] =	sst s25  }
0xb5: {  	s5 =	sshll.u32 s26, $0x1;
	_ =	strace $0x8000004F;
	[dreg:$0x1] =	wrdreg $0xFFFFFFFF  }
0xb6: {  	s28 =	simm.s32 $_size_execute0_lowered;
	s3 =	sadd.s32 s3, s5;
	[dreg:$0x0] =	wrdreg $0x0  }
0xb7: {  	s5 =	sshll.u32 s28, $0x1;
	[dreg:$0x2] =	wrdreg s3  }
0xb8: {  	[dreg:$0x3] =	wrdreg s5  }
0xb9: {  	[dreg:$0x4] =	wrdreg $0xC0  }
0xba: {  	_ =	task [dreg:s22], $0x5FFFF  }
0xbb: {  	[dreg:$0x1] =	wrdreg $0xFFFFFFFF  }
0xbc: {  	[dreg:$0x0] =	wrdreg $0x60  }
0xbd: {  	[dreg:$0x2] =	wrdreg s24  }
0xbe: {  	[dreg:$0x3] =	wrdreg $0x9  }
0xbf: {  	_ =	task.clear_ibuf [dreg:s22], $0x4FFFF;
	_ =	strace $0x9000004F  }
0xc0: {  	s29 =	simm.s32 $0x9;
	_ =	strace $0x80000051  }
0xc1: {  	_ =	swait.ge [sflag:s29], $0x1  }
0xc2: {  	[sflag:s29] =	ssyncadd.s32 $0xFFFFFFFF  }
0xc3: {  	_ =	strace $0x90000051  }
0xc4: {  	_ =	sfence  }
0xc5: {  	s30 =	sld [smem:$0x0];
	_ =	sdelay $0x2  }
0xc6: {  	s31 =	sshll.u32 s1, $0xD;
	s1 =	sshrl.u32 s1, $0x2  }
0xc7: {  	s4 =	sand.u32 $0x4000, s31;
	s1 =	sadd.s32 s1, s30  }
0xc8: {  	s0 =	sor.u32 s4, s0;
	s1 =	sshll.u32 s1, $0x11  }
0xc9: {  	s0 =	sor.u32 s1, s0  }
0xca: {  	s0 =	sadd.s32 $0x8F2B, s0  }
0xcb: {  	[sflag:s0] =	ssyncadd.remote.s32 $0x1  }
0xcc: {  	_ =	sfence.sel $0xFFFF  }
0xcd: {  	[dreg:$0x0] =	wrdreg $0xFFFFFFFF;
	(pc) =	sbr.abs _section_cstart, $3  }
0xce: {  	[dreg:$0x1] =	wrdreg $0xFFFFFFFF  }
0xcf: {  	_ =	task.clear_ibuf [dreg:s22], $0x2FFFF;
	_ =	strace $0x9FFFFFFF  }
0xd0: {  	(tm) =	ssettm $0x7FFFFFFF  }
0xd1: {  	_ =	shalt  }
tec
execute0_lowered:
.L_overlay_start_1:
0x0: {  	(tag) =	ssettag $0x1  }
0x1: {  	s1 =	srdreg.scid  }
0x2: {  	s0 =	stileid.u32;
	s6 =	rddreg [dreg:$0x0]  }
0x3: {  	s3 =	simm.s32 $0x1;
	s2 =	simm.s32 $0x0;
	s14 =	simm.s32 $0x400  }
0x4: {  	s15 =	simm.s32 $0x800;
	s16 =	simm.s32 $0xC00;
	s5 =	sand.u32 $0x1, s1  }
0x5: {  	s17 =	simm.s32 $0xE00;
	s18 =	simm.s32 $0x1000;
	s1 =	sor.u32 s5, s0  }
0x6: {  	s19 =	simm.s32 $0x1200;
	p1 =	seq.s32 s5, $0x1;
	p0 =	seq.s32 s1, $0x0  }
0x7: {  	s20 =	simm.s32 $0x1A00;
	s21 =	simm.s32 $0x1400;
	p0 =	por !p0, !p1  }
0x8: {  	s22 =	simm.s32 $0x0;
	[smem:$0x7FF] =	sst s2;
	p0 =	por !p0, !p0  }
0x9: {  	s7 =	sshll.u32 s5, $0x9;
	s30 =	ssub.s32 $0x2, s5;
	s3 =	simm.s32 @!p0 $0x0  }
0xa: {  	s5 =	sadd.s32 $0x7C800, s6;
	s1 =	rddreg [dreg:$0x1];
	s3 =	ssub.s32 s0, s3  }
0xb: {  	_ =	strace $0x80000050;
	s31 =	sshrl.u32 s30, $0x1;
	s4 =	sshll.u32 s3, $0xA  }
0xc: {  	s13 =	ssub.s32 s30, s31;
	s8 =	sshrl.u32 s4, $0x3;
	s4 =	sor.u32 s7, s4  }
0xd: {  	s13 =	smax.u32 s13, $0x1;
	s3 =	simm.s32 $0x1;
	s7 =	sshrl.u32 s4, $0x3  }
0xe: {  	s9 =	sadd.s32 s8, s6;
	s12 =	sadd.s32 s7, s6;
	s6 =	sadd.s32 $0xAC800, s6  }
0xf: {  	v0 =	vlaneseq.u32;
	s7 =	sadd.s32 $0x18800, s9;
	s8 =	sadd.s32 $0x18000, s9;
	s9 =	sadd.s32 $0x17800, s9  }
0x10: {  	v1 =	vimm.s32 $0x0;
	v2 =	vimm.f32 $0.0e+00;
	v0 =	vmul.u32 $0x20, v0;
	s10 =	sadd.s32 $0x7C000, s12;
	s11 =	sadd.s32 $0x7B800, s12;
	s12 =	sadd.s32 $0x7B000, s12  }
.LBB2_1:
0x11: {  	[tilespmem:s2], [sflag:$0x1] =	stream.linear.gather [hbm4b:s7+s2], $0x400, $0x38;
	[tilespmem:$0x1A10] =	vst v63  }
0x12: {  	_ =	swait.ge [sflag:s3], $0x400  }
0x13: {  	[sflag:s3] =	ssyncset.done $0x0  }
0x14: {  	[sflag:s3] =	ssyncadd.s32 $0xFFFFFC00  }
0x15: {  	[tilespmem:s14], [sflag:$0x1] =	stream.linear.gather [hbm4b:s8+s2], $0x400, $0x38;
	[tilespmem:$0x1A10] =	vst v63  }
0x16: {  	_ =	swait.ge [sflag:s3], $0x400  }
0x17: {  	[sflag:s3] =	ssyncset.done $0x0  }
0x18: {  	[sflag:s3] =	ssyncadd.s32 $0xFFFFFC00  }
0x19: {  	[tilespmem:s15], [sflag:$0x1] =	stream.linear.gather [hbm4b:s9+s2], $0x400, $0x38;
	[tilespmem:$0x1A10] =	vst v63  }
0x1a: {  	_ =	swait.ge [sflag:s3], $0x400  }
0x1b: {  	[sflag:s3] =	ssyncset.done $0x0  }
0x1c: {  	[sflag:s3] =	ssyncadd.s32 $0xFFFFFC00  }
0x1d: {  	[tilespmem:s16], [sflag:$0x1] =	stream.linear.gather [hbm4b:s10+s2], $0x200, $0x38;
	[tilespmem:$0x1A10] =	vst v63  }
0x1e: {  	_ =	swait.ge [sflag:s3], $0x200  }
0x1f: {  	[sflag:s3] =	ssyncset.done $0x0  }
0x20: {  	[sflag:s3] =	ssyncadd.s32 $0xFFFFFE00  }
0x21: {  	[tilespmem:s17], [sflag:$0x1] =	stream.linear.gather [hbm4b:s11+s2], $0x200, $0x38;
	[tilespmem:$0x1A10] =	vst v63  }
0x22: {  	_ =	swait.ge [sflag:s3], $0x200  }
0x23: {  	[sflag:s3] =	ssyncset.done $0x0  }
0x24: {  	[sflag:s3] =	ssyncadd.s32 $0xFFFFFE00  }
0x25: {  	[tilespmem:s18], [sflag:$0x1] =	stream.linear.gather [hbm4b:s12+s2], $0x200, $0x38;
	[tilespmem:$0x1A10] =	vst v63  }
0x26: {  	_ =	swait.ge [sflag:s3], $0x200  }
0x27: {  	[sflag:s3] =	ssyncset.done $0x0  }
0x28: {  	s23 =	simm.s32 $0x0;
	[sflag:s3] =	ssyncadd.s32 $0xFFFFFE00  }
.LBB2_2:
0x29: {  	s24 =	sshll.u32 s23, $0x4  }
0x2a: {  	v3 =	vld [tilespmem:s24+$0x1000]  }
0x2b: {  	v4 =	vld [tilespmem:s24+$0xC00]  }
0x2c: {  	s25 =	simm.s32 $0x0;
	v6 =	vimm.s32 $0x0;
	v5 =	vld [tilespmem:s24+$0xE00]  }
.LBB2_3:
0x2d: {  	v7 =	vmov s25;
	_ =	sdelay $0x4  }
0x2e: {  	v8 =	vld.idx.msk [tilespmem:v7+s15+$0x0], $0xffff;
	_ =	sdelay $0x4  }
0x2f: {  	v8 =	vsub.f32 v8, v3;
	_ =	sdelay $0x1  }
0x30: {  	v8 =	vand.u32 $0x7FFFFFFF, v8  }
0x31: {  	vm1 =	vlt.s32 v6, $0x20;
	vm0 =	vlt.f32 v8, $2.500000000e-01  }
0x32: {  	vm0 =	vmand vm1, vm0  }
0x33: {  	s26 =	sadd.s32 $0x1, s25;
	v8 =	vadd.s32 v0, v6  }
0x34: {  	v9 =	vmov s26;
	_ =	sdelay $0x3  }
0x35: {  	[tilespmem:v8+s19+$0x0] =	vst.idx.msk vm0, v7  }
0x36: {  	v7 =	vld.idx.msk [tilespmem:v9+s15+$0x0], $0xffff;
	_ =	sdelay $0x4  }
0x37: {  	v7 =	vsub.f32 v7, v3  }
0x38: {  	v8 =	vsel vm0, $0x1, v1  }
0x39: {  	v6 =	vadd.s32 v8, v6;
	v7 =	vand.u32 $0x7FFFFFFF, v7  }
0x3a: {  	vm11 =	vlt.s32 v6, $0x20;
	vm10 =	vlt.f32 v7, $2.500000000e-01  }
0x3b: {  	vm0 =	vmand vm10, vm11  }
0x3c: {  	s30 =	sadd.s32 $0x2, s25;
	v7 =	vadd.s32 v0, v6  }
0x3d: {  	v8 =	vmov s30;
	_ =	sdelay $0x3  }
0x3e: {  	[tilespmem:v7+s19+$0x0] =	vst.idx.msk vm0, v9  }
0x3f: {  	v7 =	vld.idx.msk [tilespmem:v8+s15+$0x0], $0xffff;
	_ =	sdelay $0x4  }
0x40: {  	v7 =	vsub.f32 v7, v3  }
0x41: {  	v62 =	vsel vm0, $0x1, v1  }
0x42: {  	v6 =	vadd.s32 v62, v6;
	v7 =	vand.u32 $0x7FFFFFFF, v7  }
0x43: {  	vm13 =	vlt.s32 v6, $0x20;
	vm12 =	vlt.f32 v7, $2.500000000e-01  }
0x44: {  	vm0 =	vmand vm12, vm13  }
0x45: {  	s31 =	sadd.s32 $0x3, s25;
	v7 =	vadd.s32 v0, v6  }
0x46: {  	v63 =	vmov s31;
	_ =	sdelay $0x3  }
0x47: {  	[tilespmem:v7+s19+$0x0] =	vst.idx.msk vm0, v8  }
0x48: {  	v7 =	vld.idx.msk [tilespmem:v63+s15+$0x0], $0xffff;
	_ =	sdelay $0x4  }
0x49: {  	v7 =	vsub.f32 v7, v3  }
0x4a: {  	v8 =	vsel vm0, $0x1, v1  }
0x4b: {  	v6 =	vadd.s32 v8, v6;
	v7 =	vand.u32 $0x7FFFFFFF, v7  }
0x4c: {  	vm15 =	vlt.s32 v6, $0x20;
	vm14 =	vlt.f32 v7, $2.500000000e-01  }
0x4d: {  	vm0 =	vmand vm14, vm15  }
0x4e: {  	p0 =	slt.u32 s25, $0x3FC;
	v7 =	vadd.s32 v0, v6  }
.Ltmp0:
0x4f: {  	_ = 	snop;
	(pc) =	sbr.rel @p0 .LBB2_3-.Ltmp0, $3  }
0x50: {  	_ =	sdelay $0x1  }
0x51: {  	v8 =	vsel vm0, $0x1, v1  }
0x52: {  	s25 =	sadd.s32 $0x4, s25;
	v6 =	vadd.s32 v8, v6;
	[tilespmem:v7+s19+$0x0] =	vst.idx.msk vm0, v63  }
0x53: {  	vm0 =	vgt.s32 v6, $0x0;
	s24 =	sor.u32 s4, s24  }
0x54: {  	v7 =	vsel vm0, $0x3F800000, v2;
	s25 =	sshrl.u32 s24, $0x3  }
0x55: {  	s26 =	simm.s32 $0x0;
	[tilespmem:$0x1A00] =	vst v7;
	s25 =	sadd.s32 s6, s25  }
0x56: {  	v8 =	vor.u32 s26, v0;
	[hbm4b:s25+s26] =	stream.linear.scatter [tilespmem:s20], [sflag:$0x1], $0x10, $0x38;
	[tilespmem:$0x1A10] =	vst v63  }
0x57: {  	_ =	swait.ge [sflag:s3], $0x10  }
0x58: {  	[sflag:s3] =	ssyncset.done $0x0  }
0x59: {  	[sflag:s3] =	ssyncadd.s32 $0xFFFFFFF0  }
0x5a: {  	v7 =	vld.idx.msk [tilespmem:v0+s19+$0x0], $0xffff  }
0x5b: {  	v9 =	vld.idx.msk [tilespmem:v8+s19+$0x0], $0xffff;
	_ =	sdelay $0x2  }
0x5c: {  	v10 =	vmov s26  }
0x5d: {  	vm15 =	vlt.s32 v10, v6;
	v7 =	vnsel vm0, $0x0, v7  }
0x5e: {  	v9 =	vsel vm15, v9, v7;
	_ =	sdelay $0x4  }
0x5f: {  	v10 =	vld.idx.msk [tilespmem:v9+s2+$0x0], $0xffff;
	_ =	sdelay $0x1  }
0x60: {  	v13 =	vmul.u32 $0x3, v8;
	v11 =	vld.idx.msk [tilespmem:v9+s14+$0x0], $0xffff  }
0x61: {  	v12 =	vld.idx.msk [tilespmem:v9+s15+$0x0], $0xffff  }
0x62: {  	v9 =	vadd.s32 $0x1, v13  }
0x63: {  	s25 =	simm.s32 $0x1;
	v14 =	vsub.f32 v10, v4;
	v10 =	vadd.s32 $0x2, v13  }
0x64: {  	v8 =	vor.u32 s25, v0  }
0x65: {  	v11 =	vsub.f32 v11, v5  }
0x66: {  	s26 =	simm.s32 $0x2;
	v12 =	vsub.f32 v12, v3;
	[tilespmem:v13+s21+$0x0] =	vst.idx.msk $0xffff, v14  }
.LBB2_5:
0x67: {  	p0 =	sne.s32 s26, $0x1F;
	[tilespmem:v9+s21+$0x0] =	vst.idx.msk $0xffff, v11  }
0x68: {  	[tilespmem:v10+s21+$0x0] =	vst.idx.msk $0xffff, v12  }
0x69: {  	v9 =	vld.idx.msk [tilespmem:v8+s19+$0x0], $0xffff;
	_ =	sdelay $0x3  }
0x6a: {  	v10 =	vmov s25;
	s25 =	smov.u32 s26  }
0x6b: {  	vm0 =	vlt.s32 v10, v6  }
0x6c: {  	v9 =	vsel vm0, v9, v7;
	_ =	sdelay $0x4  }
0x6d: {  	v11 =	vld.idx.msk [tilespmem:v9+s2+$0x0], $0xffff  }
0x6e: {  	v12 =	vld.idx.msk [tilespmem:v9+s14+$0x0], $0xffff  }
0x6f: {  	v14 =	vmul.u32 $0x3, v8;
	v13 =	vld.idx.msk [tilespmem:v9+s15+$0x0], $0xffff;
	_ =	sdelay $0x1  }
.Ltmp1:
0x70: {  	v9 =	vadd.s32 $0x1, v14;
	(pc) =	sbr.rel @p0 .LBB2_5-.Ltmp1, $4  }
0x71: {  	v10 =	vadd.s32 $0x2, v14  }
0x72: {  	v8 =	vor.u32 s26, v0;
	v15 =	vsub.f32 v11, v4  }
0x73: {  	v11 =	vsub.f32 v12, v5  }
0x74: {  	s26 =	sadd.s32 $0x1, s26;
	v12 =	vsub.f32 v13, v3;
	[tilespmem:v14+s21+$0x0] =	vst.idx.msk $0xffff, v15  }
0x75: {  	_ =	sdelay $0x3  }
0x76: {  	[tilespmem:v9+s21+$0x0] =	vst.idx.msk $0xffff, v11  }
0x77: {  	[tilespmem:v10+s21+$0x0] =	vst.idx.msk $0xffff, v12  }
0x78: {  	v9 =	vld.idx.msk [tilespmem:v8+s19+$0x0], $0xffff;
	_ =	sdelay $0x2  }
0x79: {  	v60 =	vmov s25  }
0x7a: {  	vm0 =	vlt.s32 v60, v6  }
0x7b: {  	v6 =	vsel vm0, v9, v7;
	_ =	sdelay $0x4  }
0x7c: {  	v7 =	vld.idx.msk [tilespmem:v6+s2+$0x0], $0xffff  }
0x7d: {  	v61 =	vmul.u32 $0x3, v8;
	v9 =	vld.idx.msk [tilespmem:v6+s14+$0x0], $0xffff  }
0x7e: {  	v6 =	vld.idx.msk [tilespmem:v6+s15+$0x0], $0xffff  }
0x7f: {  	v62 =	vadd.s32 $0x1, v61  }
0x80: {  	v63 =	vadd.s32 $0x2, v61  }
0x81: {  	v4 =	vsub.f32 v7, v4  }
0x82: {  	s24 =	smul.u32 $0x60, s24;
	v5 =	vsub.f32 v9, v5  }
0x83: {  	s23 =	sadd.s32 $0x1, s23;
	v3 =	vsub.f32 v6, v3;
	[tilespmem:v61+s21+$0x0] =	vst.idx.msk $0xffff, v4  }
0x84: {  	p0 =	sne.s32 s23, $0x20;
	s24 =	sshrl.u32 s24, $0x3;
	[tilespmem:v62+s21+$0x0] =	vst.idx.msk $0xffff, v5  }
.Ltmp2:
0x85: {  	s24 =	sadd.s32 s5, s24;
	[tilespmem:v63+s21+$0x0] =	vst.idx.msk $0xffff, v3;
	(pc) =	sbr.rel @p0 .LBB2_2-.Ltmp2, $4  }
0x86: {  	[hbm4b:s24+s2] =	stream.linear.scatter [tilespmem:s21], [sflag:$0x1], $0x600, $0x38;
	[tilespmem:$0x1A10] =	vst v63  }
0x87: {  	_ =	swait.ge [sflag:s3], $0x600  }
0x88: {  	[sflag:s3] =	ssyncset.done $0x0  }
0x89: {  	[sflag:s3] =	ssyncadd.s32 $0xFFFFFA00  }
0x8a: {  	s22 =	sadd.s32 $0x1, s22  }
0x8b: {  	p0 =	sne.s32 s22, s13  }
.Ltmp3:
0x8c: {  	_ = 	snop;
	(pc) =	sbr.rel @p0 .LBB2_1-.Ltmp3, $1  }
0x8d: {  	_ =	sdelay $0x3  }
0x8e: {  	_ =	sfence.sel $0x180000  }
0x8f: {  	[bflag:$0x0] =	sbarrier.arrive $0xFFFF  }
0x90: {  	p0 =	sne.s32 s0, $0x0;
	_ =	strace $0x90000050  }
0x91: {  	s0 =	sadd.s32 @!p0 $0x100000, s1;
	[bflag:$0x2] =	sbarrier.arrive $0xFFFF  }
0x92: {  	[sflag:s0] =	ssyncadd.tile.s32 @!p0 $0x1;
	_ =	shalt  }
.Lfunc_end2:
_tile_overlayer_lowered:
.L_overlay_start_2:
0x93: {  	(tag) =	ssettag $0x2  }
0x94: {  	s0 =	rddreg [dreg:$0x0];
	s2 =	stileid.u32  }
0x95: {  	s1 =	rddreg [dreg:$0x1];
	p0 =	sne.s32 s2, $0x0  }
0x96: {  	s3 =	rddreg [dreg:$0x2];
	[bflag:$0x3] =	sbarrier.arrive $0xFFFF;
	s2 =	simm.s32 @!p0 $0x1C01  }
0x97: {  	[timem:s3], [sflag:s2] =	dma.local @!p0 [hbm:s0], s1  }
0x98: {  	s0 =	simm.s32 @!p0 $0x1  }
0x99: {  	_ =	swait.ge @!p0 [sflag:s0], s1  }
0x9a: {  	s1 =	ssub.s32 @!p0 $0x0, s1;
	[sflag:s0] =	ssyncset.done @!p0 $0x0  }
0x9b: {  	[sflag:s0] =	ssyncadd.s32 @!p0 s1  }
0x9c: {  	[bflag:$0x3] =	sbarrier.arrive $0xFFFF  }
0x9d: {  	_ =	shalt  }

// kernel: kernel.39.cloned.1.call-start
scs
__scs_entry_jumppad:
0x0: {  	(pc) =	sbr.rel $0x88, $3  }
0x1: {  	(tag) =	ssettag $0x0;
	lr =	simm.s32 $0x1  }
0x2: {  	[smem:$0x3F7E] =	sst lr;
	_ =	strace $0xD0000000  }
0x3: {  	_ = 	snop  }
0x4: {  	_ = 	snop  }
0x5: {  	_ = 	snop  }
0x6: {  	_ = 	snop  }
0x7: {  	_ = 	snop  }
__scs_overlays_trampoline_lowered:
0x8: {  	[smem:$0x3F8D] =	sst s0  }
0x9: {  	[smem:$0x3F8E] =	sst s1  }
0xa: {  	[smem:$0x3F8F] =	sst s2  }
0xb: {  	[smem:$0x3F90] =	sst s3  }
0xc: {  	[smem:$0x3F91] =	sst s4  }
0xd: {  	[smem:$0x3F92] =	sst s5  }
0xe: {  	[smem:$0x3F93] =	sst s6  }
0xf: {  	[smem:$0x3F94] =	sst s7  }
0x10: {  	[smem:$0x3F95] =	sst s8  }
0x11: {  	[smem:$0x3F96] =	sst s9;
	s0 =	simm.s32 @!p0 $0x0  }
0x12: {  	s1 =	sld [smem:$0x3F7C];
	s0 =	simm.s32 @p0 $0x1  }
0x13: {  	[smem:$0x3F97] =	sst s0;
	s0 =	simm.s32 @!p1 $0x0  }
0x14: {  	s2 =	sld [smem:$0x3F7B];
	s0 =	simm.s32 @p1 $0x1  }
0x15: {  	[smem:$0x3F98] =	sst s0;
	s0 =	simm.s32 @!p2 $0x0  }
0x16: {  	s3 =	sld [smem:$0x3FDB];
	s0 =	simm.s32 @p2 $0x1  }
0x17: {  	s4 =	simm.s32 $0x1BF5;
	[smem:$0x3F9A] =	sst s0  }
0x18: {  	s0 =	sld [smem:$0x3F7D];
	_ =	swait.ge [sflag:s4], $0x0  }
0x19: {  	s7 =	sld [smem:$0x3F7E]  }
0x1a: {  	s8 =	sadd.s32 $0xFFFFE003, lr  }
0x1b: {  	s9 =	sadd.s32 $0xFFFFFEF7, lr;
	s5 =	simm.s32 $0xFFFFFFFF;
	p2 =	slt.u32 s8, $0xFFFFF086  }
0x1c: {  	p1 =	slt.u32 s9, $0xF7A;
	s5 =	simm.s32 @!p2 $0x0  }
0x1d: {  	s5 =	simm.s32 @p1 $0x1;
	p0 =	seq.s32 s7, s2  }
0x1e: {  	s7 =	smul.u32 @!p0 $0xF7A, s2;
	p2 =	seq.s32 @!p0 s5, $0x0  }
0x1f: {  	s9 =	smul.u32 $0xF7A, s1;
	s8 =	simm.s32 @!p0 $0x1BF5;
	p2 =	por !p2, p0  }
0x20: {  	[sflag:s8] =	ssyncset.s32 @!p0 $0xFFFFF086;
	s6 =	sadd.s32 @!p0 s3, s7;
	s7 =	simm.s32 @!p0 $0x108  }
0x21: {  	s3 =	sadd.s32 s3, s9;
	s6 =	sadd.s32 @!p0 $0x88, s6;
	s7 =	simm.s32 @p2 $0x1082  }
0x22: {  	[simem:s7], [sflag:s8] =	dma.local @!p0 [hbm:s6], $0xF7A  }
0x23: {  	s9 =	sor.u32 $0xD0000000, s2;
	s6 =	simm.s32 $0x108;
	_ =	swait.ge @!p0 [sflag:s8], $0x0  }
0x24: {  	s3 =	sadd.s32 $0x88, s3;
	s6 =	simm.s32 @!p1 $0x1082;
	[sflag:s4] =	ssyncset.s32 $0xFFFFF086  }
0x25: {  	[simem:s6], [sflag:s4] =	dma.local [hbm:s3], $0xF7A  }
0x26: {  	[smem:$0x3F7E] =	sst s1;
	(tag) =	ssettag s2;
	_ =	strace s9  }
0x27: {  	s1 =	sld [smem:$0x3F8E]  }
0x28: {  	s2 =	sld [smem:$0x3F8F]  }
0x29: {  	s4 =	sld [smem:$0x3F91]  }
0x2a: {  	p0 =	seq.s32 s5, $0x0;
	s5 =	sld [smem:$0x3F92]  }
0x2b: {  	s6 =	sld [smem:$0x3F93]  }
0x2c: {  	s7 =	sld [smem:$0x3F94]  }
0x2d: {  	s3 =	simm.s32 $0x108;
	s8 =	sld [smem:$0x3F95]  }
0x2e: {  	s3 =	simm.s32 @!p0 $0x1082;
	s9 =	sld [smem:$0x3F96]  }
0x2f: {  	lr =	sadd.s32 s0, s3;
	s0 =	sld [smem:$0x3F8D]  }
0x30: {  	s3 =	sld [smem:$0x3F90]  }
0x31: {  	[smem:$0x3F99] =	sst s10  }
0x32: {  	s10 =	sld [smem:$0x3F97];
	_ =	sdelay $0x3  }
0x33: {  	p0 =	seq.s32 s10, $0x1;
	s10 =	sld [smem:$0x3F99];
	_ =	sdelay $0x3  }
0x34: {  	[smem:$0x3F99] =	sst s10  }
0x35: {  	s10 =	sld [smem:$0x3F98];
	_ =	sdelay $0x3  }
0x36: {  	p1 =	seq.s32 s10, $0x1;
	s10 =	sld [smem:$0x3F99];
	_ =	sdelay $0x3  }
0x37: {  	[smem:$0x3F99] =	sst s10  }
0x38: {  	s10 =	sld [smem:$0x3F9A]  }
0x39: {  	_ = 	snop;
	(pc) =	sbr.ind lr, $3  }
0x3a: {  	_ = 	snop  }
0x3b: {  	_ = 	snop  }
0x3c: {  	p2 =	seq.s32 s10, $0x1;
	s10 =	sld [smem:$0x3F99]  }
0x3d: {  	_ =	shalt  }
0x3e: {  	_ =	shalt  }
0x3f: {  	_ =	shalt  }
0x40: {  	_ =	shalt  }
0x41: {  	_ =	shalt  }
0x42: {  	_ =	shalt  }
0x43: {  	_ =	shalt  }
0x44: {  	_ =	shalt  }
0x45: {  	_ =	shalt  }
0x46: {  	_ =	shalt  }
0x47: {  	_ =	shalt  }
0x48: {  	_ =	shalt  }
0x49: {  	_ =	shalt  }
0x4a: {  	_ =	shalt  }
0x4b: {  	_ =	shalt  }
0x4c: {  	_ =	shalt  }
0x4d: {  	_ =	shalt  }
0x4e: {  	_ =	shalt  }
0x4f: {  	_ =	shalt  }
0x50: {  	_ =	shalt  }
0x51: {  	_ =	shalt  }
0x52: {  	_ =	shalt  }
0x53: {  	_ =	shalt  }
0x54: {  	_ =	shalt  }
0x55: {  	_ =	shalt  }
0x56: {  	_ =	shalt  }
0x57: {  	_ =	shalt  }
0x58: {  	_ =	shalt  }
0x59: {  	_ =	shalt  }
0x5a: {  	_ =	shalt  }
0x5b: {  	_ =	shalt  }
0x5c: {  	_ =	shalt  }
0x5d: {  	_ =	shalt  }
0x5e: {  	_ =	shalt  }
0x5f: {  	_ =	shalt  }
0x60: {  	_ =	shalt  }
0x61: {  	_ =	shalt  }
0x62: {  	_ =	shalt  }
0x63: {  	_ =	shalt  }
0x64: {  	_ =	shalt  }
0x65: {  	_ =	shalt  }
0x66: {  	_ =	shalt  }
0x67: {  	_ =	shalt  }
0x68: {  	_ =	shalt  }
0x69: {  	_ =	shalt  }
0x6a: {  	_ =	shalt  }
0x6b: {  	_ =	shalt  }
0x6c: {  	_ =	shalt  }
0x6d: {  	_ =	shalt  }
0x6e: {  	_ =	shalt  }
0x6f: {  	_ =	shalt  }
0x70: {  	_ =	shalt  }
0x71: {  	_ =	shalt  }
0x72: {  	_ =	shalt  }
0x73: {  	_ =	shalt  }
0x74: {  	_ =	shalt  }
0x75: {  	_ =	shalt  }
0x76: {  	_ =	shalt  }
0x77: {  	_ =	shalt  }
0x78: {  	_ =	shalt  }
0x79: {  	_ =	shalt  }
0x7a: {  	_ =	shalt  }
0x7b: {  	_ =	shalt  }
0x7c: {  	_ =	shalt  }
0x7d: {  	_ =	shalt  }
0x7e: {  	_ =	shalt  }
0x7f: {  	_ =	shalt  }
0x80: {  	_ =	shalt  }
0x81: {  	_ =	shalt  }
0x82: {  	_ =	shalt  }
0x83: {  	_ =	shalt  }
0x84: {  	_ =	shalt  }
0x85: {  	_ =	shalt  }
0x86: {  	_ =	shalt  }
0x87: {  	_ =	shalt  }
.Lfunc_end0:
.L_simem_size_0:
called_computation.1_lowered:
.L_overlay_start_0:
0x88: {  	s2 =	sld [smem:$0x3FD9]  }
0x89: {  	s3 =	sld [smem:$0x3FFE];
	_ =	sdelay $0x1  }
0x8a: {  	s1 =	srdreg.scid  }
0x8b: {  	s0 =	sand.u32 $0x1, s1  }
0x8c: {  	s17 =	sshll.u32 s0, $0xA;
	s2 =	sadd.s32 s3, s2  }
0x8d: {  	s2 =	sadd.s32 s2, s17  }
0x8e: {  	[smem:$0x3FA5] =	sst s2  }
0x8f: {  	_ = 	snop  }
0x90: {  	(tm) =	ssettm $0x1  }
0x91: {  	s18 =	sld [smem:$0x3FFB];
	_ =	sdelay $0x3  }
0x92: {  	_ =	strace s18  }
0x93: {  	s2 =	sld [smem:$0x3FFC];
	_ =	sdelay $0x3  }
0x94: {  	_ =	strace s2  }
0x95: {  	s2 =	sld [smem:$0x3FFD];
	_ =	sdelay $0x3  }
0x96: {  	_ =	strace s2  }
0x97: {  	_ =	strace $0x8FFFFFFF  }
0x98: {  	s19 =	sld [smem:$0x3FDB];
	_ =	sdelay $0x1  }
0x99: {  	s20 =	simm.s32 $_scs_section_size  }
0x9a: {  	s4 =	simm.s32 $_size__tile_overlayer_lowered;
	s5 =	simm.s32 $_tile_overlayer_lowered  }
0x9b: {  	s6 =	simm.s32 $0x1BFF;
	s21 =	sshll.u32 s5, $0x1;
	s3 =	sadd.s32 s20, s19  }
0x9c: {  	s22 =	simm.s32 $0x0;
	s4 =	sshll.u32 s4, $0x1;
	s5 =	sadd.s32 s21, s3  }
0x9d: {  	[timem:s22], [sflag:s6] =	dma.local [hbm:s5], s4  }
0x9e: {  	_ =	swait.ge [sflag:s6], s4  }
0x9f: {  	s4 =	ssub.s32 $0x0, s4;
	[sflag:s6] =	ssyncset.done $0x0  }
0xa0: {  	[sflag:s6] =	ssyncadd.s32 s4;
	_ =	sdelay $0x1  }
0xa1: {  	s23 =	simm.s32 $0x1B8B  }
0xa2: {  	_ =	swait.ge [sflag:s23], $0x1  }
0xa3: {  	[sflag:s23] =	ssyncset.done $0x0  }
0xa4: {  	[sflag:s23] =	ssyncadd.s32 $0xFFFFFFFF  }
0xa5: {  	s4 =	sld [smem:$0x0]  }
0xa6: {  	s5 =	sand.u32 $0xFFFFFFFE, s1  }
0xa7: {  	p0 =	sne.s32 s1, s5  }
0xa8: {  	s5 =	sshll.u32 @p0 s5, $0xE  }
0xa9: {  	s5 =	sadd.s32 @p0 $0x11B8D, s5;
	s6 =	sshll.u32 @p0 s4, $0x11  }
0xaa: {  	s5 =	sor.u32 @p0 s6, s5  }
0xab: {  	[sflag:s5] =	ssyncadd.remote.s32 @p0 $0x1;
	_ =	sdelay $0x1  }
0xac: {  	s5 =	simm.s32 @p0 $0x1B8D  }
0xad: {  	_ =	swait.eq @p0 [sflag:s5], $0x1  }
0xae: {  	[sflag:s5] =	ssyncadd.s32 @p0 $0xFFFFFFFF  }
0xaf: {  	s6 =	sshll.u32 @!p0 s1, $0xE  }
0xb0: {  	s6 =	sor.u32 @!p0 $0x4000, s6;
	s5 =	simm.s32 @!p0 $0x1B8D  }
0xb1: {  	s4 =	sshll.u32 @!p0 s4, $0x11;
	s6 =	sadd.s32 @!p0 $0x11B8D, s6;
	_ =	swait.eq @!p0 [sflag:s5], $0x1  }
0xb2: {  	s4 =	sor.u32 @!p0 s4, s6;
	[sflag:s5] =	ssyncadd.s32 @!p0 $0xFFFFFFFF  }
0xb3: {  	s25 =	simm.s32 $0x1B8E;
	s24 =	sld [smem:$0x3FFE];
	[sflag:s4] =	ssyncadd.remote.s32 @!p0 $0x1  }
0xb4: {  	s26 =	simm.s32 $execute0_lowered;
	[smem:$0x3FD2] =	sst s25  }
0xb5: {  	s5 =	sshll.u32 s26, $0x1;
	_ =	strace $0x8000004C;
	[dreg:$0x1] =	wrdreg $0xFFFFFFFF  }
0xb6: {  	s28 =	simm.s32 $_size_execute0_lowered;
	s3 =	sadd.s32 s3, s5;
	[dreg:$0x0] =	wrdreg $0x0  }
0xb7: {  	s5 =	sshll.u32 s28, $0x1;
	[dreg:$0x2] =	wrdreg s3  }
0xb8: {  	[dreg:$0x3] =	wrdreg s5  }
0xb9: {  	[dreg:$0x4] =	wrdreg $0xC0  }
0xba: {  	_ =	task [dreg:s22], $0x5FFFF  }
0xbb: {  	[dreg:$0x1] =	wrdreg $0xFFFFFFFF  }
0xbc: {  	[dreg:$0x0] =	wrdreg $0x60  }
0xbd: {  	[dreg:$0x2] =	wrdreg s24  }
0xbe: {  	[dreg:$0x3] =	wrdreg $0xA  }
0xbf: {  	_ =	task.clear_ibuf [dreg:s22], $0x4FFFF;
	_ =	strace $0x9000004C  }
0xc0: {  	s29 =	simm.s32 $0xA;
	_ =	strace $0x8000004E  }
0xc1: {  	_ =	swait.ge [sflag:s29], $0x1  }
0xc2: {  	[sflag:s29] =	ssyncadd.s32 $0xFFFFFFFF  }
0xc3: {  	_ =	strace $0x9000004E  }
0xc4: {  	_ =	sfence  }
0xc5: {  	s30 =	sld [smem:$0x0];
	_ =	sdelay $0x2  }
0xc6: {  	s31 =	sshll.u32 s1, $0xD;
	s1 =	sshrl.u32 s1, $0x2  }
0xc7: {  	s4 =	sand.u32 $0x4000, s31;
	s1 =	sadd.s32 s1, s30  }
0xc8: {  	s0 =	sor.u32 s4, s0;
	s1 =	sshll.u32 s1, $0x11  }
0xc9: {  	s0 =	sor.u32 s1, s0  }
0xca: {  	s0 =	sadd.s32 $0x8F2B, s0  }
0xcb: {  	[sflag:s0] =	ssyncadd.remote.s32 $0x1  }
0xcc: {  	_ =	sfence.sel $0xFFFF  }
0xcd: {  	[dreg:$0x0] =	wrdreg $0xFFFFFFFF;
	(pc) =	sbr.abs _section_cstart, $3  }
0xce: {  	[dreg:$0x1] =	wrdreg $0xFFFFFFFF  }
0xcf: {  	_ =	task.clear_ibuf [dreg:s22], $0x2FFFF;
	_ =	strace $0x9FFFFFFF  }
0xd0: {  	(tm) =	ssettm $0x7FFFFFFF  }
0xd1: {  	_ =	shalt  }
tec
execute0_lowered:
.L_overlay_start_1:
0x0: {  	(tag) =	ssettag $0x1  }
0x1: {  	s1 =	srdreg.scid  }
0x2: {  	s0 =	stileid.u32;
	s6 =	rddreg [dreg:$0x0];
	s2 =	simm.s32 $0x0  }
0x3: {  	s3 =	simm.s32 $0x1;
	s14 =	simm.s32 $0x400;
	s15 =	simm.s32 $0x800  }
0x4: {  	s16 =	simm.s32 $0xC00;
	s17 =	simm.s32 $0xD00;
	s5 =	sand.u32 $0x1, s1  }
0x5: {  	s18 =	simm.s32 $0xE00;
	s19 =	simm.s32 $0xF00;
	s1 =	sor.u32 s5, s0  }
0x6: {  	s20 =	simm.s32 $0x1F00;
	p1 =	seq.s32 s5, $0x1;
	p0 =	seq.s32 s1, $0x0  }
0x7: {  	s21 =	simm.s32 $0x1300;
	s22 =	simm.s32 $0x0;
	p0 =	por !p0, !p1  }
0x8: {  	[smem:$0x7FF] =	sst s2;
	s8 =	sshll.u32 s5, $0x8;
	p0 =	por !p0, !p0  }
0x9: {  	s30 =	ssub.s32 $0x2, s5;
	s5 =	sadd.s32 $0x4AC00, s6;
	s3 =	simm.s32 @!p0 $0x0  }
0xa: {  	s1 =	rddreg [dreg:$0x1];
	_ =	strace $0x8000004D;
	s3 =	ssub.s32 s0, s3  }
0xb: {  	s31 =	sshrl.u32 s30, $0x1;
	s4 =	sshll.u32 s3, $0x7;
	s7 =	sshll.u32 s3, $0x9  }
0xc: {  	s13 =	ssub.s32 s30, s31;
	s9 =	sand.u32 $0x1FFFFF80, s4;
	s4 =	sor.u32 s8, s7  }
0xd: {  	s13 =	smax.u32 s13, $0x1;
	s3 =	simm.s32 $0x1;
	s7 =	sshrl.u32 s4, $0x3  }
0xe: {  	s9 =	sadd.s32 s9, s6;
	s12 =	sadd.s32 s7, s6;
	s6 =	sadd.s32 $0x7AC00, s6  }
0xf: {  	v0 =	vlaneseq.u32;
	s7 =	sadd.s32 $0x18800, s9;
	s8 =	sadd.s32 $0x18000, s9;
	s9 =	sadd.s32 $0x17800, s9  }
0x10: {  	v1 =	vimm.s32 $0x0;
	v2 =	vimm.f32 $0.0e+00;
	v0 =	vmul.u32 $0x40, v0;
	s10 =	sadd.s32 $0x4A800, s12;
	s11 =	sadd.s32 $0x4A400, s12;
	s12 =	sadd.s32 $0x4A000, s12  }
.LBB2_1:
0x11: {  	[tilespmem:s2], [sflag:$0x1] =	stream.linear.gather [hbm4b:s7+s2], $0x400, $0x38;
	[tilespmem:$0x1F10] =	vst v63  }
0x12: {  	_ =	swait.ge [sflag:s3], $0x400  }
0x13: {  	[sflag:s3] =	ssyncset.done $0x0  }
0x14: {  	[sflag:s3] =	ssyncadd.s32 $0xFFFFFC00  }
0x15: {  	[tilespmem:s14], [sflag:$0x1] =	stream.linear.gather [hbm4b:s8+s2], $0x400, $0x38;
	[tilespmem:$0x1F10] =	vst v63  }
0x16: {  	_ =	swait.ge [sflag:s3], $0x400  }
0x17: {  	[sflag:s3] =	ssyncset.done $0x0  }
0x18: {  	[sflag:s3] =	ssyncadd.s32 $0xFFFFFC00  }
0x19: {  	[tilespmem:s15], [sflag:$0x1] =	stream.linear.gather [hbm4b:s9+s2], $0x400, $0x38;
	[tilespmem:$0x1F10] =	vst v63  }
0x1a: {  	_ =	swait.ge [sflag:s3], $0x400  }
0x1b: {  	[sflag:s3] =	ssyncset.done $0x0  }
0x1c: {  	[sflag:s3] =	ssyncadd.s32 $0xFFFFFC00  }
0x1d: {  	[tilespmem:s16], [sflag:$0x1] =	stream.linear.gather [hbm4b:s10+s2], $0x100, $0x38;
	[tilespmem:$0x1F10] =	vst v63  }
0x1e: {  	_ =	swait.ge [sflag:s3], $0x100  }
0x1f: {  	[sflag:s3] =	ssyncset.done $0x0  }
0x20: {  	[sflag:s3] =	ssyncadd.s32 $0xFFFFFF00  }
0x21: {  	[tilespmem:s17], [sflag:$0x1] =	stream.linear.gather [hbm4b:s11+s2], $0x100, $0x38;
	[tilespmem:$0x1F10] =	vst v63  }
0x22: {  	_ =	swait.ge [sflag:s3], $0x100  }
0x23: {  	[sflag:s3] =	ssyncset.done $0x0  }
0x24: {  	[sflag:s3] =	ssyncadd.s32 $0xFFFFFF00  }
0x25: {  	[tilespmem:s18], [sflag:$0x1] =	stream.linear.gather [hbm4b:s12+s2], $0x100, $0x38;
	[tilespmem:$0x1F10] =	vst v63  }
0x26: {  	_ =	swait.ge [sflag:s3], $0x100  }
0x27: {  	[sflag:s3] =	ssyncset.done $0x0  }
0x28: {  	s23 =	simm.s32 $0x0;
	[sflag:s3] =	ssyncadd.s32 $0xFFFFFF00  }
.LBB2_2:
0x29: {  	s24 =	sshll.u32 s23, $0x4  }
0x2a: {  	v3 =	vld [tilespmem:s24+$0xE00]  }
0x2b: {  	v4 =	vld [tilespmem:s24+$0xC00]  }
0x2c: {  	s25 =	simm.s32 $0x0;
	v6 =	vimm.s32 $0x0;
	v5 =	vld [tilespmem:s24+$0xD00]  }
.LBB2_3:
0x2d: {  	v7 =	vmov s25;
	_ =	sdelay $0x4  }
0x2e: {  	v8 =	vld.idx.msk [tilespmem:v7+s15+$0x0], $0xffff;
	_ =	sdelay $0x4  }
0x2f: {  	v8 =	vsub.f32 v8, v3;
	_ =	sdelay $0x1  }
0x30: {  	v8 =	vand.u32 $0x7FFFFFFF, v8  }
0x31: {  	vm1 =	vlt.s32 v6, $0x40;
	vm0 =	vlt.f32 v8, $5.000000000e-01  }
0x32: {  	vm0 =	vmand vm1, vm0  }
0x33: {  	s26 =	sadd.s32 $0x1, s25;
	v8 =	vadd.s32 v0, v6  }
0x34: {  	v9 =	vmov s26;
	_ =	sdelay $0x3  }
0x35: {  	[tilespmem:v8+s19+$0x0] =	vst.idx.msk vm0, v7  }
0x36: {  	v7 =	vld.idx.msk [tilespmem:v9+s15+$0x0], $0xffff;
	_ =	sdelay $0x4  }
0x37: {  	v7 =	vsub.f32 v7, v3  }
0x38: {  	v8 =	vsel vm0, $0x1, v1  }
0x39: {  	v6 =	vadd.s32 v8, v6;
	v7 =	vand.u32 $0x7FFFFFFF, v7  }
0x3a: {  	vm11 =	vlt.s32 v6, $0x40;
	vm10 =	vlt.f32 v7, $5.000000000e-01  }
0x3b: {  	vm0 =	vmand vm10, vm11  }
0x3c: {  	s30 =	sadd.s32 $0x2, s25;
	v7 =	vadd.s32 v0, v6  }
0x3d: {  	v8 =	vmov s30;
	_ =	sdelay $0x3  }
0x3e: {  	[tilespmem:v7+s19+$0x0] =	vst.idx.msk vm0, v9  }
0x3f: {  	v7 =	vld.idx.msk [tilespmem:v8+s15+$0x0], $0xffff;
	_ =	sdelay $0x4  }
0x40: {  	v7 =	vsub.f32 v7, v3  }
0x41: {  	v62 =	vsel vm0, $0x1, v1  }
0x42: {  	v6 =	vadd.s32 v62, v6;
	v7 =	vand.u32 $0x7FFFFFFF, v7  }
0x43: {  	vm13 =	vlt.s32 v6, $0x40;
	vm12 =	vlt.f32 v7, $5.000000000e-01  }
0x44: {  	vm0 =	vmand vm12, vm13  }
0x45: {  	s31 =	sadd.s32 $0x3, s25;
	v7 =	vadd.s32 v0, v6  }
0x46: {  	v63 =	vmov s31;
	_ =	sdelay $0x3  }
0x47: {  	[tilespmem:v7+s19+$0x0] =	vst.idx.msk vm0, v8  }
0x48: {  	v7 =	vld.idx.msk [tilespmem:v63+s15+$0x0], $0xffff;
	_ =	sdelay $0x4  }
0x49: {  	v7 =	vsub.f32 v7, v3  }
0x4a: {  	v8 =	vsel vm0, $0x1, v1  }
0x4b: {  	v6 =	vadd.s32 v8, v6;
	v7 =	vand.u32 $0x7FFFFFFF, v7  }
0x4c: {  	vm15 =	vlt.s32 v6, $0x40;
	vm14 =	vlt.f32 v7, $5.000000000e-01  }
0x4d: {  	vm0 =	vmand vm14, vm15  }
0x4e: {  	p0 =	slt.u32 s25, $0x3FC;
	v7 =	vadd.s32 v0, v6  }
.Ltmp0:
0x4f: {  	_ = 	snop;
	(pc) =	sbr.rel @p0 .LBB2_3-.Ltmp0, $3  }
0x50: {  	_ =	sdelay $0x1  }
0x51: {  	v8 =	vsel vm0, $0x1, v1  }
0x52: {  	s25 =	sadd.s32 $0x4, s25;
	v6 =	vadd.s32 v8, v6;
	[tilespmem:v7+s19+$0x0] =	vst.idx.msk vm0, v63  }
0x53: {  	vm0 =	vgt.s32 v6, $0x0;
	s24 =	sor.u32 s4, s24  }
0x54: {  	v7 =	vsel vm0, $0x3F800000, v2;
	s25 =	sshrl.u32 s24, $0x3  }
0x55: {  	s26 =	simm.s32 $0x0;
	[tilespmem:$0x1F00] =	vst v7;
	s25 =	sadd.s32 s6, s25  }
0x56: {  	v8 =	vor.u32 s26, v0;
	[hbm4b:s25+s26] =	stream.linear.scatter [tilespmem:s20], [sflag:$0x1], $0x10, $0x38;
	[tilespmem:$0x1F10] =	vst v63  }
0x57: {  	_ =	swait.ge [sflag:s3], $0x10  }
0x58: {  	[sflag:s3] =	ssyncset.done $0x0  }
0x59: {  	[sflag:s3] =	ssyncadd.s32 $0xFFFFFFF0  }
0x5a: {  	v7 =	vld.idx.msk [tilespmem:v0+s19+$0x0], $0xffff  }
0x5b: {  	v9 =	vld.idx.msk [tilespmem:v8+s19+$0x0], $0xffff;
	_ =	sdelay $0x2  }
0x5c: {  	v10 =	vmov s26  }
0x5d: {  	vm15 =	vlt.s32 v10, v6;
	v7 =	vnsel vm0, $0x0, v7  }
0x5e: {  	v9 =	vsel vm15, v9, v7;
	_ =	sdelay $0x4  }
0x5f: {  	v10 =	vld.idx.msk [tilespmem:v9+s2+$0x0], $0xffff;
	_ =	sdelay $0x1  }
0x60: {  	v13 =	vmul.u32 $0x3, v8;
	v11 =	vld.idx.msk [tilespmem:v9+s14+$0x0], $0xffff  }
0x61: {  	v12 =	vld.idx.msk [tilespmem:v9+s15+$0x0], $0xffff  }
0x62: {  	v9 =	vadd.s32 $0x1, v13  }
0x63: {  	s25 =	simm.s32 $0x1;
	v14 =	vsub.f32 v10, v4;
	v10 =	vadd.s32 $0x2, v13  }
0x64: {  	v8 =	vor.u32 s25, v0  }
0x65: {  	v11 =	vsub.f32 v11, v5  }
0x66: {  	s26 =	simm.s32 $0x2;
	v12 =	vsub.f32 v12, v3;
	[tilespmem:v13+s21+$0x0] =	vst.idx.msk $0xffff, v14  }
.LBB2_5:
0x67: {  	p0 =	sne.s32 s26, $0x3F;
	[tilespmem:v9+s21+$0x0] =	vst.idx.msk $0xffff, v11  }
0x68: {  	[tilespmem:v10+s21+$0x0] =	vst.idx.msk $0xffff, v12  }
0x69: {  	v9 =	vld.idx.msk [tilespmem:v8+s19+$0x0], $0xffff;
	_ =	sdelay $0x3  }
0x6a: {  	v10 =	vmov s25;
	s25 =	smov.u32 s26  }
0x6b: {  	vm0 =	vlt.s32 v10, v6  }
0x6c: {  	v9 =	vsel vm0, v9, v7;
	_ =	sdelay $0x4  }
0x6d: {  	v11 =	vld.idx.msk [tilespmem:v9+s2+$0x0], $0xffff  }
0x6e: {  	v12 =	vld.idx.msk [tilespmem:v9+s14+$0x0], $0xffff  }
0x6f: {  	v14 =	vmul.u32 $0x3, v8;
	v13 =	vld.idx.msk [tilespmem:v9+s15+$0x0], $0xffff;
	_ =	sdelay $0x1  }
.Ltmp1:
0x70: {  	v9 =	vadd.s32 $0x1, v14;
	(pc) =	sbr.rel @p0 .LBB2_5-.Ltmp1, $4  }
0x71: {  	v10 =	vadd.s32 $0x2, v14  }
0x72: {  	v8 =	vor.u32 s26, v0;
	v15 =	vsub.f32 v11, v4  }
0x73: {  	v11 =	vsub.f32 v12, v5  }
0x74: {  	s26 =	sadd.s32 $0x1, s26;
	v12 =	vsub.f32 v13, v3;
	[tilespmem:v14+s21+$0x0] =	vst.idx.msk $0xffff, v15  }
0x75: {  	_ =	sdelay $0x3  }
0x76: {  	[tilespmem:v9+s21+$0x0] =	vst.idx.msk $0xffff, v11  }
0x77: {  	[tilespmem:v10+s21+$0x0] =	vst.idx.msk $0xffff, v12  }
0x78: {  	v9 =	vld.idx.msk [tilespmem:v8+s19+$0x0], $0xffff;
	_ =	sdelay $0x2  }
0x79: {  	v60 =	vmov s25  }
0x7a: {  	vm0 =	vlt.s32 v60, v6  }
0x7b: {  	v6 =	vsel vm0, v9, v7;
	_ =	sdelay $0x4  }
0x7c: {  	v7 =	vld.idx.msk [tilespmem:v6+s2+$0x0], $0xffff  }
0x7d: {  	v61 =	vmul.u32 $0x3, v8;
	v9 =	vld.idx.msk [tilespmem:v6+s14+$0x0], $0xffff  }
0x7e: {  	v6 =	vld.idx.msk [tilespmem:v6+s15+$0x0], $0xffff  }
0x7f: {  	v62 =	vadd.s32 $0x1, v61  }
0x80: {  	v63 =	vadd.s32 $0x2, v61  }
0x81: {  	v4 =	vsub.f32 v7, v4  }
0x82: {  	s24 =	smul.u32 $0xC0, s24;
	v5 =	vsub.f32 v9, v5  }
0x83: {  	s23 =	sadd.s32 $0x1, s23;
	v3 =	vsub.f32 v6, v3;
	[tilespmem:v61+s21+$0x0] =	vst.idx.msk $0xffff, v4  }
0x84: {  	p0 =	sne.s32 s23, $0x10;
	s24 =	sshrl.u32 s24, $0x3;
	[tilespmem:v62+s21+$0x0] =	vst.idx.msk $0xffff, v5  }
.Ltmp2:
0x85: {  	s24 =	sadd.s32 s5, s24;
	[tilespmem:v63+s21+$0x0] =	vst.idx.msk $0xffff, v3;
	(pc) =	sbr.rel @p0 .LBB2_2-.Ltmp2, $4  }
0x86: {  	[hbm4b:s24+s2] =	stream.linear.scatter [tilespmem:s21], [sflag:$0x1], $0xC00, $0x38;
	[tilespmem:$0x1F10] =	vst v63  }
0x87: {  	_ =	swait.ge [sflag:s3], $0xC00  }
0x88: {  	[sflag:s3] =	ssyncset.done $0x0  }
0x89: {  	[sflag:s3] =	ssyncadd.s32 $0xFFFFF400  }
0x8a: {  	s22 =	sadd.s32 $0x1, s22  }
0x8b: {  	p0 =	sne.s32 s22, s13  }
.Ltmp3:
0x8c: {  	_ = 	snop;
	(pc) =	sbr.rel @p0 .LBB2_1-.Ltmp3, $1  }
0x8d: {  	_ =	sdelay $0x3  }
0x8e: {  	_ =	sfence.sel $0x180000  }
0x8f: {  	[bflag:$0x0] =	sbarrier.arrive $0xFFFF  }
0x90: {  	p0 =	sne.s32 s0, $0x0;
	_ =	strace $0x9000004D  }
0x91: {  	s0 =	sadd.s32 @!p0 $0x100000, s1;
	[bflag:$0x2] =	sbarrier.arrive $0xFFFF  }
0x92: {  	[sflag:s0] =	ssyncadd.tile.s32 @!p0 $0x1;
	_ =	shalt  }
.Lfunc_end2:
_tile_overlayer_lowered:
.L_overlay_start_2:
0x93: {  	(tag) =	ssettag $0x2  }
0x94: {  	s0 =	rddreg [dreg:$0x0];
	s2 =	stileid.u32  }
0x95: {  	s1 =	rddreg [dreg:$0x1];
	p0 =	sne.s32 s2, $0x0  }
0x96: {  	s3 =	rddreg [dreg:$0x2];
	[bflag:$0x3] =	sbarrier.arrive $0xFFFF;
	s2 =	simm.s32 @!p0 $0x1C01  }
0x97: {  	[timem:s3], [sflag:s2] =	dma.local @!p0 [hbm:s0], s1  }
0x98: {  	s0 =	simm.s32 @!p0 $0x1  }
0x99: {  	_ =	swait.ge @!p0 [sflag:s0], s1  }
0x9a: {  	s1 =	ssub.s32 @!p0 $0x0, s1;
	[sflag:s0] =	ssyncset.done @!p0 $0x0  }
0x9b: {  	[sflag:s0] =	ssyncadd.s32 @!p0 s1  }
0x9c: {  	[bflag:$0x3] =	sbarrier.arrive $0xFFFF  }
0x9d: {  	_ =	shalt  }

// kernel: kernel.42.cloned.1.call-start
scs
__scs_entry_jumppad:
0x0: {  	(pc) =	sbr.rel $0x88, $3  }
0x1: {  	(tag) =	ssettag $0x0;
	lr =	simm.s32 $0x1  }
0x2: {  	[smem:$0x3F7E] =	sst lr;
	_ =	strace $0xD0000000  }
0x3: {  	_ = 	snop  }
0x4: {  	_ = 	snop  }
0x5: {  	_ = 	snop  }
0x6: {  	_ = 	snop  }
0x7: {  	_ = 	snop  }
__scs_overlays_trampoline_lowered:
0x8: {  	[smem:$0x3F8D] =	sst s0  }
0x9: {  	[smem:$0x3F8E] =	sst s1  }
0xa: {  	[smem:$0x3F8F] =	sst s2  }
0xb: {  	[smem:$0x3F90] =	sst s3  }
0xc: {  	[smem:$0x3F91] =	sst s4  }
0xd: {  	[smem:$0x3F92] =	sst s5  }
0xe: {  	[smem:$0x3F93] =	sst s6  }
0xf: {  	[smem:$0x3F94] =	sst s7  }
0x10: {  	[smem:$0x3F95] =	sst s8  }
0x11: {  	[smem:$0x3F96] =	sst s9;
	s0 =	simm.s32 @!p0 $0x0  }
0x12: {  	s1 =	sld [smem:$0x3F7C];
	s0 =	simm.s32 @p0 $0x1  }
0x13: {  	[smem:$0x3F97] =	sst s0;
	s0 =	simm.s32 @!p1 $0x0  }
0x14: {  	s2 =	sld [smem:$0x3F7B];
	s0 =	simm.s32 @p1 $0x1  }
0x15: {  	[smem:$0x3F98] =	sst s0;
	s0 =	simm.s32 @!p2 $0x0  }
0x16: {  	s3 =	sld [smem:$0x3FDB];
	s0 =	simm.s32 @p2 $0x1  }
0x17: {  	s4 =	simm.s32 $0x1BF5;
	[smem:$0x3F9A] =	sst s0  }
0x18: {  	s0 =	sld [smem:$0x3F7D];
	_ =	swait.ge [sflag:s4], $0x0  }
0x19: {  	s7 =	sld [smem:$0x3F7E]  }
0x1a: {  	s8 =	sadd.s32 $0xFFFFE003, lr  }
0x1b: {  	s9 =	sadd.s32 $0xFFFFFEF7, lr;
	s5 =	simm.s32 $0xFFFFFFFF;
	p2 =	slt.u32 s8, $0xFFFFF086  }
0x1c: {  	p1 =	slt.u32 s9, $0xF7A;
	s5 =	simm.s32 @!p2 $0x0  }
0x1d: {  	s5 =	simm.s32 @p1 $0x1;
	p0 =	seq.s32 s7, s2  }
0x1e: {  	s7 =	smul.u32 @!p0 $0xF7A, s2;
	p2 =	seq.s32 @!p0 s5, $0x0  }
0x1f: {  	s9 =	smul.u32 $0xF7A, s1;
	s8 =	simm.s32 @!p0 $0x1BF5;
	p2 =	por !p2, p0  }
0x20: {  	[sflag:s8] =	ssyncset.s32 @!p0 $0xFFFFF086;
	s6 =	sadd.s32 @!p0 s3, s7;
	s7 =	simm.s32 @!p0 $0x108  }
0x21: {  	s3 =	sadd.s32 s3, s9;
	s6 =	sadd.s32 @!p0 $0x88, s6;
	s7 =	simm.s32 @p2 $0x1082  }
0x22: {  	[simem:s7], [sflag:s8] =	dma.local @!p0 [hbm:s6], $0xF7A  }
0x23: {  	s9 =	sor.u32 $0xD0000000, s2;
	s6 =	simm.s32 $0x108;
	_ =	swait.ge @!p0 [sflag:s8], $0x0  }
0x24: {  	s3 =	sadd.s32 $0x88, s3;
	s6 =	simm.s32 @!p1 $0x1082;
	[sflag:s4] =	ssyncset.s32 $0xFFFFF086  }
0x25: {  	[simem:s6], [sflag:s4] =	dma.local [hbm:s3], $0xF7A  }
0x26: {  	[smem:$0x3F7E] =	sst s1;
	(tag) =	ssettag s2;
	_ =	strace s9  }
0x27: {  	s1 =	sld [smem:$0x3F8E]  }
0x28: {  	s2 =	sld [smem:$0x3F8F]  }
0x29: {  	s4 =	sld [smem:$0x3F91]  }
0x2a: {  	p0 =	seq.s32 s5, $0x0;
	s5 =	sld [smem:$0x3F92]  }
0x2b: {  	s6 =	sld [smem:$0x3F93]  }
0x2c: {  	s7 =	sld [smem:$0x3F94]  }
0x2d: {  	s3 =	simm.s32 $0x108;
	s8 =	sld [smem:$0x3F95]  }
0x2e: {  	s3 =	simm.s32 @!p0 $0x1082;
	s9 =	sld [smem:$0x3F96]  }
0x2f: {  	lr =	sadd.s32 s0, s3;
	s0 =	sld [smem:$0x3F8D]  }
0x30: {  	s3 =	sld [smem:$0x3F90]  }
0x31: {  	[smem:$0x3F99] =	sst s10  }
0x32: {  	s10 =	sld [smem:$0x3F97];
	_ =	sdelay $0x3  }
0x33: {  	p0 =	seq.s32 s10, $0x1;
	s10 =	sld [smem:$0x3F99];
	_ =	sdelay $0x3  }
0x34: {  	[smem:$0x3F99] =	sst s10  }
0x35: {  	s10 =	sld [smem:$0x3F98];
	_ =	sdelay $0x3  }
0x36: {  	p1 =	seq.s32 s10, $0x1;
	s10 =	sld [smem:$0x3F99];
	_ =	sdelay $0x3  }
0x37: {  	[smem:$0x3F99] =	sst s10  }
0x38: {  	s10 =	sld [smem:$0x3F9A]  }
0x39: {  	_ = 	snop;
	(pc) =	sbr.ind lr, $3  }
0x3a: {  	_ = 	snop  }
0x3b: {  	_ = 	snop  }
0x3c: {  	p2 =	seq.s32 s10, $0x1;
	s10 =	sld [smem:$0x3F99]  }
0x3d: {  	_ =	shalt  }
0x3e: {  	_ =	shalt  }
0x3f: {  	_ =	shalt  }
0x40: {  	_ =	shalt  }
0x41: {  	_ =	shalt  }
0x42: {  	_ =	shalt  }
0x43: {  	_ =	shalt  }
0x44: {  	_ =	shalt  }
0x45: {  	_ =	shalt  }
0x46: {  	_ =	shalt  }
0x47: {  	_ =	shalt  }
0x48: {  	_ =	shalt  }
0x49: {  	_ =	shalt  }
0x4a: {  	_ =	shalt  }
0x4b: {  	_ =	shalt  }
0x4c: {  	_ =	shalt  }
0x4d: {  	_ =	shalt  }
0x4e: {  	_ =	shalt  }
0x4f: {  	_ =	shalt  }
0x50: {  	_ =	shalt  }
0x51: {  	_ =	shalt  }
0x52: {  	_ =	shalt  }
0x53: {  	_ =	shalt  }
0x54: {  	_ =	shalt  }
0x55: {  	_ =	shalt  }
0x56: {  	_ =	shalt  }
0x57: {  	_ =	shalt  }
0x58: {  	_ =	shalt  }
0x59: {  	_ =	shalt  }
0x5a: {  	_ =	shalt  }
0x5b: {  	_ =	shalt  }
0x5c: {  	_ =	shalt  }
0x5d: {  	_ =	shalt  }
0x5e: {  	_ =	shalt  }
0x5f: {  	_ =	shalt  }
0x60: {  	_ =	shalt  }
0x61: {  	_ =	shalt  }
0x62: {  	_ =	shalt  }
0x63: {  	_ =	shalt  }
0x64: {  	_ =	shalt  }
0x65: {  	_ =	shalt  }
0x66: {  	_ =	shalt  }
0x67: {  	_ =	shalt  }
0x68: {  	_ =	shalt  }
0x69: {  	_ =	shalt  }
0x6a: {  	_ =	shalt  }
0x6b: {  	_ =	shalt  }
0x6c: {  	_ =	shalt  }
0x6d: {  	_ =	shalt  }
0x6e: {  	_ =	shalt  }
0x6f: {  	_ =	shalt  }
0x70: {  	_ =	shalt  }
0x71: {  	_ =	shalt  }
0x72: {  	_ =	shalt  }
0x73: {  	_ =	shalt  }
0x74: {  	_ =	shalt  }
0x75: {  	_ =	shalt  }
0x76: {  	_ =	shalt  }
0x77: {  	_ =	shalt  }
0x78: {  	_ =	shalt  }
0x79: {  	_ =	shalt  }
0x7a: {  	_ =	shalt  }
0x7b: {  	_ =	shalt  }
0x7c: {  	_ =	shalt  }
0x7d: {  	_ =	shalt  }
0x7e: {  	_ =	shalt  }
0x7f: {  	_ =	shalt  }
0x80: {  	_ =	shalt  }
0x81: {  	_ =	shalt  }
0x82: {  	_ =	shalt  }
0x83: {  	_ =	shalt  }
0x84: {  	_ =	shalt  }
0x85: {  	_ =	shalt  }
0x86: {  	_ =	shalt  }
0x87: {  	_ =	shalt  }
.Lfunc_end0:
.L_simem_size_0:
called_computation.2_lowered:
.L_overlay_start_0:
0x88: {  	s2 =	sld [smem:$0x3FD9]  }
0x89: {  	s3 =	sld [smem:$0x3FFE];
	_ =	sdelay $0x1  }
0x8a: {  	s1 =	srdreg.scid  }
0x8b: {  	s0 =	sand.u32 $0x1, s1  }
0x8c: {  	s17 =	sshll.u32 s0, $0xA;
	s2 =	sadd.s32 s3, s2  }
0x8d: {  	s2 =	sadd.s32 s2, s17  }
0x8e: {  	[smem:$0x3FA5] =	sst s2  }
0x8f: {  	_ = 	snop  }
0x90: {  	(tm) =	ssettm $0x1  }
0x91: {  	s18 =	sld [smem:$0x3FFB];
	_ =	sdelay $0x3  }
0x92: {  	_ =	strace s18  }
0x93: {  	s2 =	sld [smem:$0x3FFC];
	_ =	sdelay $0x3  }
0x94: {  	_ =	strace s2  }
0x95: {  	s2 =	sld [smem:$0x3FFD];
	_ =	sdelay $0x3  }
0x96: {  	_ =	strace s2  }
0x97: {  	_ =	strace $0x8FFFFFFF  }
0x98: {  	s19 =	sld [smem:$0x3FDB];
	_ =	sdelay $0x1  }
0x99: {  	s20 =	simm.s32 $_scs_section_size  }
0x9a: {  	s4 =	simm.s32 $_size__tile_overlayer_lowered;
	s5 =	simm.s32 $_tile_overlayer_lowered  }
0x9b: {  	s6 =	simm.s32 $0x1BFF;
	s21 =	sshll.u32 s5, $0x1;
	s3 =	sadd.s32 s20, s19  }
0x9c: {  	s22 =	simm.s32 $0x0;
	s4 =	sshll.u32 s4, $0x1;
	s5 =	sadd.s32 s21, s3  }
0x9d: {  	[timem:s22], [sflag:s6] =	dma.local [hbm:s5], s4  }
0x9e: {  	_ =	swait.ge [sflag:s6], s4  }
0x9f: {  	s4 =	ssub.s32 $0x0, s4;
	[sflag:s6] =	ssyncset.done $0x0  }
0xa0: {  	[sflag:s6] =	ssyncadd.s32 s4;
	_ =	sdelay $0x1  }
0xa1: {  	s23 =	simm.s32 $0x1B8B  }
0xa2: {  	_ =	swait.ge [sflag:s23], $0x1  }
0xa3: {  	[sflag:s23] =	ssyncset.done $0x0  }
0xa4: {  	[sflag:s23] =	ssyncadd.s32 $0xFFFFFFFF  }
0xa5: {  	s4 =	sld [smem:$0x0]  }
0xa6: {  	s5 =	sand.u32 $0xFFFFFFFE, s1  }
0xa7: {  	p0 =	sne.s32 s1, s5  }
0xa8: {  	s5 =	sshll.u32 @p0 s5, $0xE  }
0xa9: {  	s5 =	sadd.s32 @p0 $0x11B8D, s5;
	s6 =	sshll.u32 @p0 s4, $0x11  }
0xaa: {  	s5 =	sor.u32 @p0 s6, s5  }
0xab: {  	[sflag:s5] =	ssyncadd.remote.s32 @p0 $0x1;
	_ =	sdelay $0x1  }
0xac: {  	s5 =	simm.s32 @p0 $0x1B8D  }
0xad: {  	_ =	swait.eq @p0 [sflag:s5], $0x1  }
0xae: {  	[sflag:s5] =	ssyncadd.s32 @p0 $0xFFFFFFFF  }
0xaf: {  	s6 =	sshll.u32 @!p0 s1, $0xE  }
0xb0: {  	s6 =	sor.u32 @!p0 $0x4000, s6;
	s5 =	simm.s32 @!p0 $0x1B8D  }
0xb1: {  	s4 =	sshll.u32 @!p0 s4, $0x11;
	s6 =	sadd.s32 @!p0 $0x11B8D, s6;
	_ =	swait.eq @!p0 [sflag:s5], $0x1  }
0xb2: {  	s4 =	sor.u32 @!p0 s4, s6;
	[sflag:s5] =	ssyncadd.s32 @!p0 $0xFFFFFFFF  }
0xb3: {  	s25 =	simm.s32 $0x1B8E;
	s24 =	sld [smem:$0x3FFE];
	[sflag:s4] =	ssyncadd.remote.s32 @!p0 $0x1  }
0xb4: {  	s26 =	simm.s32 $execute0_lowered;
	[smem:$0x3FD2] =	sst s25  }
0xb5: {  	s5 =	sshll.u32 s26, $0x1;
	_ =	strace $0x80000049;
	[dreg:$0x1] =	wrdreg $0xFFFFFFFF  }
0xb6: {  	s28 =	simm.s32 $_size_execute0_lowered;
	s3 =	sadd.s32 s3, s5;
	[dreg:$0x0] =	wrdreg $0x0  }
0xb7: {  	s5 =	sshll.u32 s28, $0x1;
	[dreg:$0x2] =	wrdreg s3  }
0xb8: {  	[dreg:$0x3] =	wrdreg s5  }
0xb9: {  	[dreg:$0x4] =	wrdreg $0xC0  }
0xba: {  	_ =	task [dreg:s22], $0x5FFFF  }
0xbb: {  	[dreg:$0x1] =	wrdreg $0xFFFFFFFF  }
0xbc: {  	[dreg:$0x0] =	wrdreg $0x60  }
0xbd: {  	[dreg:$0x2] =	wrdreg s24  }
0xbe: {  	[dreg:$0x3] =	wrdreg $0xB  }
0xbf: {  	_ =	task.clear_ibuf [dreg:s22], $0x4FFFF;
	_ =	strace $0x90000049  }
0xc0: {  	s29 =	simm.s32 $0xB;
	_ =	strace $0x8000004B  }
0xc1: {  	_ =	swait.ge [sflag:s29], $0x1  }
0xc2: {  	[sflag:s29] =	ssyncadd.s32 $0xFFFFFFFF  }
0xc3: {  	_ =	strace $0x9000004B  }
0xc4: {  	_ =	sfence  }
0xc5: {  	s30 =	sld [smem:$0x0];
	_ =	sdelay $0x2  }
0xc6: {  	s31 =	sshll.u32 s1, $0xD;
	s1 =	sshrl.u32 s1, $0x2  }
0xc7: {  	s4 =	sand.u32 $0x4000, s31;
	s1 =	sadd.s32 s1, s30  }
0xc8: {  	s0 =	sor.u32 s4, s0;
	s1 =	sshll.u32 s1, $0x11  }
0xc9: {  	s0 =	sor.u32 s1, s0  }
0xca: {  	s0 =	sadd.s32 $0x8F2B, s0  }
0xcb: {  	[sflag:s0] =	ssyncadd.remote.s32 $0x1  }
0xcc: {  	_ =	sfence.sel $0xFFFF  }
0xcd: {  	[dreg:$0x0] =	wrdreg $0xFFFFFFFF;
	(pc) =	sbr.abs _section_cstart, $3  }
0xce: {  	[dreg:$0x1] =	wrdreg $0xFFFFFFFF  }
0xcf: {  	_ =	task.clear_ibuf [dreg:s22], $0x2FFFF;
	_ =	strace $0x9FFFFFFF  }
0xd0: {  	(tm) =	ssettm $0x7FFFFFFF  }
0xd1: {  	_ =	shalt  }
tec
execute0_lowered:
.L_overlay_start_1:
0x0: {  	(tag) =	ssettag $0x1  }
0x1: {  	s1 =	srdreg.scid  }
0x2: {  	s0 =	stileid.u32;
	s6 =	rddreg [dreg:$0x0];
	s2 =	simm.s32 $0x0  }
0x3: {  	s3 =	simm.s32 $0x1;
	s14 =	simm.s32 $0x400;
	s15 =	simm.s32 $0x800  }
0x4: {  	s16 =	simm.s32 $0xC00;
	s17 =	simm.s32 $0xC80;
	s5 =	sand.u32 $0x1, s1  }
0x5: {  	s18 =	simm.s32 $0xD00;
	s19 =	simm.s32 $0xD80;
	s1 =	sor.u32 s5, s0  }
0x6: {  	s20 =	simm.s32 $0x1D80;
	p1 =	seq.s32 s5, $0x1;
	p0 =	seq.s32 s1, $0x0  }
0x7: {  	s21 =	simm.s32 $0x1180;
	s22 =	simm.s32 $0x0;
	p0 =	por !p0, !p1  }
0x8: {  	[smem:$0x7FF] =	sst s2;
	s8 =	sshll.u32 s5, $0x7;
	p0 =	por !p0, !p0  }
0x9: {  	s30 =	ssub.s32 $0x2, s5;
	s5 =	sadd.s32 $0x31E00, s6;
	s3 =	simm.s32 @!p0 $0x0  }
0xa: {  	s1 =	rddreg [dreg:$0x1];
	_ =	strace $0x8000004A;
	s3 =	ssub.s32 s0, s3  }
0xb: {  	s31 =	sshrl.u32 s30, $0x1;
	s4 =	sshll.u32 s3, $0x7;
	s7 =	sshll.u32 s3, $0x8  }
0xc: {  	s13 =	ssub.s32 s30, s31;
	s9 =	sand.u32 $0x1FFFFF80, s4;
	s4 =	sor.u32 s8, s7  }
0xd: {  	s13 =	smax.u32 s13, $0x1;
	s3 =	simm.s32 $0x1;
	s7 =	sshrl.u32 s4, $0x3  }
0xe: {  	s9 =	sadd.s32 s9, s6;
	s12 =	sadd.s32 s7, s6;
	s6 =	sadd.s32 $0x49E00, s6  }
0xf: {  	v0 =	vlaneseq.u32;
	s7 =	sadd.s32 $0x18800, s9;
	s8 =	sadd.s32 $0x18000, s9;
	s9 =	sadd.s32 $0x17800, s9  }
0x10: {  	v1 =	vimm.s32 $0x0;
	v2 =	vimm.f32 $0.0e+00;
	v0 =	vmul.u32 $0x40, v0;
	s10 =	sadd.s32 $0x31C00, s12;
	s11 =	sadd.s32 $0x31A00, s12;
	s12 =	sadd.s32 $0x31800, s12  }
.LBB2_1:
0x11: {  	[tilespmem:s2], [sflag:$0x1] =	stream.linear.gather [hbm4b:s7+s2], $0x400, $0x38;
	[tilespmem:$0x1D90] =	vst v63  }
0x12: {  	_ =	swait.ge [sflag:s3], $0x400  }
0x13: {  	[sflag:s3] =	ssyncset.done $0x0  }
0x14: {  	[sflag:s3] =	ssyncadd.s32 $0xFFFFFC00  }
0x15: {  	[tilespmem:s14], [sflag:$0x1] =	stream.linear.gather [hbm4b:s8+s2], $0x400, $0x38;
	[tilespmem:$0x1D90] =	vst v63  }
0x16: {  	_ =	swait.ge [sflag:s3], $0x400  }
0x17: {  	[sflag:s3] =	ssyncset.done $0x0  }
0x18: {  	[sflag:s3] =	ssyncadd.s32 $0xFFFFFC00  }
0x19: {  	[tilespmem:s15], [sflag:$0x1] =	stream.linear.gather [hbm4b:s9+s2], $0x400, $0x38;
	[tilespmem:$0x1D90] =	vst v63  }
0x1a: {  	_ =	swait.ge [sflag:s3], $0x400  }
0x1b: {  	[sflag:s3] =	ssyncset.done $0x0  }
0x1c: {  	[sflag:s3] =	ssyncadd.s32 $0xFFFFFC00  }
0x1d: {  	[tilespmem:s16], [sflag:$0x1] =	stream.linear.gather [hbm4b:s10+s2], $0x80, $0x38;
	[tilespmem:$0x1D90] =	vst v63  }
0x1e: {  	_ =	swait.ge [sflag:s3], $0x80  }
0x1f: {  	[sflag:s3] =	ssyncset.done $0x0  }
0x20: {  	[sflag:s3] =	ssyncadd.s32 $0xFFFFFF80  }
0x21: {  	[tilespmem:s17], [sflag:$0x1] =	stream.linear.gather [hbm4b:s11+s2], $0x80, $0x38;
	[tilespmem:$0x1D90] =	vst v63  }
0x22: {  	_ =	swait.ge [sflag:s3], $0x80  }
0x23: {  	[sflag:s3] =	ssyncset.done $0x0  }
0x24: {  	[sflag:s3] =	ssyncadd.s32 $0xFFFFFF80  }
0x25: {  	[tilespmem:s18], [sflag:$0x1] =	stream.linear.gather [hbm4b:s12+s2], $0x80, $0x38;
	[tilespmem:$0x1D90] =	vst v63  }
0x26: {  	_ =	swait.ge [sflag:s3], $0x80  }
0x27: {  	[sflag:s3] =	ssyncset.done $0x0  }
0x28: {  	s23 =	simm.s32 $0x0;
	[sflag:s3] =	ssyncadd.s32 $0xFFFFFF80  }
.LBB2_2:
0x29: {  	s24 =	sshll.u32 s23, $0x4  }
0x2a: {  	v3 =	vld [tilespmem:s24+$0xD00]  }
0x2b: {  	v4 =	vld [tilespmem:s24+$0xC00]  }
0x2c: {  	s25 =	simm.s32 $0x0;
	v6 =	vimm.s32 $0x0;
	v5 =	vld [tilespmem:s24+$0xC80]  }
.LBB2_3:
0x2d: {  	v7 =	vmov s25;
	_ =	sdelay $0x4  }
0x2e: {  	v8 =	vld.idx.msk [tilespmem:v7+s15+$0x0], $0xffff;
	_ =	sdelay $0x4  }
0x2f: {  	v8 =	vsub.f32 v8, v3;
	_ =	sdelay $0x1  }
0x30: {  	v8 =	vand.u32 $0x7FFFFFFF, v8  }
0x31: {  	vm1 =	vlt.s32 v6, $0x40;
	vm0 =	vlt.f32 v8, $1.000000000e+00  }
0x32: {  	vm0 =	vmand vm1, vm0  }
0x33: {  	s26 =	sadd.s32 $0x1, s25;
	v8 =	vadd.s32 v0, v6  }
0x34: {  	v9 =	vmov s26;
	_ =	sdelay $0x3  }
0x35: {  	[tilespmem:v8+s19+$0x0] =	vst.idx.msk vm0, v7  }
0x36: {  	v7 =	vld.idx.msk [tilespmem:v9+s15+$0x0], $0xffff;
	_ =	sdelay $0x4  }
0x37: {  	v7 =	vsub.f32 v7, v3  }
0x38: {  	v8 =	vsel vm0, $0x1, v1  }
0x39: {  	v6 =	vadd.s32 v8, v6;
	v7 =	vand.u32 $0x7FFFFFFF, v7  }
0x3a: {  	vm11 =	vlt.s32 v6, $0x40;
	vm10 =	vlt.f32 v7, $1.000000000e+00  }
0x3b: {  	vm0 =	vmand vm10, vm11  }
0x3c: {  	s30 =	sadd.s32 $0x2, s25;
	v7 =	vadd.s32 v0, v6  }
0x3d: {  	v8 =	vmov s30;
	_ =	sdelay $0x3  }
0x3e: {  	[tilespmem:v7+s19+$0x0] =	vst.idx.msk vm0, v9  }
0x3f: {  	v7 =	vld.idx.msk [tilespmem:v8+s15+$0x0], $0xffff;
	_ =	sdelay $0x4  }
0x40: {  	v7 =	vsub.f32 v7, v3  }
0x41: {  	v62 =	vsel vm0, $0x1, v1  }
0x42: {  	v6 =	vadd.s32 v62, v6;
	v7 =	vand.u32 $0x7FFFFFFF, v7  }
0x43: {  	vm13 =	vlt.s32 v6, $0x40;
	vm12 =	vlt.f32 v7, $1.000000000e+00  }
0x44: {  	vm0 =	vmand vm12, vm13  }
0x45: {  	s31 =	sadd.s32 $0x3, s25;
	v7 =	vadd.s32 v0, v6  }
0x46: {  	v63 =	vmov s31;
	_ =	sdelay $0x3  }
0x47: {  	[tilespmem:v7+s19+$0x0] =	vst.idx.msk vm0, v8  }
0x48: {  	v7 =	vld.idx.msk [tilespmem:v63+s15+$0x0], $0xffff;
	_ =	sdelay $0x4  }
0x49: {  	v7 =	vsub.f32 v7, v3  }
0x4a: {  	v8 =	vsel vm0, $0x1, v1  }
0x4b: {  	v6 =	vadd.s32 v8, v6;
	v7 =	vand.u32 $0x7FFFFFFF, v7  }
0x4c: {  	vm15 =	vlt.s32 v6, $0x40;
	vm14 =	vlt.f32 v7, $1.000000000e+00  }
0x4d: {  	vm0 =	vmand vm14, vm15  }
0x4e: {  	p0 =	slt.u32 s25, $0x3FC;
	v7 =	vadd.s32 v0, v6  }
.Ltmp0:
0x4f: {  	_ = 	snop;
	(pc) =	sbr.rel @p0 .LBB2_3-.Ltmp0, $3  }
0x50: {  	_ =	sdelay $0x1  }
0x51: {  	v8 =	vsel vm0, $0x1, v1  }
0x52: {  	s25 =	sadd.s32 $0x4, s25;
	v6 =	vadd.s32 v8, v6;
	[tilespmem:v7+s19+$0x0] =	vst.idx.msk vm0, v63  }
0x53: {  	vm0 =	vgt.s32 v6, $0x0;
	s24 =	sor.u32 s4, s24  }
0x54: {  	v7 =	vsel vm0, $0x3F800000, v2;
	s25 =	sshrl.u32 s24, $0x3  }
0x55: {  	s26 =	simm.s32 $0x0;
	[tilespmem:$0x1D80] =	vst v7;
	s25 =	sadd.s32 s6, s25  }
0x56: {  	v8 =	vor.u32 s26, v0;
	[hbm4b:s25+s26] =	stream.linear.scatter [tilespmem:s20], [sflag:$0x1], $0x10, $0x38;
	[tilespmem:$0x1D90] =	vst v63  }
0x57: {  	_ =	swait.ge [sflag:s3], $0x10  }
0x58: {  	[sflag:s3] =	ssyncset.done $0x0  }
0x59: {  	[sflag:s3] =	ssyncadd.s32 $0xFFFFFFF0  }
0x5a: {  	v7 =	vld.idx.msk [tilespmem:v0+s19+$0x0], $0xffff  }
0x5b: {  	v9 =	vld.idx.msk [tilespmem:v8+s19+$0x0], $0xffff;
	_ =	sdelay $0x2  }
0x5c: {  	v10 =	vmov s26  }
0x5d: {  	vm15 =	vlt.s32 v10, v6;
	v7 =	vnsel vm0, $0x0, v7  }
0x5e: {  	v9 =	vsel vm15, v9, v7;
	_ =	sdelay $0x4  }
0x5f: {  	v10 =	vld.idx.msk [tilespmem:v9+s2+$0x0], $0xffff;
	_ =	sdelay $0x1  }
0x60: {  	v13 =	vmul.u32 $0x3, v8;
	v11 =	vld.idx.msk [tilespmem:v9+s14+$0x0], $0xffff  }
0x61: {  	v12 =	vld.idx.msk [tilespmem:v9+s15+$0x0], $0xffff  }
0x62: {  	v9 =	vadd.s32 $0x1, v13  }
0x63: {  	s25 =	simm.s32 $0x1;
	v14 =	vsub.f32 v10, v4;
	v10 =	vadd.s32 $0x2, v13  }
0x64: {  	v8 =	vor.u32 s25, v0  }
0x65: {  	v11 =	vsub.f32 v11, v5  }
0x66: {  	s26 =	simm.s32 $0x2;
	v12 =	vsub.f32 v12, v3;
	[tilespmem:v13+s21+$0x0] =	vst.idx.msk $0xffff, v14  }
.LBB2_5:
0x67: {  	p0 =	sne.s32 s26, $0x3F;
	[tilespmem:v9+s21+$0x0] =	vst.idx.msk $0xffff, v11  }
0x68: {  	[tilespmem:v10+s21+$0x0] =	vst.idx.msk $0xffff, v12  }
0x69: {  	v9 =	vld.idx.msk [tilespmem:v8+s19+$0x0], $0xffff;
	_ =	sdelay $0x3  }
0x6a: {  	v10 =	vmov s25;
	s25 =	smov.u32 s26  }
0x6b: {  	vm0 =	vlt.s32 v10, v6  }
0x6c: {  	v9 =	vsel vm0, v9, v7;
	_ =	sdelay $0x4  }
0x6d: {  	v11 =	vld.idx.msk [tilespmem:v9+s2+$0x0], $0xffff  }
0x6e: {  	v12 =	vld.idx.msk [tilespmem:v9+s14+$0x0], $0xffff  }
0x6f: {  	v14 =	vmul.u32 $0x3, v8;
	v13 =	vld.idx.msk [tilespmem:v9+s15+$0x0], $0xffff;
	_ =	sdelay $0x1  }
.Ltmp1:
0x70: {  	v9 =	vadd.s32 $0x1, v14;
	(pc) =	sbr.rel @p0 .LBB2_5-.Ltmp1, $4  }
0x71: {  	v10 =	vadd.s32 $0x2, v14  }
0x72: {  	v8 =	vor.u32 s26, v0;
	v15 =	vsub.f32 v11, v4  }
0x73: {  	v11 =	vsub.f32 v12, v5  }
0x74: {  	s26 =	sadd.s32 $0x1, s26;
	v12 =	vsub.f32 v13, v3;
	[tilespmem:v14+s21+$0x0] =	vst.idx.msk $0xffff, v15  }
0x75: {  	_ =	sdelay $0x3  }
0x76: {  	[tilespmem:v9+s21+$0x0] =	vst.idx.msk $0xffff, v11  }
0x77: {  	[tilespmem:v10+s21+$0x0] =	vst.idx.msk $0xffff, v12  }
0x78: {  	v9 =	vld.idx.msk [tilespmem:v8+s19+$0x0], $0xffff;
	_ =	sdelay $0x2  }
0x79: {  	v60 =	vmov s25  }
0x7a: {  	vm0 =	vlt.s32 v60, v6  }
0x7b: {  	v6 =	vsel vm0, v9, v7;
	_ =	sdelay $0x4  }
0x7c: {  	v7 =	vld.idx.msk [tilespmem:v6+s2+$0x0], $0xffff  }
0x7d: {  	v61 =	vmul.u32 $0x3, v8;
	v9 =	vld.idx.msk [tilespmem:v6+s14+$0x0], $0xffff  }
0x7e: {  	v6 =	vld.idx.msk [tilespmem:v6+s15+$0x0], $0xffff  }
0x7f: {  	v62 =	vadd.s32 $0x1, v61  }
0x80: {  	v63 =	vadd.s32 $0x2, v61  }
0x81: {  	v4 =	vsub.f32 v7, v4  }
0x82: {  	s24 =	smul.u32 $0xC0, s24;
	v5 =	vsub.f32 v9, v5  }
0x83: {  	s23 =	sadd.s32 $0x1, s23;
	v3 =	vsub.f32 v6, v3;
	[tilespmem:v61+s21+$0x0] =	vst.idx.msk $0xffff, v4  }
0x84: {  	p0 =	sne.s32 s23, $0x8;
	s24 =	sshrl.u32 s24, $0x3;
	[tilespmem:v62+s21+$0x0] =	vst.idx.msk $0xffff, v5  }
.Ltmp2:
0x85: {  	s24 =	sadd.s32 s5, s24;
	[tilespmem:v63+s21+$0x0] =	vst.idx.msk $0xffff, v3;
	(pc) =	sbr.rel @p0 .LBB2_2-.Ltmp2, $4  }
0x86: {  	[hbm4b:s24+s2] =	stream.linear.scatter [tilespmem:s21], [sflag:$0x1], $0xC00, $0x38;
	[tilespmem:$0x1D90] =	vst v63  }
0x87: {  	_ =	swait.ge [sflag:s3], $0xC00  }
0x88: {  	[sflag:s3] =	ssyncset.done $0x0  }
0x89: {  	[sflag:s3] =	ssyncadd.s32 $0xFFFFF400  }
0x8a: {  	s22 =	sadd.s32 $0x1, s22  }
0x8b: {  	p0 =	sne.s32 s22, s13  }
.Ltmp3:
0x8c: {  	_ = 	snop;
	(pc) =	sbr.rel @p0 .LBB2_1-.Ltmp3, $1  }
0x8d: {  	_ =	sdelay $0x3  }
0x8e: {  	_ =	sfence.sel $0x180000  }
0x8f: {  	[bflag:$0x0] =	sbarrier.arrive $0xFFFF  }
0x90: {  	p0 =	sne.s32 s0, $0x0;
	_ =	strace $0x9000004A  }
0x91: {  	s0 =	sadd.s32 @!p0 $0x100000, s1;
	[bflag:$0x2] =	sbarrier.arrive $0xFFFF  }
0x92: {  	[sflag:s0] =	ssyncadd.tile.s32 @!p0 $0x1;
	_ =	shalt  }
.Lfunc_end2:
_tile_overlayer_lowered:
.L_overlay_start_2:
0x93: {  	(tag) =	ssettag $0x2  }
0x94: {  	s0 =	rddreg [dreg:$0x0];
	s2 =	stileid.u32  }
0x95: {  	s1 =	rddreg [dreg:$0x1];
	p0 =	sne.s32 s2, $0x0  }
0x96: {  	s3 =	rddreg [dreg:$0x2];
	[bflag:$0x3] =	sbarrier.arrive $0xFFFF;
	s2 =	simm.s32 @!p0 $0x1C01  }
0x97: {  	[timem:s3], [sflag:s2] =	dma.local @!p0 [hbm:s0], s1  }
0x98: {  	s0 =	simm.s32 @!p0 $0x1  }
0x99: {  	_ =	swait.ge @!p0 [sflag:s0], s1  }
0x9a: {  	s1 =	ssub.s32 @!p0 $0x0, s1;
	[sflag:s0] =	ssyncset.done @!p0 $0x0  }
0x9b: {  	[sflag:s0] =	ssyncadd.s32 @!p0 s1  }
0x9c: {  	[bflag:$0x3] =	sbarrier.arrive $0xFFFF  }
0x9d: {  	_ =	shalt  }

// kernel: kernel.45.cloned.1.call-start
scs
__scs_entry_jumppad:
0x0: {  	(pc) =	sbr.rel $0x88, $3  }
0x1: {  	(tag) =	ssettag $0x0;
	lr =	simm.s32 $0x1  }
0x2: {  	[smem:$0x3F7E] =	sst lr;
	_ =	strace $0xD0000000  }
0x3: {  	_ = 	snop  }
0x4: {  	_ = 	snop  }
0x5: {  	_ = 	snop  }
0x6: {  	_ = 	snop  }
0x7: {  	_ = 	snop  }
__scs_overlays_trampoline_lowered:
0x8: {  	[smem:$0x3F8D] =	sst s0  }
0x9: {  	[smem:$0x3F8E] =	sst s1  }
0xa: {  	[smem:$0x3F8F] =	sst s2  }
0xb: {  	[smem:$0x3F90] =	sst s3  }
0xc: {  	[smem:$0x3F91] =	sst s4  }
0xd: {  	[smem:$0x3F92] =	sst s5  }
0xe: {  	[smem:$0x3F93] =	sst s6  }
0xf: {  	[smem:$0x3F94] =	sst s7  }
0x10: {  	[smem:$0x3F95] =	sst s8  }
0x11: {  	[smem:$0x3F96] =	sst s9;
	s0 =	simm.s32 @!p0 $0x0  }
0x12: {  	s1 =	sld [smem:$0x3F7C];
	s0 =	simm.s32 @p0 $0x1  }
0x13: {  	[smem:$0x3F97] =	sst s0;
	s0 =	simm.s32 @!p1 $0x0  }
0x14: {  	s2 =	sld [smem:$0x3F7B];
	s0 =	simm.s32 @p1 $0x1  }
0x15: {  	[smem:$0x3F98] =	sst s0;
	s0 =	simm.s32 @!p2 $0x0  }
0x16: {  	s3 =	sld [smem:$0x3FDB];
	s0 =	simm.s32 @p2 $0x1  }
0x17: {  	s4 =	simm.s32 $0x1BF5;
	[smem:$0x3F9A] =	sst s0  }
0x18: {  	s0 =	sld [smem:$0x3F7D];
	_ =	swait.ge [sflag:s4], $0x0  }
0x19: {  	s7 =	sld [smem:$0x3F7E]  }
0x1a: {  	s8 =	sadd.s32 $0xFFFFE003, lr  }
0x1b: {  	s9 =	sadd.s32 $0xFFFFFEF7, lr;
	s5 =	simm.s32 $0xFFFFFFFF;
	p2 =	slt.u32 s8, $0xFFFFF086  }
0x1c: {  	p1 =	slt.u32 s9, $0xF7A;
	s5 =	simm.s32 @!p2 $0x0  }
0x1d: {  	s5 =	simm.s32 @p1 $0x1;
	p0 =	seq.s32 s7, s2  }
0x1e: {  	s7 =	smul.u32 @!p0 $0xF7A, s2;
	p2 =	seq.s32 @!p0 s5, $0x0  }
0x1f: {  	s9 =	smul.u32 $0xF7A, s1;
	s8 =	simm.s32 @!p0 $0x1BF5;
	p2 =	por !p2, p0  }
0x20: {  	[sflag:s8] =	ssyncset.s32 @!p0 $0xFFFFF086;
	s6 =	sadd.s32 @!p0 s3, s7;
	s7 =	simm.s32 @!p0 $0x108  }
0x21: {  	s3 =	sadd.s32 s3, s9;
	s6 =	sadd.s32 @!p0 $0x88, s6;
	s7 =	simm.s32 @p2 $0x1082  }
0x22: {  	[simem:s7], [sflag:s8] =	dma.local @!p0 [hbm:s6], $0xF7A  }
0x23: {  	s9 =	sor.u32 $0xD0000000, s2;
	s6 =	simm.s32 $0x108;
	_ =	swait.ge @!p0 [sflag:s8], $0x0  }
0x24: {  	s3 =	sadd.s32 $0x88, s3;
	s6 =	simm.s32 @!p1 $0x1082;
	[sflag:s4] =	ssyncset.s32 $0xFFFFF086  }
0x25: {  	[simem:s6], [sflag:s4] =	dma.local [hbm:s3], $0xF7A  }
0x26: {  	[smem:$0x3F7E] =	sst s1;
	(tag) =	ssettag s2;
	_ =	strace s9  }
0x27: {  	s1 =	sld [smem:$0x3F8E]  }
0x28: {  	s2 =	sld [smem:$0x3F8F]  }
0x29: {  	s4 =	sld [smem:$0x3F91]  }
0x2a: {  	p0 =	seq.s32 s5, $0x0;
	s5 =	sld [smem:$0x3F92]  }
0x2b: {  	s6 =	sld [smem:$0x3F93]  }
0x2c: {  	s7 =	sld [smem:$0x3F94]  }
0x2d: {  	s3 =	simm.s32 $0x108;
	s8 =	sld [smem:$0x3F95]  }
0x2e: {  	s3 =	simm.s32 @!p0 $0x1082;
	s9 =	sld [smem:$0x3F96]  }
0x2f: {  	lr =	sadd.s32 s0, s3;
	s0 =	sld [smem:$0x3F8D]  }
0x30: {  	s3 =	sld [smem:$0x3F90]  }
0x31: {  	[smem:$0x3F99] =	sst s10  }
0x32: {  	s10 =	sld [smem:$0x3F97];
	_ =	sdelay $0x3  }
0x33: {  	p0 =	seq.s32 s10, $0x1;
	s10 =	sld [smem:$0x3F99];
	_ =	sdelay $0x3  }
0x34: {  	[smem:$0x3F99] =	sst s10  }
0x35: {  	s10 =	sld [smem:$0x3F98];
	_ =	sdelay $0x3  }
0x36: {  	p1 =	seq.s32 s10, $0x1;
	s10 =	sld [smem:$0x3F99];
	_ =	sdelay $0x3  }
0x37: {  	[smem:$0x3F99] =	sst s10  }
0x38: {  	s10 =	sld [smem:$0x3F9A]  }
0x39: {  	_ = 	snop;
	(pc) =	sbr.ind lr, $3  }
0x3a: {  	_ = 	snop  }
0x3b: {  	_ = 	snop  }
0x3c: {  	p2 =	seq.s32 s10, $0x1;
	s10 =	sld [smem:$0x3F99]  }
0x3d: {  	_ =	shalt  }
0x3e: {  	_ =	shalt  }
0x3f: {  	_ =	shalt  }
0x40: {  	_ =	shalt  }
0x41: {  	_ =	shalt  }
0x42: {  	_ =	shalt  }
0x43: {  	_ =	shalt  }
0x44: {  	_ =	shalt  }
0x45: {  	_ =	shalt  }
0x46: {  	_ =	shalt  }
0x47: {  	_ =	shalt  }
0x48: {  	_ =	shalt  }
0x49: {  	_ =	shalt  }
0x4a: {  	_ =	shalt  }
0x4b: {  	_ =	shalt  }
0x4c: {  	_ =	shalt  }
0x4d: {  	_ =	shalt  }
0x4e: {  	_ =	shalt  }
0x4f: {  	_ =	shalt  }
0x50: {  	_ =	shalt  }
0x51: {  	_ =	shalt  }
0x52: {  	_ =	shalt  }
0x53: {  	_ =	shalt  }
0x54: {  	_ =	shalt  }
0x55: {  	_ =	shalt  }
0x56: {  	_ =	shalt  }
0x57: {  	_ =	shalt  }
0x58: {  	_ =	shalt  }
0x59: {  	_ =	shalt  }
0x5a: {  	_ =	shalt  }
0x5b: {  	_ =	shalt  }
0x5c: {  	_ =	shalt  }
0x5d: {  	_ =	shalt  }
0x5e: {  	_ =	shalt  }
0x5f: {  	_ =	shalt  }
0x60: {  	_ =	shalt  }
0x61: {  	_ =	shalt  }
0x62: {  	_ =	shalt  }
0x63: {  	_ =	shalt  }
0x64: {  	_ =	shalt  }
0x65: {  	_ =	shalt  }
0x66: {  	_ =	shalt  }
0x67: {  	_ =	shalt  }
0x68: {  	_ =	shalt  }
0x69: {  	_ =	shalt  }
0x6a: {  	_ =	shalt  }
0x6b: {  	_ =	shalt  }
0x6c: {  	_ =	shalt  }
0x6d: {  	_ =	shalt  }
0x6e: {  	_ =	shalt  }
0x6f: {  	_ =	shalt  }
0x70: {  	_ =	shalt  }
0x71: {  	_ =	shalt  }
0x72: {  	_ =	shalt  }
0x73: {  	_ =	shalt  }
0x74: {  	_ =	shalt  }
0x75: {  	_ =	shalt  }
0x76: {  	_ =	shalt  }
0x77: {  	_ =	shalt  }
0x78: {  	_ =	shalt  }
0x79: {  	_ =	shalt  }
0x7a: {  	_ =	shalt  }
0x7b: {  	_ =	shalt  }
0x7c: {  	_ =	shalt  }
0x7d: {  	_ =	shalt  }
0x7e: {  	_ =	shalt  }
0x7f: {  	_ =	shalt  }
0x80: {  	_ =	shalt  }
0x81: {  	_ =	shalt  }
0x82: {  	_ =	shalt  }
0x83: {  	_ =	shalt  }
0x84: {  	_ =	shalt  }
0x85: {  	_ =	shalt  }
0x86: {  	_ =	shalt  }
0x87: {  	_ =	shalt  }
.Lfunc_end0:
.L_simem_size_0:
called_computation.3_lowered:
.L_overlay_start_0:
0x88: {  	s2 =	sld [smem:$0x3FD9]  }
0x89: {  	s3 =	sld [smem:$0x3FFE];
	_ =	sdelay $0x1  }
0x8a: {  	s1 =	srdreg.scid  }
0x8b: {  	s0 =	sand.u32 $0x1, s1  }
0x8c: {  	s16 =	sshll.u32 s0, $0xA;
	s2 =	sadd.s32 s3, s2  }
0x8d: {  	s2 =	sadd.s32 s2, s16  }
0x8e: {  	[smem:$0x3FA5] =	sst s2  }
0x8f: {  	_ = 	snop  }
0x90: {  	(tm) =	ssettm $0x1  }
0x91: {  	s17 =	sld [smem:$0x3FFB];
	_ =	sdelay $0x3  }
0x92: {  	_ =	strace s17  }
0x93: {  	s2 =	sld [smem:$0x3FFC];
	_ =	sdelay $0x3  }
0x94: {  	_ =	strace s2  }
0x95: {  	s2 =	sld [smem:$0x3FFD];
	_ =	sdelay $0x3  }
0x96: {  	_ =	strace s2  }
0x97: {  	_ =	strace $0x8FFFFFFF  }
0x98: {  	s18 =	sld [smem:$0x3FDB];
	_ =	sdelay $0x1  }
0x99: {  	s19 =	simm.s32 $_scs_section_size  }
0x9a: {  	s4 =	simm.s32 $_size__tile_overlayer_lowered;
	s5 =	simm.s32 $_tile_overlayer_lowered  }
0x9b: {  	s22 =	simm.s32 $0x1BFF;
	s21 =	sshll.u32 s5, $0x1;
	s2 =	sadd.s32 s19, s18  }
0x9c: {  	s6 =	simm.s32 $0x0;
	s20 =	sshll.u32 s4, $0x1;
	s4 =	sadd.s32 s21, s2  }
0x9d: {  	[timem:s6], [sflag:s22] =	dma.local [hbm:s4], s20  }
0x9e: {  	_ =	swait.ge [sflag:s22], s20  }
0x9f: {  	s3 =	ssub.s32 $0x0, s20;
	[sflag:s22] =	ssyncset.done $0x0  }
0xa0: {  	[sflag:s22] =	ssyncadd.s32 s3;
	_ =	sdelay $0x1  }
0xa1: {  	s23 =	simm.s32 $0x1B8B  }
0xa2: {  	_ =	swait.ge [sflag:s23], $0x1  }
0xa3: {  	[sflag:s23] =	ssyncset.done $0x0  }
0xa4: {  	s25 =	simm.s32 $0x1B8E;
	s24 =	sld [smem:$0x3FFE];
	[sflag:s23] =	ssyncadd.s32 $0xFFFFFFFF  }
0xa5: {  	s26 =	simm.s32 $execute0_lowered;
	[smem:$0x3FD2] =	sst s25  }
0xa6: {  	s4 =	sshll.u32 s26, $0x1;
	_ =	strace $0x80000046;
	[dreg:$0x1] =	wrdreg $0xFFFFFFFF  }
0xa7: {  	s28 =	simm.s32 $_size_execute0_lowered;
	s2 =	sadd.s32 s2, s4;
	[dreg:$0x0] =	wrdreg $0x0  }
0xa8: {  	s4 =	sshll.u32 s28, $0x1;
	[dreg:$0x2] =	wrdreg s2  }
0xa9: {  	[dreg:$0x3] =	wrdreg s4  }
0xaa: {  	[dreg:$0x4] =	wrdreg $0xC0  }
0xab: {  	_ =	task [dreg:s6], $0x5FFFF  }
0xac: {  	[dreg:$0x1] =	wrdreg $0xFFFFFFFF  }
0xad: {  	[dreg:$0x0] =	wrdreg $0x60  }
0xae: {  	[dreg:$0x2] =	wrdreg s24  }
0xaf: {  	[dreg:$0x3] =	wrdreg $0xC  }
0xb0: {  	_ =	task.clear_ibuf [dreg:s6], $0x4FFFF;
	_ =	strace $0x90000046  }
0xb1: {  	s29 =	simm.s32 $0xC;
	_ =	strace $0x80000048  }
0xb2: {  	_ =	swait.ge [sflag:s29], $0x1  }
0xb3: {  	[sflag:s29] =	ssyncadd.s32 $0xFFFFFFFF  }
0xb4: {  	_ =	strace $0x90000048  }
0xb5: {  	_ =	sfence  }
0xb6: {  	s30 =	sld [smem:$0x0];
	_ =	sdelay $0x2  }
0xb7: {  	s31 =	sshll.u32 s1, $0xD;
	s1 =	sshrl.u32 s1, $0x2  }
0xb8: {  	s3 =	sand.u32 $0x4000, s31;
	s1 =	sadd.s32 s1, s30  }
0xb9: {  	s0 =	sor.u32 s3, s0;
	s1 =	sshll.u32 s1, $0x11  }
0xba: {  	s0 =	sor.u32 s1, s0  }
0xbb: {  	s0 =	sadd.s32 $0x8F2B, s0  }
0xbc: {  	[sflag:s0] =	ssyncadd.remote.s32 $0x1  }
0xbd: {  	_ =	sfence.sel $0xFFFF  }
0xbe: {  	[dreg:$0x0] =	wrdreg $0xFFFFFFFF;
	(pc) =	sbr.abs _section_cstart, $3  }
0xbf: {  	[dreg:$0x1] =	wrdreg $0xFFFFFFFF  }
0xc0: {  	_ =	task.clear_ibuf [dreg:s6], $0x2FFFF;
	_ =	strace $0x9FFFFFFF  }
0xc1: {  	(tm) =	ssettm $0x7FFFFFFF  }
tec
execute0_lowered:
.L_overlay_start_1:
0x0: {  	(tag) =	ssettag $0x1  }
0x1: {  	s1 =	srdreg.scid  }
0x2: {  	s0 =	stileid.u32;
	s6 =	rddreg [dreg:$0x0]  }
0x3: {  	s3 =	simm.s32 $0x1;
	s2 =	simm.s32 $0x0;
	s14 =	simm.s32 $0x400  }
0x4: {  	s15 =	simm.s32 $0x800;
	s16 =	simm.s32 $0xC00;
	s5 =	sand.u32 $0x1, s1  }
0x5: {  	s17 =	simm.s32 $0xC40;
	s18 =	simm.s32 $0xC80;
	s1 =	sor.u32 s5, s0  }
0x6: {  	s19 =	simm.s32 $0xCC0;
	p1 =	seq.s32 s5, $0x1;
	p0 =	seq.s32 s1, $0x0  }
0x7: {  	s20 =	simm.s32 $0x2CC0;
	s21 =	simm.s32 $0x14C0;
	p0 =	por !p0, !p1  }
0x8: {  	s22 =	simm.s32 $0x0;
	[smem:$0x7FF] =	sst s2;
	p0 =	por !p0, !p0  }
0x9: {  	s7 =	sshll.u32 s5, $0x6;
	s30 =	ssub.s32 $0x2, s5;
	s3 =	simm.s32 @!p0 $0x0  }
0xa: {  	s5 =	sadd.s32 $0x19600, s6;
	s1 =	rddreg [dreg:$0x1];
	s3 =	ssub.s32 s0, s3  }
0xb: {  	_ =	strace $0x80000047;
	s31 =	sshrl.u32 s30, $0x1;
	s4 =	sshll.u32 s3, $0x7  }
0xc: {  	s13 =	ssub.s32 s30, s31;
	s8 =	sand.u32 $0x1FFFFF80, s4;
	s4 =	sor.u32 s7, s4  }
0xd: {  	s13 =	smax.u32 s13, $0x1;
	s3 =	simm.s32 $0x1;
	s7 =	sshrl.u32 s4, $0x3  }
0xe: {  	s9 =	sadd.s32 s8, s6;
	s12 =	sadd.s32 s7, s6;
	s6 =	sadd.s32 $0x31600, s6  }
0xf: {  	v0 =	vlaneseq.u32;
	s7 =	sadd.s32 $0x18800, s9;
	s8 =	sadd.s32 $0x18000, s9;
	s9 =	sadd.s32 $0x17800, s9  }
0x10: {  	v1 =	vimm.s32 $0x0;
	v2 =	vimm.f32 $0.0e+00;
	v0 =	vmul.u32 $0x80, v0;
	s10 =	sadd.s32 $0x19400, s12;
	s11 =	sadd.s32 $0x19200, s12;
	s12 =	sadd.s32 $0x19000, s12  }
.LBB2_1:
0x11: {  	[tilespmem:s2], [sflag:$0x1] =	stream.linear.gather [hbm4b:s7+s2], $0x400, $0x38;
	[tilespmem:$0x2CD0] =	vst v63  }
0x12: {  	_ =	swait.ge [sflag:s3], $0x400  }
0x13: {  	[sflag:s3] =	ssyncset.done $0x0  }
0x14: {  	[sflag:s3] =	ssyncadd.s32 $0xFFFFFC00  }
0x15: {  	[tilespmem:s14], [sflag:$0x1] =	stream.linear.gather [hbm4b:s8+s2], $0x400, $0x38;
	[tilespmem:$0x2CD0] =	vst v63  }
0x16: {  	_ =	swait.ge [sflag:s3], $0x400  }
0x17: {  	[sflag:s3] =	ssyncset.done $0x0  }
0x18: {  	[sflag:s3] =	ssyncadd.s32 $0xFFFFFC00  }
0x19: {  	[tilespmem:s15], [sflag:$0x1] =	stream.linear.gather [hbm4b:s9+s2], $0x400, $0x38;
	[tilespmem:$0x2CD0] =	vst v63  }
0x1a: {  	_ =	swait.ge [sflag:s3], $0x400  }
0x1b: {  	[sflag:s3] =	ssyncset.done $0x0  }
0x1c: {  	[sflag:s3] =	ssyncadd.s32 $0xFFFFFC00  }
0x1d: {  	[tilespmem:s16], [sflag:$0x1] =	stream.linear.gather [hbm4b:s10+s2], $0x40, $0x38;
	[tilespmem:$0x2CD0] =	vst v63  }
0x1e: {  	_ =	swait.ge [sflag:s3], $0x40  }
0x1f: {  	[sflag:s3] =	ssyncset.done $0x0  }
0x20: {  	[sflag:s3] =	ssyncadd.s32 $0xFFFFFFC0  }
0x21: {  	[tilespmem:s17], [sflag:$0x1] =	stream.linear.gather [hbm4b:s11+s2], $0x40, $0x38;
	[tilespmem:$0x2CD0] =	vst v63  }
0x22: {  	_ =	swait.ge [sflag:s3], $0x40  }
0x23: {  	[sflag:s3] =	ssyncset.done $0x0  }
0x24: {  	[sflag:s3] =	ssyncadd.s32 $0xFFFFFFC0  }
0x25: {  	[tilespmem:s18], [sflag:$0x1] =	stream.linear.gather [hbm4b:s12+s2], $0x40, $0x38;
	[tilespmem:$0x2CD0] =	vst v63  }
0x26: {  	_ =	swait.ge [sflag:s3], $0x40  }
0x27: {  	[sflag:s3] =	ssyncset.done $0x0  }
0x28: {  	s23 =	simm.s32 $0x0;
	[sflag:s3] =	ssyncadd.s32 $0xFFFFFFC0  }
.LBB2_2:
0x29: {  	s24 =	sshll.u32 s23, $0x4  }
0x2a: {  	v3 =	vld [tilespmem:s24+$0xC80]  }
0x2b: {  	v4 =	vld [tilespmem:s24+$0xC00]  }
0x2c: {  	s25 =	simm.s32 $0x0;
	v6 =	vimm.s32 $0x0;
	v5 =	vld [tilespmem:s24+$0xC40]  }
.LBB2_3:
0x2d: {  	v7 =	vmov s25;
	_ =	sdelay $0x4  }
0x2e: {  	v8 =	vld.idx.msk [tilespmem:v7+s15+$0x0], $0xffff;
	_ =	sdelay $0x4  }
0x2f: {  	v8 =	vsub.f32 v8, v3;
	_ =	sdelay $0x1  }
0x30: {  	v8 =	vand.u32 $0x7FFFFFFF, v8  }
0x31: {  	vm1 =	vlt.s32 v6, $0x80;
	vm0 =	vlt.f32 v8, $2.000000000e+00  }
0x32: {  	vm0 =	vmand vm1, vm0  }
0x33: {  	s26 =	sadd.s32 $0x1, s25;
	v8 =	vadd.s32 v0, v6  }
0x34: {  	v9 =	vmov s26;
	_ =	sdelay $0x3  }
0x35: {  	[tilespmem:v8+s19+$0x0] =	vst.idx.msk vm0, v7  }
0x36: {  	v7 =	vld.idx.msk [tilespmem:v9+s15+$0x0], $0xffff;
	_ =	sdelay $0x4  }
0x37: {  	v7 =	vsub.f32 v7, v3  }
0x38: {  	v8 =	vsel vm0, $0x1, v1  }
0x39: {  	v6 =	vadd.s32 v8, v6;
	v7 =	vand.u32 $0x7FFFFFFF, v7  }
0x3a: {  	vm11 =	vlt.s32 v6, $0x80;
	vm10 =	vlt.f32 v7, $2.000000000e+00  }
0x3b: {  	vm0 =	vmand vm10, vm11  }
0x3c: {  	s30 =	sadd.s32 $0x2, s25;
	v7 =	vadd.s32 v0, v6  }
0x3d: {  	v8 =	vmov s30;
	_ =	sdelay $0x3  }
0x3e: {  	[tilespmem:v7+s19+$0x0] =	vst.idx.msk vm0, v9  }
0x3f: {  	v7 =	vld.idx.msk [tilespmem:v8+s15+$0x0], $0xffff;
	_ =	sdelay $0x4  }
0x40: {  	v7 =	vsub.f32 v7, v3  }
0x41: {  	v62 =	vsel vm0, $0x1, v1  }
0x42: {  	v6 =	vadd.s32 v62, v6;
	v7 =	vand.u32 $0x7FFFFFFF, v7  }
0x43: {  	vm13 =	vlt.s32 v6, $0x80;
	vm12 =	vlt.f32 v7, $2.000000000e+00  }
0x44: {  	vm0 =	vmand vm12, vm13  }
0x45: {  	s31 =	sadd.s32 $0x3, s25;
	v7 =	vadd.s32 v0, v6  }
0x46: {  	v63 =	vmov s31;
	_ =	sdelay $0x3  }
0x47: {  	[tilespmem:v7+s19+$0x0] =	vst.idx.msk vm0, v8  }
0x48: {  	v7 =	vld.idx.msk [tilespmem:v63+s15+$0x0], $0xffff;
	_ =	sdelay $0x4  }
0x49: {  	v7 =	vsub.f32 v7, v3  }
0x4a: {  	v8 =	vsel vm0, $0x1, v1  }
0x4b: {  	v6 =	vadd.s32 v8, v6;
	v7 =	vand.u32 $0x7FFFFFFF, v7  }
0x4c: {  	vm15 =	vlt.s32 v6, $0x80;
	vm14 =	vlt.f32 v7, $2.000000000e+00  }
0x4d: {  	vm0 =	vmand vm14, vm15  }
0x4e: {  	p0 =	slt.u32 s25, $0x3FC;
	v7 =	vadd.s32 v0, v6  }
.Ltmp0:
0x4f: {  	_ = 	snop;
	(pc) =	sbr.rel @p0 .LBB2_3-.Ltmp0, $3  }
0x50: {  	_ =	sdelay $0x1  }
0x51: {  	v8 =	vsel vm0, $0x1, v1  }
0x52: {  	s25 =	sadd.s32 $0x4, s25;
	v6 =	vadd.s32 v8, v6;
	[tilespmem:v7+s19+$0x0] =	vst.idx.msk vm0, v63  }
0x53: {  	vm0 =	vgt.s32 v6, $0x0;
	s24 =	sor.u32 s4, s24  }
0x54: {  	v7 =	vsel vm0, $0x3F800000, v2;
	s25 =	sshrl.u32 s24, $0x3  }
0x55: {  	s26 =	simm.s32 $0x0;
	[tilespmem:$0x2CC0] =	vst v7;
	s25 =	sadd.s32 s6, s25  }
0x56: {  	v8 =	vor.u32 s26, v0;
	[hbm4b:s25+s26] =	stream.linear.scatter [tilespmem:s20], [sflag:$0x1], $0x10, $0x38;
	[tilespmem:$0x2CD0] =	vst v63  }
0x57: {  	_ =	swait.ge [sflag:s3], $0x10  }
0x58: {  	[sflag:s3] =	ssyncset.done $0x0  }
0x59: {  	[sflag:s3] =	ssyncadd.s32 $0xFFFFFFF0  }
0x5a: {  	v7 =	vld.idx.msk [tilespmem:v0+s19+$0x0], $0xffff  }
0x5b: {  	v9 =	vld.idx.msk [tilespmem:v8+s19+$0x0], $0xffff;
	_ =	sdelay $0x2  }
0x5c: {  	v10 =	vmov s26  }
0x5d: {  	vm15 =	vlt.s32 v10, v6;
	v7 =	vnsel vm0, $0x0, v7  }
0x5e: {  	v9 =	vsel vm15, v9, v7;
	_ =	sdelay $0x4  }
0x5f: {  	v10 =	vld.idx.msk [tilespmem:v9+s2+$0x0], $0xffff;
	_ =	sdelay $0x1  }
0x60: {  	v13 =	vmul.u32 $0x3, v8;
	v11 =	vld.idx.msk [tilespmem:v9+s14+$0x0], $0xffff  }
0x61: {  	v12 =	vld.idx.msk [tilespmem:v9+s15+$0x0], $0xffff  }
0x62: {  	v9 =	vadd.s32 $0x1, v13  }
0x63: {  	s25 =	simm.s32 $0x1;
	v14 =	vsub.f32 v10, v4;
	v10 =	vadd.s32 $0x2, v13  }
0x64: {  	v8 =	vor.u32 s25, v0  }
0x65: {  	v11 =	vsub.f32 v11, v5  }
0x66: {  	s26 =	simm.s32 $0x2;
	v12 =	vsub.f32 v12, v3;
	[tilespmem:v13+s21+$0x0] =	vst.idx.msk $0xffff, v14  }
.LBB2_5:
0x67: {  	p0 =	sne.s32 s26, $0x7F;
	[tilespmem:v9+s21+$0x0] =	vst.idx.msk $0xffff, v11  }
0x68: {  	[tilespmem:v10+s21+$0x0] =	vst.idx.msk $0xffff, v12  }
0x69: {  	v9 =	vld.idx.msk [tilespmem:v8+s19+$0x0], $0xffff;
	_ =	sdelay $0x3  }
0x6a: {  	v10 =	vmov s25;
	s25 =	smov.u32 s26  }
0x6b: {  	vm0 =	vlt.s32 v10, v6  }
0x6c: {  	v9 =	vsel vm0, v9, v7;
	_ =	sdelay $0x4  }
0x6d: {  	v11 =	vld.idx.msk [tilespmem:v9+s2+$0x0], $0xffff  }
0x6e: {  	v12 =	vld.idx.msk [tilespmem:v9+s14+$0x0], $0xffff  }
0x6f: {  	v14 =	vmul.u32 $0x3, v8;
	v13 =	vld.idx.msk [tilespmem:v9+s15+$0x0], $0xffff;
	_ =	sdelay $0x1  }
.Ltmp1:
0x70: {  	v9 =	vadd.s32 $0x1, v14;
	(pc) =	sbr.rel @p0 .LBB2_5-.Ltmp1, $4  }
0x71: {  	v10 =	vadd.s32 $0x2, v14  }
0x72: {  	v8 =	vor.u32 s26, v0;
	v15 =	vsub.f32 v11, v4  }
0x73: {  	v11 =	vsub.f32 v12, v5  }
0x74: {  	s26 =	sadd.s32 $0x1, s26;
	v12 =	vsub.f32 v13, v3;
	[tilespmem:v14+s21+$0x0] =	vst.idx.msk $0xffff, v15  }
0x75: {  	_ =	sdelay $0x3  }
0x76: {  	[tilespmem:v9+s21+$0x0] =	vst.idx.msk $0xffff, v11  }
0x77: {  	[tilespmem:v10+s21+$0x0] =	vst.idx.msk $0xffff, v12  }
0x78: {  	v9 =	vld.idx.msk [tilespmem:v8+s19+$0x0], $0xffff;
	_ =	sdelay $0x2  }
0x79: {  	v60 =	vmov s25  }
0x7a: {  	vm0 =	vlt.s32 v60, v6  }
0x7b: {  	v6 =	vsel vm0, v9, v7;
	_ =	sdelay $0x4  }
0x7c: {  	v7 =	vld.idx.msk [tilespmem:v6+s2+$0x0], $0xffff  }
0x7d: {  	v61 =	vmul.u32 $0x3, v8;
	v9 =	vld.idx.msk [tilespmem:v6+s14+$0x0], $0xffff  }
0x7e: {  	v6 =	vld.idx.msk [tilespmem:v6+s15+$0x0], $0xffff  }
0x7f: {  	v62 =	vadd.s32 $0x1, v61  }
0x80: {  	v63 =	vadd.s32 $0x2, v61  }
0x81: {  	v4 =	vsub.f32 v7, v4  }
0x82: {  	s24 =	smul.u32 $0x180, s24;
	v5 =	vsub.f32 v9, v5  }
0x83: {  	s23 =	sadd.s32 $0x1, s23;
	v3 =	vsub.f32 v6, v3;
	[tilespmem:v61+s21+$0x0] =	vst.idx.msk $0xffff, v4  }
0x84: {  	p0 =	sne.s32 s23, $0x4;
	s24 =	sshrl.u32 s24, $0x3;
	[tilespmem:v62+s21+$0x0] =	vst.idx.msk $0xffff, v5  }
.Ltmp2:
0x85: {  	s24 =	sadd.s32 s5, s24;
	[tilespmem:v63+s21+$0x0] =	vst.idx.msk $0xffff, v3;
	(pc) =	sbr.rel @p0 .LBB2_2-.Ltmp2, $4  }
0x86: {  	[hbm4b:s24+s2] =	stream.linear.scatter [tilespmem:s21], [sflag:$0x1], $0x1800, $0x38;
	[tilespmem:$0x2CD0] =	vst v63  }
0x87: {  	_ =	swait.ge [sflag:s3], $0x1800  }
0x88: {  	[sflag:s3] =	ssyncset.done $0x0  }
0x89: {  	[sflag:s3] =	ssyncadd.s32 $0xFFFFE800  }
0x8a: {  	s22 =	sadd.s32 $0x1, s22  }
0x8b: {  	p0 =	sne.s32 s22, s13  }
.Ltmp3:
0x8c: {  	_ = 	snop;
	(pc) =	sbr.rel @p0 .LBB2_1-.Ltmp3, $1  }
0x8d: {  	_ =	sdelay $0x3  }
0x8e: {  	_ =	sfence.sel $0x180000  }
0x8f: {  	[bflag:$0x0] =	sbarrier.arrive $0xFFFF  }
0x90: {  	p0 =	sne.s32 s0, $0x0;
	_ =	strace $0x90000047  }
0x91: {  	s0 =	sadd.s32 @!p0 $0x100000, s1;
	[bflag:$0x2] =	sbarrier.arrive $0xFFFF  }
0x92: {  	[sflag:s0] =	ssyncadd.tile.s32 @!p0 $0x1;
	_ =	shalt  }
.Lfunc_end2:
_tile_overlayer_lowered:
.L_overlay_start_2:
0x93: {  	(tag) =	ssettag $0x2  }
0x94: {  	s0 =	rddreg [dreg:$0x0];
	s2 =	stileid.u32  }
0x95: {  	s1 =	rddreg [dreg:$0x1];
	p0 =	sne.s32 s2, $0x0  }
0x96: {  	s3 =	rddreg [dreg:$0x2];
	[bflag:$0x3] =	sbarrier.arrive $0xFFFF;
	s2 =	simm.s32 @!p0 $0x1C01  }
0x97: {  	[timem:s3], [sflag:s2] =	dma.local @!p0 [hbm:s0], s1  }
0x98: {  	s0 =	simm.s32 @!p0 $0x1  }
0x99: {  	_ =	swait.ge @!p0 [sflag:s0], s1  }
0x9a: {  	s1 =	ssub.s32 @!p0 $0x0, s1;
	[sflag:s0] =	ssyncset.done @!p0 $0x0  }
0x9b: {  	[sflag:s0] =	ssyncadd.s32 @!p0 s1  }
0x9c: {  	[bflag:$0x3] =	sbarrier.arrive $0xFFFF  }
0x9d: {  	_ =	shalt  }

</sc_bundles>
